<compile_context>
chip_gen: v7x
topology: tpu7x:2x2x1
jax: 0.10.2.dev20260603
libtpu: 0.0.44.dev20260713+nightly
codegen_flags: <defaults>
</compile_context>

<pallas_src>
import dataclasses
import functools

import jax
import jax.numpy as jnp
from jax import lax
from jax.experimental import pallas as pl
from jax.experimental.pallas import tpu as pltpu
from jax.experimental.pallas import tpu_sc as plsc

L = 2; T = 2; R = 2; H = 8; D = 256; DH = 32; N = 10000; E = 100000
BN = 1000
NH = 5000
NPH = 5120
NOUT = NH + NPH
NPD = 320
HC = H // 2
DC = HC * DH
NSUB = 16
EB = 128
NBLK = 49
EP = NSUB * EB * NBLK
RPN = NPH // NSUB

_INTERPRET = False


def _proj_body(x_ref, w_ref, b_ref, q_ref, k_ref, v_ref):
    y = jnp.dot(x_ref[...], w_ref[...], preferred_element_type=jnp.float32)
    y = y + b_ref[...]
    q_ref[0] = y[:, 0:DC]
    q_ref[1] = y[:, DC:2 * DC]
    k_ref[0] = y[:, 256:256 + DC]
    k_ref[1] = y[:, 256 + DC:512]
    v_ref[0] = y[:, 512:512 + DC]
    v_ref[1] = y[:, 512 + DC:768]


def _proj(x, wcat, bcat):
    out3 = [
        jax.ShapeDtypeStruct((2, N, DC), jnp.float32),
        jax.ShapeDtypeStruct((2, N, DC), jnp.float32),
        jax.ShapeDtypeStruct((2, N, DC), jnp.float32),
    ]
    return pl.pallas_call(
        _proj_body,
        grid=(N // BN,),
        in_specs=[
            pl.BlockSpec((BN, D), lambda i: (i, 0)),
            pl.BlockSpec((D, 3 * D), lambda i: (0, 0)),
            pl.BlockSpec((1, 3 * D), lambda i: (0, 0)),
        ],
        out_specs=[pl.BlockSpec((2, BN, DC), lambda i: (0, i, 0))] * 3,
        out_shape=out3,
        interpret=_INTERPRET,
    )(x, wcat, bcat)


def _post_body(num_ref, den_ref, x_ref, wo_ref, bo_ref, beta_ref, g_ref,
               b2_ref, o_ref):
    a = jnp.concatenate([num_ref[0], num_ref[1]], axis=1)
    den = den_ref[...]
    dfull = jnp.broadcast_to(den[:, :, None], (BN, H, DH)).reshape(BN, D)
    agg = a / (dfull + 1e-16)
    g = jax.nn.gelu(agg)
    o = jnp.dot(g, wo_ref[...], preferred_element_type=jnp.float32) + bo_ref[...]
    beta = beta_ref[0, 0]
    x = x_ref[...]
    y = x + beta * o + (1.0 - beta) * x
    mu = jnp.mean(y, axis=1, keepdims=True)
    var = jnp.mean((y - mu) ** 2, axis=1, keepdims=True)
    o_ref[...] = (y - mu) * jax.lax.rsqrt(var + 1e-5) * g_ref[...] + b2_ref[...]


def _post(num, den, x, wo, bo, beta, gamma, beta_ln):
    return pl.pallas_call(
        _post_body,
        grid=(N // BN,),
        in_specs=[
            pl.BlockSpec((2, BN, DC), lambda i: (0, i, 0)),
            pl.BlockSpec((BN, H), lambda i: (i, 0)),
            pl.BlockSpec((BN, D), lambda i: (i, 0)),
            pl.BlockSpec((D, D), lambda i: (0, 0)),
            pl.BlockSpec((1, D), lambda i: (0, 0)),
            pl.BlockSpec((1, 1), lambda i: (0, 0), memory_space=pltpu.SMEM),
            pl.BlockSpec((1, D), lambda i: (0, 0)),
            pl.BlockSpec((1, D), lambda i: (0, 0)),
        ],
        out_specs=pl.BlockSpec((BN, D), lambda i: (i, 0)),
        out_shape=jax.ShapeDtypeStruct((N, D), jnp.float32),
        interpret=_INTERPRET,
    )(num, den, x, wo, bo, beta, gamma, beta_ln)


def _zero_num(stgv, num_sh, s):
    rbase = RPN * s
    for i in range(RPN // EB):
        pltpu.sync_copy(stgv.at[pl.ds(0, EB)],
                        num_sh.at[pl.ds(rbase + i * EB, EB)])
    tail = RPN - (RPN // EB) * EB
    if tail:
        pltpu.sync_copy(stgv.at[pl.ds(0, tail)],
                        num_sh.at[pl.ds(rbase + (RPN // EB) * EB, tail)])


def _zero_stgv(stgv):
    zero16 = jnp.zeros((16,), jnp.float32)

    @pl.loop(0, EB)
    def _(row):
        for j in range(DC // 16):
            stgv[row, pl.ds(16 * j, 16)] = zero16


def _edge_one_relation(q_hbm, k_hbm, v_hbm, src_hbm, dst_hbm, outn_hbm,
                       outd_hbm, exc_hbm, srcall, dstall, srci, dstq, dstd,
                       dstc, dstn, qb, kb, vb, stgv, stgd, exb, num_sh, den_sh,
                       semg, sems, c, s):
    zero16 = jnp.zeros((16,), jnp.float32)
    lane = lax.iota(jnp.int32, 16)
    lane8 = lax.shift_right_logical(lane, 3)
    lanec = jnp.bitwise_and(lane, 7) * 16

    _zero_stgv(stgv)

    @pl.loop(0, EB)
    def _(row):
        for j in range(DC // 16):
            stgd[row, pl.ds(16 * j, 16)] = zero16

    _zero_num(stgv, num_sh, s)

    @pl.when(s == 0)
    def _():
        pltpu.sync_copy(stgv.at[pl.ds(0, EB)], den_sh.at[pl.ds(0, EB)])
        pltpu.sync_copy(stgv.at[pl.ds(0, EB)], den_sh.at[pl.ds(EB, EB)])
        pltpu.sync_copy(stgv.at[pl.ds(0, NPD - 2 * EB)],
                        den_sh.at[pl.ds(2 * EB, NPD - 2 * EB)])
    plsc.subcore_barrier()

    cN = c * N
    rbase = RPN * s

    @pl.loop(0, NBLK)
    def _(i):
        ebase = (s * NBLK + i) * EB
        ca = pltpu.async_copy(src_hbm.at[pl.ds(ebase, EB)], srcall, semg)
        cb = pltpu.async_copy(dst_hbm.at[pl.ds(ebase, EB)], dstall, semg)
        ca.wait(); cb.wait()

        @pl.loop(0, EB // 16)
        def _(j):
            sl = pl.ds(16 * j, 16)
            bl = sl
            dv = dstall[bl]
            srci[sl] = srcall[bl] + cN
            dstq[sl] = jnp.minimum(dv, N - 1) + cN
            dstd[sl] = lax.shift_right_logical(dv, 5)
            dstc[sl] = jnp.bitwise_and(dv, 31) * 4
            dstn[sl] = jnp.minimum(dv, NPH - 1)

        cq = pltpu.async_copy(q_hbm.at[dstq], qb, semg)
        ck = pltpu.async_copy(k_hbm.at[srci], kb, semg)
        cv = pltpu.async_copy(v_hbm.at[srci], vb, semg)
        cq.wait(); ck.wait(); cv.wait()

        @plsc.parallel_loop(0, EB, unroll=4)
        def _(e):
            ps = []
            for h in range(HC):
                a = qb[e, pl.ds(32 * h, 16)] * kb[e, pl.ds(32 * h, 16)]
                b = qb[e, pl.ds(32 * h + 16, 16)] * kb[e, pl.ds(32 * h + 16, 16)]
                ps.append(a + b)
            tots = [jnp.sum(p) for p in ps]
            exvs = [jnp.exp(jnp.broadcast_to(t, (16,))) for t in tots]
            denv = zero16
            for h in range(HC):
                stgv[e, pl.ds(32 * h, 16)] = vb[e, pl.ds(32 * h, 16)] * exvs[h]
                stgv[e, pl.ds(32 * h + 16, 16)] = \
                    vb[e, pl.ds(32 * h + 16, 16)] * exvs[h]
                denv = jnp.where(lane == h, exvs[h], denv)
            exb[lax.shift_right_logical(e, 3),
                pl.ds(jnp.bitwise_and(e, 7) * 16, 16)] = denv

        ce = pltpu.async_copy(exb, exc_hbm.at[c, pl.ds((s * NBLK + i) *
                                                       (EB // 8), EB // 8)],
                              sems)

        @pl.loop(0, EB // 16)
        def _(j):
            rows = jnp.broadcast_to(2 * j, (16,)) + lane8
            erow = jnp.broadcast_to(16 * j, (16,)) + lane
            cv = dstc[pl.ds(16 * j, 16)]
            for h in range(HC):
                exv = plsc.load_gather(exb, [rows, lanec + h])
                plsc.store_scatter(stgd, [erow, cv + h], exv)

        cn = pltpu.async_copy(stgv, num_sh.at[dstn], sems, add=True)
        cd = pltpu.async_copy(stgd, den_sh.at[dstd], sems, add=True)
        ce.wait(); cn.wait(); cd.wait()

        @pl.loop(0, EB // 16)
        def _(j):
            erow = jnp.broadcast_to(16 * j, (16,)) + lane
            cv = dstc[pl.ds(16 * j, 16)]
            for h in range(HC):
                plsc.store_scatter(stgd, [erow, cv + h], zero16)

    plsc.subcore_barrier()
    pltpu.sync_copy(num_sh.at[pl.ds(rbase, RPN)],
                    outn_hbm.at[c, pl.ds(rbase, RPN)])

    @pl.when(s < 4)
    def _():
        dbase = s * (NPD // 4)
        pltpu.sync_copy(den_sh.at[pl.ds(dbase, NPD // 4)],
                        outd_hbm.at[c, pl.ds(dbase, NPD // 4)])
    plsc.subcore_barrier()

    _zero_stgv(stgv)
    _zero_num(stgv, num_sh, s)
    plsc.subcore_barrier()

    @pl.loop(0, NBLK)
    def _(i):
        ebase = (s * NBLK + i) * EB
        ca = pltpu.async_copy(src_hbm.at[pl.ds(ebase, EB)], srcall, semg)
        cb = pltpu.async_copy(dst_hbm.at[pl.ds(ebase, EB)], dstall, semg)
        ca.wait(); cb.wait()

        @pl.loop(0, EB // 16)
        def _(j):
            sl = pl.ds(16 * j, 16)
            dv = dstall[sl]
            srci[sl] = srcall[sl] + cN
            dstn[sl] = jnp.where(dv >= NH, dv - NH, NPH - 1)

        cv = pltpu.async_copy(v_hbm.at[srci], vb, semg)
        ce = pltpu.async_copy(exc_hbm.at[c, pl.ds((s * NBLK + i) * (EB // 8),
                                                  EB // 8)], exb, semg)
        cv.wait(); ce.wait()

        @plsc.parallel_loop(0, EB, unroll=4)
        def _(e):
            er = lax.shift_right_logical(e, 3)
            ec = jnp.bitwise_and(e, 7) * 16
            exvs = [plsc.load_gather(
                exb, [jnp.broadcast_to(er, (16,)),
                      jnp.broadcast_to(ec + h, (16,))]) for h in range(HC)]
            for h in range(HC):
                stgv[e, pl.ds(32 * h, 16)] = vb[e, pl.ds(32 * h, 16)] * exvs[h]
                stgv[e, pl.ds(32 * h + 16, 16)] = \
                    vb[e, pl.ds(32 * h + 16, 16)] * exvs[h]

        pltpu.sync_copy(stgv, num_sh.at[dstn], add=True)

    plsc.subcore_barrier()
    pltpu.sync_copy(num_sh.at[pl.ds(rbase, RPN)],
                    outn_hbm.at[c, pl.ds(NH + rbase, RPN)])
    plsc.subcore_barrier()


def _edge_sc_body(q0, k0, v0, src0, dst0, q1, k1, v1, src1, dst1,
                  outn0, outd0, exc0, outn1, outd1, exc1,
                  srcall, dstall, srci, dstq, dstd, dstc, dstn, qb, kb, vb,
                  stgv, stgd, exb, num_sh, den_sh, semg, sems):
    c = lax.axis_index("c")
    s = lax.axis_index("s")
    _edge_one_relation(q0, k0, v0, src0, dst0, outn0, outd0, exc0, srcall,
                       dstall, srci, dstq, dstd, dstc, dstn, qb, kb, vb, stgv,
                       stgd, exb, num_sh, den_sh, semg, sems, c, s)
    _edge_one_relation(q1, k1, v1, src1, dst1, outn1, outd1, exc1, srcall,
                       dstall, srci, dstq, dstd, dstc, dstn, qb, kb, vb, stgv,
                       stgd, exb, num_sh, den_sh, semg, sems, c, s)


_sc_params = pltpu.CompilerParams()
if "needs_layout_passes" in pltpu.CompilerParams.__dataclass_fields__:
    _sc_params = dataclasses.replace(_sc_params, needs_layout_passes=False)

_edge_sc = functools.partial(
    pl.kernel,
    out_type=[
        jax.ShapeDtypeStruct((2, NOUT, DC), jnp.float32),
        jax.ShapeDtypeStruct((2, NPD, DC), jnp.float32),
        jax.ShapeDtypeStruct((2, EP // 8, DC), jnp.float32),
        jax.ShapeDtypeStruct((2, NOUT, DC), jnp.float32),
        jax.ShapeDtypeStruct((2, NPD, DC), jnp.float32),
        jax.ShapeDtypeStruct((2, EP // 8, DC), jnp.float32),
    ],
    mesh=plsc.VectorSubcoreMesh(core_axis_name="c", subcore_axis_name="s"),
    compiler_params=_sc_params,
    scratch_types=[
        pltpu.VMEM((EB,), jnp.int32),
        pltpu.VMEM((EB,), jnp.int32),
        pltpu.VMEM((EB,), jnp.int32),
        pltpu.VMEM((EB,), jnp.int32),
        pltpu.VMEM((EB,), jnp.int32),
        pltpu.VMEM((EB,), jnp.int32),
        pltpu.VMEM((EB,), jnp.int32),
        pltpu.VMEM((EB, DC), jnp.float32),
        pltpu.VMEM((EB, DC), jnp.float32),
        pltpu.VMEM((EB, DC), jnp.float32),
        pltpu.VMEM((EB, DC), jnp.float32),
        pltpu.VMEM((EB, DC), jnp.float32),
        pltpu.VMEM((EB // 8, DC), jnp.float32),
        pltpu.VMEM_SHARED((NPH, DC), jnp.float32),
        pltpu.VMEM_SHARED((NPD, DC), jnp.float32),
        pltpu.SemaphoreType.DMA,
        pltpu.SemaphoreType.DMA,
    ],
)(_edge_sc_body)


def kernel(nodes__author, nodes__paper, edges__author__writes__paper,
           edges__paper__written_by__author, Wk, Wq, Wv, Wo, bk, bq, bv, bo,
           a_rel, m_rel, p_rel, skip, ln_gamma, ln_beta):
    scale = 1.0 / jnp.sqrt(jnp.float32(DH))
    a_s = a_rel * (p_rel * scale)[..., None, None]

    Wk_h = Wk.reshape(L, T, D, H, DH)
    Wv_h = Wv.reshape(L, T, D, H, DH)
    bk_h = bk.reshape(L, T, H, DH)
    bv_h = bv.reshape(L, T, H, DH)
    Kf = jnp.einsum('lrdhe,lrhef->lrdhf',
                    jnp.stack([Wk_h[:, 0], Wk_h[:, 1]], axis=1), a_s).reshape(L, R, D, D)
    Vf = jnp.einsum('lrdhe,lrhef->lrdhf',
                    jnp.stack([Wv_h[:, 0], Wv_h[:, 1]], axis=1), m_rel).reshape(L, R, D, D)
    bKf = jnp.einsum('lrhe,lrhef->lrhf',
                     jnp.stack([bk_h[:, 0], bk_h[:, 1]], axis=1), a_s).reshape(L, R, D)
    bVf = jnp.einsum('lrhe,lrhef->lrhf',
                     jnp.stack([bv_h[:, 0], bv_h[:, 1]], axis=1), m_rel).reshape(L, R, D)
    Wcat = jnp.concatenate([Wq, Kf, Vf], axis=3)
    bcat = jnp.concatenate([bq, bKf, bVf], axis=2)[:, :, None, :]

    betas = jax.nn.sigmoid(skip)

    def _pad_edges(e):
        src = jnp.concatenate([e[0].astype(jnp.int32),
                               jnp.zeros((EP - E,), jnp.int32)])
        dst = jnp.concatenate([e[1].astype(jnp.int32),
                               jnp.full((EP - E,), N, jnp.int32)])
        return src, dst

    src_r, dst_r = zip(_pad_edges(edges__author__writes__paper),
                       _pad_edges(edges__paper__written_by__author))

    def layer_body(carry, wl):
        x = list(carry)
        Wcat_l, bcat_l, Wo_l, bo_l, betas_l, gamma_l, bln_l = wl
        q = [None, None]; k = [None, None]; v = [None, None]
        for t in range(T):
            qt, kt, vt = _proj(x[t], Wcat_l[t], bcat_l[t])
            q[t] = qt.reshape(2 * N, DC)
            k[t] = kt.reshape(2 * N, DC)
            v[t] = vt.reshape(2 * N, DC)
        numn0, dend0, _exc0, numn1, dend1, _exc1 = _edge_sc(
            q[1], k[0], v[0], src_r[0], dst_r[0],
            q[0], k[1], v[1], src_r[1], dst_r[1])
        nums = [numn0, numn1]
        dens = []
        for r in range(R):
            d8 = [dend0, dend1][r].reshape(2, NPD * 32, 4)[:, :N, :]
            dens.append(jnp.transpose(d8, (1, 0, 2)).reshape(N, H))
        newx = []
        for t in range(T):
            r = 1 - t
            newx.append(_post(nums[r], dens[r], x[t], Wo_l[t],
                              bo_l[t][None, :], betas_l[t][None, None],
                              gamma_l[None, :], bln_l[None, :]))
        return tuple(newx), None

    carry, _ = lax.scan(layer_body, (nodes__author, nodes__paper),
                        (Wcat, bcat, Wo, bo, betas, ln_gamma, ln_beta))
    return jnp.stack(list(carry), 0)

# --- scband reference (transcript-rebuilt; emitter-appended) ---
"""Pipeline reference for scband-hgt-8589934592309 (READ-ONLY COPY).

The authoritative reference and input builder live on the scoring server;
editing this copy changes nothing except your own understanding.
"""

import jax, jax.numpy as jnp
import numpy as np

L = 2; T = 2; R = 2; H = 8; D = 256; DH = 32; N = 10000; E = 100000


def setup_inputs(seed: int = 0) -> dict:
    key = jax.random.key(seed)
    ks = jax.random.split(key, 12)
    s = 0.05
    inp = {}
    inp["nodes__author"] = jax.random.normal(ks[0], (N, D), dtype=jnp.float32)
    inp["nodes__paper"] = jax.random.normal(ks[1], (N, D), dtype=jnp.float32)
    inp["edges__author__writes__paper"] = jax.random.randint(ks[2], (2, E), 0, N)
    inp["edges__paper__written_by__author"] = jax.random.randint(ks[3], (2, E), 0, N)
    inp["Wk"] = jax.random.normal(ks[4], (L, T, D, D), jnp.float32) * s
    inp["Wq"] = jax.random.normal(ks[5], (L, T, D, D), jnp.float32) * s
    inp["Wv"] = jax.random.normal(ks[6], (L, T, D, D), jnp.float32) * s
    inp["Wo"] = jax.random.normal(ks[7], (L, T, D, D), jnp.float32) * s
    inp["bk"] = jnp.zeros((L, T, D), jnp.float32)
    inp["bq"] = jnp.zeros((L, T, D), jnp.float32)
    inp["bv"] = jnp.zeros((L, T, D), jnp.float32)
    inp["bo"] = jnp.zeros((L, T, D), jnp.float32)
    inp["a_rel"] = jax.random.normal(ks[8], (L, R, H, DH, DH), jnp.float32) * 0.1
    inp["m_rel"] = jax.random.normal(ks[9], (L, R, H, DH, DH), jnp.float32) * 0.1
    inp["p_rel"] = jnp.ones((L, R, H), jnp.float32)
    inp["skip"] = jnp.ones((L, T), jnp.float32)
    inp["ln_gamma"] = jnp.ones((L, D), jnp.float32)
    inp["ln_beta"] = jnp.zeros((L, D), jnp.float32)
    return inp


def _hgt_forward(x_author, x_paper, e_ap, e_pa, Wk, Wq, Wv, Wo, bk, bq, bv, bo, a_rel, m_rel, p_rel, skip, ln_gamma, ln_beta):
    # node type indices: 0=author, 1=paper
    # edge types: r=0 (author -writes-> paper), r=1 (paper -written_by-> author)
    x = [x_author, x_paper]
    ets = [(0, 1, e_ap, 0), (1, 0, e_pa, 1)]  # (src_type, dst_type, edge_index, rel_idx)
    scale = 1.0 / jnp.sqrt(jnp.float32(DH))
    for l in range(L):
        newx = []
        for ti in range(T):
            # HGTConv: per-dst-type query projection
            q = (x[ti] @ Wq[l, ti] + bq[l, ti]).reshape(-1, H, DH)
            scs = []; msgs = []; dsts = []
            for (si, tj, e, r) in ets:
                if tj != ti:
                    continue
                k = (x[si] @ Wk[l, si] + bk[l, si]).reshape(-1, H, DH)
                v = (x[si] @ Wv[l, si] + bv[l, si]).reshape(-1, H, DH)
                k_rel = jnp.einsum('nhd,hde->nhe', k, a_rel[l, r])
                v_rel = jnp.einsum('nhd,hde->nhe', v, m_rel[l, r])
                src = e[0]; dst = e[1]
                sc = (q[dst] * k_rel[src]).sum(-1) * p_rel[l, r] * scale  # [E, H]
                scs.append(sc); msgs.append(v_rel[src]); dsts.append(dst)
            sc = jnp.concatenate(scs, 0)
            msg = jnp.concatenate(msgs, 0)
            dst = jnp.concatenate(dsts, 0)
            # segment softmax over incoming edges per destination node (across relations)
            mx = jax.ops.segment_max(sc, dst, num_segments=N)
            mx = jnp.where(jnp.isfinite(mx), mx, 0.0)
            ex = jnp.exp(sc - mx[dst])
            den = jax.ops.segment_sum(ex, dst, num_segments=N)
            alpha = ex / (den[dst] + 1e-16)
            agg = jax.ops.segment_sum(alpha[:, :, None] * msg, dst, num_segments=N).reshape(N, D)
            o = jax.nn.gelu(agg) @ Wo[l, ti] + bo[l, ti]
            beta = jax.nn.sigmoid(skip[l, ti])
            o = beta * o + (1.0 - beta) * x[ti]
            # HGT wrapper: residual + layernorm (dropout is identity in eval)
            y = x[ti] + o
            mu = y.mean(-1, keepdims=True)
            var = ((y - mu) ** 2).mean(-1, keepdims=True)
            y = (y - mu) / jnp.sqrt(var + 1e-5) * ln_gamma[l] + ln_beta[l]
            newx.append(y)
        x = newx
    return jnp.stack(x, 0)  # [2, N, D] -> (author, paper)


def reference(nodes__author, nodes__paper, edges__author__writes__paper, edges__paper__written_by__author, Wk, Wq, Wv, Wo, bk, bq, bv, bo, a_rel, m_rel, p_rel, skip, ln_gamma, ln_beta):
    return _hgt_forward(nodes__author, nodes__paper, edges__author__writes__paper, edges__paper__written_by__author, Wk, Wq, Wv, Wo, bk, bq, bv, bo, a_rel, m_rel, p_rel, skip, ln_gamma, ln_beta)

if __name__ == "__main__":
    import jax
    _d = setup_inputs()
    print(jax.jit(kernel)(*tuple(_d.values())))

</pallas_src>

<mosaic_0001>
#map = affine_map<(d0, d1) -> (0, 0)>
#map1 = affine_map<(d0, d1) -> (0)>
#map2 = affine_map<(d0, d1) -> (0, 0, 0)>
module attributes {stable_mosaic.version = 14 : i64} {
  func.func @_edge_sc_body(%arg0: i32, %arg1: i32, %arg2: memref<20000x128xf32, #tpu.memory_space<hbm>>, %arg3: memref<20000x128xf32, #tpu.memory_space<hbm>>, %arg4: memref<20000x128xf32, #tpu.memory_space<hbm>>, %arg5: memref<100352xi32, #tpu.memory_space<hbm>>, %arg6: memref<100352xi32, #tpu.memory_space<hbm>>, %arg7: memref<20000x128xf32, #tpu.memory_space<hbm>>, %arg8: memref<20000x128xf32, #tpu.memory_space<hbm>>, %arg9: memref<20000x128xf32, #tpu.memory_space<hbm>>, %arg10: memref<100352xi32, #tpu.memory_space<hbm>>, %arg11: memref<100352xi32, #tpu.memory_space<hbm>>, %arg12: memref<2x10120x128xf32, #tpu.memory_space<hbm>>, %arg13: memref<2x320x128xf32, #tpu.memory_space<hbm>>, %arg14: memref<2x12544x128xf32, #tpu.memory_space<hbm>>, %arg15: memref<2x10120x128xf32, #tpu.memory_space<hbm>>, %arg16: memref<2x320x128xf32, #tpu.memory_space<hbm>>, %arg17: memref<2x12544x128xf32, #tpu.memory_space<hbm>>, %arg18: memref<128xi32, #tpu.memory_space<vmem>>, %arg19: memref<128xi32, #tpu.memory_space<vmem>>, %arg20: memref<128xi32, #tpu.memory_space<vmem>>, %arg21: memref<128xi32, #tpu.memory_space<vmem>>, %arg22: memref<128xi32, #tpu.memory_space<vmem>>, %arg23: memref<128xi32, #tpu.memory_space<vmem>>, %arg24: memref<128xi32, #tpu.memory_space<vmem>>, %arg25: memref<128x128xf32, #tpu.memory_space<vmem>>, %arg26: memref<128x128xf32, #tpu.memory_space<vmem>>, %arg27: memref<128x128xf32, #tpu.memory_space<vmem>>, %arg28: memref<128x128xf32, #tpu.memory_space<vmem>>, %arg29: memref<128x128xf32, #tpu.memory_space<vmem>>, %arg30: memref<16x128xf32, #tpu.memory_space<vmem>>, %arg31: memref<5120x128xf32, #tpu.memory_space<vmem_shared>>, %arg32: memref<320x128xf32, #tpu.memory_space<vmem_shared>>, %arg33: memref<!tpu.dma_semaphore, #tpu.memory_space<semaphore_mem>>, %arg34: memref<!tpu.dma_semaphore, #tpu.memory_space<semaphore_mem>>) attributes {dimension_semantics = [#tpu.dimension_semantics<core_parallel>, #tpu.dimension_semantics<subcore_parallel>], iteration_bounds = array<i64: 2, 16>, scalar_prefetch = 0 : i64, scratch_operands = 17 : i64, tpu.core_type = #tpu.core_type<sc_vector_subcore>, window_params = [{transform_indices = #map}, {transform_indices = #map}, {transform_indices = #map}, {transform_indices = #map1}, {transform_indices = #map1}, {transform_indices = #map}, {transform_indices = #map}, {transform_indices = #map}, {transform_indices = #map1}, {transform_indices = #map1}, {transform_indices = #map2}, {transform_indices = #map2}, {transform_indices = #map2}, {transform_indices = #map2}, {transform_indices = #map2}, {transform_indices = #map2}]} {
    %broadcast_in_dim3A = arith.constant 0.000000e+00 : f32
    %broadcast_in_dim3A_0 = vector.broadcast %broadcast_in_dim3A : f32 to vector<16xf32>
    %iota3A = tpu.iota {dimensions = array<i32: 0>} : vector<16xi32>
    %shift_right_logical3A = arith.constant 3 : i32
    %shift_right_logical3A_1 = vector.broadcast %shift_right_logical3A : i32 to vector<16xi32>
    %shift_right_logical3A_2 = arith.shrui %iota3A, %shift_right_logical3A_1 : vector<16xi32>
    %and3A = arith.constant 7 : i32
    %and3A_3 = vector.broadcast %and3A : i32 to vector<16xi32>
    %and3A_4 = arith.andi %iota3A, %and3A_3 : vector<16xi32>
    %mul3A = arith.constant 16 : i32
    %mul3A_5 = vector.broadcast %mul3A : i32 to vector<16xi32>
    %mul3A_6 = arith.muli %and3A_4, %mul3A_5 : vector<16xi32>
    %broadcast_in_dim3A_7 = arith.constant 0.000000e+00 : f32
    %broadcast_in_dim3A_8 = vector.broadcast %broadcast_in_dim3A_7 : f32 to vector<16xf32>
    %scan3A = arith.constant 0 : i32
    %scan3A_9 = arith.constant 128 : i32
    %scan3A_10 = arith.addi %scan3A, %scan3A_9 : i32
    %scan3A_11 = arith.constant 1 : i32
    scf.for %scan3A_146 = %scan3A to %scan3A_10 step %scan3A_11  : i32 {
      %mul3A_147 = arith.constant 1 : i32
      %mul3A_148 = arith.muli %scan3A_146, %mul3A_147 : i32
      %add3A_149 = arith.constant 0 : i32
      %add3A_150 = arith.addi %add3A_149, %mul3A_148 : i32
      %swap3A = arith.index_cast %add3A_150 : i32 to index
      %swap3A_151 = arith.constant 0 : index
      %swap3A_152 = tpu.vector_load %arg28[%swap3A, %swap3A_151] {strides = array<i32>} : memref<128x128xf32, #tpu.memory_space<vmem>>, vector<16xf32>,
      tpu.vector_store %arg28[%swap3A, %swap3A_151], %broadcast_in_dim3A_8 {strides = array<i32>} : memref<128x128xf32, #tpu.memory_space<vmem>>, vector<16xf32>,
      %swap3A_153 = arith.index_cast %add3A_150 : i32 to index
      %swap3A_154 = arith.constant 16 : index
      %swap3A_155 = tpu.vector_load %arg28[%swap3A_153, %swap3A_154] {strides = array<i32>} : memref<128x128xf32, #tpu.memory_space<vmem>>, vector<16xf32>,
      tpu.vector_store %arg28[%swap3A_153, %swap3A_154], %broadcast_in_dim3A_8 {strides = array<i32>} : memref<128x128xf32, #tpu.memory_space<vmem>>, vector<16xf32>,
      %swap3A_156 = arith.index_cast %add3A_150 : i32 to index
      %swap3A_157 = arith.constant 32 : index
      %swap3A_158 = tpu.vector_load %arg28[%swap3A_156, %swap3A_157] {strides = array<i32>} : memref<128x128xf32, #tpu.memory_space<vmem>>, vector<16xf32>,
      tpu.vector_store %arg28[%swap3A_156, %swap3A_157], %broadcast_in_dim3A_8 {strides = array<i32>} : memref<128x128xf32, #tpu.memory_space<vmem>>, vector<16xf32>,
      %swap3A_159 = arith.index_cast %add3A_150 : i32 to index
      %swap3A_160 = arith.constant 48 : index
      %swap3A_161 = tpu.vector_load %arg28[%swap3A_159, %swap3A_160] {strides = array<i32>} : memref<128x128xf32, #tpu.memory_space<vmem>>, vector<16xf32>,
      tpu.vector_store %arg28[%swap3A_159, %swap3A_160], %broadcast_in_dim3A_8 {strides = array<i32>} : memref<128x128xf32, #tpu.memory_space<vmem>>, vector<16xf32>,
      %swap3A_162 = arith.index_cast %add3A_150 : i32 to index
      %swap3A_163 = arith.constant 64 : index
      %swap3A_164 = tpu.vector_load %arg28[%swap3A_162, %swap3A_163] {strides = array<i32>} : memref<128x128xf32, #tpu.memory_space<vmem>>, vector<16xf32>,
      tpu.vector_store %arg28[%swap3A_162, %swap3A_163], %broadcast_in_dim3A_8 {strides = array<i32>} : memref<128x128xf32, #tpu.memory_space<vmem>>, vector<16xf32>,
      %swap3A_165 = arith.index_cast %add3A_150 : i32 to index
      %swap3A_166 = arith.constant 80 : index
      %swap3A_167 = tpu.vector_load %arg28[%swap3A_165, %swap3A_166] {strides = array<i32>} : memref<128x128xf32, #tpu.memory_space<vmem>>, vector<16xf32>,
      tpu.vector_store %arg28[%swap3A_165, %swap3A_166], %broadcast_in_dim3A_8 {strides = array<i32>} : memref<128x128xf32, #tpu.memory_space<vmem>>, vector<16xf32>,
      %swap3A_168 = arith.index_cast %add3A_150 : i32 to index
      %swap3A_169 = arith.constant 96 : index
      %swap3A_170 = tpu.vector_load %arg28[%swap3A_168, %swap3A_169] {strides = array<i32>} : memref<128x128xf32, #tpu.memory_space<vmem>>, vector<16xf32>,
      tpu.vector_store %arg28[%swap3A_168, %swap3A_169], %broadcast_in_dim3A_8 {strides = array<i32>} : memref<128x128xf32, #tpu.memory_space<vmem>>, vector<16xf32>,
      %swap3A_171 = arith.index_cast %add3A_150 : i32 to index
      %swap3A_172 = arith.constant 112 : index
      %swap3A_173 = tpu.vector_load %arg28[%swap3A_171, %swap3A_172] {strides = array<i32>} : memref<128x128xf32, #tpu.memory_space<vmem>>, vector<16xf32>,
      tpu.vector_store %arg28[%swap3A_171, %swap3A_172], %broadcast_in_dim3A_8 {strides = array<i32>} : memref<128x128xf32, #tpu.memory_space<vmem>>, vector<16xf32>,
    }
    %scan3A_12 = arith.constant 128 : i32
    %scan3A_13 = arith.constant 0 : i32
    %scan3A_14 = arith.constant 128 : i32
    %scan3A_15 = arith.addi %scan3A_13, %scan3A_14 : i32
    %scan3A_16 = arith.constant 1 : i32
    scf.for %scan3A_146 = %scan3A_13 to %scan3A_15 step %scan3A_16  : i32 {
      %mul3A_147 = arith.constant 1 : i32
      %mul3A_148 = arith.muli %scan3A_146, %mul3A_147 : i32
      %add3A_149 = arith.constant 0 : i32
      %add3A_150 = arith.addi %add3A_149, %mul3A_148 : i32
      %swap3A = arith.index_cast %add3A_150 : i32 to index
      %swap3A_151 = arith.constant 0 : index
      %swap3A_152 = tpu.vector_load %arg29[%swap3A, %swap3A_151] {strides = array<i32>} : memref<128x128xf32, #tpu.memory_space<vmem>>, vector<16xf32>,
      tpu.vector_store %arg29[%swap3A, %swap3A_151], %broadcast_in_dim3A_0 {strides = array<i32>} : memref<128x128xf32, #tpu.memory_space<vmem>>, vector<16xf32>,
      %swap3A_153 = arith.index_cast %add3A_150 : i32 to index
      %swap3A_154 = arith.constant 16 : index
      %swap3A_155 = tpu.vector_load %arg29[%swap3A_153, %swap3A_154] {strides = array<i32>} : memref<128x128xf32, #tpu.memory_space<vmem>>, vector<16xf32>,
      tpu.vector_store %arg29[%swap3A_153, %swap3A_154], %broadcast_in_dim3A_0 {strides = array<i32>} : memref<128x128xf32, #tpu.memory_space<vmem>>, vector<16xf32>,
      %swap3A_156 = arith.index_cast %add3A_150 : i32 to index
      %swap3A_157 = arith.constant 32 : index
      %swap3A_158 = tpu.vector_load %arg29[%swap3A_156, %swap3A_157] {strides = array<i32>} : memref<128x128xf32, #tpu.memory_space<vmem>>, vector<16xf32>,
      tpu.vector_store %arg29[%swap3A_156, %swap3A_157], %broadcast_in_dim3A_0 {strides = array<i32>} : memref<128x128xf32, #tpu.memory_space<vmem>>, vector<16xf32>,
      %swap3A_159 = arith.index_cast %add3A_150 : i32 to index
      %swap3A_160 = arith.constant 48 : index
      %swap3A_161 = tpu.vector_load %arg29[%swap3A_159, %swap3A_160] {strides = array<i32>} : memref<128x128xf32, #tpu.memory_space<vmem>>, vector<16xf32>,
      tpu.vector_store %arg29[%swap3A_159, %swap3A_160], %broadcast_in_dim3A_0 {strides = array<i32>} : memref<128x128xf32, #tpu.memory_space<vmem>>, vector<16xf32>,
      %swap3A_162 = arith.index_cast %add3A_150 : i32 to index
      %swap3A_163 = arith.constant 64 : index
      %swap3A_164 = tpu.vector_load %arg29[%swap3A_162, %swap3A_163] {strides = array<i32>} : memref<128x128xf32, #tpu.memory_space<vmem>>, vector<16xf32>,
      tpu.vector_store %arg29[%swap3A_162, %swap3A_163], %broadcast_in_dim3A_0 {strides = array<i32>} : memref<128x128xf32, #tpu.memory_space<vmem>>, vector<16xf32>,
      %swap3A_165 = arith.index_cast %add3A_150 : i32 to index
      %swap3A_166 = arith.constant 80 : index
      %swap3A_167 = tpu.vector_load %arg29[%swap3A_165, %swap3A_166] {strides = array<i32>} : memref<128x128xf32, #tpu.memory_space<vmem>>, vector<16xf32>,
      tpu.vector_store %arg29[%swap3A_165, %swap3A_166], %broadcast_in_dim3A_0 {strides = array<i32>} : memref<128x128xf32, #tpu.memory_space<vmem>>, vector<16xf32>,
      %swap3A_168 = arith.index_cast %add3A_150 : i32 to index
      %swap3A_169 = arith.constant 96 : index
      %swap3A_170 = tpu.vector_load %arg29[%swap3A_168, %swap3A_169] {strides = array<i32>} : memref<128x128xf32, #tpu.memory_space<vmem>>, vector<16xf32>,
      tpu.vector_store %arg29[%swap3A_168, %swap3A_169], %broadcast_in_dim3A_0 {strides = array<i32>} : memref<128x128xf32, #tpu.memory_space<vmem>>, vector<16xf32>,
      %swap3A_171 = arith.index_cast %add3A_150 : i32 to index
      %swap3A_172 = arith.constant 112 : index
      %swap3A_173 = tpu.vector_load %arg29[%swap3A_171, %swap3A_172] {strides = array<i32>} : memref<128x128xf32, #tpu.memory_space<vmem>>, vector<16xf32>,
      tpu.vector_store %arg29[%swap3A_171, %swap3A_172], %broadcast_in_dim3A_0 {strides = array<i32>} : memref<128x128xf32, #tpu.memory_space<vmem>>, vector<16xf32>,
    }
    %scan3A_17 = arith.constant 128 : i32
    %mul3A_18 = arith.constant 320 : i32
    %mul3A_19 = arith.muli %mul3A_18, %arg1 : i32
    %add3A = arith.constant 0 : i32
    %add3A_20 = arith.addi %mul3A_19, %add3A : i32
    "tpu.region"() ({
      %run_scoped3A = tpu.sem_alloc : memref<!tpu.dma_semaphore, #tpu.memory_space<semaphore_mem>>
      %dma_start3A = arith.constant 0 : i32
      %dma_start3A_146 = arith.constant 0 : i32
      %dma_start3A_147 = tpu.memref_slice %arg28[%dma_start3A, %dma_start3A_146] : memref<128x128xf32, #tpu.memory_space<vmem>> -> memref<128x128xf32, #tpu.memory_space<vmem>>
      %dma_start3A_148 = arith.constant 0 : i32
      %dma_start3A_149 = tpu.memref_slice %arg31[%add3A_20, %dma_start3A_148] : memref<5120x128xf32, #tpu.memory_space<vmem_shared>> -> memref<128x128xf32, #tpu.memory_space<vmem_shared>>
      %dma_start3A_150 = arith.constant 0 : i32
      %dma_start3A_151 = tpu.memref_slice %arg31[%add3A_20, %dma_start3A_150] : memref<5120x128xf32, #tpu.memory_space<vmem_shared>> -> memref<128x128xf32, #tpu.memory_space<vmem_shared>>
      %dma_start3A_152 = arith.constant 0 : i32
      %dma_start3A_153 = arith.constant 0 : i32
      %dma_start3A_154 = tpu.memref_slice %arg28[%dma_start3A_152, %dma_start3A_153] : memref<128x128xf32, #tpu.memory_space<vmem>> -> memref<128x128xf32, #tpu.memory_space<vmem>>
      tpu.enqueue_dma source(%dma_start3A_154 : memref<128x128xf32, #tpu.memory_space<vmem>>) target(%dma_start3A_151 : memref<128x128xf32, #tpu.memory_space<vmem_shared>>) target_semaphore(%run_scoped3A : memref<!tpu.dma_semaphore, #tpu.memory_space<semaphore_mem>>)
      %dma_wait3A = arith.constant 0 : i32
      %dma_wait3A_155 = arith.constant 0 : i32
      %dma_wait3A_156 = tpu.memref_slice %arg28[%dma_wait3A, %dma_wait3A_155] : memref<128x128xf32, #tpu.memory_space<vmem>> -> memref<128x128xf32, #tpu.memory_space<vmem>>
      %dma_wait3A_157 = arith.constant 0 : i32
      %dma_wait3A_158 = tpu.memref_slice %arg31[%add3A_20, %dma_wait3A_157] : memref<5120x128xf32, #tpu.memory_space<vmem_shared>> -> memref<128x128xf32, #tpu.memory_space<vmem_shared>>
      %dma_wait3A_159 = arith.constant 0 : i32
      %dma_wait3A_160 = tpu.memref_slice %arg31[%add3A_20, %dma_wait3A_159] : memref<5120x128xf32, #tpu.memory_space<vmem_shared>> -> memref<128x128xf32, #tpu.memory_space<vmem_shared>>
      %dma_wait3A_161 = arith.constant 0 : i32
      %dma_wait3A_162 = arith.constant 0 : i32
      %dma_wait3A_163 = tpu.memref_slice %arg28[%dma_wait3A_161, %dma_wait3A_162] : memref<128x128xf32, #tpu.memory_space<vmem>> -> memref<128x128xf32, #tpu.memory_space<vmem>>
      tpu.wait_dma2 semaphore(%run_scoped3A : memref<!tpu.dma_semaphore, #tpu.memory_space<semaphore_mem>>) src(%dma_wait3A_163 : memref<128x128xf32, #tpu.memory_space<vmem>>) dst(%dma_wait3A_160 : memref<128x128xf32, #tpu.memory_space<vmem_shared>>)
      tpu.yield
    }) : () -> ()
    %add3A_21 = arith.constant 128 : i32
    %add3A_22 = arith.addi %mul3A_19, %add3A_21 : i32
    "tpu.region"() ({
      %run_scoped3A = tpu.sem_alloc : memref<!tpu.dma_semaphore, #tpu.memory_space<semaphore_mem>>
      %dma_start3A = arith.constant 0 : i32
      %dma_start3A_146 = arith.constant 0 : i32
      %dma_start3A_147 = tpu.memref_slice %arg28[%dma_start3A, %dma_start3A_146] : memref<128x128xf32, #tpu.memory_space<vmem>> -> memref<128x128xf32, #tpu.memory_space<vmem>>
      %dma_start3A_148 = arith.constant 0 : i32
      %dma_start3A_149 = tpu.memref_slice %arg31[%add3A_22, %dma_start3A_148] : memref<5120x128xf32, #tpu.memory_space<vmem_shared>> -> memref<128x128xf32, #tpu.memory_space<vmem_shared>>
      %dma_start3A_150 = arith.constant 0 : i32
      %dma_start3A_151 = tpu.memref_slice %arg31[%add3A_22, %dma_start3A_150] : memref<5120x128xf32, #tpu.memory_space<vmem_shared>> -> memref<128x128xf32, #tpu.memory_space<vmem_shared>>
      %dma_start3A_152 = arith.constant 0 : i32
      %dma_start3A_153 = arith.constant 0 : i32
      %dma_start3A_154 = tpu.memref_slice %arg28[%dma_start3A_152, %dma_start3A_153] : memref<128x128xf32, #tpu.memory_space<vmem>> -> memref<128x128xf32, #tpu.memory_space<vmem>>
      tpu.enqueue_dma source(%dma_start3A_154 : memref<128x128xf32, #tpu.memory_space<vmem>>) target(%dma_start3A_151 : memref<128x128xf32, #tpu.memory_space<vmem_shared>>) target_semaphore(%run_scoped3A : memref<!tpu.dma_semaphore, #tpu.memory_space<semaphore_mem>>)
      %dma_wait3A = arith.constant 0 : i32
      %dma_wait3A_155 = arith.constant 0 : i32
      %dma_wait3A_156 = tpu.memref_slice %arg28[%dma_wait3A, %dma_wait3A_155] : memref<128x128xf32, #tpu.memory_space<vmem>> -> memref<128x128xf32, #tpu.memory_space<vmem>>
      %dma_wait3A_157 = arith.constant 0 : i32
      %dma_wait3A_158 = tpu.memref_slice %arg31[%add3A_22, %dma_wait3A_157] : memref<5120x128xf32, #tpu.memory_space<vmem_shared>> -> memref<128x128xf32, #tpu.memory_space<vmem_shared>>
      %dma_wait3A_159 = arith.constant 0 : i32
      %dma_wait3A_160 = tpu.memref_slice %arg31[%add3A_22, %dma_wait3A_159] : memref<5120x128xf32, #tpu.memory_space<vmem_shared>> -> memref<128x128xf32, #tpu.memory_space<vmem_shared>>
      %dma_wait3A_161 = arith.constant 0 : i32
      %dma_wait3A_162 = arith.constant 0 : i32
      %dma_wait3A_163 = tpu.memref_slice %arg28[%dma_wait3A_161, %dma_wait3A_162] : memref<128x128xf32, #tpu.memory_space<vmem>> -> memref<128x128xf32, #tpu.memory_space<vmem>>
      tpu.wait_dma2 semaphore(%run_scoped3A : memref<!tpu.dma_semaphore, #tpu.memory_space<semaphore_mem>>) src(%dma_wait3A_163 : memref<128x128xf32, #tpu.memory_space<vmem>>) dst(%dma_wait3A_160 : memref<128x128xf32, #tpu.memory_space<vmem_shared>>)
      tpu.yield
    }) : () -> ()
    %add3A_23 = arith.constant 256 : i32
    %add3A_24 = arith.addi %mul3A_19, %add3A_23 : i32
    "tpu.region"() ({
      %run_scoped3A = tpu.sem_alloc : memref<!tpu.dma_semaphore, #tpu.memory_space<semaphore_mem>>
      %dma_start3A = arith.constant 0 : i32
      %dma_start3A_146 = arith.constant 0 : i32
      %dma_start3A_147 = tpu.memref_slice %arg28[%dma_start3A, %dma_start3A_146] : memref<128x128xf32, #tpu.memory_space<vmem>> -> memref<64x128xf32, #tpu.memory_space<vmem>>
      %dma_start3A_148 = arith.constant 0 : i32
      %dma_start3A_149 = tpu.memref_slice %arg31[%add3A_24, %dma_start3A_148] : memref<5120x128xf32, #tpu.memory_space<vmem_shared>> -> memref<64x128xf32, #tpu.memory_space<vmem_shared>>
      %dma_start3A_150 = arith.constant 0 : i32
      %dma_start3A_151 = tpu.memref_slice %arg31[%add3A_24, %dma_start3A_150] : memref<5120x128xf32, #tpu.memory_space<vmem_shared>> -> memref<64x128xf32, #tpu.memory_space<vmem_shared>>
      %dma_start3A_152 = arith.constant 0 : i32
      %dma_start3A_153 = arith.constant 0 : i32
      %dma_start3A_154 = tpu.memref_slice %arg28[%dma_start3A_152, %dma_start3A_153] : memref<128x128xf32, #tpu.memory_space<vmem>> -> memref<64x128xf32, #tpu.memory_space<vmem>>
      tpu.enqueue_dma source(%dma_start3A_154 : memref<64x128xf32, #tpu.memory_space<vmem>>) target(%dma_start3A_151 : memref<64x128xf32, #tpu.memory_space<vmem_shared>>) target_semaphore(%run_scoped3A : memref<!tpu.dma_semaphore, #tpu.memory_space<semaphore_mem>>)
      %dma_wait3A = arith.constant 0 : i32
      %dma_wait3A_155 = arith.constant 0 : i32
      %dma_wait3A_156 = tpu.memref_slice %arg28[%dma_wait3A, %dma_wait3A_155] : memref<128x128xf32, #tpu.memory_space<vmem>> -> memref<64x128xf32, #tpu.memory_space<vmem>>
      %dma_wait3A_157 = arith.constant 0 : i32
      %dma_wait3A_158 = tpu.memref_slice %arg31[%add3A_24, %dma_wait3A_157] : memref<5120x128xf32, #tpu.memory_space<vmem_shared>> -> memref<64x128xf32, #tpu.memory_space<vmem_shared>>
      %dma_wait3A_159 = arith.constant 0 : i32
      %dma_wait3A_160 = tpu.memref_slice %arg31[%add3A_24, %dma_wait3A_159] : memref<5120x128xf32, #tpu.memory_space<vmem_shared>> -> memref<64x128xf32, #tpu.memory_space<vmem_shared>>
      %dma_wait3A_161 = arith.constant 0 : i32
      %dma_wait3A_162 = arith.constant 0 : i32
      %dma_wait3A_163 = tpu.memref_slice %arg28[%dma_wait3A_161, %dma_wait3A_162] : memref<128x128xf32, #tpu.memory_space<vmem>> -> memref<64x128xf32, #tpu.memory_space<vmem>>
      tpu.wait_dma2 semaphore(%run_scoped3A : memref<!tpu.dma_semaphore, #tpu.memory_space<semaphore_mem>>) src(%dma_wait3A_163 : memref<64x128xf32, #tpu.memory_space<vmem>>) dst(%dma_wait3A_160 : memref<64x128xf32, #tpu.memory_space<vmem_shared>>)
      tpu.yield
    }) : () -> ()
    %eq3A = arith.constant 0 : i32
    %eq3A_25 = arith.cmpi eq, %arg1, %eq3A : i32
    %convert_element_type3A = arith.extui %eq3A_25 : i1 to i32
    %cond3A = arith.constant 0 : i32
    %cond3A_26 = arith.cmpi ne, %convert_element_type3A, %cond3A : i32
    scf.if %cond3A_26 {
      "tpu.region"() ({
        %run_scoped3A = tpu.sem_alloc : memref<!tpu.dma_semaphore, #tpu.memory_space<semaphore_mem>>
        %dma_start3A = arith.constant 0 : i32
        %dma_start3A_146 = arith.constant 0 : i32
        %dma_start3A_147 = tpu.memref_slice %arg28[%dma_start3A, %dma_start3A_146] : memref<128x128xf32, #tpu.memory_space<vmem>> -> memref<128x128xf32, #tpu.memory_space<vmem>>
        %dma_start3A_148 = arith.constant 0 : i32
        %dma_start3A_149 = arith.constant 0 : i32
        %dma_start3A_150 = tpu.memref_slice %arg32[%dma_start3A_148, %dma_start3A_149] : memref<320x128xf32, #tpu.memory_space<vmem_shared>> -> memref<128x128xf32, #tpu.memory_space<vmem_shared>>
        %dma_start3A_151 = arith.constant 0 : i32
        %dma_start3A_152 = arith.constant 0 : i32
        %dma_start3A_153 = tpu.memref_slice %arg32[%dma_start3A_151, %dma_start3A_152] : memref<320x128xf32, #tpu.memory_space<vmem_shared>> -> memref<128x128xf32, #tpu.memory_space<vmem_shared>>
        %dma_start3A_154 = arith.constant 0 : i32
        %dma_start3A_155 = arith.constant 0 : i32
        %dma_start3A_156 = tpu.memref_slice %arg28[%dma_start3A_154, %dma_start3A_155] : memref<128x128xf32, #tpu.memory_space<vmem>> -> memref<128x128xf32, #tpu.memory_space<vmem>>
        tpu.enqueue_dma source(%dma_start3A_156 : memref<128x128xf32, #tpu.memory_space<vmem>>) target(%dma_start3A_153 : memref<128x128xf32, #tpu.memory_space<vmem_shared>>) target_semaphore(%run_scoped3A : memref<!tpu.dma_semaphore, #tpu.memory_space<semaphore_mem>>)
        %dma_wait3A = arith.constant 0 : i32
        %dma_wait3A_157 = arith.constant 0 : i32
        %dma_wait3A_158 = tpu.memref_slice %arg28[%dma_wait3A, %dma_wait3A_157] : memref<128x128xf32, #tpu.memory_space<vmem>> -> memref<128x128xf32, #tpu.memory_space<vmem>>
        %dma_wait3A_159 = arith.constant 0 : i32
        %dma_wait3A_160 = arith.constant 0 : i32
        %dma_wait3A_161 = tpu.memref_slice %arg32[%dma_wait3A_159, %dma_wait3A_160] : memref<320x128xf32, #tpu.memory_space<vmem_shared>> -> memref<128x128xf32, #tpu.memory_space<vmem_shared>>
        %dma_wait3A_162 = arith.constant 0 : i32
        %dma_wait3A_163 = arith.constant 0 : i32
        %dma_wait3A_164 = tpu.memref_slice %arg32[%dma_wait3A_162, %dma_wait3A_163] : memref<320x128xf32, #tpu.memory_space<vmem_shared>> -> memref<128x128xf32, #tpu.memory_space<vmem_shared>>
        %dma_wait3A_165 = arith.constant 0 : i32
        %dma_wait3A_166 = arith.constant 0 : i32
        %dma_wait3A_167 = tpu.memref_slice %arg28[%dma_wait3A_165, %dma_wait3A_166] : memref<128x128xf32, #tpu.memory_space<vmem>> -> memref<128x128xf32, #tpu.memory_space<vmem>>
        tpu.wait_dma2 semaphore(%run_scoped3A : memref<!tpu.dma_semaphore, #tpu.memory_space<semaphore_mem>>) src(%dma_wait3A_167 : memref<128x128xf32, #tpu.memory_space<vmem>>) dst(%dma_wait3A_164 : memref<128x128xf32, #tpu.memory_space<vmem_shared>>)
        tpu.yield
      }) : () -> ()
      "tpu.region"() ({
        %run_scoped3A = tpu.sem_alloc : memref<!tpu.dma_semaphore, #tpu.memory_space<semaphore_mem>>
        %dma_start3A = arith.constant 0 : i32
        %dma_start3A_146 = arith.constant 0 : i32
        %dma_start3A_147 = tpu.memref_slice %arg28[%dma_start3A, %dma_start3A_146] : memref<128x128xf32, #tpu.memory_space<vmem>> -> memref<128x128xf32, #tpu.memory_space<vmem>>
        %dma_start3A_148 = arith.constant 128 : i32
        %dma_start3A_149 = arith.constant 0 : i32
        %dma_start3A_150 = tpu.memref_slice %arg32[%dma_start3A_148, %dma_start3A_149] : memref<320x128xf32, #tpu.memory_space<vmem_shared>> -> memref<128x128xf32, #tpu.memory_space<vmem_shared>>
        %dma_start3A_151 = arith.constant 128 : i32
        %dma_start3A_152 = arith.constant 0 : i32
        %dma_start3A_153 = tpu.memref_slice %arg32[%dma_start3A_151, %dma_start3A_152] : memref<320x128xf32, #tpu.memory_space<vmem_shared>> -> memref<128x128xf32, #tpu.memory_space<vmem_shared>>
        %dma_start3A_154 = arith.constant 0 : i32
        %dma_start3A_155 = arith.constant 0 : i32
        %dma_start3A_156 = tpu.memref_slice %arg28[%dma_start3A_154, %dma_start3A_155] : memref<128x128xf32, #tpu.memory_space<vmem>> -> memref<128x128xf32, #tpu.memory_space<vmem>>
        tpu.enqueue_dma source(%dma_start3A_156 : memref<128x128xf32, #tpu.memory_space<vmem>>) target(%dma_start3A_153 : memref<128x128xf32, #tpu.memory_space<vmem_shared>>) target_semaphore(%run_scoped3A : memref<!tpu.dma_semaphore, #tpu.memory_space<semaphore_mem>>)
        %dma_wait3A = arith.constant 0 : i32
        %dma_wait3A_157 = arith.constant 0 : i32
        %dma_wait3A_158 = tpu.memref_slice %arg28[%dma_wait3A, %dma_wait3A_157] : memref<128x128xf32, #tpu.memory_space<vmem>> -> memref<128x128xf32, #tpu.memory_space<vmem>>
        %dma_wait3A_159 = arith.constant 128 : i32
        %dma_wait3A_160 = arith.constant 0 : i32
        %dma_wait3A_161 = tpu.memref_slice %arg32[%dma_wait3A_159, %dma_wait3A_160] : memref<320x128xf32, #tpu.memory_space<vmem_shared>> -> memref<128x128xf32, #tpu.memory_space<vmem_shared>>
        %dma_wait3A_162 = arith.constant 128 : i32
        %dma_wait3A_163 = arith.constant 0 : i32
        %dma_wait3A_164 = tpu.memref_slice %arg32[%dma_wait3A_162, %dma_wait3A_163] : memref<320x128xf32, #tpu.memory_space<vmem_shared>> -> memref<128x128xf32, #tpu.memory_space<vmem_shared>>
        %dma_wait3A_165 = arith.constant 0 : i32
        %dma_wait3A_166 = arith.constant 0 : i32
        %dma_wait3A_167 = tpu.memref_slice %arg28[%dma_wait3A_165, %dma_wait3A_166] : memref<128x128xf32, #tpu.memory_space<vmem>> -> memref<128x128xf32, #tpu.memory_space<vmem>>
        tpu.wait_dma2 semaphore(%run_scoped3A : memref<!tpu.dma_semaphore, #tpu.memory_space<semaphore_mem>>) src(%dma_wait3A_167 : memref<128x128xf32, #tpu.memory_space<vmem>>) dst(%dma_wait3A_164 : memref<128x128xf32, #tpu.memory_space<vmem_shared>>)
        tpu.yield
      }) : () -> ()
      "tpu.region"() ({
        %run_scoped3A = tpu.sem_alloc : memref<!tpu.dma_semaphore, #tpu.memory_space<semaphore_mem>>
        %dma_start3A = arith.constant 0 : i32
        %dma_start3A_146 = arith.constant 0 : i32
        %dma_start3A_147 = tpu.memref_slice %arg28[%dma_start3A, %dma_start3A_146] : memref<128x128xf32, #tpu.memory_space<vmem>> -> memref<64x128xf32, #tpu.memory_space<vmem>>
        %dma_start3A_148 = arith.constant 256 : i32
        %dma_start3A_149 = arith.constant 0 : i32
        %dma_start3A_150 = tpu.memref_slice %arg32[%dma_start3A_148, %dma_start3A_149] : memref<320x128xf32, #tpu.memory_space<vmem_shared>> -> memref<64x128xf32, #tpu.memory_space<vmem_shared>>
        %dma_start3A_151 = arith.constant 256 : i32
        %dma_start3A_152 = arith.constant 0 : i32
        %dma_start3A_153 = tpu.memref_slice %arg32[%dma_start3A_151, %dma_start3A_152] : memref<320x128xf32, #tpu.memory_space<vmem_shared>> -> memref<64x128xf32, #tpu.memory_space<vmem_shared>>
        %dma_start3A_154 = arith.constant 0 : i32
        %dma_start3A_155 = arith.constant 0 : i32
        %dma_start3A_156 = tpu.memref_slice %arg28[%dma_start3A_154, %dma_start3A_155] : memref<128x128xf32, #tpu.memory_space<vmem>> -> memref<64x128xf32, #tpu.memory_space<vmem>>
        tpu.enqueue_dma source(%dma_start3A_156 : memref<64x128xf32, #tpu.memory_space<vmem>>) target(%dma_start3A_153 : memref<64x128xf32, #tpu.memory_space<vmem_shared>>) target_semaphore(%run_scoped3A : memref<!tpu.dma_semaphore, #tpu.memory_space<semaphore_mem>>)
        %dma_wait3A = arith.constant 0 : i32
        %dma_wait3A_157 = arith.constant 0 : i32
        %dma_wait3A_158 = tpu.memref_slice %arg28[%dma_wait3A, %dma_wait3A_157] : memref<128x128xf32, #tpu.memory_space<vmem>> -> memref<64x128xf32, #tpu.memory_space<vmem>>
        %dma_wait3A_159 = arith.constant 256 : i32
        %dma_wait3A_160 = arith.constant 0 : i32
        %dma_wait3A_161 = tpu.memref_slice %arg32[%dma_wait3A_159, %dma_wait3A_160] : memref<320x128xf32, #tpu.memory_space<vmem_shared>> -> memref<64x128xf32, #tpu.memory_space<vmem_shared>>
        %dma_wait3A_162 = arith.constant 256 : i32
        %dma_wait3A_163 = arith.constant 0 : i32
        %dma_wait3A_164 = tpu.memref_slice %arg32[%dma_wait3A_162, %dma_wait3A_163] : memref<320x128xf32, #tpu.memory_space<vmem_shared>> -> memref<64x128xf32, #tpu.memory_space<vmem_shared>>
        %dma_wait3A_165 = arith.constant 0 : i32
        %dma_wait3A_166 = arith.constant 0 : i32
        %dma_wait3A_167 = tpu.memref_slice %arg28[%dma_wait3A_165, %dma_wait3A_166] : memref<128x128xf32, #tpu.memory_space<vmem>> -> memref<64x128xf32, #tpu.memory_space<vmem>>
        tpu.wait_dma2 semaphore(%run_scoped3A : memref<!tpu.dma_semaphore, #tpu.memory_space<semaphore_mem>>) src(%dma_wait3A_167 : memref<64x128xf32, #tpu.memory_space<vmem>>) dst(%dma_wait3A_164 : memref<64x128xf32, #tpu.memory_space<vmem_shared>>)
        tpu.yield
      }) : () -> ()
    } else {
    }
    %barrier3A = arith.constant 0 : index
    tpu.barrier barrier_id(%barrier3A)
    %mul3A_27 = arith.constant 10000 : i32
    %mul3A_28 = arith.muli %arg0, %mul3A_27 : i32
    %mul3A_29 = arith.constant 320 : i32
    %mul3A_30 = arith.muli %mul3A_29, %arg1 : i32
    %scan3A_31 = arith.constant 0 : i32
    %scan3A_32 = arith.constant 49 : i32
    %scan3A_33 = arith.addi %scan3A_31, %scan3A_32 : i32
    %scan3A_34 = arith.constant 1 : i32
    scf.for %scan3A_146 = %scan3A_31 to %scan3A_33 step %scan3A_34  : i32 {
      %mul3A_147 = arith.constant 1 : i32
      %mul3A_148 = arith.muli %scan3A_146, %mul3A_147 : i32
      %add3A_149 = arith.constant 0 : i32
      %add3A_150 = arith.addi %add3A_149, %mul3A_148 : i32
      %mul3A_151 = arith.constant 49 : i32
      %mul3A_152 = arith.muli %arg1, %mul3A_151 : i32
      %add3A_153 = arith.addi %mul3A_152, %add3A_150 : i32
      %mul3A_154 = arith.constant 128 : i32
      %mul3A_155 = arith.muli %add3A_153, %mul3A_154 : i32
      %dma_start3A = tpu.memref_slice %arg5[%mul3A_155] : memref<100352xi32, #tpu.memory_space<hbm>> -> memref<128xi32, #tpu.memory_space<hbm>>
      %dma_start3A_156 = tpu.memref_slice %arg5[%mul3A_155] : memref<100352xi32, #tpu.memory_space<hbm>> -> memref<128xi32, #tpu.memory_space<hbm>>
      tpu.enqueue_dma source(%dma_start3A_156 : memref<128xi32, #tpu.memory_space<hbm>>) target(%arg18 : memref<128xi32, #tpu.memory_space<vmem>>) target_semaphore(%arg33 : memref<!tpu.dma_semaphore, #tpu.memory_space<semaphore_mem>>)
      %dma_start3A_157 = tpu.memref_slice %arg6[%mul3A_155] : memref<100352xi32, #tpu.memory_space<hbm>> -> memref<128xi32, #tpu.memory_space<hbm>>
      %dma_start3A_158 = tpu.memref_slice %arg6[%mul3A_155] : memref<100352xi32, #tpu.memory_space<hbm>> -> memref<128xi32, #tpu.memory_space<hbm>>
      tpu.enqueue_dma source(%dma_start3A_158 : memref<128xi32, #tpu.memory_space<hbm>>) target(%arg19 : memref<128xi32, #tpu.memory_space<vmem>>) target_semaphore(%arg33 : memref<!tpu.dma_semaphore, #tpu.memory_space<semaphore_mem>>)
      %dma_wait3A = tpu.memref_slice %arg5[%mul3A_155] : memref<100352xi32, #tpu.memory_space<hbm>> -> memref<128xi32, #tpu.memory_space<hbm>>
      %dma_wait3A_159 = tpu.memref_slice %arg5[%mul3A_155] : memref<100352xi32, #tpu.memory_space<hbm>> -> memref<128xi32, #tpu.memory_space<hbm>>
      tpu.wait_dma2 semaphore(%arg33 : memref<!tpu.dma_semaphore, #tpu.memory_space<semaphore_mem>>) src(%dma_wait3A_159 : memref<128xi32, #tpu.memory_space<hbm>>) dst(%arg18 : memref<128xi32, #tpu.memory_space<vmem>>)
      %dma_wait3A_160 = tpu.memref_slice %arg6[%mul3A_155] : memref<100352xi32, #tpu.memory_space<hbm>> -> memref<128xi32, #tpu.memory_space<hbm>>
      %dma_wait3A_161 = tpu.memref_slice %arg6[%mul3A_155] : memref<100352xi32, #tpu.memory_space<hbm>> -> memref<128xi32, #tpu.memory_space<hbm>>
      tpu.wait_dma2 semaphore(%arg33 : memref<!tpu.dma_semaphore, #tpu.memory_space<semaphore_mem>>) src(%dma_wait3A_161 : memref<128xi32, #tpu.memory_space<hbm>>) dst(%arg19 : memref<128xi32, #tpu.memory_space<vmem>>)
      %scan3A_162 = arith.constant 0 : i32
      %scan3A_163 = arith.constant 8 : i32
      %scan3A_164 = arith.addi %scan3A_162, %scan3A_163 : i32
      %scan3A_165 = arith.constant 1 : i32
      scf.for %scan3A_226 = %scan3A_162 to %scan3A_164 step %scan3A_165  : i32 {
        %mul3A_227 = arith.constant 1 : i32
        %mul3A_228 = arith.muli %scan3A_226, %mul3A_227 : i32
        %add3A_229 = arith.constant 0 : i32
        %add3A_230 = arith.addi %add3A_229, %mul3A_228 : i32
        %mul3A_231 = arith.constant 16 : i32
        %mul3A_232 = arith.muli %mul3A_231, %add3A_230 : i32
        %get3A = arith.index_cast %mul3A_232 : i32 to index
        %get3A_233 = tpu.vector_load %arg19[%get3A] {strides = array<i32>} : memref<128xi32, #tpu.memory_space<vmem>>, vector<16xi32>,
        %get3A_234 = arith.index_cast %mul3A_232 : i32 to index
        %get3A_235 = tpu.vector_load %arg18[%get3A_234] {strides = array<i32>} : memref<128xi32, #tpu.memory_space<vmem>>, vector<16xi32>,
        %add3A_236 = vector.broadcast %mul3A_28 : i32 to vector<16xi32>
        %add3A_237 = arith.addi %get3A_235, %add3A_236 : vector<16xi32>
        %swap3A = arith.index_cast %mul3A_232 : i32 to index
        %swap3A_238 = tpu.vector_load %arg20[%swap3A] {strides = array<i32>} : memref<128xi32, #tpu.memory_space<vmem>>, vector<16xi32>,
        tpu.vector_store %arg20[%swap3A], %add3A_237 {strides = array<i32>} : memref<128xi32, #tpu.memory_space<vmem>>, vector<16xi32>,
        %min3A = arith.constant 9999 : i32
        %min3A_239 = vector.broadcast %min3A : i32 to vector<16xi32>
        %min3A_240 = arith.minsi %get3A_233, %min3A_239 : vector<16xi32>
        %add3A_241 = vector.broadcast %mul3A_28 : i32 to vector<16xi32>
        %add3A_242 = arith.addi %min3A_240, %add3A_241 : vector<16xi32>
        %swap3A_243 = arith.index_cast %mul3A_232 : i32 to index
        %swap3A_244 = tpu.vector_load %arg21[%swap3A_243] {strides = array<i32>} : memref<128xi32, #tpu.memory_space<vmem>>, vector<16xi32>,
        tpu.vector_store %arg21[%swap3A_243], %add3A_242 {strides = array<i32>} : memref<128xi32, #tpu.memory_space<vmem>>, vector<16xi32>,
        %shift_right_logical3A_245 = arith.constant 5 : i32
        %shift_right_logical3A_246 = vector.broadcast %shift_right_logical3A_245 : i32 to vector<16xi32>
        %shift_right_logical3A_247 = arith.shrui %get3A_233, %shift_right_logical3A_246 : vector<16xi32>
        %swap3A_248 = arith.index_cast %mul3A_232 : i32 to index
        %swap3A_249 = tpu.vector_load %arg22[%swap3A_248] {strides = array<i32>} : memref<128xi32, #tpu.memory_space<vmem>>, vector<16xi32>,
        tpu.vector_store %arg22[%swap3A_248], %shift_right_logical3A_247 {strides = array<i32>} : memref<128xi32, #tpu.memory_space<vmem>>, vector<16xi32>,
        %and3A_250 = arith.constant 31 : i32
        %and3A_251 = vector.broadcast %and3A_250 : i32 to vector<16xi32>
        %and3A_252 = arith.andi %get3A_233, %and3A_251 : vector<16xi32>
        %mul3A_253 = arith.constant 4 : i32
        %mul3A_254 = vector.broadcast %mul3A_253 : i32 to vector<16xi32>
        %mul3A_255 = arith.muli %and3A_252, %mul3A_254 : vector<16xi32>
        %swap3A_256 = arith.index_cast %mul3A_232 : i32 to index
        %swap3A_257 = tpu.vector_load %arg23[%swap3A_256] {strides = array<i32>} : memref<128xi32, #tpu.memory_space<vmem>>, vector<16xi32>,
        tpu.vector_store %arg23[%swap3A_256], %mul3A_255 {strides = array<i32>} : memref<128xi32, #tpu.memory_space<vmem>>, vector<16xi32>,
        %min3A_258 = arith.constant 5119 : i32
        %min3A_259 = vector.broadcast %min3A_258 : i32 to vector<16xi32>
        %min3A_260 = arith.minsi %get3A_233, %min3A_259 : vector<16xi32>
        %swap3A_261 = arith.index_cast %mul3A_232 : i32 to index
        %swap3A_262 = tpu.vector_load %arg24[%swap3A_261] {strides = array<i32>} : memref<128xi32, #tpu.memory_space<vmem>>, vector<16xi32>,
        tpu.vector_store %arg24[%swap3A_261], %min3A_260 {strides = array<i32>} : memref<128xi32, #tpu.memory_space<vmem>>, vector<16xi32>,
      }
      %scan3A_166 = arith.constant 8 : i32
      %dma_start3A_167 = arith.constant 0 : i32
      %dma_start3A_168 = arith.constant 0 : i32
      %dma_start3A_169 = tpu.memref_slice %arg2[%dma_start3A_167, %dma_start3A_168] : memref<20000x128xf32, #tpu.memory_space<hbm>> -> memref<20000x128xf32, #tpu.memory_space<hbm>>
      tpu.enqueue_indirect_dma source(%dma_start3A_169 : memref<20000x128xf32, #tpu.memory_space<hbm>>) target(%arg25 : memref<128x128xf32, #tpu.memory_space<vmem>>) offsets(%arg21 : memref<128xi32, #tpu.memory_space<vmem>>) semaphore(%arg33 : memref<!tpu.dma_semaphore, #tpu.memory_space<semaphore_mem>>)
      %dma_start3A_170 = arith.constant 0 : i32
      %dma_start3A_171 = arith.constant 0 : i32
      %dma_start3A_172 = tpu.memref_slice %arg3[%dma_start3A_170, %dma_start3A_171] : memref<20000x128xf32, #tpu.memory_space<hbm>> -> memref<20000x128xf32, #tpu.memory_space<hbm>>
      tpu.enqueue_indirect_dma source(%dma_start3A_172 : memref<20000x128xf32, #tpu.memory_space<hbm>>) target(%arg26 : memref<128x128xf32, #tpu.memory_space<vmem>>) offsets(%arg20 : memref<128xi32, #tpu.memory_space<vmem>>) semaphore(%arg33 : memref<!tpu.dma_semaphore, #tpu.memory_space<semaphore_mem>>)
      %dma_start3A_173 = arith.constant 0 : i32
      %dma_start3A_174 = arith.constant 0 : i32
      %dma_start3A_175 = tpu.memref_slice %arg4[%dma_start3A_173, %dma_start3A_174] : memref<20000x128xf32, #tpu.memory_space<hbm>> -> memref<20000x128xf32, #tpu.memory_space<hbm>>
      tpu.enqueue_indirect_dma source(%dma_start3A_175 : memref<20000x128xf32, #tpu.memory_space<hbm>>) target(%arg27 : memref<128x128xf32, #tpu.memory_space<vmem>>) offsets(%arg20 : memref<128xi32, #tpu.memory_space<vmem>>) semaphore(%arg33 : memref<!tpu.dma_semaphore, #tpu.memory_space<semaphore_mem>>)
      %dma_wait3A_176 = arith.constant 0 : i32
      %dma_wait3A_177 = arith.constant 0 : i32
      %dma_wait3A_178 = tpu.memref_slice %arg2[%dma_wait3A_176, %dma_wait3A_177] : memref<20000x128xf32, #tpu.memory_space<hbm>> -> memref<20000x128xf32, #tpu.memory_space<hbm>>
      tpu.wait_indirect_dma semaphore(%arg33 : memref<!tpu.dma_semaphore, #tpu.memory_space<semaphore_mem>>) src(%dma_wait3A_178 : memref<20000x128xf32, #tpu.memory_space<hbm>>) dst(%arg25 : memref<128x128xf32, #tpu.memory_space<vmem>>)
      %dma_wait3A_179 = arith.constant 0 : i32
      %dma_wait3A_180 = arith.constant 0 : i32
      %dma_wait3A_181 = tpu.memref_slice %arg3[%dma_wait3A_179, %dma_wait3A_180] : memref<20000x128xf32, #tpu.memory_space<hbm>> -> memref<20000x128xf32, #tpu.memory_space<hbm>>
      tpu.wait_indirect_dma semaphore(%arg33 : memref<!tpu.dma_semaphore, #tpu.memory_space<semaphore_mem>>) src(%dma_wait3A_181 : memref<20000x128xf32, #tpu.memory_space<hbm>>) dst(%arg26 : memref<128x128xf32, #tpu.memory_space<vmem>>)
      %dma_wait3A_182 = arith.constant 0 : i32
      %dma_wait3A_183 = arith.constant 0 : i32
      %dma_wait3A_184 = tpu.memref_slice %arg4[%dma_wait3A_182, %dma_wait3A_183] : memref<20000x128xf32, #tpu.memory_space<hbm>> -> memref<20000x128xf32, #tpu.memory_space<hbm>>
      tpu.wait_indirect_dma semaphore(%arg33 : memref<!tpu.dma_semaphore, #tpu.memory_space<semaphore_mem>>) src(%dma_wait3A_184 : memref<20000x128xf32, #tpu.memory_space<hbm>>) dst(%arg27 : memref<128x128xf32, #tpu.memory_space<vmem>>)
      %parallel_loop3A = arith.constant 0 : i32
      %parallel_loop3A_185 = arith.constant 128 : i32
      %parallel_loop3A_186 = arith.constant 1 : i32
      scf.for %parallel_loop3A_226 = %parallel_loop3A to %parallel_loop3A_185 step %parallel_loop3A_186  : i32 {
        %parallel_loop3A_227 = arith.index_cast %parallel_loop3A_226 : i32 to index
        %parallel_loop3A_228 = arith.constant 0 : index
        %parallel_loop3A_229 = tpu.vector_load %arg25[%parallel_loop3A_227, %parallel_loop3A_228] {strides = array<i32>} : memref<128x128xf32, #tpu.memory_space<vmem>>, vector<16xf32>,
        %parallel_loop3A_230 = arith.index_cast %parallel_loop3A_226 : i32 to index
        %parallel_loop3A_231 = arith.constant 0 : index
        %parallel_loop3A_232 = tpu.vector_load %arg26[%parallel_loop3A_230, %parallel_loop3A_231] {strides = array<i32>} : memref<128x128xf32, #tpu.memory_space<vmem>>, vector<16xf32>,
        %parallel_loop3A_233 = arith.mulf %parallel_loop3A_229, %parallel_loop3A_232 : vector<16xf32>
        %parallel_loop3A_234 = arith.index_cast %parallel_loop3A_226 : i32 to index
        %parallel_loop3A_235 = arith.constant 16 : index
        %parallel_loop3A_236 = tpu.vector_load %arg25[%parallel_loop3A_234, %parallel_loop3A_235] {strides = array<i32>} : memref<128x128xf32, #tpu.memory_space<vmem>>, vector<16xf32>,
        %parallel_loop3A_237 = arith.index_cast %parallel_loop3A_226 : i32 to index
        %parallel_loop3A_238 = arith.constant 16 : index
        %parallel_loop3A_239 = tpu.vector_load %arg26[%parallel_loop3A_237, %parallel_loop3A_238] {strides = array<i32>} : memref<128x128xf32, #tpu.memory_space<vmem>>, vector<16xf32>,
        %parallel_loop3A_240 = arith.mulf %parallel_loop3A_236, %parallel_loop3A_239 : vector<16xf32>
        %parallel_loop3A_241 = arith.addf %parallel_loop3A_233, %parallel_loop3A_240 : vector<16xf32>
        %parallel_loop3A_242 = arith.index_cast %parallel_loop3A_226 : i32 to index
        %parallel_loop3A_243 = arith.constant 32 : index
        %parallel_loop3A_244 = tpu.vector_load %arg25[%parallel_loop3A_242, %parallel_loop3A_243] {strides = array<i32>} : memref<128x128xf32, #tpu.memory_space<vmem>>, vector<16xf32>,
        %parallel_loop3A_245 = arith.index_cast %parallel_loop3A_226 : i32 to index
        %parallel_loop3A_246 = arith.constant 32 : index
        %parallel_loop3A_247 = tpu.vector_load %arg26[%parallel_loop3A_245, %parallel_loop3A_246] {strides = array<i32>} : memref<128x128xf32, #tpu.memory_space<vmem>>, vector<16xf32>,
        %parallel_loop3A_248 = arith.mulf %parallel_loop3A_244, %parallel_loop3A_247 : vector<16xf32>
        %parallel_loop3A_249 = arith.index_cast %parallel_loop3A_226 : i32 to index
        %parallel_loop3A_250 = arith.constant 48 : index
        %parallel_loop3A_251 = tpu.vector_load %arg25[%parallel_loop3A_249, %parallel_loop3A_250] {strides = array<i32>} : memref<128x128xf32, #tpu.memory_space<vmem>>, vector<16xf32>,
        %parallel_loop3A_252 = arith.index_cast %parallel_loop3A_226 : i32 to index
        %parallel_loop3A_253 = arith.constant 48 : index
        %parallel_loop3A_254 = tpu.vector_load %arg26[%parallel_loop3A_252, %parallel_loop3A_253] {strides = array<i32>} : memref<128x128xf32, #tpu.memory_space<vmem>>, vector<16xf32>,
        %parallel_loop3A_255 = arith.mulf %parallel_loop3A_251, %parallel_loop3A_254 : vector<16xf32>
        %parallel_loop3A_256 = arith.addf %parallel_loop3A_248, %parallel_loop3A_255 : vector<16xf32>
        %parallel_loop3A_257 = arith.index_cast %parallel_loop3A_226 : i32 to index
        %parallel_loop3A_258 = arith.constant 64 : index
        %parallel_loop3A_259 = tpu.vector_load %arg25[%parallel_loop3A_257, %parallel_loop3A_258] {strides = array<i32>} : memref<128x128xf32, #tpu.memory_space<vmem>>, vector<16xf32>,
        %parallel_loop3A_260 = arith.index_cast %parallel_loop3A_226 : i32 to index
        %parallel_loop3A_261 = arith.constant 64 : index
        %parallel_loop3A_262 = tpu.vector_load %arg26[%parallel_loop3A_260, %parallel_loop3A_261] {strides = array<i32>} : memref<128x128xf32, #tpu.memory_space<vmem>>, vector<16xf32>,
        %parallel_loop3A_263 = arith.mulf %parallel_loop3A_259, %parallel_loop3A_262 : vector<16xf32>
        %parallel_loop3A_264 = arith.index_cast %parallel_loop3A_226 : i32 to index
        %parallel_loop3A_265 = arith.constant 80 : index
        %parallel_loop3A_266 = tpu.vector_load %arg25[%parallel_loop3A_264, %parallel_loop3A_265] {strides = array<i32>} : memref<128x128xf32, #tpu.memory_space<vmem>>, vector<16xf32>,
        %parallel_loop3A_267 = arith.index_cast %parallel_loop3A_226 : i32 to index
        %parallel_loop3A_268 = arith.constant 80 : index
        %parallel_loop3A_269 = tpu.vector_load %arg26[%parallel_loop3A_267, %parallel_loop3A_268] {strides = array<i32>} : memref<128x128xf32, #tpu.memory_space<vmem>>, vector<16xf32>,
        %parallel_loop3A_270 = arith.mulf %parallel_loop3A_266, %parallel_loop3A_269 : vector<16xf32>
        %parallel_loop3A_271 = arith.addf %parallel_loop3A_263, %parallel_loop3A_270 : vector<16xf32>
        %parallel_loop3A_272 = arith.index_cast %parallel_loop3A_226 : i32 to index
        %parallel_loop3A_273 = arith.constant 96 : index
        %parallel_loop3A_274 = tpu.vector_load %arg25[%parallel_loop3A_272, %parallel_loop3A_273] {strides = array<i32>} : memref<128x128xf32, #tpu.memory_space<vmem>>, vector<16xf32>,
        %parallel_loop3A_275 = arith.index_cast %parallel_loop3A_226 : i32 to index
        %parallel_loop3A_276 = arith.constant 96 : index
        %parallel_loop3A_277 = tpu.vector_load %arg26[%parallel_loop3A_275, %parallel_loop3A_276] {strides = array<i32>} : memref<128x128xf32, #tpu.memory_space<vmem>>, vector<16xf32>,
        %parallel_loop3A_278 = arith.mulf %parallel_loop3A_274, %parallel_loop3A_277 : vector<16xf32>
        %parallel_loop3A_279 = arith.index_cast %parallel_loop3A_226 : i32 to index
        %parallel_loop3A_280 = arith.constant 112 : index
        %parallel_loop3A_281 = tpu.vector_load %arg25[%parallel_loop3A_279, %parallel_loop3A_280] {strides = array<i32>} : memref<128x128xf32, #tpu.memory_space<vmem>>, vector<16xf32>,
        %parallel_loop3A_282 = arith.index_cast %parallel_loop3A_226 : i32 to index
        %parallel_loop3A_283 = arith.constant 112 : index
        %parallel_loop3A_284 = tpu.vector_load %arg26[%parallel_loop3A_282, %parallel_loop3A_283] {strides = array<i32>} : memref<128x128xf32, #tpu.memory_space<vmem>>, vector<16xf32>,
        %parallel_loop3A_285 = arith.mulf %parallel_loop3A_281, %parallel_loop3A_284 : vector<16xf32>
        %parallel_loop3A_286 = arith.addf %parallel_loop3A_278, %parallel_loop3A_285 : vector<16xf32>
        %parallel_loop3A_287 = arith.constant true
        %parallel_loop3A_288 = vector.broadcast %parallel_loop3A_287 : i1 to vector<16xi1>
        %parallel_loop3A_289 = tpu.scan <sum>, %parallel_loop3A_241 masked %parallel_loop3A_288 : vector<16xf32>, vector<16xi1> -> vector<16xf32>
        %parallel_loop3A_290 = vector.extract %parallel_loop3A_289[15] : f32 from vector<16xf32>
        %parallel_loop3A_291 = arith.constant true
        %parallel_loop3A_292 = vector.broadcast %parallel_loop3A_291 : i1 to vector<16xi1>
        %parallel_loop3A_293 = tpu.scan <sum>, %parallel_loop3A_256 masked %parallel_loop3A_292 : vector<16xf32>, vector<16xi1> -> vector<16xf32>
        %parallel_loop3A_294 = vector.extract %parallel_loop3A_293[15] : f32 from vector<16xf32>
        %parallel_loop3A_295 = arith.constant true
        %parallel_loop3A_296 = vector.broadcast %parallel_loop3A_295 : i1 to vector<16xi1>
        %parallel_loop3A_297 = tpu.scan <sum>, %parallel_loop3A_271 masked %parallel_loop3A_296 : vector<16xf32>, vector<16xi1> -> vector<16xf32>
        %parallel_loop3A_298 = vector.extract %parallel_loop3A_297[15] : f32 from vector<16xf32>
        %parallel_loop3A_299 = arith.constant true
        %parallel_loop3A_300 = vector.broadcast %parallel_loop3A_299 : i1 to vector<16xi1>
        %parallel_loop3A_301 = tpu.scan <sum>, %parallel_loop3A_286 masked %parallel_loop3A_300 : vector<16xf32>, vector<16xi1> -> vector<16xf32>
        %parallel_loop3A_302 = vector.extract %parallel_loop3A_301[15] : f32 from vector<16xf32>
        %parallel_loop3A_303 = vector.broadcast %parallel_loop3A_290 : f32 to vector<16xf32>
        %parallel_loop3A_304 = math.exp %parallel_loop3A_303 : vector<16xf32>
        %parallel_loop3A_305 = vector.broadcast %parallel_loop3A_294 : f32 to vector<16xf32>
        %parallel_loop3A_306 = math.exp %parallel_loop3A_305 : vector<16xf32>
        %parallel_loop3A_307 = vector.broadcast %parallel_loop3A_298 : f32 to vector<16xf32>
        %parallel_loop3A_308 = math.exp %parallel_loop3A_307 : vector<16xf32>
        %parallel_loop3A_309 = vector.broadcast %parallel_loop3A_302 : f32 to vector<16xf32>
        %parallel_loop3A_310 = math.exp %parallel_loop3A_309 : vector<16xf32>
        %parallel_loop3A_311 = arith.index_cast %parallel_loop3A_226 : i32 to index
        %parallel_loop3A_312 = arith.constant 0 : index
        %parallel_loop3A_313 = tpu.vector_load %arg27[%parallel_loop3A_311, %parallel_loop3A_312] {strides = array<i32>} : memref<128x128xf32, #tpu.memory_space<vmem>>, vector<16xf32>,
        %parallel_loop3A_314 = arith.mulf %parallel_loop3A_313, %parallel_loop3A_304 : vector<16xf32>
        %parallel_loop3A_315 = arith.index_cast %parallel_loop3A_226 : i32 to index
        %parallel_loop3A_316 = arith.constant 0 : index
        %parallel_loop3A_317 = tpu.vector_load %arg28[%parallel_loop3A_315, %parallel_loop3A_316] {strides = array<i32>} : memref<128x128xf32, #tpu.memory_space<vmem>>, vector<16xf32>,
        tpu.vector_store %arg28[%parallel_loop3A_315, %parallel_loop3A_316], %parallel_loop3A_314 {strides = array<i32>} : memref<128x128xf32, #tpu.memory_space<vmem>>, vector<16xf32>,
        %parallel_loop3A_318 = arith.index_cast %parallel_loop3A_226 : i32 to index
        %parallel_loop3A_319 = arith.constant 16 : index
        %parallel_loop3A_320 = tpu.vector_load %arg27[%parallel_loop3A_318, %parallel_loop3A_319] {strides = array<i32>} : memref<128x128xf32, #tpu.memory_space<vmem>>, vector<16xf32>,
        %parallel_loop3A_321 = arith.mulf %parallel_loop3A_320, %parallel_loop3A_304 : vector<16xf32>
        %parallel_loop3A_322 = arith.index_cast %parallel_loop3A_226 : i32 to index
        %parallel_loop3A_323 = arith.constant 16 : index
        %parallel_loop3A_324 = tpu.vector_load %arg28[%parallel_loop3A_322, %parallel_loop3A_323] {strides = array<i32>} : memref<128x128xf32, #tpu.memory_space<vmem>>, vector<16xf32>,
        tpu.vector_store %arg28[%parallel_loop3A_322, %parallel_loop3A_323], %parallel_loop3A_321 {strides = array<i32>} : memref<128x128xf32, #tpu.memory_space<vmem>>, vector<16xf32>,
        %parallel_loop3A_325 = arith.constant 0 : i32
        %parallel_loop3A_326 = vector.broadcast %parallel_loop3A_325 : i32 to vector<16xi32>
        %parallel_loop3A_327 = arith.cmpi eq, %iota3A, %parallel_loop3A_326 : vector<16xi32>
        %parallel_loop3A_328 = arith.select %parallel_loop3A_327, %parallel_loop3A_304, %broadcast_in_dim3A_0 : vector<16xi1>, vector<16xf32>
        %parallel_loop3A_329 = arith.index_cast %parallel_loop3A_226 : i32 to index
        %parallel_loop3A_330 = arith.constant 32 : index
        %parallel_loop3A_331 = tpu.vector_load %arg27[%parallel_loop3A_329, %parallel_loop3A_330] {strides = array<i32>} : memref<128x128xf32, #tpu.memory_space<vmem>>, vector<16xf32>,
        %parallel_loop3A_332 = arith.mulf %parallel_loop3A_331, %parallel_loop3A_306 : vector<16xf32>
        %parallel_loop3A_333 = arith.index_cast %parallel_loop3A_226 : i32 to index
        %parallel_loop3A_334 = arith.constant 32 : index
        %parallel_loop3A_335 = tpu.vector_load %arg28[%parallel_loop3A_333, %parallel_loop3A_334] {strides = array<i32>} : memref<128x128xf32, #tpu.memory_space<vmem>>, vector<16xf32>,
        tpu.vector_store %arg28[%parallel_loop3A_333, %parallel_loop3A_334], %parallel_loop3A_332 {strides = array<i32>} : memref<128x128xf32, #tpu.memory_space<vmem>>, vector<16xf32>,
        %parallel_loop3A_336 = arith.index_cast %parallel_loop3A_226 : i32 to index
        %parallel_loop3A_337 = arith.constant 48 : index
        %parallel_loop3A_338 = tpu.vector_load %arg27[%parallel_loop3A_336, %parallel_loop3A_337] {strides = array<i32>} : memref<128x128xf32, #tpu.memory_space<vmem>>, vector<16xf32>,
        %parallel_loop3A_339 = arith.mulf %parallel_loop3A_338, %parallel_loop3A_306 : vector<16xf32>
        %parallel_loop3A_340 = arith.index_cast %parallel_loop3A_226 : i32 to index
        %parallel_loop3A_341 = arith.constant 48 : index
        %parallel_loop3A_342 = tpu.vector_load %arg28[%parallel_loop3A_340, %parallel_loop3A_341] {strides = array<i32>} : memref<128x128xf32, #tpu.memory_space<vmem>>, vector<16xf32>,
        tpu.vector_store %arg28[%parallel_loop3A_340, %parallel_loop3A_341], %parallel_loop3A_339 {strides = array<i32>} : memref<128x128xf32, #tpu.memory_space<vmem>>, vector<16xf32>,
        %parallel_loop3A_343 = arith.constant 1 : i32
        %parallel_loop3A_344 = vector.broadcast %parallel_loop3A_343 : i32 to vector<16xi32>
        %parallel_loop3A_345 = arith.cmpi eq, %iota3A, %parallel_loop3A_344 : vector<16xi32>
        %parallel_loop3A_346 = arith.select %parallel_loop3A_345, %parallel_loop3A_306, %parallel_loop3A_328 : vector<16xi1>, vector<16xf32>
        %parallel_loop3A_347 = arith.index_cast %parallel_loop3A_226 : i32 to index
        %parallel_loop3A_348 = arith.constant 64 : index
        %parallel_loop3A_349 = tpu.vector_load %arg27[%parallel_loop3A_347, %parallel_loop3A_348] {strides = array<i32>} : memref<128x128xf32, #tpu.memory_space<vmem>>, vector<16xf32>,
        %parallel_loop3A_350 = arith.mulf %parallel_loop3A_349, %parallel_loop3A_308 : vector<16xf32>
        %parallel_loop3A_351 = arith.index_cast %parallel_loop3A_226 : i32 to index
        %parallel_loop3A_352 = arith.constant 64 : index
        %parallel_loop3A_353 = tpu.vector_load %arg28[%parallel_loop3A_351, %parallel_loop3A_352] {strides = array<i32>} : memref<128x128xf32, #tpu.memory_space<vmem>>, vector<16xf32>,
        tpu.vector_store %arg28[%parallel_loop3A_351, %parallel_loop3A_352], %parallel_loop3A_350 {strides = array<i32>} : memref<128x128xf32, #tpu.memory_space<vmem>>, vector<16xf32>,
        %parallel_loop3A_354 = arith.index_cast %parallel_loop3A_226 : i32 to index
        %parallel_loop3A_355 = arith.constant 80 : index
        %parallel_loop3A_356 = tpu.vector_load %arg27[%parallel_loop3A_354, %parallel_loop3A_355] {strides = array<i32>} : memref<128x128xf32, #tpu.memory_space<vmem>>, vector<16xf32>,
        %parallel_loop3A_357 = arith.mulf %parallel_loop3A_356, %parallel_loop3A_308 : vector<16xf32>
        %parallel_loop3A_358 = arith.index_cast %parallel_loop3A_226 : i32 to index
        %parallel_loop3A_359 = arith.constant 80 : index
        %parallel_loop3A_360 = tpu.vector_load %arg28[%parallel_loop3A_358, %parallel_loop3A_359] {strides = array<i32>} : memref<128x128xf32, #tpu.memory_space<vmem>>, vector<16xf32>,
        tpu.vector_store %arg28[%parallel_loop3A_358, %parallel_loop3A_359], %parallel_loop3A_357 {strides = array<i32>} : memref<128x128xf32, #tpu.memory_space<vmem>>, vector<16xf32>,
        %parallel_loop3A_361 = arith.constant 2 : i32
        %parallel_loop3A_362 = vector.broadcast %parallel_loop3A_361 : i32 to vector<16xi32>
        %parallel_loop3A_363 = arith.cmpi eq, %iota3A, %parallel_loop3A_362 : vector<16xi32>
        %parallel_loop3A_364 = arith.select %parallel_loop3A_363, %parallel_loop3A_308, %parallel_loop3A_346 : vector<16xi1>, vector<16xf32>
        %parallel_loop3A_365 = arith.index_cast %parallel_loop3A_226 : i32 to index
        %parallel_loop3A_366 = arith.constant 96 : index
        %parallel_loop3A_367 = tpu.vector_load %arg27[%parallel_loop3A_365, %parallel_loop3A_366] {strides = array<i32>} : memref<128x128xf32, #tpu.memory_space<vmem>>, vector<16xf32>,
        %parallel_loop3A_368 = arith.mulf %parallel_loop3A_367, %parallel_loop3A_310 : vector<16xf32>
        %parallel_loop3A_369 = arith.index_cast %parallel_loop3A_226 : i32 to index
        %parallel_loop3A_370 = arith.constant 96 : index
        %parallel_loop3A_371 = tpu.vector_load %arg28[%parallel_loop3A_369, %parallel_loop3A_370] {strides = array<i32>} : memref<128x128xf32, #tpu.memory_space<vmem>>, vector<16xf32>,
        tpu.vector_store %arg28[%parallel_loop3A_369, %parallel_loop3A_370], %parallel_loop3A_368 {strides = array<i32>} : memref<128x128xf32, #tpu.memory_space<vmem>>, vector<16xf32>,
        %parallel_loop3A_372 = arith.index_cast %parallel_loop3A_226 : i32 to index
        %parallel_loop3A_373 = arith.constant 112 : index
        %parallel_loop3A_374 = tpu.vector_load %arg27[%parallel_loop3A_372, %parallel_loop3A_373] {strides = array<i32>} : memref<128x128xf32, #tpu.memory_space<vmem>>, vector<16xf32>,
        %parallel_loop3A_375 = arith.mulf %parallel_loop3A_374, %parallel_loop3A_310 : vector<16xf32>
        %parallel_loop3A_376 = arith.index_cast %parallel_loop3A_226 : i32 to index
        %parallel_loop3A_377 = arith.constant 112 : index
        %parallel_loop3A_378 = tpu.vector_load %arg28[%parallel_loop3A_376, %parallel_loop3A_377] {strides = array<i32>} : memref<128x128xf32, #tpu.memory_space<vmem>>, vector<16xf32>,
        tpu.vector_store %arg28[%parallel_loop3A_376, %parallel_loop3A_377], %parallel_loop3A_375 {strides = array<i32>} : memref<128x128xf32, #tpu.memory_space<vmem>>, vector<16xf32>,
        %parallel_loop3A_379 = arith.constant 3 : i32
        %parallel_loop3A_380 = vector.broadcast %parallel_loop3A_379 : i32 to vector<16xi32>
        %parallel_loop3A_381 = arith.cmpi eq, %iota3A, %parallel_loop3A_380 : vector<16xi32>
        %parallel_loop3A_382 = arith.select %parallel_loop3A_381, %parallel_loop3A_310, %parallel_loop3A_364 : vector<16xi1>, vector<16xf32>
        %parallel_loop3A_383 = arith.constant 3 : i32
        %parallel_loop3A_384 = arith.shrui %parallel_loop3A_226, %parallel_loop3A_383 : i32
        %parallel_loop3A_385 = arith.constant 7 : i32
        %parallel_loop3A_386 = arith.andi %parallel_loop3A_226, %parallel_loop3A_385 : i32
        %parallel_loop3A_387 = arith.constant 16 : i32
        %parallel_loop3A_388 = arith.muli %parallel_loop3A_386, %parallel_loop3A_387 : i32
        %parallel_loop3A_389 = arith.index_cast %parallel_loop3A_384 : i32 to index
        %parallel_loop3A_390 = arith.index_cast %parallel_loop3A_388 : i32 to index
        %parallel_loop3A_391 = tpu.vector_load %arg30[%parallel_loop3A_389, %parallel_loop3A_390] {strides = array<i32>} : memref<16x128xf32, #tpu.memory_space<vmem>>, vector<16xf32>,
        tpu.vector_store %arg30[%parallel_loop3A_389, %parallel_loop3A_390], %parallel_loop3A_382 {strides = array<i32>} : memref<16x128xf32, #tpu.memory_space<vmem>>, vector<16xf32>,
      } {sc.loop_unroll_factor = 4 : i64, sc.parallel_access}
      %mul3A_187 = arith.constant 49 : i32
      %mul3A_188 = arith.muli %arg1, %mul3A_187 : i32
      %add3A_189 = arith.addi %mul3A_188, %add3A_150 : i32
      %mul3A_190 = arith.constant 16 : i32
      %mul3A_191 = arith.muli %add3A_189, %mul3A_190 : i32
      %dma_start3A_192 = arith.constant 0 : i32
      %dma_start3A_193 = tpu.memref_slice %arg14[%arg0, %mul3A_191, %dma_start3A_192] : memref<2x12544x128xf32, #tpu.memory_space<hbm>> -> memref<1x16x128xf32, #tpu.memory_space<hbm>>
      %dma_start3A_194 = tpu.memref_squeeze %dma_start3A_193 : memref<1x16x128xf32, #tpu.memory_space<hbm>> -> memref<16x128xf32, #tpu.memory_space<hbm>>
      %dma_start3A_195 = arith.constant 0 : i32
      %dma_start3A_196 = tpu.memref_slice %arg14[%arg0, %mul3A_191, %dma_start3A_195] : memref<2x12544x128xf32, #tpu.memory_space<hbm>> -> memref<1x16x128xf32, #tpu.memory_space<hbm>>
      %dma_start3A_197 = tpu.memref_squeeze %dma_start3A_196 : memref<1x16x128xf32, #tpu.memory_space<hbm>> -> memref<16x128xf32, #tpu.memory_space<hbm>>
      tpu.enqueue_dma source(%arg30 : memref<16x128xf32, #tpu.memory_space<vmem>>) target(%dma_start3A_197 : memref<16x128xf32, #tpu.memory_space<hbm>>) target_semaphore(%arg34 : memref<!tpu.dma_semaphore, #tpu.memory_space<semaphore_mem>>)
      %scan3A_198 = arith.constant 0 : i32
      %scan3A_199 = arith.constant 8 : i32
      %scan3A_200 = arith.addi %scan3A_198, %scan3A_199 : i32
      %scan3A_201 = arith.constant 1 : i32
      scf.for %scan3A_226 = %scan3A_198 to %scan3A_200 step %scan3A_201  : i32 {
        %mul3A_227 = arith.constant 1 : i32
        %mul3A_228 = arith.muli %scan3A_226, %mul3A_227 : i32
        %add3A_229 = arith.constant 0 : i32
        %add3A_230 = arith.addi %add3A_229, %mul3A_228 : i32
        %mul3A_231 = arith.constant 2 : i32
        %mul3A_232 = arith.muli %mul3A_231, %add3A_230 : i32
        %broadcast_in_dim3A_233 = vector.broadcast %mul3A_232 : i32 to vector<16xi32>
        %add3A_234 = arith.addi %broadcast_in_dim3A_233, %shift_right_logical3A_2 : vector<16xi32>
        %mul3A_235 = arith.constant 16 : i32
        %mul3A_236 = arith.muli %mul3A_235, %add3A_230 : i32
        %broadcast_in_dim3A_237 = vector.broadcast %mul3A_236 : i32 to vector<16xi32>
        %add3A_238 = arith.addi %broadcast_in_dim3A_237, %iota3A : vector<16xi32>
        %mul3A_239 = arith.constant 16 : i32
        %mul3A_240 = arith.muli %mul3A_239, %add3A_230 : i32
        %get3A = arith.index_cast %mul3A_240 : i32 to index
        %get3A_241 = tpu.vector_load %arg23[%get3A] {strides = array<i32>} : memref<128xi32, #tpu.memory_space<vmem>>, vector<16xi32>,
        %add3A_242 = arith.constant 0 : i32
        %add3A_243 = vector.broadcast %add3A_242 : i32 to vector<16xi32>
        %add3A_244 = arith.addi %mul3A_6, %add3A_243 : vector<16xi32>
        %gather3A = tpu.vector_load_idx %arg30[%add3A_234, %add3A_244] : memref<16x128xf32, #tpu.memory_space<vmem>>[vector<16xi32>, vector<16xi32>], vector<16xf32>,
        %add3A_245 = arith.constant 0 : i32
        %add3A_246 = vector.broadcast %add3A_245 : i32 to vector<16xi32>
        %add3A_247 = arith.addi %get3A_241, %add3A_246 : vector<16xi32>
        tpu.vector_store_idx %arg29[%add3A_238, %add3A_247], %gather3A : memref<128x128xf32, #tpu.memory_space<vmem>>[vector<16xi32>, vector<16xi32>], vector<16xf32>,
        %add3A_248 = arith.constant 1 : i32
        %add3A_249 = vector.broadcast %add3A_248 : i32 to vector<16xi32>
        %add3A_250 = arith.addi %mul3A_6, %add3A_249 : vector<16xi32>
        %gather3A_251 = tpu.vector_load_idx %arg30[%add3A_234, %add3A_250] : memref<16x128xf32, #tpu.memory_space<vmem>>[vector<16xi32>, vector<16xi32>], vector<16xf32>,
        %add3A_252 = arith.constant 1 : i32
        %add3A_253 = vector.broadcast %add3A_252 : i32 to vector<16xi32>
        %add3A_254 = arith.addi %get3A_241, %add3A_253 : vector<16xi32>
        tpu.vector_store_idx %arg29[%add3A_238, %add3A_254], %gather3A_251 : memref<128x128xf32, #tpu.memory_space<vmem>>[vector<16xi32>, vector<16xi32>], vector<16xf32>,
        %add3A_255 = arith.constant 2 : i32
        %add3A_256 = vector.broadcast %add3A_255 : i32 to vector<16xi32>
        %add3A_257 = arith.addi %mul3A_6, %add3A_256 : vector<16xi32>
        %gather3A_258 = tpu.vector_load_idx %arg30[%add3A_234, %add3A_257] : memref<16x128xf32, #tpu.memory_space<vmem>>[vector<16xi32>, vector<16xi32>], vector<16xf32>,
        %add3A_259 = arith.constant 2 : i32
        %add3A_260 = vector.broadcast %add3A_259 : i32 to vector<16xi32>
        %add3A_261 = arith.addi %get3A_241, %add3A_260 : vector<16xi32>
        tpu.vector_store_idx %arg29[%add3A_238, %add3A_261], %gather3A_258 : memref<128x128xf32, #tpu.memory_space<vmem>>[vector<16xi32>, vector<16xi32>], vector<16xf32>,
        %add3A_262 = arith.constant 3 : i32
        %add3A_263 = vector.broadcast %add3A_262 : i32 to vector<16xi32>
        %add3A_264 = arith.addi %mul3A_6, %add3A_263 : vector<16xi32>
        %gather3A_265 = tpu.vector_load_idx %arg30[%add3A_234, %add3A_264] : memref<16x128xf32, #tpu.memory_space<vmem>>[vector<16xi32>, vector<16xi32>], vector<16xf32>,
        %add3A_266 = arith.constant 3 : i32
        %add3A_267 = vector.broadcast %add3A_266 : i32 to vector<16xi32>
        %add3A_268 = arith.addi %get3A_241, %add3A_267 : vector<16xi32>
        tpu.vector_store_idx %arg29[%add3A_238, %add3A_268], %gather3A_265 : memref<128x128xf32, #tpu.memory_space<vmem>>[vector<16xi32>, vector<16xi32>], vector<16xf32>,
      }
      %scan3A_202 = arith.constant 8 : i32
      %dma_start3A_203 = arith.constant 0 : i32
      %dma_start3A_204 = arith.constant 0 : i32
      %dma_start3A_205 = tpu.memref_slice %arg31[%dma_start3A_203, %dma_start3A_204] : memref<5120x128xf32, #tpu.memory_space<vmem_shared>> -> memref<5120x128xf32, #tpu.memory_space<vmem_shared>>
      tpu.enqueue_indirect_dma source(%arg28 : memref<128x128xf32, #tpu.memory_space<vmem>>) target(%dma_start3A_205 : memref<5120x128xf32, #tpu.memory_space<vmem_shared>>) offsets(%arg24 : memref<128xi32, #tpu.memory_space<vmem>>) semaphore(%arg34 : memref<!tpu.dma_semaphore, #tpu.memory_space<semaphore_mem>>) {add = true}
      %dma_start3A_206 = arith.constant 0 : i32
      %dma_start3A_207 = arith.constant 0 : i32
      %dma_start3A_208 = tpu.memref_slice %arg32[%dma_start3A_206, %dma_start3A_207] : memref<320x128xf32, #tpu.memory_space<vmem_shared>> -> memref<320x128xf32, #tpu.memory_space<vmem_shared>>
      tpu.enqueue_indirect_dma source(%arg29 : memref<128x128xf32, #tpu.memory_space<vmem>>) target(%dma_start3A_208 : memref<320x128xf32, #tpu.memory_space<vmem_shared>>) offsets(%arg22 : memref<128xi32, #tpu.memory_space<vmem>>) semaphore(%arg34 : memref<!tpu.dma_semaphore, #tpu.memory_space<semaphore_mem>>) {add = true}
      %dma_wait3A_209 = arith.constant 0 : i32
      %dma_wait3A_210 = tpu.memref_slice %arg14[%arg0, %mul3A_191, %dma_wait3A_209] : memref<2x12544x128xf32, #tpu.memory_space<hbm>> -> memref<1x16x128xf32, #tpu.memory_space<hbm>>
      %dma_wait3A_211 = tpu.memref_squeeze %dma_wait3A_210 : memref<1x16x128xf32, #tpu.memory_space<hbm>> -> memref<16x128xf32, #tpu.memory_space<hbm>>
      %dma_wait3A_212 = arith.constant 0 : i32
      %dma_wait3A_213 = tpu.memref_slice %arg14[%arg0, %mul3A_191, %dma_wait3A_212] : memref<2x12544x128xf32, #tpu.memory_space<hbm>> -> memref<1x16x128xf32, #tpu.memory_space<hbm>>
      %dma_wait3A_214 = tpu.memref_squeeze %dma_wait3A_213 : memref<1x16x128xf32, #tpu.memory_space<hbm>> -> memref<16x128xf32, #tpu.memory_space<hbm>>
      tpu.wait_dma2 semaphore(%arg34 : memref<!tpu.dma_semaphore, #tpu.memory_space<semaphore_mem>>) src(%arg30 : memref<16x128xf32, #tpu.memory_space<vmem>>) dst(%dma_wait3A_214 : memref<16x128xf32, #tpu.memory_space<hbm>>)
      %dma_wait3A_215 = arith.constant 0 : i32
      %dma_wait3A_216 = arith.constant 0 : i32
      %dma_wait3A_217 = tpu.memref_slice %arg31[%dma_wait3A_215, %dma_wait3A_216] : memref<5120x128xf32, #tpu.memory_space<vmem_shared>> -> memref<5120x128xf32, #tpu.memory_space<vmem_shared>>
      tpu.wait_indirect_dma semaphore(%arg34 : memref<!tpu.dma_semaphore, #tpu.memory_space<semaphore_mem>>) src(%arg28 : memref<128x128xf32, #tpu.memory_space<vmem>>) dst(%dma_wait3A_217 : memref<5120x128xf32, #tpu.memory_space<vmem_shared>>)
      %dma_wait3A_218 = arith.constant 0 : i32
      %dma_wait3A_219 = arith.constant 0 : i32
      %dma_wait3A_220 = tpu.memref_slice %arg32[%dma_wait3A_218, %dma_wait3A_219] : memref<320x128xf32, #tpu.memory_space<vmem_shared>> -> memref<320x128xf32, #tpu.memory_space<vmem_shared>>
      tpu.wait_indirect_dma semaphore(%arg34 : memref<!tpu.dma_semaphore, #tpu.memory_space<semaphore_mem>>) src(%arg29 : memref<128x128xf32, #tpu.memory_space<vmem>>) dst(%dma_wait3A_220 : memref<320x128xf32, #tpu.memory_space<vmem_shared>>)
      %scan3A_221 = arith.constant 0 : i32
      %scan3A_222 = arith.constant 8 : i32
      %scan3A_223 = arith.addi %scan3A_221, %scan3A_222 : i32
      %scan3A_224 = arith.constant 1 : i32
      scf.for %scan3A_226 = %scan3A_221 to %scan3A_223 step %scan3A_224  : i32 {
        %mul3A_227 = arith.constant 1 : i32
        %mul3A_228 = arith.muli %scan3A_226, %mul3A_227 : i32
        %add3A_229 = arith.constant 0 : i32
        %add3A_230 = arith.addi %add3A_229, %mul3A_228 : i32
        %mul3A_231 = arith.constant 16 : i32
        %mul3A_232 = arith.muli %mul3A_231, %add3A_230 : i32
        %broadcast_in_dim3A_233 = vector.broadcast %mul3A_232 : i32 to vector<16xi32>
        %add3A_234 = arith.addi %broadcast_in_dim3A_233, %iota3A : vector<16xi32>
        %mul3A_235 = arith.constant 16 : i32
        %mul3A_236 = arith.muli %mul3A_235, %add3A_230 : i32
        %get3A = arith.index_cast %mul3A_236 : i32 to index
        %get3A_237 = tpu.vector_load %arg23[%get3A] {strides = array<i32>} : memref<128xi32, #tpu.memory_space<vmem>>, vector<16xi32>,
        %add3A_238 = arith.constant 0 : i32
        %add3A_239 = vector.broadcast %add3A_238 : i32 to vector<16xi32>
        %add3A_240 = arith.addi %get3A_237, %add3A_239 : vector<16xi32>
        tpu.vector_store_idx %arg29[%add3A_234, %add3A_240], %broadcast_in_dim3A_0 : memref<128x128xf32, #tpu.memory_space<vmem>>[vector<16xi32>, vector<16xi32>], vector<16xf32>,
        %add3A_241 = arith.constant 1 : i32
        %add3A_242 = vector.broadcast %add3A_241 : i32 to vector<16xi32>
        %add3A_243 = arith.addi %get3A_237, %add3A_242 : vector<16xi32>
        tpu.vector_store_idx %arg29[%add3A_234, %add3A_243], %broadcast_in_dim3A_0 : memref<128x128xf32, #tpu.memory_space<vmem>>[vector<16xi32>, vector<16xi32>], vector<16xf32>,
        %add3A_244 = arith.constant 2 : i32
        %add3A_245 = vector.broadcast %add3A_244 : i32 to vector<16xi32>
        %add3A_246 = arith.addi %get3A_237, %add3A_245 : vector<16xi32>
        tpu.vector_store_idx %arg29[%add3A_234, %add3A_246], %broadcast_in_dim3A_0 : memref<128x128xf32, #tpu.memory_space<vmem>>[vector<16xi32>, vector<16xi32>], vector<16xf32>,
        %add3A_247 = arith.constant 3 : i32
        %add3A_248 = vector.broadcast %add3A_247 : i32 to vector<16xi32>
        %add3A_249 = arith.addi %get3A_237, %add3A_248 : vector<16xi32>
        tpu.vector_store_idx %arg29[%add3A_234, %add3A_249], %broadcast_in_dim3A_0 : memref<128x128xf32, #tpu.memory_space<vmem>>[vector<16xi32>, vector<16xi32>], vector<16xf32>,
      }
      %scan3A_225 = arith.constant 8 : i32
    }
    %scan3A_35 = arith.constant 49 : i32
    %barrier3A_36 = arith.constant 0 : index
    tpu.barrier barrier_id(%barrier3A_36)
    "tpu.region"() ({
      %run_scoped3A = tpu.sem_alloc : memref<!tpu.dma_semaphore, #tpu.memory_space<semaphore_mem>>
      %dma_start3A = arith.constant 0 : i32
      %dma_start3A_146 = tpu.memref_slice %arg12[%arg0, %mul3A_30, %dma_start3A] : memref<2x10120x128xf32, #tpu.memory_space<hbm>> -> memref<1x320x128xf32, #tpu.memory_space<hbm>>
      %dma_start3A_147 = tpu.memref_squeeze %dma_start3A_146 : memref<1x320x128xf32, #tpu.memory_space<hbm>> -> memref<320x128xf32, #tpu.memory_space<hbm>>
      %dma_start3A_148 = arith.constant 0 : i32
      %dma_start3A_149 = tpu.memref_slice %arg31[%mul3A_30, %dma_start3A_148] : memref<5120x128xf32, #tpu.memory_space<vmem_shared>> -> memref<320x128xf32, #tpu.memory_space<vmem_shared>>
      tpu.enqueue_dma source(%dma_start3A_149 : memref<320x128xf32, #tpu.memory_space<vmem_shared>>) target(%dma_start3A_147 : memref<320x128xf32, #tpu.memory_space<hbm>>) target_semaphore(%run_scoped3A : memref<!tpu.dma_semaphore, #tpu.memory_space<semaphore_mem>>)
      %dma_wait3A = arith.constant 0 : i32
      %dma_wait3A_150 = tpu.memref_slice %arg12[%arg0, %mul3A_30, %dma_wait3A] : memref<2x10120x128xf32, #tpu.memory_space<hbm>> -> memref<1x320x128xf32, #tpu.memory_space<hbm>>
      %dma_wait3A_151 = tpu.memref_squeeze %dma_wait3A_150 : memref<1x320x128xf32, #tpu.memory_space<hbm>> -> memref<320x128xf32, #tpu.memory_space<hbm>>
      %dma_wait3A_152 = arith.constant 0 : i32
      %dma_wait3A_153 = tpu.memref_slice %arg31[%mul3A_30, %dma_wait3A_152] : memref<5120x128xf32, #tpu.memory_space<vmem_shared>> -> memref<320x128xf32, #tpu.memory_space<vmem_shared>>
      tpu.wait_dma2 semaphore(%run_scoped3A : memref<!tpu.dma_semaphore, #tpu.memory_space<semaphore_mem>>) src(%dma_wait3A_153 : memref<320x128xf32, #tpu.memory_space<vmem_shared>>) dst(%dma_wait3A_151 : memref<320x128xf32, #tpu.memory_space<hbm>>)
      tpu.yield
    }) : () -> ()
    %lt3A = arith.constant 4 : i32
    %lt3A_37 = arith.cmpi slt, %arg1, %lt3A : i32
    %convert_element_type3A_38 = arith.extui %lt3A_37 : i1 to i32
    %cond3A_39 = arith.constant 0 : i32
    %cond3A_40 = arith.cmpi ne, %convert_element_type3A_38, %cond3A_39 : i32
    scf.if %cond3A_40 {
      %mul3A_146 = arith.constant 80 : i32
      %mul3A_147 = arith.muli %arg1, %mul3A_146 : i32
      "tpu.region"() ({
        %run_scoped3A = tpu.sem_alloc : memref<!tpu.dma_semaphore, #tpu.memory_space<semaphore_mem>>
        %dma_start3A = arith.constant 0 : i32
        %dma_start3A_148 = tpu.memref_slice %arg13[%arg0, %mul3A_147, %dma_start3A] : memref<2x320x128xf32, #tpu.memory_space<hbm>> -> memref<1x80x128xf32, #tpu.memory_space<hbm>>
        %dma_start3A_149 = tpu.memref_squeeze %dma_start3A_148 : memref<1x80x128xf32, #tpu.memory_space<hbm>> -> memref<80x128xf32, #tpu.memory_space<hbm>>
        %dma_start3A_150 = arith.constant 0 : i32
        %dma_start3A_151 = tpu.memref_slice %arg32[%mul3A_147, %dma_start3A_150] : memref<320x128xf32, #tpu.memory_space<vmem_shared>> -> memref<80x128xf32, #tpu.memory_space<vmem_shared>>
        tpu.enqueue_dma source(%dma_start3A_151 : memref<80x128xf32, #tpu.memory_space<vmem_shared>>) target(%dma_start3A_149 : memref<80x128xf32, #tpu.memory_space<hbm>>) target_semaphore(%run_scoped3A : memref<!tpu.dma_semaphore, #tpu.memory_space<semaphore_mem>>)
        %dma_wait3A = arith.constant 0 : i32
        %dma_wait3A_152 = tpu.memref_slice %arg13[%arg0, %mul3A_147, %dma_wait3A] : memref<2x320x128xf32, #tpu.memory_space<hbm>> -> memref<1x80x128xf32, #tpu.memory_space<hbm>>
        %dma_wait3A_153 = tpu.memref_squeeze %dma_wait3A_152 : memref<1x80x128xf32, #tpu.memory_space<hbm>> -> memref<80x128xf32, #tpu.memory_space<hbm>>
        %dma_wait3A_154 = arith.constant 0 : i32
        %dma_wait3A_155 = tpu.memref_slice %arg32[%mul3A_147, %dma_wait3A_154] : memref<320x128xf32, #tpu.memory_space<vmem_shared>> -> memref<80x128xf32, #tpu.memory_space<vmem_shared>>
        tpu.wait_dma2 semaphore(%run_scoped3A : memref<!tpu.dma_semaphore, #tpu.memory_space<semaphore_mem>>) src(%dma_wait3A_155 : memref<80x128xf32, #tpu.memory_space<vmem_shared>>) dst(%dma_wait3A_153 : memref<80x128xf32, #tpu.memory_space<hbm>>)
        tpu.yield
      }) : () -> ()
    } else {
    }
    %barrier3A_41 = arith.constant 0 : index
    tpu.barrier barrier_id(%barrier3A_41)
    %broadcast_in_dim3A_42 = arith.constant 0.000000e+00 : f32
    %broadcast_in_dim3A_43 = vector.broadcast %broadcast_in_dim3A_42 : f32 to vector<16xf32>
    %scan3A_44 = arith.constant 0 : i32
    %scan3A_45 = arith.constant 128 : i32
    %scan3A_46 = arith.addi %scan3A_44, %scan3A_45 : i32
    %scan3A_47 = arith.constant 1 : i32
    scf.for %scan3A_146 = %scan3A_44 to %scan3A_46 step %scan3A_47  : i32 {
      %mul3A_147 = arith.constant 1 : i32
      %mul3A_148 = arith.muli %scan3A_146, %mul3A_147 : i32
      %add3A_149 = arith.constant 0 : i32
      %add3A_150 = arith.addi %add3A_149, %mul3A_148 : i32
      %swap3A = arith.index_cast %add3A_150 : i32 to index
      %swap3A_151 = arith.constant 0 : index
      %swap3A_152 = tpu.vector_load %arg28[%swap3A, %swap3A_151] {strides = array<i32>} : memref<128x128xf32, #tpu.memory_space<vmem>>, vector<16xf32>,
      tpu.vector_store %arg28[%swap3A, %swap3A_151], %broadcast_in_dim3A_43 {strides = array<i32>} : memref<128x128xf32, #tpu.memory_space<vmem>>, vector<16xf32>,
      %swap3A_153 = arith.index_cast %add3A_150 : i32 to index
      %swap3A_154 = arith.constant 16 : index
      %swap3A_155 = tpu.vector_load %arg28[%swap3A_153, %swap3A_154] {strides = array<i32>} : memref<128x128xf32, #tpu.memory_space<vmem>>, vector<16xf32>,
      tpu.vector_store %arg28[%swap3A_153, %swap3A_154], %broadcast_in_dim3A_43 {strides = array<i32>} : memref<128x128xf32, #tpu.memory_space<vmem>>, vector<16xf32>,
      %swap3A_156 = arith.index_cast %add3A_150 : i32 to index
      %swap3A_157 = arith.constant 32 : index
      %swap3A_158 = tpu.vector_load %arg28[%swap3A_156, %swap3A_157] {strides = array<i32>} : memref<128x128xf32, #tpu.memory_space<vmem>>, vector<16xf32>,
      tpu.vector_store %arg28[%swap3A_156, %swap3A_157], %broadcast_in_dim3A_43 {strides = array<i32>} : memref<128x128xf32, #tpu.memory_space<vmem>>, vector<16xf32>,
      %swap3A_159 = arith.index_cast %add3A_150 : i32 to index
      %swap3A_160 = arith.constant 48 : index
      %swap3A_161 = tpu.vector_load %arg28[%swap3A_159, %swap3A_160] {strides = array<i32>} : memref<128x128xf32, #tpu.memory_space<vmem>>, vector<16xf32>,
      tpu.vector_store %arg28[%swap3A_159, %swap3A_160], %broadcast_in_dim3A_43 {strides = array<i32>} : memref<128x128xf32, #tpu.memory_space<vmem>>, vector<16xf32>,
      %swap3A_162 = arith.index_cast %add3A_150 : i32 to index
      %swap3A_163 = arith.constant 64 : index
      %swap3A_164 = tpu.vector_load %arg28[%swap3A_162, %swap3A_163] {strides = array<i32>} : memref<128x128xf32, #tpu.memory_space<vmem>>, vector<16xf32>,
      tpu.vector_store %arg28[%swap3A_162, %swap3A_163], %broadcast_in_dim3A_43 {strides = array<i32>} : memref<128x128xf32, #tpu.memory_space<vmem>>, vector<16xf32>,
      %swap3A_165 = arith.index_cast %add3A_150 : i32 to index
      %swap3A_166 = arith.constant 80 : index
      %swap3A_167 = tpu.vector_load %arg28[%swap3A_165, %swap3A_166] {strides = array<i32>} : memref<128x128xf32, #tpu.memory_space<vmem>>, vector<16xf32>,
      tpu.vector_store %arg28[%swap3A_165, %swap3A_166], %broadcast_in_dim3A_43 {strides = array<i32>} : memref<128x128xf32, #tpu.memory_space<vmem>>, vector<16xf32>,
      %swap3A_168 = arith.index_cast %add3A_150 : i32 to index
      %swap3A_169 = arith.constant 96 : index
      %swap3A_170 = tpu.vector_load %arg28[%swap3A_168, %swap3A_169] {strides = array<i32>} : memref<128x128xf32, #tpu.memory_space<vmem>>, vector<16xf32>,
      tpu.vector_store %arg28[%swap3A_168, %swap3A_169], %broadcast_in_dim3A_43 {strides = array<i32>} : memref<128x128xf32, #tpu.memory_space<vmem>>, vector<16xf32>,
      %swap3A_171 = arith.index_cast %add3A_150 : i32 to index
      %swap3A_172 = arith.constant 112 : index
      %swap3A_173 = tpu.vector_load %arg28[%swap3A_171, %swap3A_172] {strides = array<i32>} : memref<128x128xf32, #tpu.memory_space<vmem>>, vector<16xf32>,
      tpu.vector_store %arg28[%swap3A_171, %swap3A_172], %broadcast_in_dim3A_43 {strides = array<i32>} : memref<128x128xf32, #tpu.memory_space<vmem>>, vector<16xf32>,
    }
    %scan3A_48 = arith.constant 128 : i32
    %mul3A_49 = arith.constant 320 : i32
    %mul3A_50 = arith.muli %mul3A_49, %arg1 : i32
    %add3A_51 = arith.constant 0 : i32
    %add3A_52 = arith.addi %mul3A_50, %add3A_51 : i32
    "tpu.region"() ({
      %run_scoped3A = tpu.sem_alloc : memref<!tpu.dma_semaphore, #tpu.memory_space<semaphore_mem>>
      %dma_start3A = arith.constant 0 : i32
      %dma_start3A_146 = arith.constant 0 : i32
      %dma_start3A_147 = tpu.memref_slice %arg28[%dma_start3A, %dma_start3A_146] : memref<128x128xf32, #tpu.memory_space<vmem>> -> memref<128x128xf32, #tpu.memory_space<vmem>>
      %dma_start3A_148 = arith.constant 0 : i32
      %dma_start3A_149 = tpu.memref_slice %arg31[%add3A_52, %dma_start3A_148] : memref<5120x128xf32, #tpu.memory_space<vmem_shared>> -> memref<128x128xf32, #tpu.memory_space<vmem_shared>>
      %dma_start3A_150 = arith.constant 0 : i32
      %dma_start3A_151 = tpu.memref_slice %arg31[%add3A_52, %dma_start3A_150] : memref<5120x128xf32, #tpu.memory_space<vmem_shared>> -> memref<128x128xf32, #tpu.memory_space<vmem_shared>>
      %dma_start3A_152 = arith.constant 0 : i32
      %dma_start3A_153 = arith.constant 0 : i32
      %dma_start3A_154 = tpu.memref_slice %arg28[%dma_start3A_152, %dma_start3A_153] : memref<128x128xf32, #tpu.memory_space<vmem>> -> memref<128x128xf32, #tpu.memory_space<vmem>>
      tpu.enqueue_dma source(%dma_start3A_154 : memref<128x128xf32, #tpu.memory_space<vmem>>) target(%dma_start3A_151 : memref<128x128xf32, #tpu.memory_space<vmem_shared>>) target_semaphore(%run_scoped3A : memref<!tpu.dma_semaphore, #tpu.memory_space<semaphore_mem>>)
      %dma_wait3A = arith.constant 0 : i32
      %dma_wait3A_155 = arith.constant 0 : i32
      %dma_wait3A_156 = tpu.memref_slice %arg28[%dma_wait3A, %dma_wait3A_155] : memref<128x128xf32, #tpu.memory_space<vmem>> -> memref<128x128xf32, #tpu.memory_space<vmem>>
      %dma_wait3A_157 = arith.constant 0 : i32
      %dma_wait3A_158 = tpu.memref_slice %arg31[%add3A_52, %dma_wait3A_157] : memref<5120x128xf32, #tpu.memory_space<vmem_shared>> -> memref<128x128xf32, #tpu.memory_space<vmem_shared>>
      %dma_wait3A_159 = arith.constant 0 : i32
      %dma_wait3A_160 = tpu.memref_slice %arg31[%add3A_52, %dma_wait3A_159] : memref<5120x128xf32, #tpu.memory_space<vmem_shared>> -> memref<128x128xf32, #tpu.memory_space<vmem_shared>>
      %dma_wait3A_161 = arith.constant 0 : i32
      %dma_wait3A_162 = arith.constant 0 : i32
      %dma_wait3A_163 = tpu.memref_slice %arg28[%dma_wait3A_161, %dma_wait3A_162] : memref<128x128xf32, #tpu.memory_space<vmem>> -> memref<128x128xf32, #tpu.memory_space<vmem>>
      tpu.wait_dma2 semaphore(%run_scoped3A : memref<!tpu.dma_semaphore, #tpu.memory_space<semaphore_mem>>) src(%dma_wait3A_163 : memref<128x128xf32, #tpu.memory_space<vmem>>) dst(%dma_wait3A_160 : memref<128x128xf32, #tpu.memory_space<vmem_shared>>)
      tpu.yield
    }) : () -> ()
    %add3A_53 = arith.constant 128 : i32
    %add3A_54 = arith.addi %mul3A_50, %add3A_53 : i32
    "tpu.region"() ({
      %run_scoped3A = tpu.sem_alloc : memref<!tpu.dma_semaphore, #tpu.memory_space<semaphore_mem>>
      %dma_start3A = arith.constant 0 : i32
      %dma_start3A_146 = arith.constant 0 : i32
      %dma_start3A_147 = tpu.memref_slice %arg28[%dma_start3A, %dma_start3A_146] : memref<128x128xf32, #tpu.memory_space<vmem>> -> memref<128x128xf32, #tpu.memory_space<vmem>>
      %dma_start3A_148 = arith.constant 0 : i32
      %dma_start3A_149 = tpu.memref_slice %arg31[%add3A_54, %dma_start3A_148] : memref<5120x128xf32, #tpu.memory_space<vmem_shared>> -> memref<128x128xf32, #tpu.memory_space<vmem_shared>>
      %dma_start3A_150 = arith.constant 0 : i32
      %dma_start3A_151 = tpu.memref_slice %arg31[%add3A_54, %dma_start3A_150] : memref<5120x128xf32, #tpu.memory_space<vmem_shared>> -> memref<128x128xf32, #tpu.memory_space<vmem_shared>>
      %dma_start3A_152 = arith.constant 0 : i32
      %dma_start3A_153 = arith.constant 0 : i32
      %dma_start3A_154 = tpu.memref_slice %arg28[%dma_start3A_152, %dma_start3A_153] : memref<128x128xf32, #tpu.memory_space<vmem>> -> memref<128x128xf32, #tpu.memory_space<vmem>>
      tpu.enqueue_dma source(%dma_start3A_154 : memref<128x128xf32, #tpu.memory_space<vmem>>) target(%dma_start3A_151 : memref<128x128xf32, #tpu.memory_space<vmem_shared>>) target_semaphore(%run_scoped3A : memref<!tpu.dma_semaphore, #tpu.memory_space<semaphore_mem>>)
      %dma_wait3A = arith.constant 0 : i32
      %dma_wait3A_155 = arith.constant 0 : i32
      %dma_wait3A_156 = tpu.memref_slice %arg28[%dma_wait3A, %dma_wait3A_155] : memref<128x128xf32, #tpu.memory_space<vmem>> -> memref<128x128xf32, #tpu.memory_space<vmem>>
      %dma_wait3A_157 = arith.constant 0 : i32
      %dma_wait3A_158 = tpu.memref_slice %arg31[%add3A_54, %dma_wait3A_157] : memref<5120x128xf32, #tpu.memory_space<vmem_shared>> -> memref<128x128xf32, #tpu.memory_space<vmem_shared>>
      %dma_wait3A_159 = arith.constant 0 : i32
      %dma_wait3A_160 = tpu.memref_slice %arg31[%add3A_54, %dma_wait3A_159] : memref<5120x128xf32, #tpu.memory_space<vmem_shared>> -> memref<128x128xf32, #tpu.memory_space<vmem_shared>>
      %dma_wait3A_161 = arith.constant 0 : i32
      %dma_wait3A_162 = arith.constant 0 : i32
      %dma_wait3A_163 = tpu.memref_slice %arg28[%dma_wait3A_161, %dma_wait3A_162] : memref<128x128xf32, #tpu.memory_space<vmem>> -> memref<128x128xf32, #tpu.memory_space<vmem>>
      tpu.wait_dma2 semaphore(%run_scoped3A : memref<!tpu.dma_semaphore, #tpu.memory_space<semaphore_mem>>) src(%dma_wait3A_163 : memref<128x128xf32, #tpu.memory_space<vmem>>) dst(%dma_wait3A_160 : memref<128x128xf32, #tpu.memory_space<vmem_shared>>)
      tpu.yield
    }) : () -> ()
    %add3A_55 = arith.constant 256 : i32
    %add3A_56 = arith.addi %mul3A_50, %add3A_55 : i32
    "tpu.region"() ({
      %run_scoped3A = tpu.sem_alloc : memref<!tpu.dma_semaphore, #tpu.memory_space<semaphore_mem>>
      %dma_start3A = arith.constant 0 : i32
      %dma_start3A_146 = arith.constant 0 : i32
      %dma_start3A_147 = tpu.memref_slice %arg28[%dma_start3A, %dma_start3A_146] : memref<128x128xf32, #tpu.memory_space<vmem>> -> memref<64x128xf32, #tpu.memory_space<vmem>>
      %dma_start3A_148 = arith.constant 0 : i32
      %dma_start3A_149 = tpu.memref_slice %arg31[%add3A_56, %dma_start3A_148] : memref<5120x128xf32, #tpu.memory_space<vmem_shared>> -> memref<64x128xf32, #tpu.memory_space<vmem_shared>>
      %dma_start3A_150 = arith.constant 0 : i32
      %dma_start3A_151 = tpu.memref_slice %arg31[%add3A_56, %dma_start3A_150] : memref<5120x128xf32, #tpu.memory_space<vmem_shared>> -> memref<64x128xf32, #tpu.memory_space<vmem_shared>>
      %dma_start3A_152 = arith.constant 0 : i32
      %dma_start3A_153 = arith.constant 0 : i32
      %dma_start3A_154 = tpu.memref_slice %arg28[%dma_start3A_152, %dma_start3A_153] : memref<128x128xf32, #tpu.memory_space<vmem>> -> memref<64x128xf32, #tpu.memory_space<vmem>>
      tpu.enqueue_dma source(%dma_start3A_154 : memref<64x128xf32, #tpu.memory_space<vmem>>) target(%dma_start3A_151 : memref<64x128xf32, #tpu.memory_space<vmem_shared>>) target_semaphore(%run_scoped3A : memref<!tpu.dma_semaphore, #tpu.memory_space<semaphore_mem>>)
      %dma_wait3A = arith.constant 0 : i32
      %dma_wait3A_155 = arith.constant 0 : i32
      %dma_wait3A_156 = tpu.memref_slice %arg28[%dma_wait3A, %dma_wait3A_155] : memref<128x128xf32, #tpu.memory_space<vmem>> -> memref<64x128xf32, #tpu.memory_space<vmem>>
      %dma_wait3A_157 = arith.constant 0 : i32
      %dma_wait3A_158 = tpu.memref_slice %arg31[%add3A_56, %dma_wait3A_157] : memref<5120x128xf32, #tpu.memory_space<vmem_shared>> -> memref<64x128xf32, #tpu.memory_space<vmem_shared>>
      %dma_wait3A_159 = arith.constant 0 : i32
      %dma_wait3A_160 = tpu.memref_slice %arg31[%add3A_56, %dma_wait3A_159] : memref<5120x128xf32, #tpu.memory_space<vmem_shared>> -> memref<64x128xf32, #tpu.memory_space<vmem_shared>>
      %dma_wait3A_161 = arith.constant 0 : i32
      %dma_wait3A_162 = arith.constant 0 : i32
      %dma_wait3A_163 = tpu.memref_slice %arg28[%dma_wait3A_161, %dma_wait3A_162] : memref<128x128xf32, #tpu.memory_space<vmem>> -> memref<64x128xf32, #tpu.memory_space<vmem>>
      tpu.wait_dma2 semaphore(%run_scoped3A : memref<!tpu.dma_semaphore, #tpu.memory_space<semaphore_mem>>) src(%dma_wait3A_163 : memref<64x128xf32, #tpu.memory_space<vmem>>) dst(%dma_wait3A_160 : memref<64x128xf32, #tpu.memory_space<vmem_shared>>)
      tpu.yield
    }) : () -> ()
    %barrier3A_57 = arith.constant 0 : index
    tpu.barrier barrier_id(%barrier3A_57)
    %scan3A_58 = arith.constant 0 : i32
    %scan3A_59 = arith.constant 49 : i32
    %scan3A_60 = arith.addi %scan3A_58, %scan3A_59 : i32
    %scan3A_61 = arith.constant 1 : i32
    scf.for %scan3A_146 = %scan3A_58 to %scan3A_60 step %scan3A_61  : i32 {
      %mul3A_147 = arith.constant 1 : i32
      %mul3A_148 = arith.muli %scan3A_146, %mul3A_147 : i32
      %add3A_149 = arith.constant 0 : i32
      %add3A_150 = arith.addi %add3A_149, %mul3A_148 : i32
      %mul3A_151 = arith.constant 49 : i32
      %mul3A_152 = arith.muli %arg1, %mul3A_151 : i32
      %add3A_153 = arith.addi %mul3A_152, %add3A_150 : i32
      %mul3A_154 = arith.constant 128 : i32
      %mul3A_155 = arith.muli %add3A_153, %mul3A_154 : i32
      %dma_start3A = tpu.memref_slice %arg5[%mul3A_155] : memref<100352xi32, #tpu.memory_space<hbm>> -> memref<128xi32, #tpu.memory_space<hbm>>
      %dma_start3A_156 = tpu.memref_slice %arg5[%mul3A_155] : memref<100352xi32, #tpu.memory_space<hbm>> -> memref<128xi32, #tpu.memory_space<hbm>>
      tpu.enqueue_dma source(%dma_start3A_156 : memref<128xi32, #tpu.memory_space<hbm>>) target(%arg18 : memref<128xi32, #tpu.memory_space<vmem>>) target_semaphore(%arg33 : memref<!tpu.dma_semaphore, #tpu.memory_space<semaphore_mem>>)
      %dma_start3A_157 = tpu.memref_slice %arg6[%mul3A_155] : memref<100352xi32, #tpu.memory_space<hbm>> -> memref<128xi32, #tpu.memory_space<hbm>>
      %dma_start3A_158 = tpu.memref_slice %arg6[%mul3A_155] : memref<100352xi32, #tpu.memory_space<hbm>> -> memref<128xi32, #tpu.memory_space<hbm>>
      tpu.enqueue_dma source(%dma_start3A_158 : memref<128xi32, #tpu.memory_space<hbm>>) target(%arg19 : memref<128xi32, #tpu.memory_space<vmem>>) target_semaphore(%arg33 : memref<!tpu.dma_semaphore, #tpu.memory_space<semaphore_mem>>)
      %dma_wait3A = tpu.memref_slice %arg5[%mul3A_155] : memref<100352xi32, #tpu.memory_space<hbm>> -> memref<128xi32, #tpu.memory_space<hbm>>
      %dma_wait3A_159 = tpu.memref_slice %arg5[%mul3A_155] : memref<100352xi32, #tpu.memory_space<hbm>> -> memref<128xi32, #tpu.memory_space<hbm>>
      tpu.wait_dma2 semaphore(%arg33 : memref<!tpu.dma_semaphore, #tpu.memory_space<semaphore_mem>>) src(%dma_wait3A_159 : memref<128xi32, #tpu.memory_space<hbm>>) dst(%arg18 : memref<128xi32, #tpu.memory_space<vmem>>)
      %dma_wait3A_160 = tpu.memref_slice %arg6[%mul3A_155] : memref<100352xi32, #tpu.memory_space<hbm>> -> memref<128xi32, #tpu.memory_space<hbm>>
      %dma_wait3A_161 = tpu.memref_slice %arg6[%mul3A_155] : memref<100352xi32, #tpu.memory_space<hbm>> -> memref<128xi32, #tpu.memory_space<hbm>>
      tpu.wait_dma2 semaphore(%arg33 : memref<!tpu.dma_semaphore, #tpu.memory_space<semaphore_mem>>) src(%dma_wait3A_161 : memref<128xi32, #tpu.memory_space<hbm>>) dst(%arg19 : memref<128xi32, #tpu.memory_space<vmem>>)
      %scan3A_162 = arith.constant 0 : i32
      %scan3A_163 = arith.constant 8 : i32
      %scan3A_164 = arith.addi %scan3A_162, %scan3A_163 : i32
      %scan3A_165 = arith.constant 1 : i32
      scf.for %scan3A_192 = %scan3A_162 to %scan3A_164 step %scan3A_165  : i32 {
        %mul3A_193 = arith.constant 1 : i32
        %mul3A_194 = arith.muli %scan3A_192, %mul3A_193 : i32
        %add3A_195 = arith.constant 0 : i32
        %add3A_196 = arith.addi %add3A_195, %mul3A_194 : i32
        %mul3A_197 = arith.constant 16 : i32
        %mul3A_198 = arith.muli %mul3A_197, %add3A_196 : i32
        %get3A = arith.index_cast %mul3A_198 : i32 to index
        %get3A_199 = tpu.vector_load %arg19[%get3A] {strides = array<i32>} : memref<128xi32, #tpu.memory_space<vmem>>, vector<16xi32>,
        %get3A_200 = arith.index_cast %mul3A_198 : i32 to index
        %get3A_201 = tpu.vector_load %arg18[%get3A_200] {strides = array<i32>} : memref<128xi32, #tpu.memory_space<vmem>>, vector<16xi32>,
        %add3A_202 = vector.broadcast %mul3A_28 : i32 to vector<16xi32>
        %add3A_203 = arith.addi %get3A_201, %add3A_202 : vector<16xi32>
        %swap3A = arith.index_cast %mul3A_198 : i32 to index
        %swap3A_204 = tpu.vector_load %arg20[%swap3A] {strides = array<i32>} : memref<128xi32, #tpu.memory_space<vmem>>, vector<16xi32>,
        tpu.vector_store %arg20[%swap3A], %add3A_203 {strides = array<i32>} : memref<128xi32, #tpu.memory_space<vmem>>, vector<16xi32>,
        %ge3A = arith.constant 5000 : i32
        %ge3A_205 = vector.broadcast %ge3A : i32 to vector<16xi32>
        %ge3A_206 = arith.cmpi sge, %get3A_199, %ge3A_205 : vector<16xi32>
        %sub3A = arith.constant 5000 : i32
        %sub3A_207 = vector.broadcast %sub3A : i32 to vector<16xi32>
        %sub3A_208 = arith.subi %get3A_199, %sub3A_207 : vector<16xi32>
        %jit3A = arith.constant 5119 : i32
        %broadcast_in_dim3A_209 = vector.broadcast %jit3A : i32 to vector<16xi32>
        %select_n3A = arith.select %ge3A_206, %sub3A_208, %broadcast_in_dim3A_209 : vector<16xi1>, vector<16xi32>
        %swap3A_210 = arith.index_cast %mul3A_198 : i32 to index
        %swap3A_211 = tpu.vector_load %arg24[%swap3A_210] {strides = array<i32>} : memref<128xi32, #tpu.memory_space<vmem>>, vector<16xi32>,
        tpu.vector_store %arg24[%swap3A_210], %select_n3A {strides = array<i32>} : memref<128xi32, #tpu.memory_space<vmem>>, vector<16xi32>,
      }
      %scan3A_166 = arith.constant 8 : i32
      %dma_start3A_167 = arith.constant 0 : i32
      %dma_start3A_168 = arith.constant 0 : i32
      %dma_start3A_169 = tpu.memref_slice %arg4[%dma_start3A_167, %dma_start3A_168] : memref<20000x128xf32, #tpu.memory_space<hbm>> -> memref<20000x128xf32, #tpu.memory_space<hbm>>
      tpu.enqueue_indirect_dma source(%dma_start3A_169 : memref<20000x128xf32, #tpu.memory_space<hbm>>) target(%arg27 : memref<128x128xf32, #tpu.memory_space<vmem>>) offsets(%arg20 : memref<128xi32, #tpu.memory_space<vmem>>) semaphore(%arg33 : memref<!tpu.dma_semaphore, #tpu.memory_space<semaphore_mem>>)
      %mul3A_170 = arith.constant 49 : i32
      %mul3A_171 = arith.muli %arg1, %mul3A_170 : i32
      %add3A_172 = arith.addi %mul3A_171, %add3A_150 : i32
      %mul3A_173 = arith.constant 16 : i32
      %mul3A_174 = arith.muli %add3A_172, %mul3A_173 : i32
      %dma_start3A_175 = arith.constant 0 : i32
      %dma_start3A_176 = tpu.memref_slice %arg14[%arg0, %mul3A_174, %dma_start3A_175] : memref<2x12544x128xf32, #tpu.memory_space<hbm>> -> memref<1x16x128xf32, #tpu.memory_space<hbm>>
      %dma_start3A_177 = tpu.memref_squeeze %dma_start3A_176 : memref<1x16x128xf32, #tpu.memory_space<hbm>> -> memref<16x128xf32, #tpu.memory_space<hbm>>
      %dma_start3A_178 = arith.constant 0 : i32
      %dma_start3A_179 = tpu.memref_slice %arg14[%arg0, %mul3A_174, %dma_start3A_178] : memref<2x12544x128xf32, #tpu.memory_space<hbm>> -> memref<1x16x128xf32, #tpu.memory_space<hbm>>
      %dma_start3A_180 = tpu.memref_squeeze %dma_start3A_179 : memref<1x16x128xf32, #tpu.memory_space<hbm>> -> memref<16x128xf32, #tpu.memory_space<hbm>>
      tpu.enqueue_dma source(%dma_start3A_180 : memref<16x128xf32, #tpu.memory_space<hbm>>) target(%arg30 : memref<16x128xf32, #tpu.memory_space<vmem>>) target_semaphore(%arg33 : memref<!tpu.dma_semaphore, #tpu.memory_space<semaphore_mem>>)
      %dma_wait3A_181 = arith.constant 0 : i32
      %dma_wait3A_182 = arith.constant 0 : i32
      %dma_wait3A_183 = tpu.memref_slice %arg4[%dma_wait3A_181, %dma_wait3A_182] : memref<20000x128xf32, #tpu.memory_space<hbm>> -> memref<20000x128xf32, #tpu.memory_space<hbm>>
      tpu.wait_indirect_dma semaphore(%arg33 : memref<!tpu.dma_semaphore, #tpu.memory_space<semaphore_mem>>) src(%dma_wait3A_183 : memref<20000x128xf32, #tpu.memory_space<hbm>>) dst(%arg27 : memref<128x128xf32, #tpu.memory_space<vmem>>)
      %dma_wait3A_184 = arith.constant 0 : i32
      %dma_wait3A_185 = tpu.memref_slice %arg14[%arg0, %mul3A_174, %dma_wait3A_184] : memref<2x12544x128xf32, #tpu.memory_space<hbm>> -> memref<1x16x128xf32, #tpu.memory_space<hbm>>
      %dma_wait3A_186 = tpu.memref_squeeze %dma_wait3A_185 : memref<1x16x128xf32, #tpu.memory_space<hbm>> -> memref<16x128xf32, #tpu.memory_space<hbm>>
      %dma_wait3A_187 = arith.constant 0 : i32
      %dma_wait3A_188 = tpu.memref_slice %arg14[%arg0, %mul3A_174, %dma_wait3A_187] : memref<2x12544x128xf32, #tpu.memory_space<hbm>> -> memref<1x16x128xf32, #tpu.memory_space<hbm>>
      %dma_wait3A_189 = tpu.memref_squeeze %dma_wait3A_188 : memref<1x16x128xf32, #tpu.memory_space<hbm>> -> memref<16x128xf32, #tpu.memory_space<hbm>>
      tpu.wait_dma2 semaphore(%arg33 : memref<!tpu.dma_semaphore, #tpu.memory_space<semaphore_mem>>) src(%dma_wait3A_189 : memref<16x128xf32, #tpu.memory_space<hbm>>) dst(%arg30 : memref<16x128xf32, #tpu.memory_space<vmem>>)
      %parallel_loop3A = arith.constant 0 : i32
      %parallel_loop3A_190 = arith.constant 128 : i32
      %parallel_loop3A_191 = arith.constant 1 : i32
      scf.for %parallel_loop3A_192 = %parallel_loop3A to %parallel_loop3A_190 step %parallel_loop3A_191  : i32 {
        %parallel_loop3A_193 = arith.constant 3 : i32
        %parallel_loop3A_194 = arith.shrui %parallel_loop3A_192, %parallel_loop3A_193 : i32
        %parallel_loop3A_195 = arith.constant 7 : i32
        %parallel_loop3A_196 = arith.andi %parallel_loop3A_192, %parallel_loop3A_195 : i32
        %parallel_loop3A_197 = arith.constant 16 : i32
        %parallel_loop3A_198 = arith.muli %parallel_loop3A_196, %parallel_loop3A_197 : i32
        %parallel_loop3A_199 = vector.broadcast %parallel_loop3A_194 : i32 to vector<16xi32>
        %parallel_loop3A_200 = arith.constant 0 : i32
        %parallel_loop3A_201 = arith.addi %parallel_loop3A_198, %parallel_loop3A_200 : i32
        %parallel_loop3A_202 = vector.broadcast %parallel_loop3A_201 : i32 to vector<16xi32>
        %parallel_loop3A_203 = tpu.vector_load_idx %arg30[%parallel_loop3A_199, %parallel_loop3A_202] : memref<16x128xf32, #tpu.memory_space<vmem>>[vector<16xi32>, vector<16xi32>], vector<16xf32>,
        %parallel_loop3A_204 = vector.broadcast %parallel_loop3A_194 : i32 to vector<16xi32>
        %parallel_loop3A_205 = arith.constant 1 : i32
        %parallel_loop3A_206 = arith.addi %parallel_loop3A_198, %parallel_loop3A_205 : i32
        %parallel_loop3A_207 = vector.broadcast %parallel_loop3A_206 : i32 to vector<16xi32>
        %parallel_loop3A_208 = tpu.vector_load_idx %arg30[%parallel_loop3A_204, %parallel_loop3A_207] : memref<16x128xf32, #tpu.memory_space<vmem>>[vector<16xi32>, vector<16xi32>], vector<16xf32>,
        %parallel_loop3A_209 = vector.broadcast %parallel_loop3A_194 : i32 to vector<16xi32>
        %parallel_loop3A_210 = arith.constant 2 : i32
        %parallel_loop3A_211 = arith.addi %parallel_loop3A_198, %parallel_loop3A_210 : i32
        %parallel_loop3A_212 = vector.broadcast %parallel_loop3A_211 : i32 to vector<16xi32>
        %parallel_loop3A_213 = tpu.vector_load_idx %arg30[%parallel_loop3A_209, %parallel_loop3A_212] : memref<16x128xf32, #tpu.memory_space<vmem>>[vector<16xi32>, vector<16xi32>], vector<16xf32>,
        %parallel_loop3A_214 = vector.broadcast %parallel_loop3A_194 : i32 to vector<16xi32>
        %parallel_loop3A_215 = arith.constant 3 : i32
        %parallel_loop3A_216 = arith.addi %parallel_loop3A_198, %parallel_loop3A_215 : i32
        %parallel_loop3A_217 = vector.broadcast %parallel_loop3A_216 : i32 to vector<16xi32>
        %parallel_loop3A_218 = tpu.vector_load_idx %arg30[%parallel_loop3A_214, %parallel_loop3A_217] : memref<16x128xf32, #tpu.memory_space<vmem>>[vector<16xi32>, vector<16xi32>], vector<16xf32>,
        %parallel_loop3A_219 = arith.index_cast %parallel_loop3A_192 : i32 to index
        %parallel_loop3A_220 = arith.constant 0 : index
        %parallel_loop3A_221 = tpu.vector_load %arg27[%parallel_loop3A_219, %parallel_loop3A_220] {strides = array<i32>} : memref<128x128xf32, #tpu.memory_space<vmem>>, vector<16xf32>,
        %parallel_loop3A_222 = arith.mulf %parallel_loop3A_221, %parallel_loop3A_203 : vector<16xf32>
        %parallel_loop3A_223 = arith.index_cast %parallel_loop3A_192 : i32 to index
        %parallel_loop3A_224 = arith.constant 0 : index
        %parallel_loop3A_225 = tpu.vector_load %arg28[%parallel_loop3A_223, %parallel_loop3A_224] {strides = array<i32>} : memref<128x128xf32, #tpu.memory_space<vmem>>, vector<16xf32>,
        tpu.vector_store %arg28[%parallel_loop3A_223, %parallel_loop3A_224], %parallel_loop3A_222 {strides = array<i32>} : memref<128x128xf32, #tpu.memory_space<vmem>>, vector<16xf32>,
        %parallel_loop3A_226 = arith.index_cast %parallel_loop3A_192 : i32 to index
        %parallel_loop3A_227 = arith.constant 16 : index
        %parallel_loop3A_228 = tpu.vector_load %arg27[%parallel_loop3A_226, %parallel_loop3A_227] {strides = array<i32>} : memref<128x128xf32, #tpu.memory_space<vmem>>, vector<16xf32>,
        %parallel_loop3A_229 = arith.mulf %parallel_loop3A_228, %parallel_loop3A_203 : vector<16xf32>
        %parallel_loop3A_230 = arith.index_cast %parallel_loop3A_192 : i32 to index
        %parallel_loop3A_231 = arith.constant 16 : index
        %parallel_loop3A_232 = tpu.vector_load %arg28[%parallel_loop3A_230, %parallel_loop3A_231] {strides = array<i32>} : memref<128x128xf32, #tpu.memory_space<vmem>>, vector<16xf32>,
        tpu.vector_store %arg28[%parallel_loop3A_230, %parallel_loop3A_231], %parallel_loop3A_229 {strides = array<i32>} : memref<128x128xf32, #tpu.memory_space<vmem>>, vector<16xf32>,
        %parallel_loop3A_233 = arith.index_cast %parallel_loop3A_192 : i32 to index
        %parallel_loop3A_234 = arith.constant 32 : index
        %parallel_loop3A_235 = tpu.vector_load %arg27[%parallel_loop3A_233, %parallel_loop3A_234] {strides = array<i32>} : memref<128x128xf32, #tpu.memory_space<vmem>>, vector<16xf32>,
        %parallel_loop3A_236 = arith.mulf %parallel_loop3A_235, %parallel_loop3A_208 : vector<16xf32>
        %parallel_loop3A_237 = arith.index_cast %parallel_loop3A_192 : i32 to index
        %parallel_loop3A_238 = arith.constant 32 : index
        %parallel_loop3A_239 = tpu.vector_load %arg28[%parallel_loop3A_237, %parallel_loop3A_238] {strides = array<i32>} : memref<128x128xf32, #tpu.memory_space<vmem>>, vector<16xf32>,
        tpu.vector_store %arg28[%parallel_loop3A_237, %parallel_loop3A_238], %parallel_loop3A_236 {strides = array<i32>} : memref<128x128xf32, #tpu.memory_space<vmem>>, vector<16xf32>,
        %parallel_loop3A_240 = arith.index_cast %parallel_loop3A_192 : i32 to index
        %parallel_loop3A_241 = arith.constant 48 : index
        %parallel_loop3A_242 = tpu.vector_load %arg27[%parallel_loop3A_240, %parallel_loop3A_241] {strides = array<i32>} : memref<128x128xf32, #tpu.memory_space<vmem>>, vector<16xf32>,
        %parallel_loop3A_243 = arith.mulf %parallel_loop3A_242, %parallel_loop3A_208 : vector<16xf32>
        %parallel_loop3A_244 = arith.index_cast %parallel_loop3A_192 : i32 to index
        %parallel_loop3A_245 = arith.constant 48 : index
        %parallel_loop3A_246 = tpu.vector_load %arg28[%parallel_loop3A_244, %parallel_loop3A_245] {strides = array<i32>} : memref<128x128xf32, #tpu.memory_space<vmem>>, vector<16xf32>,
        tpu.vector_store %arg28[%parallel_loop3A_244, %parallel_loop3A_245], %parallel_loop3A_243 {strides = array<i32>} : memref<128x128xf32, #tpu.memory_space<vmem>>, vector<16xf32>,
        %parallel_loop3A_247 = arith.index_cast %parallel_loop3A_192 : i32 to index
        %parallel_loop3A_248 = arith.constant 64 : index
        %parallel_loop3A_249 = tpu.vector_load %arg27[%parallel_loop3A_247, %parallel_loop3A_248] {strides = array<i32>} : memref<128x128xf32, #tpu.memory_space<vmem>>, vector<16xf32>,
        %parallel_loop3A_250 = arith.mulf %parallel_loop3A_249, %parallel_loop3A_213 : vector<16xf32>
        %parallel_loop3A_251 = arith.index_cast %parallel_loop3A_192 : i32 to index
        %parallel_loop3A_252 = arith.constant 64 : index
        %parallel_loop3A_253 = tpu.vector_load %arg28[%parallel_loop3A_251, %parallel_loop3A_252] {strides = array<i32>} : memref<128x128xf32, #tpu.memory_space<vmem>>, vector<16xf32>,
        tpu.vector_store %arg28[%parallel_loop3A_251, %parallel_loop3A_252], %parallel_loop3A_250 {strides = array<i32>} : memref<128x128xf32, #tpu.memory_space<vmem>>, vector<16xf32>,
        %parallel_loop3A_254 = arith.index_cast %parallel_loop3A_192 : i32 to index
        %parallel_loop3A_255 = arith.constant 80 : index
        %parallel_loop3A_256 = tpu.vector_load %arg27[%parallel_loop3A_254, %parallel_loop3A_255] {strides = array<i32>} : memref<128x128xf32, #tpu.memory_space<vmem>>, vector<16xf32>,
        %parallel_loop3A_257 = arith.mulf %parallel_loop3A_256, %parallel_loop3A_213 : vector<16xf32>
        %parallel_loop3A_258 = arith.index_cast %parallel_loop3A_192 : i32 to index
        %parallel_loop3A_259 = arith.constant 80 : index
        %parallel_loop3A_260 = tpu.vector_load %arg28[%parallel_loop3A_258, %parallel_loop3A_259] {strides = array<i32>} : memref<128x128xf32, #tpu.memory_space<vmem>>, vector<16xf32>,
        tpu.vector_store %arg28[%parallel_loop3A_258, %parallel_loop3A_259], %parallel_loop3A_257 {strides = array<i32>} : memref<128x128xf32, #tpu.memory_space<vmem>>, vector<16xf32>,
        %parallel_loop3A_261 = arith.index_cast %parallel_loop3A_192 : i32 to index
        %parallel_loop3A_262 = arith.constant 96 : index
        %parallel_loop3A_263 = tpu.vector_load %arg27[%parallel_loop3A_261, %parallel_loop3A_262] {strides = array<i32>} : memref<128x128xf32, #tpu.memory_space<vmem>>, vector<16xf32>,
        %parallel_loop3A_264 = arith.mulf %parallel_loop3A_263, %parallel_loop3A_218 : vector<16xf32>
        %parallel_loop3A_265 = arith.index_cast %parallel_loop3A_192 : i32 to index
        %parallel_loop3A_266 = arith.constant 96 : index
        %parallel_loop3A_267 = tpu.vector_load %arg28[%parallel_loop3A_265, %parallel_loop3A_266] {strides = array<i32>} : memref<128x128xf32, #tpu.memory_space<vmem>>, vector<16xf32>,
        tpu.vector_store %arg28[%parallel_loop3A_265, %parallel_loop3A_266], %parallel_loop3A_264 {strides = array<i32>} : memref<128x128xf32, #tpu.memory_space<vmem>>, vector<16xf32>,
        %parallel_loop3A_268 = arith.index_cast %parallel_loop3A_192 : i32 to index
        %parallel_loop3A_269 = arith.constant 112 : index
        %parallel_loop3A_270 = tpu.vector_load %arg27[%parallel_loop3A_268, %parallel_loop3A_269] {strides = array<i32>} : memref<128x128xf32, #tpu.memory_space<vmem>>, vector<16xf32>,
        %parallel_loop3A_271 = arith.mulf %parallel_loop3A_270, %parallel_loop3A_218 : vector<16xf32>
        %parallel_loop3A_272 = arith.index_cast %parallel_loop3A_192 : i32 to index
        %parallel_loop3A_273 = arith.constant 112 : index
        %parallel_loop3A_274 = tpu.vector_load %arg28[%parallel_loop3A_272, %parallel_loop3A_273] {strides = array<i32>} : memref<128x128xf32, #tpu.memory_space<vmem>>, vector<16xf32>,
        tpu.vector_store %arg28[%parallel_loop3A_272, %parallel_loop3A_273], %parallel_loop3A_271 {strides = array<i32>} : memref<128x128xf32, #tpu.memory_space<vmem>>, vector<16xf32>,
      } {sc.loop_unroll_factor = 4 : i64, sc.parallel_access}
      "tpu.region"() ({
        %run_scoped3A = tpu.sem_alloc : memref<!tpu.dma_semaphore, #tpu.memory_space<semaphore_mem>>
        %dma_start3A_192 = arith.constant 0 : i32
        %dma_start3A_193 = arith.constant 0 : i32
        %dma_start3A_194 = tpu.memref_slice %arg31[%dma_start3A_192, %dma_start3A_193] : memref<5120x128xf32, #tpu.memory_space<vmem_shared>> -> memref<5120x128xf32, #tpu.memory_space<vmem_shared>>
        tpu.enqueue_indirect_dma source(%arg28 : memref<128x128xf32, #tpu.memory_space<vmem>>) target(%dma_start3A_194 : memref<5120x128xf32, #tpu.memory_space<vmem_shared>>) offsets(%arg24 : memref<128xi32, #tpu.memory_space<vmem>>) semaphore(%run_scoped3A : memref<!tpu.dma_semaphore, #tpu.memory_space<semaphore_mem>>) {add = true}
        %dma_wait3A_195 = arith.constant 0 : i32
        %dma_wait3A_196 = arith.constant 0 : i32
        %dma_wait3A_197 = tpu.memref_slice %arg31[%dma_wait3A_195, %dma_wait3A_196] : memref<5120x128xf32, #tpu.memory_space<vmem_shared>> -> memref<5120x128xf32, #tpu.memory_space<vmem_shared>>
        tpu.wait_indirect_dma semaphore(%run_scoped3A : memref<!tpu.dma_semaphore, #tpu.memory_space<semaphore_mem>>) src(%arg28 : memref<128x128xf32, #tpu.memory_space<vmem>>) dst(%dma_wait3A_197 : memref<5120x128xf32, #tpu.memory_space<vmem_shared>>)
        tpu.yield
      }) : () -> ()
    }
    %scan3A_62 = arith.constant 49 : i32
    %barrier3A_63 = arith.constant 0 : index
    tpu.barrier barrier_id(%barrier3A_63)
    %add3A_64 = arith.constant 5000 : i32
    %add3A_65 = arith.addi %add3A_64, %mul3A_30 : i32
    "tpu.region"() ({
      %run_scoped3A = tpu.sem_alloc : memref<!tpu.dma_semaphore, #tpu.memory_space<semaphore_mem>>
      %dma_start3A = arith.constant 0 : i32
      %dma_start3A_146 = tpu.memref_slice %arg12[%arg0, %add3A_65, %dma_start3A] : memref<2x10120x128xf32, #tpu.memory_space<hbm>> -> memref<1x320x128xf32, #tpu.memory_space<hbm>>
      %dma_start3A_147 = tpu.memref_squeeze %dma_start3A_146 : memref<1x320x128xf32, #tpu.memory_space<hbm>> -> memref<320x128xf32, #tpu.memory_space<hbm>>
      %dma_start3A_148 = arith.constant 0 : i32
      %dma_start3A_149 = tpu.memref_slice %arg31[%mul3A_30, %dma_start3A_148] : memref<5120x128xf32, #tpu.memory_space<vmem_shared>> -> memref<320x128xf32, #tpu.memory_space<vmem_shared>>
      tpu.enqueue_dma source(%dma_start3A_149 : memref<320x128xf32, #tpu.memory_space<vmem_shared>>) target(%dma_start3A_147 : memref<320x128xf32, #tpu.memory_space<hbm>>) target_semaphore(%run_scoped3A : memref<!tpu.dma_semaphore, #tpu.memory_space<semaphore_mem>>)
      %dma_wait3A = arith.constant 0 : i32
      %dma_wait3A_150 = tpu.memref_slice %arg12[%arg0, %add3A_65, %dma_wait3A] : memref<2x10120x128xf32, #tpu.memory_space<hbm>> -> memref<1x320x128xf32, #tpu.memory_space<hbm>>
      %dma_wait3A_151 = tpu.memref_squeeze %dma_wait3A_150 : memref<1x320x128xf32, #tpu.memory_space<hbm>> -> memref<320x128xf32, #tpu.memory_space<hbm>>
      %dma_wait3A_152 = arith.constant 0 : i32
      %dma_wait3A_153 = tpu.memref_slice %arg31[%mul3A_30, %dma_wait3A_152] : memref<5120x128xf32, #tpu.memory_space<vmem_shared>> -> memref<320x128xf32, #tpu.memory_space<vmem_shared>>
      tpu.wait_dma2 semaphore(%run_scoped3A : memref<!tpu.dma_semaphore, #tpu.memory_space<semaphore_mem>>) src(%dma_wait3A_153 : memref<320x128xf32, #tpu.memory_space<vmem_shared>>) dst(%dma_wait3A_151 : memref<320x128xf32, #tpu.memory_space<hbm>>)
      tpu.yield
    }) : () -> ()
    %barrier3A_66 = arith.constant 0 : index
    tpu.barrier barrier_id(%barrier3A_66)
    %broadcast_in_dim3A_67 = arith.constant 0.000000e+00 : f32
    %broadcast_in_dim3A_68 = vector.broadcast %broadcast_in_dim3A_67 : f32 to vector<16xf32>
    %iota3A_69 = tpu.iota {dimensions = array<i32: 0>} : vector<16xi32>
    %shift_right_logical3A_70 = arith.constant 3 : i32
    %shift_right_logical3A_71 = vector.broadcast %shift_right_logical3A_70 : i32 to vector<16xi32>
    %shift_right_logical3A_72 = arith.shrui %iota3A_69, %shift_right_logical3A_71 : vector<16xi32>
    %and3A_73 = arith.constant 7 : i32
    %and3A_74 = vector.broadcast %and3A_73 : i32 to vector<16xi32>
    %and3A_75 = arith.andi %iota3A_69, %and3A_74 : vector<16xi32>
    %mul3A_76 = arith.constant 16 : i32
    %mul3A_77 = vector.broadcast %mul3A_76 : i32 to vector<16xi32>
    %mul3A_78 = arith.muli %and3A_75, %mul3A_77 : vector<16xi32>
    %broadcast_in_dim3A_79 = arith.constant 0.000000e+00 : f32
    %broadcast_in_dim3A_80 = vector.broadcast %broadcast_in_dim3A_79 : f32 to vector<16xf32>
    %scan3A_81 = arith.constant 0 : i32
    %scan3A_82 = arith.constant 128 : i32
    %scan3A_83 = arith.addi %scan3A_81, %scan3A_82 : i32
    %scan3A_84 = arith.constant 1 : i32
    scf.for %scan3A_146 = %scan3A_81 to %scan3A_83 step %scan3A_84  : i32 {
      %mul3A_147 = arith.constant 1 : i32
      %mul3A_148 = arith.muli %scan3A_146, %mul3A_147 : i32
      %add3A_149 = arith.constant 0 : i32
      %add3A_150 = arith.addi %add3A_149, %mul3A_148 : i32
      %swap3A = arith.index_cast %add3A_150 : i32 to index
      %swap3A_151 = arith.constant 0 : index
      %swap3A_152 = tpu.vector_load %arg28[%swap3A, %swap3A_151] {strides = array<i32>} : memref<128x128xf32, #tpu.memory_space<vmem>>, vector<16xf32>,
      tpu.vector_store %arg28[%swap3A, %swap3A_151], %broadcast_in_dim3A_80 {strides = array<i32>} : memref<128x128xf32, #tpu.memory_space<vmem>>, vector<16xf32>,
      %swap3A_153 = arith.index_cast %add3A_150 : i32 to index
      %swap3A_154 = arith.constant 16 : index
      %swap3A_155 = tpu.vector_load %arg28[%swap3A_153, %swap3A_154] {strides = array<i32>} : memref<128x128xf32, #tpu.memory_space<vmem>>, vector<16xf32>,
      tpu.vector_store %arg28[%swap3A_153, %swap3A_154], %broadcast_in_dim3A_80 {strides = array<i32>} : memref<128x128xf32, #tpu.memory_space<vmem>>, vector<16xf32>,
      %swap3A_156 = arith.index_cast %add3A_150 : i32 to index
      %swap3A_157 = arith.constant 32 : index
      %swap3A_158 = tpu.vector_load %arg28[%swap3A_156, %swap3A_157] {strides = array<i32>} : memref<128x128xf32, #tpu.memory_space<vmem>>, vector<16xf32>,
      tpu.vector_store %arg28[%swap3A_156, %swap3A_157], %broadcast_in_dim3A_80 {strides = array<i32>} : memref<128x128xf32, #tpu.memory_space<vmem>>, vector<16xf32>,
      %swap3A_159 = arith.index_cast %add3A_150 : i32 to index
      %swap3A_160 = arith.constant 48 : index
      %swap3A_161 = tpu.vector_load %arg28[%swap3A_159, %swap3A_160] {strides = array<i32>} : memref<128x128xf32, #tpu.memory_space<vmem>>, vector<16xf32>,
      tpu.vector_store %arg28[%swap3A_159, %swap3A_160], %broadcast_in_dim3A_80 {strides = array<i32>} : memref<128x128xf32, #tpu.memory_space<vmem>>, vector<16xf32>,
      %swap3A_162 = arith.index_cast %add3A_150 : i32 to index
      %swap3A_163 = arith.constant 64 : index
      %swap3A_164 = tpu.vector_load %arg28[%swap3A_162, %swap3A_163] {strides = array<i32>} : memref<128x128xf32, #tpu.memory_space<vmem>>, vector<16xf32>,
      tpu.vector_store %arg28[%swap3A_162, %swap3A_163], %broadcast_in_dim3A_80 {strides = array<i32>} : memref<128x128xf32, #tpu.memory_space<vmem>>, vector<16xf32>,
      %swap3A_165 = arith.index_cast %add3A_150 : i32 to index
      %swap3A_166 = arith.constant 80 : index
      %swap3A_167 = tpu.vector_load %arg28[%swap3A_165, %swap3A_166] {strides = array<i32>} : memref<128x128xf32, #tpu.memory_space<vmem>>, vector<16xf32>,
      tpu.vector_store %arg28[%swap3A_165, %swap3A_166], %broadcast_in_dim3A_80 {strides = array<i32>} : memref<128x128xf32, #tpu.memory_space<vmem>>, vector<16xf32>,
      %swap3A_168 = arith.index_cast %add3A_150 : i32 to index
      %swap3A_169 = arith.constant 96 : index
      %swap3A_170 = tpu.vector_load %arg28[%swap3A_168, %swap3A_169] {strides = array<i32>} : memref<128x128xf32, #tpu.memory_space<vmem>>, vector<16xf32>,
      tpu.vector_store %arg28[%swap3A_168, %swap3A_169], %broadcast_in_dim3A_80 {strides = array<i32>} : memref<128x128xf32, #tpu.memory_space<vmem>>, vector<16xf32>,
      %swap3A_171 = arith.index_cast %add3A_150 : i32 to index
      %swap3A_172 = arith.constant 112 : index
      %swap3A_173 = tpu.vector_load %arg28[%swap3A_171, %swap3A_172] {strides = array<i32>} : memref<128x128xf32, #tpu.memory_space<vmem>>, vector<16xf32>,
      tpu.vector_store %arg28[%swap3A_171, %swap3A_172], %broadcast_in_dim3A_80 {strides = array<i32>} : memref<128x128xf32, #tpu.memory_space<vmem>>, vector<16xf32>,
    }
    %scan3A_85 = arith.constant 128 : i32
    %scan3A_86 = arith.constant 0 : i32
    %scan3A_87 = arith.constant 128 : i32
    %scan3A_88 = arith.addi %scan3A_86, %scan3A_87 : i32
    %scan3A_89 = arith.constant 1 : i32
    scf.for %scan3A_146 = %scan3A_86 to %scan3A_88 step %scan3A_89  : i32 {
      %mul3A_147 = arith.constant 1 : i32
      %mul3A_148 = arith.muli %scan3A_146, %mul3A_147 : i32
      %add3A_149 = arith.constant 0 : i32
      %add3A_150 = arith.addi %add3A_149, %mul3A_148 : i32
      %swap3A = arith.index_cast %add3A_150 : i32 to index
      %swap3A_151 = arith.constant 0 : index
      %swap3A_152 = tpu.vector_load %arg29[%swap3A, %swap3A_151] {strides = array<i32>} : memref<128x128xf32, #tpu.memory_space<vmem>>, vector<16xf32>,
      tpu.vector_store %arg29[%swap3A, %swap3A_151], %broadcast_in_dim3A_68 {strides = array<i32>} : memref<128x128xf32, #tpu.memory_space<vmem>>, vector<16xf32>,
      %swap3A_153 = arith.index_cast %add3A_150 : i32 to index
      %swap3A_154 = arith.constant 16 : index
      %swap3A_155 = tpu.vector_load %arg29[%swap3A_153, %swap3A_154] {strides = array<i32>} : memref<128x128xf32, #tpu.memory_space<vmem>>, vector<16xf32>,
      tpu.vector_store %arg29[%swap3A_153, %swap3A_154], %broadcast_in_dim3A_68 {strides = array<i32>} : memref<128x128xf32, #tpu.memory_space<vmem>>, vector<16xf32>,
      %swap3A_156 = arith.index_cast %add3A_150 : i32 to index
      %swap3A_157 = arith.constant 32 : index
      %swap3A_158 = tpu.vector_load %arg29[%swap3A_156, %swap3A_157] {strides = array<i32>} : memref<128x128xf32, #tpu.memory_space<vmem>>, vector<16xf32>,
      tpu.vector_store %arg29[%swap3A_156, %swap3A_157], %broadcast_in_dim3A_68 {strides = array<i32>} : memref<128x128xf32, #tpu.memory_space<vmem>>, vector<16xf32>,
      %swap3A_159 = arith.index_cast %add3A_150 : i32 to index
      %swap3A_160 = arith.constant 48 : index
      %swap3A_161 = tpu.vector_load %arg29[%swap3A_159, %swap3A_160] {strides = array<i32>} : memref<128x128xf32, #tpu.memory_space<vmem>>, vector<16xf32>,
      tpu.vector_store %arg29[%swap3A_159, %swap3A_160], %broadcast_in_dim3A_68 {strides = array<i32>} : memref<128x128xf32, #tpu.memory_space<vmem>>, vector<16xf32>,
      %swap3A_162 = arith.index_cast %add3A_150 : i32 to index
      %swap3A_163 = arith.constant 64 : index
      %swap3A_164 = tpu.vector_load %arg29[%swap3A_162, %swap3A_163] {strides = array<i32>} : memref<128x128xf32, #tpu.memory_space<vmem>>, vector<16xf32>,
      tpu.vector_store %arg29[%swap3A_162, %swap3A_163], %broadcast_in_dim3A_68 {strides = array<i32>} : memref<128x128xf32, #tpu.memory_space<vmem>>, vector<16xf32>,
      %swap3A_165 = arith.index_cast %add3A_150 : i32 to index
      %swap3A_166 = arith.constant 80 : index
      %swap3A_167 = tpu.vector_load %arg29[%swap3A_165, %swap3A_166] {strides = array<i32>} : memref<128x128xf32, #tpu.memory_space<vmem>>, vector<16xf32>,
      tpu.vector_store %arg29[%swap3A_165, %swap3A_166], %broadcast_in_dim3A_68 {strides = array<i32>} : memref<128x128xf32, #tpu.memory_space<vmem>>, vector<16xf32>,
      %swap3A_168 = arith.index_cast %add3A_150 : i32 to index
      %swap3A_169 = arith.constant 96 : index
      %swap3A_170 = tpu.vector_load %arg29[%swap3A_168, %swap3A_169] {strides = array<i32>} : memref<128x128xf32, #tpu.memory_space<vmem>>, vector<16xf32>,
      tpu.vector_store %arg29[%swap3A_168, %swap3A_169], %broadcast_in_dim3A_68 {strides = array<i32>} : memref<128x128xf32, #tpu.memory_space<vmem>>, vector<16xf32>,
      %swap3A_171 = arith.index_cast %add3A_150 : i32 to index
      %swap3A_172 = arith.constant 112 : index
      %swap3A_173 = tpu.vector_load %arg29[%swap3A_171, %swap3A_172] {strides = array<i32>} : memref<128x128xf32, #tpu.memory_space<vmem>>, vector<16xf32>,
      tpu.vector_store %arg29[%swap3A_171, %swap3A_172], %broadcast_in_dim3A_68 {strides = array<i32>} : memref<128x128xf32, #tpu.memory_space<vmem>>, vector<16xf32>,
    }
    %scan3A_90 = arith.constant 128 : i32
    %mul3A_91 = arith.constant 320 : i32
    %mul3A_92 = arith.muli %mul3A_91, %arg1 : i32
    %add3A_93 = arith.constant 0 : i32
    %add3A_94 = arith.addi %mul3A_92, %add3A_93 : i32
    "tpu.region"() ({
      %run_scoped3A = tpu.sem_alloc : memref<!tpu.dma_semaphore, #tpu.memory_space<semaphore_mem>>
      %dma_start3A = arith.constant 0 : i32
      %dma_start3A_146 = arith.constant 0 : i32
      %dma_start3A_147 = tpu.memref_slice %arg28[%dma_start3A, %dma_start3A_146] : memref<128x128xf32, #tpu.memory_space<vmem>> -> memref<128x128xf32, #tpu.memory_space<vmem>>
      %dma_start3A_148 = arith.constant 0 : i32
      %dma_start3A_149 = tpu.memref_slice %arg31[%add3A_94, %dma_start3A_148] : memref<5120x128xf32, #tpu.memory_space<vmem_shared>> -> memref<128x128xf32, #tpu.memory_space<vmem_shared>>
      %dma_start3A_150 = arith.constant 0 : i32
      %dma_start3A_151 = tpu.memref_slice %arg31[%add3A_94, %dma_start3A_150] : memref<5120x128xf32, #tpu.memory_space<vmem_shared>> -> memref<128x128xf32, #tpu.memory_space<vmem_shared>>
      %dma_start3A_152 = arith.constant 0 : i32
      %dma_start3A_153 = arith.constant 0 : i32
      %dma_start3A_154 = tpu.memref_slice %arg28[%dma_start3A_152, %dma_start3A_153] : memref<128x128xf32, #tpu.memory_space<vmem>> -> memref<128x128xf32, #tpu.memory_space<vmem>>
      tpu.enqueue_dma source(%dma_start3A_154 : memref<128x128xf32, #tpu.memory_space<vmem>>) target(%dma_start3A_151 : memref<128x128xf32, #tpu.memory_space<vmem_shared>>) target_semaphore(%run_scoped3A : memref<!tpu.dma_semaphore, #tpu.memory_space<semaphore_mem>>)
      %dma_wait3A = arith.constant 0 : i32
      %dma_wait3A_155 = arith.constant 0 : i32
      %dma_wait3A_156 = tpu.memref_slice %arg28[%dma_wait3A, %dma_wait3A_155] : memref<128x128xf32, #tpu.memory_space<vmem>> -> memref<128x128xf32, #tpu.memory_space<vmem>>
      %dma_wait3A_157 = arith.constant 0 : i32
      %dma_wait3A_158 = tpu.memref_slice %arg31[%add3A_94, %dma_wait3A_157] : memref<5120x128xf32, #tpu.memory_space<vmem_shared>> -> memref<128x128xf32, #tpu.memory_space<vmem_shared>>
      %dma_wait3A_159 = arith.constant 0 : i32
      %dma_wait3A_160 = tpu.memref_slice %arg31[%add3A_94, %dma_wait3A_159] : memref<5120x128xf32, #tpu.memory_space<vmem_shared>> -> memref<128x128xf32, #tpu.memory_space<vmem_shared>>
      %dma_wait3A_161 = arith.constant 0 : i32
      %dma_wait3A_162 = arith.constant 0 : i32
      %dma_wait3A_163 = tpu.memref_slice %arg28[%dma_wait3A_161, %dma_wait3A_162] : memref<128x128xf32, #tpu.memory_space<vmem>> -> memref<128x128xf32, #tpu.memory_space<vmem>>
      tpu.wait_dma2 semaphore(%run_scoped3A : memref<!tpu.dma_semaphore, #tpu.memory_space<semaphore_mem>>) src(%dma_wait3A_163 : memref<128x128xf32, #tpu.memory_space<vmem>>) dst(%dma_wait3A_160 : memref<128x128xf32, #tpu.memory_space<vmem_shared>>)
      tpu.yield
    }) : () -> ()
    %add3A_95 = arith.constant 128 : i32
    %add3A_96 = arith.addi %mul3A_92, %add3A_95 : i32
    "tpu.region"() ({
      %run_scoped3A = tpu.sem_alloc : memref<!tpu.dma_semaphore, #tpu.memory_space<semaphore_mem>>
      %dma_start3A = arith.constant 0 : i32
      %dma_start3A_146 = arith.constant 0 : i32
      %dma_start3A_147 = tpu.memref_slice %arg28[%dma_start3A, %dma_start3A_146] : memref<128x128xf32, #tpu.memory_space<vmem>> -> memref<128x128xf32, #tpu.memory_space<vmem>>
      %dma_start3A_148 = arith.constant 0 : i32
      %dma_start3A_149 = tpu.memref_slice %arg31[%add3A_96, %dma_start3A_148] : memref<5120x128xf32, #tpu.memory_space<vmem_shared>> -> memref<128x128xf32, #tpu.memory_space<vmem_shared>>
      %dma_start3A_150 = arith.constant 0 : i32
      %dma_start3A_151 = tpu.memref_slice %arg31[%add3A_96, %dma_start3A_150] : memref<5120x128xf32, #tpu.memory_space<vmem_shared>> -> memref<128x128xf32, #tpu.memory_space<vmem_shared>>
      %dma_start3A_152 = arith.constant 0 : i32
      %dma_start3A_153 = arith.constant 0 : i32
      %dma_start3A_154 = tpu.memref_slice %arg28[%dma_start3A_152, %dma_start3A_153] : memref<128x128xf32, #tpu.memory_space<vmem>> -> memref<128x128xf32, #tpu.memory_space<vmem>>
      tpu.enqueue_dma source(%dma_start3A_154 : memref<128x128xf32, #tpu.memory_space<vmem>>) target(%dma_start3A_151 : memref<128x128xf32, #tpu.memory_space<vmem_shared>>) target_semaphore(%run_scoped3A : memref<!tpu.dma_semaphore, #tpu.memory_space<semaphore_mem>>)
      %dma_wait3A = arith.constant 0 : i32
      %dma_wait3A_155 = arith.constant 0 : i32
      %dma_wait3A_156 = tpu.memref_slice %arg28[%dma_wait3A, %dma_wait3A_155] : memref<128x128xf32, #tpu.memory_space<vmem>> -> memref<128x128xf32, #tpu.memory_space<vmem>>
      %dma_wait3A_157 = arith.constant 0 : i32
      %dma_wait3A_158 = tpu.memref_slice %arg31[%add3A_96, %dma_wait3A_157] : memref<5120x128xf32, #tpu.memory_space<vmem_shared>> -> memref<128x128xf32, #tpu.memory_space<vmem_shared>>
      %dma_wait3A_159 = arith.constant 0 : i32
      %dma_wait3A_160 = tpu.memref_slice %arg31[%add3A_96, %dma_wait3A_159] : memref<5120x128xf32, #tpu.memory_space<vmem_shared>> -> memref<128x128xf32, #tpu.memory_space<vmem_shared>>
      %dma_wait3A_161 = arith.constant 0 : i32
      %dma_wait3A_162 = arith.constant 0 : i32
      %dma_wait3A_163 = tpu.memref_slice %arg28[%dma_wait3A_161, %dma_wait3A_162] : memref<128x128xf32, #tpu.memory_space<vmem>> -> memref<128x128xf32, #tpu.memory_space<vmem>>
      tpu.wait_dma2 semaphore(%run_scoped3A : memref<!tpu.dma_semaphore, #tpu.memory_space<semaphore_mem>>) src(%dma_wait3A_163 : memref<128x128xf32, #tpu.memory_space<vmem>>) dst(%dma_wait3A_160 : memref<128x128xf32, #tpu.memory_space<vmem_shared>>)
      tpu.yield
    }) : () -> ()
    %add3A_97 = arith.constant 256 : i32
    %add3A_98 = arith.addi %mul3A_92, %add3A_97 : i32
    "tpu.region"() ({
      %run_scoped3A = tpu.sem_alloc : memref<!tpu.dma_semaphore, #tpu.memory_space<semaphore_mem>>
      %dma_start3A = arith.constant 0 : i32
      %dma_start3A_146 = arith.constant 0 : i32
      %dma_start3A_147 = tpu.memref_slice %arg28[%dma_start3A, %dma_start3A_146] : memref<128x128xf32, #tpu.memory_space<vmem>> -> memref<64x128xf32, #tpu.memory_space<vmem>>
      %dma_start3A_148 = arith.constant 0 : i32
      %dma_start3A_149 = tpu.memref_slice %arg31[%add3A_98, %dma_start3A_148] : memref<5120x128xf32, #tpu.memory_space<vmem_shared>> -> memref<64x128xf32, #tpu.memory_space<vmem_shared>>
      %dma_start3A_150 = arith.constant 0 : i32
      %dma_start3A_151 = tpu.memref_slice %arg31[%add3A_98, %dma_start3A_150] : memref<5120x128xf32, #tpu.memory_space<vmem_shared>> -> memref<64x128xf32, #tpu.memory_space<vmem_shared>>
      %dma_start3A_152 = arith.constant 0 : i32
      %dma_start3A_153 = arith.constant 0 : i32
      %dma_start3A_154 = tpu.memref_slice %arg28[%dma_start3A_152, %dma_start3A_153] : memref<128x128xf32, #tpu.memory_space<vmem>> -> memref<64x128xf32, #tpu.memory_space<vmem>>
      tpu.enqueue_dma source(%dma_start3A_154 : memref<64x128xf32, #tpu.memory_space<vmem>>) target(%dma_start3A_151 : memref<64x128xf32, #tpu.memory_space<vmem_shared>>) target_semaphore(%run_scoped3A : memref<!tpu.dma_semaphore, #tpu.memory_space<semaphore_mem>>)
      %dma_wait3A = arith.constant 0 : i32
      %dma_wait3A_155 = arith.constant 0 : i32
      %dma_wait3A_156 = tpu.memref_slice %arg28[%dma_wait3A, %dma_wait3A_155] : memref<128x128xf32, #tpu.memory_space<vmem>> -> memref<64x128xf32, #tpu.memory_space<vmem>>
      %dma_wait3A_157 = arith.constant 0 : i32
      %dma_wait3A_158 = tpu.memref_slice %arg31[%add3A_98, %dma_wait3A_157] : memref<5120x128xf32, #tpu.memory_space<vmem_shared>> -> memref<64x128xf32, #tpu.memory_space<vmem_shared>>
      %dma_wait3A_159 = arith.constant 0 : i32
      %dma_wait3A_160 = tpu.memref_slice %arg31[%add3A_98, %dma_wait3A_159] : memref<5120x128xf32, #tpu.memory_space<vmem_shared>> -> memref<64x128xf32, #tpu.memory_space<vmem_shared>>
      %dma_wait3A_161 = arith.constant 0 : i32
      %dma_wait3A_162 = arith.constant 0 : i32
      %dma_wait3A_163 = tpu.memref_slice %arg28[%dma_wait3A_161, %dma_wait3A_162] : memref<128x128xf32, #tpu.memory_space<vmem>> -> memref<64x128xf32, #tpu.memory_space<vmem>>
      tpu.wait_dma2 semaphore(%run_scoped3A : memref<!tpu.dma_semaphore, #tpu.memory_space<semaphore_mem>>) src(%dma_wait3A_163 : memref<64x128xf32, #tpu.memory_space<vmem>>) dst(%dma_wait3A_160 : memref<64x128xf32, #tpu.memory_space<vmem_shared>>)
      tpu.yield
    }) : () -> ()
    %eq3A_99 = arith.constant 0 : i32
    %eq3A_100 = arith.cmpi eq, %arg1, %eq3A_99 : i32
    %convert_element_type3A_101 = arith.extui %eq3A_100 : i1 to i32
    %cond3A_102 = arith.constant 0 : i32
    %cond3A_103 = arith.cmpi ne, %convert_element_type3A_101, %cond3A_102 : i32
    scf.if %cond3A_103 {
      "tpu.region"() ({
        %run_scoped3A = tpu.sem_alloc : memref<!tpu.dma_semaphore, #tpu.memory_space<semaphore_mem>>
        %dma_start3A = arith.constant 0 : i32
        %dma_start3A_146 = arith.constant 0 : i32
        %dma_start3A_147 = tpu.memref_slice %arg28[%dma_start3A, %dma_start3A_146] : memref<128x128xf32, #tpu.memory_space<vmem>> -> memref<128x128xf32, #tpu.memory_space<vmem>>
        %dma_start3A_148 = arith.constant 0 : i32
        %dma_start3A_149 = arith.constant 0 : i32
        %dma_start3A_150 = tpu.memref_slice %arg32[%dma_start3A_148, %dma_start3A_149] : memref<320x128xf32, #tpu.memory_space<vmem_shared>> -> memref<128x128xf32, #tpu.memory_space<vmem_shared>>
        %dma_start3A_151 = arith.constant 0 : i32
        %dma_start3A_152 = arith.constant 0 : i32
        %dma_start3A_153 = tpu.memref_slice %arg32[%dma_start3A_151, %dma_start3A_152] : memref<320x128xf32, #tpu.memory_space<vmem_shared>> -> memref<128x128xf32, #tpu.memory_space<vmem_shared>>
        %dma_start3A_154 = arith.constant 0 : i32
        %dma_start3A_155 = arith.constant 0 : i32
        %dma_start3A_156 = tpu.memref_slice %arg28[%dma_start3A_154, %dma_start3A_155] : memref<128x128xf32, #tpu.memory_space<vmem>> -> memref<128x128xf32, #tpu.memory_space<vmem>>
        tpu.enqueue_dma source(%dma_start3A_156 : memref<128x128xf32, #tpu.memory_space<vmem>>) target(%dma_start3A_153 : memref<128x128xf32, #tpu.memory_space<vmem_shared>>) target_semaphore(%run_scoped3A : memref<!tpu.dma_semaphore, #tpu.memory_space<semaphore_mem>>)
        %dma_wait3A = arith.constant 0 : i32
        %dma_wait3A_157 = arith.constant 0 : i32
        %dma_wait3A_158 = tpu.memref_slice %arg28[%dma_wait3A, %dma_wait3A_157] : memref<128x128xf32, #tpu.memory_space<vmem>> -> memref<128x128xf32, #tpu.memory_space<vmem>>
        %dma_wait3A_159 = arith.constant 0 : i32
        %dma_wait3A_160 = arith.constant 0 : i32
        %dma_wait3A_161 = tpu.memref_slice %arg32[%dma_wait3A_159, %dma_wait3A_160] : memref<320x128xf32, #tpu.memory_space<vmem_shared>> -> memref<128x128xf32, #tpu.memory_space<vmem_shared>>
        %dma_wait3A_162 = arith.constant 0 : i32
        %dma_wait3A_163 = arith.constant 0 : i32
        %dma_wait3A_164 = tpu.memref_slice %arg32[%dma_wait3A_162, %dma_wait3A_163] : memref<320x128xf32, #tpu.memory_space<vmem_shared>> -> memref<128x128xf32, #tpu.memory_space<vmem_shared>>
        %dma_wait3A_165 = arith.constant 0 : i32
        %dma_wait3A_166 = arith.constant 0 : i32
        %dma_wait3A_167 = tpu.memref_slice %arg28[%dma_wait3A_165, %dma_wait3A_166] : memref<128x128xf32, #tpu.memory_space<vmem>> -> memref<128x128xf32, #tpu.memory_space<vmem>>
        tpu.wait_dma2 semaphore(%run_scoped3A : memref<!tpu.dma_semaphore, #tpu.memory_space<semaphore_mem>>) src(%dma_wait3A_167 : memref<128x128xf32, #tpu.memory_space<vmem>>) dst(%dma_wait3A_164 : memref<128x128xf32, #tpu.memory_space<vmem_shared>>)
        tpu.yield
      }) : () -> ()
      "tpu.region"() ({
        %run_scoped3A = tpu.sem_alloc : memref<!tpu.dma_semaphore, #tpu.memory_space<semaphore_mem>>
        %dma_start3A = arith.constant 0 : i32
        %dma_start3A_146 = arith.constant 0 : i32
        %dma_start3A_147 = tpu.memref_slice %arg28[%dma_start3A, %dma_start3A_146] : memref<128x128xf32, #tpu.memory_space<vmem>> -> memref<128x128xf32, #tpu.memory_space<vmem>>
        %dma_start3A_148 = arith.constant 128 : i32
        %dma_start3A_149 = arith.constant 0 : i32
        %dma_start3A_150 = tpu.memref_slice %arg32[%dma_start3A_148, %dma_start3A_149] : memref<320x128xf32, #tpu.memory_space<vmem_shared>> -> memref<128x128xf32, #tpu.memory_space<vmem_shared>>
        %dma_start3A_151 = arith.constant 128 : i32
        %dma_start3A_152 = arith.constant 0 : i32
        %dma_start3A_153 = tpu.memref_slice %arg32[%dma_start3A_151, %dma_start3A_152] : memref<320x128xf32, #tpu.memory_space<vmem_shared>> -> memref<128x128xf32, #tpu.memory_space<vmem_shared>>
        %dma_start3A_154 = arith.constant 0 : i32
        %dma_start3A_155 = arith.constant 0 : i32
        %dma_start3A_156 = tpu.memref_slice %arg28[%dma_start3A_154, %dma_start3A_155] : memref<128x128xf32, #tpu.memory_space<vmem>> -> memref<128x128xf32, #tpu.memory_space<vmem>>
        tpu.enqueue_dma source(%dma_start3A_156 : memref<128x128xf32, #tpu.memory_space<vmem>>) target(%dma_start3A_153 : memref<128x128xf32, #tpu.memory_space<vmem_shared>>) target_semaphore(%run_scoped3A : memref<!tpu.dma_semaphore, #tpu.memory_space<semaphore_mem>>)
        %dma_wait3A = arith.constant 0 : i32
        %dma_wait3A_157 = arith.constant 0 : i32
        %dma_wait3A_158 = tpu.memref_slice %arg28[%dma_wait3A, %dma_wait3A_157] : memref<128x128xf32, #tpu.memory_space<vmem>> -> memref<128x128xf32, #tpu.memory_space<vmem>>
        %dma_wait3A_159 = arith.constant 128 : i32
        %dma_wait3A_160 = arith.constant 0 : i32
        %dma_wait3A_161 = tpu.memref_slice %arg32[%dma_wait3A_159, %dma_wait3A_160] : memref<320x128xf32, #tpu.memory_space<vmem_shared>> -> memref<128x128xf32, #tpu.memory_space<vmem_shared>>
        %dma_wait3A_162 = arith.constant 128 : i32
        %dma_wait3A_163 = arith.constant 0 : i32
        %dma_wait3A_164 = tpu.memref_slice %arg32[%dma_wait3A_162, %dma_wait3A_163] : memref<320x128xf32, #tpu.memory_space<vmem_shared>> -> memref<128x128xf32, #tpu.memory_space<vmem_shared>>
        %dma_wait3A_165 = arith.constant 0 : i32
        %dma_wait3A_166 = arith.constant 0 : i32
        %dma_wait3A_167 = tpu.memref_slice %arg28[%dma_wait3A_165, %dma_wait3A_166] : memref<128x128xf32, #tpu.memory_space<vmem>> -> memref<128x128xf32, #tpu.memory_space<vmem>>
        tpu.wait_dma2 semaphore(%run_scoped3A : memref<!tpu.dma_semaphore, #tpu.memory_space<semaphore_mem>>) src(%dma_wait3A_167 : memref<128x128xf32, #tpu.memory_space<vmem>>) dst(%dma_wait3A_164 : memref<128x128xf32, #tpu.memory_space<vmem_shared>>)
        tpu.yield
      }) : () -> ()
      "tpu.region"() ({
        %run_scoped3A = tpu.sem_alloc : memref<!tpu.dma_semaphore, #tpu.memory_space<semaphore_mem>>
        %dma_start3A = arith.constant 0 : i32
        %dma_start3A_146 = arith.constant 0 : i32
        %dma_start3A_147 = tpu.memref_slice %arg28[%dma_start3A, %dma_start3A_146] : memref<128x128xf32, #tpu.memory_space<vmem>> -> memref<64x128xf32, #tpu.memory_space<vmem>>
        %dma_start3A_148 = arith.constant 256 : i32
        %dma_start3A_149 = arith.constant 0 : i32
        %dma_start3A_150 = tpu.memref_slice %arg32[%dma_start3A_148, %dma_start3A_149] : memref<320x128xf32, #tpu.memory_space<vmem_shared>> -> memref<64x128xf32, #tpu.memory_space<vmem_shared>>
        %dma_start3A_151 = arith.constant 256 : i32
        %dma_start3A_152 = arith.constant 0 : i32
        %dma_start3A_153 = tpu.memref_slice %arg32[%dma_start3A_151, %dma_start3A_152] : memref<320x128xf32, #tpu.memory_space<vmem_shared>> -> memref<64x128xf32, #tpu.memory_space<vmem_shared>>
        %dma_start3A_154 = arith.constant 0 : i32
        %dma_start3A_155 = arith.constant 0 : i32
        %dma_start3A_156 = tpu.memref_slice %arg28[%dma_start3A_154, %dma_start3A_155] : memref<128x128xf32, #tpu.memory_space<vmem>> -> memref<64x128xf32, #tpu.memory_space<vmem>>
        tpu.enqueue_dma source(%dma_start3A_156 : memref<64x128xf32, #tpu.memory_space<vmem>>) target(%dma_start3A_153 : memref<64x128xf32, #tpu.memory_space<vmem_shared>>) target_semaphore(%run_scoped3A : memref<!tpu.dma_semaphore, #tpu.memory_space<semaphore_mem>>)
        %dma_wait3A = arith.constant 0 : i32
        %dma_wait3A_157 = arith.constant 0 : i32
        %dma_wait3A_158 = tpu.memref_slice %arg28[%dma_wait3A, %dma_wait3A_157] : memref<128x128xf32, #tpu.memory_space<vmem>> -> memref<64x128xf32, #tpu.memory_space<vmem>>
        %dma_wait3A_159 = arith.constant 256 : i32
        %dma_wait3A_160 = arith.constant 0 : i32
        %dma_wait3A_161 = tpu.memref_slice %arg32[%dma_wait3A_159, %dma_wait3A_160] : memref<320x128xf32, #tpu.memory_space<vmem_shared>> -> memref<64x128xf32, #tpu.memory_space<vmem_shared>>
        %dma_wait3A_162 = arith.constant 256 : i32
        %dma_wait3A_163 = arith.constant 0 : i32
        %dma_wait3A_164 = tpu.memref_slice %arg32[%dma_wait3A_162, %dma_wait3A_163] : memref<320x128xf32, #tpu.memory_space<vmem_shared>> -> memref<64x128xf32, #tpu.memory_space<vmem_shared>>
        %dma_wait3A_165 = arith.constant 0 : i32
        %dma_wait3A_166 = arith.constant 0 : i32
        %dma_wait3A_167 = tpu.memref_slice %arg28[%dma_wait3A_165, %dma_wait3A_166] : memref<128x128xf32, #tpu.memory_space<vmem>> -> memref<64x128xf32, #tpu.memory_space<vmem>>
        tpu.wait_dma2 semaphore(%run_scoped3A : memref<!tpu.dma_semaphore, #tpu.memory_space<semaphore_mem>>) src(%dma_wait3A_167 : memref<64x128xf32, #tpu.memory_space<vmem>>) dst(%dma_wait3A_164 : memref<64x128xf32, #tpu.memory_space<vmem_shared>>)
        tpu.yield
      }) : () -> ()
    } else {
    }
    %barrier3A_104 = arith.constant 0 : index
    tpu.barrier barrier_id(%barrier3A_104)
    %mul3A_105 = arith.constant 10000 : i32
    %mul3A_106 = arith.muli %arg0, %mul3A_105 : i32
    %mul3A_107 = arith.constant 320 : i32
    %mul3A_108 = arith.muli %mul3A_107, %arg1 : i32
    %scan3A_109 = arith.constant 0 : i32
    %scan3A_110 = arith.constant 49 : i32
    %scan3A_111 = arith.addi %scan3A_109, %scan3A_110 : i32
    %scan3A_112 = arith.constant 1 : i32
    scf.for %scan3A_146 = %scan3A_109 to %scan3A_111 step %scan3A_112  : i32 {
      %mul3A_147 = arith.constant 1 : i32
      %mul3A_148 = arith.muli %scan3A_146, %mul3A_147 : i32
      %add3A_149 = arith.constant 0 : i32
      %add3A_150 = arith.addi %add3A_149, %mul3A_148 : i32
      %mul3A_151 = arith.constant 49 : i32
      %mul3A_152 = arith.muli %arg1, %mul3A_151 : i32
      %add3A_153 = arith.addi %mul3A_152, %add3A_150 : i32
      %mul3A_154 = arith.constant 128 : i32
      %mul3A_155 = arith.muli %add3A_153, %mul3A_154 : i32
      %dma_start3A = tpu.memref_slice %arg10[%mul3A_155] : memref<100352xi32, #tpu.memory_space<hbm>> -> memref<128xi32, #tpu.memory_space<hbm>>
      %dma_start3A_156 = tpu.memref_slice %arg10[%mul3A_155] : memref<100352xi32, #tpu.memory_space<hbm>> -> memref<128xi32, #tpu.memory_space<hbm>>
      tpu.enqueue_dma source(%dma_start3A_156 : memref<128xi32, #tpu.memory_space<hbm>>) target(%arg18 : memref<128xi32, #tpu.memory_space<vmem>>) target_semaphore(%arg33 : memref<!tpu.dma_semaphore, #tpu.memory_space<semaphore_mem>>)
      %dma_start3A_157 = tpu.memref_slice %arg11[%mul3A_155] : memref<100352xi32, #tpu.memory_space<hbm>> -> memref<128xi32, #tpu.memory_space<hbm>>
      %dma_start3A_158 = tpu.memref_slice %arg11[%mul3A_155] : memref<100352xi32, #tpu.memory_space<hbm>> -> memref<128xi32, #tpu.memory_space<hbm>>
      tpu.enqueue_dma source(%dma_start3A_158 : memref<128xi32, #tpu.memory_space<hbm>>) target(%arg19 : memref<128xi32, #tpu.memory_space<vmem>>) target_semaphore(%arg33 : memref<!tpu.dma_semaphore, #tpu.memory_space<semaphore_mem>>)
      %dma_wait3A = tpu.memref_slice %arg10[%mul3A_155] : memref<100352xi32, #tpu.memory_space<hbm>> -> memref<128xi32, #tpu.memory_space<hbm>>
      %dma_wait3A_159 = tpu.memref_slice %arg10[%mul3A_155] : memref<100352xi32, #tpu.memory_space<hbm>> -> memref<128xi32, #tpu.memory_space<hbm>>
      tpu.wait_dma2 semaphore(%arg33 : memref<!tpu.dma_semaphore, #tpu.memory_space<semaphore_mem>>) src(%dma_wait3A_159 : memref<128xi32, #tpu.memory_space<hbm>>) dst(%arg18 : memref<128xi32, #tpu.memory_space<vmem>>)
      %dma_wait3A_160 = tpu.memref_slice %arg11[%mul3A_155] : memref<100352xi32, #tpu.memory_space<hbm>> -> memref<128xi32, #tpu.memory_space<hbm>>
      %dma_wait3A_161 = tpu.memref_slice %arg11[%mul3A_155] : memref<100352xi32, #tpu.memory_space<hbm>> -> memref<128xi32, #tpu.memory_space<hbm>>
      tpu.wait_dma2 semaphore(%arg33 : memref<!tpu.dma_semaphore, #tpu.memory_space<semaphore_mem>>) src(%dma_wait3A_161 : memref<128xi32, #tpu.memory_space<hbm>>) dst(%arg19 : memref<128xi32, #tpu.memory_space<vmem>>)
      %scan3A_162 = arith.constant 0 : i32
      %scan3A_163 = arith.constant 8 : i32
      %scan3A_164 = arith.addi %scan3A_162, %scan3A_163 : i32
      %scan3A_165 = arith.constant 1 : i32
      scf.for %scan3A_226 = %scan3A_162 to %scan3A_164 step %scan3A_165  : i32 {
        %mul3A_227 = arith.constant 1 : i32
        %mul3A_228 = arith.muli %scan3A_226, %mul3A_227 : i32
        %add3A_229 = arith.constant 0 : i32
        %add3A_230 = arith.addi %add3A_229, %mul3A_228 : i32
        %mul3A_231 = arith.constant 16 : i32
        %mul3A_232 = arith.muli %mul3A_231, %add3A_230 : i32
        %get3A = arith.index_cast %mul3A_232 : i32 to index
        %get3A_233 = tpu.vector_load %arg19[%get3A] {strides = array<i32>} : memref<128xi32, #tpu.memory_space<vmem>>, vector<16xi32>,
        %get3A_234 = arith.index_cast %mul3A_232 : i32 to index
        %get3A_235 = tpu.vector_load %arg18[%get3A_234] {strides = array<i32>} : memref<128xi32, #tpu.memory_space<vmem>>, vector<16xi32>,
        %add3A_236 = vector.broadcast %mul3A_106 : i32 to vector<16xi32>
        %add3A_237 = arith.addi %get3A_235, %add3A_236 : vector<16xi32>
        %swap3A = arith.index_cast %mul3A_232 : i32 to index
        %swap3A_238 = tpu.vector_load %arg20[%swap3A] {strides = array<i32>} : memref<128xi32, #tpu.memory_space<vmem>>, vector<16xi32>,
        tpu.vector_store %arg20[%swap3A], %add3A_237 {strides = array<i32>} : memref<128xi32, #tpu.memory_space<vmem>>, vector<16xi32>,
        %min3A = arith.constant 9999 : i32
        %min3A_239 = vector.broadcast %min3A : i32 to vector<16xi32>
        %min3A_240 = arith.minsi %get3A_233, %min3A_239 : vector<16xi32>
        %add3A_241 = vector.broadcast %mul3A_106 : i32 to vector<16xi32>
        %add3A_242 = arith.addi %min3A_240, %add3A_241 : vector<16xi32>
        %swap3A_243 = arith.index_cast %mul3A_232 : i32 to index
        %swap3A_244 = tpu.vector_load %arg21[%swap3A_243] {strides = array<i32>} : memref<128xi32, #tpu.memory_space<vmem>>, vector<16xi32>,
        tpu.vector_store %arg21[%swap3A_243], %add3A_242 {strides = array<i32>} : memref<128xi32, #tpu.memory_space<vmem>>, vector<16xi32>,
        %shift_right_logical3A_245 = arith.constant 5 : i32
        %shift_right_logical3A_246 = vector.broadcast %shift_right_logical3A_245 : i32 to vector<16xi32>
        %shift_right_logical3A_247 = arith.shrui %get3A_233, %shift_right_logical3A_246 : vector<16xi32>
        %swap3A_248 = arith.index_cast %mul3A_232 : i32 to index
        %swap3A_249 = tpu.vector_load %arg22[%swap3A_248] {strides = array<i32>} : memref<128xi32, #tpu.memory_space<vmem>>, vector<16xi32>,
        tpu.vector_store %arg22[%swap3A_248], %shift_right_logical3A_247 {strides = array<i32>} : memref<128xi32, #tpu.memory_space<vmem>>, vector<16xi32>,
        %and3A_250 = arith.constant 31 : i32
        %and3A_251 = vector.broadcast %and3A_250 : i32 to vector<16xi32>
        %and3A_252 = arith.andi %get3A_233, %and3A_251 : vector<16xi32>
        %mul3A_253 = arith.constant 4 : i32
        %mul3A_254 = vector.broadcast %mul3A_253 : i32 to vector<16xi32>
        %mul3A_255 = arith.muli %and3A_252, %mul3A_254 : vector<16xi32>
        %swap3A_256 = arith.index_cast %mul3A_232 : i32 to index
        %swap3A_257 = tpu.vector_load %arg23[%swap3A_256] {strides = array<i32>} : memref<128xi32, #tpu.memory_space<vmem>>, vector<16xi32>,
        tpu.vector_store %arg23[%swap3A_256], %mul3A_255 {strides = array<i32>} : memref<128xi32, #tpu.memory_space<vmem>>, vector<16xi32>,
        %min3A_258 = arith.constant 5119 : i32
        %min3A_259 = vector.broadcast %min3A_258 : i32 to vector<16xi32>
        %min3A_260 = arith.minsi %get3A_233, %min3A_259 : vector<16xi32>
        %swap3A_261 = arith.index_cast %mul3A_232 : i32 to index
        %swap3A_262 = tpu.vector_load %arg24[%swap3A_261] {strides = array<i32>} : memref<128xi32, #tpu.memory_space<vmem>>, vector<16xi32>,
        tpu.vector_store %arg24[%swap3A_261], %min3A_260 {strides = array<i32>} : memref<128xi32, #tpu.memory_space<vmem>>, vector<16xi32>,
      }
      %scan3A_166 = arith.constant 8 : i32
      %dma_start3A_167 = arith.constant 0 : i32
      %dma_start3A_168 = arith.constant 0 : i32
      %dma_start3A_169 = tpu.memref_slice %arg7[%dma_start3A_167, %dma_start3A_168] : memref<20000x128xf32, #tpu.memory_space<hbm>> -> memref<20000x128xf32, #tpu.memory_space<hbm>>
      tpu.enqueue_indirect_dma source(%dma_start3A_169 : memref<20000x128xf32, #tpu.memory_space<hbm>>) target(%arg25 : memref<128x128xf32, #tpu.memory_space<vmem>>) offsets(%arg21 : memref<128xi32, #tpu.memory_space<vmem>>) semaphore(%arg33 : memref<!tpu.dma_semaphore, #tpu.memory_space<semaphore_mem>>)
      %dma_start3A_170 = arith.constant 0 : i32
      %dma_start3A_171 = arith.constant 0 : i32
      %dma_start3A_172 = tpu.memref_slice %arg8[%dma_start3A_170, %dma_start3A_171] : memref<20000x128xf32, #tpu.memory_space<hbm>> -> memref<20000x128xf32, #tpu.memory_space<hbm>>
      tpu.enqueue_indirect_dma source(%dma_start3A_172 : memref<20000x128xf32, #tpu.memory_space<hbm>>) target(%arg26 : memref<128x128xf32, #tpu.memory_space<vmem>>) offsets(%arg20 : memref<128xi32, #tpu.memory_space<vmem>>) semaphore(%arg33 : memref<!tpu.dma_semaphore, #tpu.memory_space<semaphore_mem>>)
      %dma_start3A_173 = arith.constant 0 : i32
      %dma_start3A_174 = arith.constant 0 : i32
      %dma_start3A_175 = tpu.memref_slice %arg9[%dma_start3A_173, %dma_start3A_174] : memref<20000x128xf32, #tpu.memory_space<hbm>> -> memref<20000x128xf32, #tpu.memory_space<hbm>>
      tpu.enqueue_indirect_dma source(%dma_start3A_175 : memref<20000x128xf32, #tpu.memory_space<hbm>>) target(%arg27 : memref<128x128xf32, #tpu.memory_space<vmem>>) offsets(%arg20 : memref<128xi32, #tpu.memory_space<vmem>>) semaphore(%arg33 : memref<!tpu.dma_semaphore, #tpu.memory_space<semaphore_mem>>)
      %dma_wait3A_176 = arith.constant 0 : i32
      %dma_wait3A_177 = arith.constant 0 : i32
      %dma_wait3A_178 = tpu.memref_slice %arg7[%dma_wait3A_176, %dma_wait3A_177] : memref<20000x128xf32, #tpu.memory_space<hbm>> -> memref<20000x128xf32, #tpu.memory_space<hbm>>
      tpu.wait_indirect_dma semaphore(%arg33 : memref<!tpu.dma_semaphore, #tpu.memory_space<semaphore_mem>>) src(%dma_wait3A_178 : memref<20000x128xf32, #tpu.memory_space<hbm>>) dst(%arg25 : memref<128x128xf32, #tpu.memory_space<vmem>>)
      %dma_wait3A_179 = arith.constant 0 : i32
      %dma_wait3A_180 = arith.constant 0 : i32
      %dma_wait3A_181 = tpu.memref_slice %arg8[%dma_wait3A_179, %dma_wait3A_180] : memref<20000x128xf32, #tpu.memory_space<hbm>> -> memref<20000x128xf32, #tpu.memory_space<hbm>>
      tpu.wait_indirect_dma semaphore(%arg33 : memref<!tpu.dma_semaphore, #tpu.memory_space<semaphore_mem>>) src(%dma_wait3A_181 : memref<20000x128xf32, #tpu.memory_space<hbm>>) dst(%arg26 : memref<128x128xf32, #tpu.memory_space<vmem>>)
      %dma_wait3A_182 = arith.constant 0 : i32
      %dma_wait3A_183 = arith.constant 0 : i32
      %dma_wait3A_184 = tpu.memref_slice %arg9[%dma_wait3A_182, %dma_wait3A_183] : memref<20000x128xf32, #tpu.memory_space<hbm>> -> memref<20000x128xf32, #tpu.memory_space<hbm>>
      tpu.wait_indirect_dma semaphore(%arg33 : memref<!tpu.dma_semaphore, #tpu.memory_space<semaphore_mem>>) src(%dma_wait3A_184 : memref<20000x128xf32, #tpu.memory_space<hbm>>) dst(%arg27 : memref<128x128xf32, #tpu.memory_space<vmem>>)
      %parallel_loop3A = arith.constant 0 : i32
      %parallel_loop3A_185 = arith.constant 128 : i32
      %parallel_loop3A_186 = arith.constant 1 : i32
      scf.for %parallel_loop3A_226 = %parallel_loop3A to %parallel_loop3A_185 step %parallel_loop3A_186  : i32 {
        %parallel_loop3A_227 = arith.index_cast %parallel_loop3A_226 : i32 to index
        %parallel_loop3A_228 = arith.constant 0 : index
        %parallel_loop3A_229 = tpu.vector_load %arg25[%parallel_loop3A_227, %parallel_loop3A_228] {strides = array<i32>} : memref<128x128xf32, #tpu.memory_space<vmem>>, vector<16xf32>,
        %parallel_loop3A_230 = arith.index_cast %parallel_loop3A_226 : i32 to index
        %parallel_loop3A_231 = arith.constant 0 : index
        %parallel_loop3A_232 = tpu.vector_load %arg26[%parallel_loop3A_230, %parallel_loop3A_231] {strides = array<i32>} : memref<128x128xf32, #tpu.memory_space<vmem>>, vector<16xf32>,
        %parallel_loop3A_233 = arith.mulf %parallel_loop3A_229, %parallel_loop3A_232 : vector<16xf32>
        %parallel_loop3A_234 = arith.index_cast %parallel_loop3A_226 : i32 to index
        %parallel_loop3A_235 = arith.constant 16 : index
        %parallel_loop3A_236 = tpu.vector_load %arg25[%parallel_loop3A_234, %parallel_loop3A_235] {strides = array<i32>} : memref<128x128xf32, #tpu.memory_space<vmem>>, vector<16xf32>,
        %parallel_loop3A_237 = arith.index_cast %parallel_loop3A_226 : i32 to index
        %parallel_loop3A_238 = arith.constant 16 : index
        %parallel_loop3A_239 = tpu.vector_load %arg26[%parallel_loop3A_237, %parallel_loop3A_238] {strides = array<i32>} : memref<128x128xf32, #tpu.memory_space<vmem>>, vector<16xf32>,
        %parallel_loop3A_240 = arith.mulf %parallel_loop3A_236, %parallel_loop3A_239 : vector<16xf32>
        %parallel_loop3A_241 = arith.addf %parallel_loop3A_233, %parallel_loop3A_240 : vector<16xf32>
        %parallel_loop3A_242 = arith.index_cast %parallel_loop3A_226 : i32 to index
        %parallel_loop3A_243 = arith.constant 32 : index
        %parallel_loop3A_244 = tpu.vector_load %arg25[%parallel_loop3A_242, %parallel_loop3A_243] {strides = array<i32>} : memref<128x128xf32, #tpu.memory_space<vmem>>, vector<16xf32>,
        %parallel_loop3A_245 = arith.index_cast %parallel_loop3A_226 : i32 to index
        %parallel_loop3A_246 = arith.constant 32 : index
        %parallel_loop3A_247 = tpu.vector_load %arg26[%parallel_loop3A_245, %parallel_loop3A_246] {strides = array<i32>} : memref<128x128xf32, #tpu.memory_space<vmem>>, vector<16xf32>,
        %parallel_loop3A_248 = arith.mulf %parallel_loop3A_244, %parallel_loop3A_247 : vector<16xf32>
        %parallel_loop3A_249 = arith.index_cast %parallel_loop3A_226 : i32 to index
        %parallel_loop3A_250 = arith.constant 48 : index
        %parallel_loop3A_251 = tpu.vector_load %arg25[%parallel_loop3A_249, %parallel_loop3A_250] {strides = array<i32>} : memref<128x128xf32, #tpu.memory_space<vmem>>, vector<16xf32>,
        %parallel_loop3A_252 = arith.index_cast %parallel_loop3A_226 : i32 to index
        %parallel_loop3A_253 = arith.constant 48 : index
        %parallel_loop3A_254 = tpu.vector_load %arg26[%parallel_loop3A_252, %parallel_loop3A_253] {strides = array<i32>} : memref<128x128xf32, #tpu.memory_space<vmem>>, vector<16xf32>,
        %parallel_loop3A_255 = arith.mulf %parallel_loop3A_251, %parallel_loop3A_254 : vector<16xf32>
        %parallel_loop3A_256 = arith.addf %parallel_loop3A_248, %parallel_loop3A_255 : vector<16xf32>
        %parallel_loop3A_257 = arith.index_cast %parallel_loop3A_226 : i32 to index
        %parallel_loop3A_258 = arith.constant 64 : index
        %parallel_loop3A_259 = tpu.vector_load %arg25[%parallel_loop3A_257, %parallel_loop3A_258] {strides = array<i32>} : memref<128x128xf32, #tpu.memory_space<vmem>>, vector<16xf32>,
        %parallel_loop3A_260 = arith.index_cast %parallel_loop3A_226 : i32 to index
        %parallel_loop3A_261 = arith.constant 64 : index
        %parallel_loop3A_262 = tpu.vector_load %arg26[%parallel_loop3A_260, %parallel_loop3A_261] {strides = array<i32>} : memref<128x128xf32, #tpu.memory_space<vmem>>, vector<16xf32>,
        %parallel_loop3A_263 = arith.mulf %parallel_loop3A_259, %parallel_loop3A_262 : vector<16xf32>
        %parallel_loop3A_264 = arith.index_cast %parallel_loop3A_226 : i32 to index
        %parallel_loop3A_265 = arith.constant 80 : index
        %parallel_loop3A_266 = tpu.vector_load %arg25[%parallel_loop3A_264, %parallel_loop3A_265] {strides = array<i32>} : memref<128x128xf32, #tpu.memory_space<vmem>>, vector<16xf32>,
        %parallel_loop3A_267 = arith.index_cast %parallel_loop3A_226 : i32 to index
        %parallel_loop3A_268 = arith.constant 80 : index
        %parallel_loop3A_269 = tpu.vector_load %arg26[%parallel_loop3A_267, %parallel_loop3A_268] {strides = array<i32>} : memref<128x128xf32, #tpu.memory_space<vmem>>, vector<16xf32>,
        %parallel_loop3A_270 = arith.mulf %parallel_loop3A_266, %parallel_loop3A_269 : vector<16xf32>
        %parallel_loop3A_271 = arith.addf %parallel_loop3A_263, %parallel_loop3A_270 : vector<16xf32>
        %parallel_loop3A_272 = arith.index_cast %parallel_loop3A_226 : i32 to index
        %parallel_loop3A_273 = arith.constant 96 : index
        %parallel_loop3A_274 = tpu.vector_load %arg25[%parallel_loop3A_272, %parallel_loop3A_273] {strides = array<i32>} : memref<128x128xf32, #tpu.memory_space<vmem>>, vector<16xf32>,
        %parallel_loop3A_275 = arith.index_cast %parallel_loop3A_226 : i32 to index
        %parallel_loop3A_276 = arith.constant 96 : index
        %parallel_loop3A_277 = tpu.vector_load %arg26[%parallel_loop3A_275, %parallel_loop3A_276] {strides = array<i32>} : memref<128x128xf32, #tpu.memory_space<vmem>>, vector<16xf32>,
        %parallel_loop3A_278 = arith.mulf %parallel_loop3A_274, %parallel_loop3A_277 : vector<16xf32>
        %parallel_loop3A_279 = arith.index_cast %parallel_loop3A_226 : i32 to index
        %parallel_loop3A_280 = arith.constant 112 : index
        %parallel_loop3A_281 = tpu.vector_load %arg25[%parallel_loop3A_279, %parallel_loop3A_280] {strides = array<i32>} : memref<128x128xf32, #tpu.memory_space<vmem>>, vector<16xf32>,
        %parallel_loop3A_282 = arith.index_cast %parallel_loop3A_226 : i32 to index
        %parallel_loop3A_283 = arith.constant 112 : index
        %parallel_loop3A_284 = tpu.vector_load %arg26[%parallel_loop3A_282, %parallel_loop3A_283] {strides = array<i32>} : memref<128x128xf32, #tpu.memory_space<vmem>>, vector<16xf32>,
        %parallel_loop3A_285 = arith.mulf %parallel_loop3A_281, %parallel_loop3A_284 : vector<16xf32>
        %parallel_loop3A_286 = arith.addf %parallel_loop3A_278, %parallel_loop3A_285 : vector<16xf32>
        %parallel_loop3A_287 = arith.constant true
        %parallel_loop3A_288 = vector.broadcast %parallel_loop3A_287 : i1 to vector<16xi1>
        %parallel_loop3A_289 = tpu.scan <sum>, %parallel_loop3A_241 masked %parallel_loop3A_288 : vector<16xf32>, vector<16xi1> -> vector<16xf32>
        %parallel_loop3A_290 = vector.extract %parallel_loop3A_289[15] : f32 from vector<16xf32>
        %parallel_loop3A_291 = arith.constant true
        %parallel_loop3A_292 = vector.broadcast %parallel_loop3A_291 : i1 to vector<16xi1>
        %parallel_loop3A_293 = tpu.scan <sum>, %parallel_loop3A_256 masked %parallel_loop3A_292 : vector<16xf32>, vector<16xi1> -> vector<16xf32>
        %parallel_loop3A_294 = vector.extract %parallel_loop3A_293[15] : f32 from vector<16xf32>
        %parallel_loop3A_295 = arith.constant true
        %parallel_loop3A_296 = vector.broadcast %parallel_loop3A_295 : i1 to vector<16xi1>
        %parallel_loop3A_297 = tpu.scan <sum>, %parallel_loop3A_271 masked %parallel_loop3A_296 : vector<16xf32>, vector<16xi1> -> vector<16xf32>
        %parallel_loop3A_298 = vector.extract %parallel_loop3A_297[15] : f32 from vector<16xf32>
        %parallel_loop3A_299 = arith.constant true
        %parallel_loop3A_300 = vector.broadcast %parallel_loop3A_299 : i1 to vector<16xi1>
        %parallel_loop3A_301 = tpu.scan <sum>, %parallel_loop3A_286 masked %parallel_loop3A_300 : vector<16xf32>, vector<16xi1> -> vector<16xf32>
        %parallel_loop3A_302 = vector.extract %parallel_loop3A_301[15] : f32 from vector<16xf32>
        %parallel_loop3A_303 = vector.broadcast %parallel_loop3A_290 : f32 to vector<16xf32>
        %parallel_loop3A_304 = math.exp %parallel_loop3A_303 : vector<16xf32>
        %parallel_loop3A_305 = vector.broadcast %parallel_loop3A_294 : f32 to vector<16xf32>
        %parallel_loop3A_306 = math.exp %parallel_loop3A_305 : vector<16xf32>
        %parallel_loop3A_307 = vector.broadcast %parallel_loop3A_298 : f32 to vector<16xf32>
        %parallel_loop3A_308 = math.exp %parallel_loop3A_307 : vector<16xf32>
        %parallel_loop3A_309 = vector.broadcast %parallel_loop3A_302 : f32 to vector<16xf32>
        %parallel_loop3A_310 = math.exp %parallel_loop3A_309 : vector<16xf32>
        %parallel_loop3A_311 = arith.index_cast %parallel_loop3A_226 : i32 to index
        %parallel_loop3A_312 = arith.constant 0 : index
        %parallel_loop3A_313 = tpu.vector_load %arg27[%parallel_loop3A_311, %parallel_loop3A_312] {strides = array<i32>} : memref<128x128xf32, #tpu.memory_space<vmem>>, vector<16xf32>,
        %parallel_loop3A_314 = arith.mulf %parallel_loop3A_313, %parallel_loop3A_304 : vector<16xf32>
        %parallel_loop3A_315 = arith.index_cast %parallel_loop3A_226 : i32 to index
        %parallel_loop3A_316 = arith.constant 0 : index
        %parallel_loop3A_317 = tpu.vector_load %arg28[%parallel_loop3A_315, %parallel_loop3A_316] {strides = array<i32>} : memref<128x128xf32, #tpu.memory_space<vmem>>, vector<16xf32>,
        tpu.vector_store %arg28[%parallel_loop3A_315, %parallel_loop3A_316], %parallel_loop3A_314 {strides = array<i32>} : memref<128x128xf32, #tpu.memory_space<vmem>>, vector<16xf32>,
        %parallel_loop3A_318 = arith.index_cast %parallel_loop3A_226 : i32 to index
        %parallel_loop3A_319 = arith.constant 16 : index
        %parallel_loop3A_320 = tpu.vector_load %arg27[%parallel_loop3A_318, %parallel_loop3A_319] {strides = array<i32>} : memref<128x128xf32, #tpu.memory_space<vmem>>, vector<16xf32>,
        %parallel_loop3A_321 = arith.mulf %parallel_loop3A_320, %parallel_loop3A_304 : vector<16xf32>
        %parallel_loop3A_322 = arith.index_cast %parallel_loop3A_226 : i32 to index
        %parallel_loop3A_323 = arith.constant 16 : index
        %parallel_loop3A_324 = tpu.vector_load %arg28[%parallel_loop3A_322, %parallel_loop3A_323] {strides = array<i32>} : memref<128x128xf32, #tpu.memory_space<vmem>>, vector<16xf32>,
        tpu.vector_store %arg28[%parallel_loop3A_322, %parallel_loop3A_323], %parallel_loop3A_321 {strides = array<i32>} : memref<128x128xf32, #tpu.memory_space<vmem>>, vector<16xf32>,
        %parallel_loop3A_325 = arith.constant 0 : i32
        %parallel_loop3A_326 = vector.broadcast %parallel_loop3A_325 : i32 to vector<16xi32>
        %parallel_loop3A_327 = arith.cmpi eq, %iota3A_69, %parallel_loop3A_326 : vector<16xi32>
        %parallel_loop3A_328 = arith.select %parallel_loop3A_327, %parallel_loop3A_304, %broadcast_in_dim3A_68 : vector<16xi1>, vector<16xf32>
        %parallel_loop3A_329 = arith.index_cast %parallel_loop3A_226 : i32 to index
        %parallel_loop3A_330 = arith.constant 32 : index
        %parallel_loop3A_331 = tpu.vector_load %arg27[%parallel_loop3A_329, %parallel_loop3A_330] {strides = array<i32>} : memref<128x128xf32, #tpu.memory_space<vmem>>, vector<16xf32>,
        %parallel_loop3A_332 = arith.mulf %parallel_loop3A_331, %parallel_loop3A_306 : vector<16xf32>
        %parallel_loop3A_333 = arith.index_cast %parallel_loop3A_226 : i32 to index
        %parallel_loop3A_334 = arith.constant 32 : index
        %parallel_loop3A_335 = tpu.vector_load %arg28[%parallel_loop3A_333, %parallel_loop3A_334] {strides = array<i32>} : memref<128x128xf32, #tpu.memory_space<vmem>>, vector<16xf32>,
        tpu.vector_store %arg28[%parallel_loop3A_333, %parallel_loop3A_334], %parallel_loop3A_332 {strides = array<i32>} : memref<128x128xf32, #tpu.memory_space<vmem>>, vector<16xf32>,
        %parallel_loop3A_336 = arith.index_cast %parallel_loop3A_226 : i32 to index
        %parallel_loop3A_337 = arith.constant 48 : index
        %parallel_loop3A_338 = tpu.vector_load %arg27[%parallel_loop3A_336, %parallel_loop3A_337] {strides = array<i32>} : memref<128x128xf32, #tpu.memory_space<vmem>>, vector<16xf32>,
        %parallel_loop3A_339 = arith.mulf %parallel_loop3A_338, %parallel_loop3A_306 : vector<16xf32>
        %parallel_loop3A_340 = arith.index_cast %parallel_loop3A_226 : i32 to index
        %parallel_loop3A_341 = arith.constant 48 : index
        %parallel_loop3A_342 = tpu.vector_load %arg28[%parallel_loop3A_340, %parallel_loop3A_341] {strides = array<i32>} : memref<128x128xf32, #tpu.memory_space<vmem>>, vector<16xf32>,
        tpu.vector_store %arg28[%parallel_loop3A_340, %parallel_loop3A_341], %parallel_loop3A_339 {strides = array<i32>} : memref<128x128xf32, #tpu.memory_space<vmem>>, vector<16xf32>,
        %parallel_loop3A_343 = arith.constant 1 : i32
        %parallel_loop3A_344 = vector.broadcast %parallel_loop3A_343 : i32 to vector<16xi32>
        %parallel_loop3A_345 = arith.cmpi eq, %iota3A_69, %parallel_loop3A_344 : vector<16xi32>
        %parallel_loop3A_346 = arith.select %parallel_loop3A_345, %parallel_loop3A_306, %parallel_loop3A_328 : vector<16xi1>, vector<16xf32>
        %parallel_loop3A_347 = arith.index_cast %parallel_loop3A_226 : i32 to index
        %parallel_loop3A_348 = arith.constant 64 : index
        %parallel_loop3A_349 = tpu.vector_load %arg27[%parallel_loop3A_347, %parallel_loop3A_348] {strides = array<i32>} : memref<128x128xf32, #tpu.memory_space<vmem>>, vector<16xf32>,
        %parallel_loop3A_350 = arith.mulf %parallel_loop3A_349, %parallel_loop3A_308 : vector<16xf32>
        %parallel_loop3A_351 = arith.index_cast %parallel_loop3A_226 : i32 to index
        %parallel_loop3A_352 = arith.constant 64 : index
        %parallel_loop3A_353 = tpu.vector_load %arg28[%parallel_loop3A_351, %parallel_loop3A_352] {strides = array<i32>} : memref<128x128xf32, #tpu.memory_space<vmem>>, vector<16xf32>,
        tpu.vector_store %arg28[%parallel_loop3A_351, %parallel_loop3A_352], %parallel_loop3A_350 {strides = array<i32>} : memref<128x128xf32, #tpu.memory_space<vmem>>, vector<16xf32>,
        %parallel_loop3A_354 = arith.index_cast %parallel_loop3A_226 : i32 to index
        %parallel_loop3A_355 = arith.constant 80 : index
        %parallel_loop3A_356 = tpu.vector_load %arg27[%parallel_loop3A_354, %parallel_loop3A_355] {strides = array<i32>} : memref<128x128xf32, #tpu.memory_space<vmem>>, vector<16xf32>,
        %parallel_loop3A_357 = arith.mulf %parallel_loop3A_356, %parallel_loop3A_308 : vector<16xf32>
        %parallel_loop3A_358 = arith.index_cast %parallel_loop3A_226 : i32 to index
        %parallel_loop3A_359 = arith.constant 80 : index
        %parallel_loop3A_360 = tpu.vector_load %arg28[%parallel_loop3A_358, %parallel_loop3A_359] {strides = array<i32>} : memref<128x128xf32, #tpu.memory_space<vmem>>, vector<16xf32>,
        tpu.vector_store %arg28[%parallel_loop3A_358, %parallel_loop3A_359], %parallel_loop3A_357 {strides = array<i32>} : memref<128x128xf32, #tpu.memory_space<vmem>>, vector<16xf32>,
        %parallel_loop3A_361 = arith.constant 2 : i32
        %parallel_loop3A_362 = vector.broadcast %parallel_loop3A_361 : i32 to vector<16xi32>
        %parallel_loop3A_363 = arith.cmpi eq, %iota3A_69, %parallel_loop3A_362 : vector<16xi32>
        %parallel_loop3A_364 = arith.select %parallel_loop3A_363, %parallel_loop3A_308, %parallel_loop3A_346 : vector<16xi1>, vector<16xf32>
        %parallel_loop3A_365 = arith.index_cast %parallel_loop3A_226 : i32 to index
        %parallel_loop3A_366 = arith.constant 96 : index
        %parallel_loop3A_367 = tpu.vector_load %arg27[%parallel_loop3A_365, %parallel_loop3A_366] {strides = array<i32>} : memref<128x128xf32, #tpu.memory_space<vmem>>, vector<16xf32>,
        %parallel_loop3A_368 = arith.mulf %parallel_loop3A_367, %parallel_loop3A_310 : vector<16xf32>
        %parallel_loop3A_369 = arith.index_cast %parallel_loop3A_226 : i32 to index
        %parallel_loop3A_370 = arith.constant 96 : index
        %parallel_loop3A_371 = tpu.vector_load %arg28[%parallel_loop3A_369, %parallel_loop3A_370] {strides = array<i32>} : memref<128x128xf32, #tpu.memory_space<vmem>>, vector<16xf32>,
        tpu.vector_store %arg28[%parallel_loop3A_369, %parallel_loop3A_370], %parallel_loop3A_368 {strides = array<i32>} : memref<128x128xf32, #tpu.memory_space<vmem>>, vector<16xf32>,
        %parallel_loop3A_372 = arith.index_cast %parallel_loop3A_226 : i32 to index
        %parallel_loop3A_373 = arith.constant 112 : index
        %parallel_loop3A_374 = tpu.vector_load %arg27[%parallel_loop3A_372, %parallel_loop3A_373] {strides = array<i32>} : memref<128x128xf32, #tpu.memory_space<vmem>>, vector<16xf32>,
        %parallel_loop3A_375 = arith.mulf %parallel_loop3A_374, %parallel_loop3A_310 : vector<16xf32>
        %parallel_loop3A_376 = arith.index_cast %parallel_loop3A_226 : i32 to index
        %parallel_loop3A_377 = arith.constant 112 : index
        %parallel_loop3A_378 = tpu.vector_load %arg28[%parallel_loop3A_376, %parallel_loop3A_377] {strides = array<i32>} : memref<128x128xf32, #tpu.memory_space<vmem>>, vector<16xf32>,
        tpu.vector_store %arg28[%parallel_loop3A_376, %parallel_loop3A_377], %parallel_loop3A_375 {strides = array<i32>} : memref<128x128xf32, #tpu.memory_space<vmem>>, vector<16xf32>,
        %parallel_loop3A_379 = arith.constant 3 : i32
        %parallel_loop3A_380 = vector.broadcast %parallel_loop3A_379 : i32 to vector<16xi32>
        %parallel_loop3A_381 = arith.cmpi eq, %iota3A_69, %parallel_loop3A_380 : vector<16xi32>
        %parallel_loop3A_382 = arith.select %parallel_loop3A_381, %parallel_loop3A_310, %parallel_loop3A_364 : vector<16xi1>, vector<16xf32>
        %parallel_loop3A_383 = arith.constant 3 : i32
        %parallel_loop3A_384 = arith.shrui %parallel_loop3A_226, %parallel_loop3A_383 : i32
        %parallel_loop3A_385 = arith.constant 7 : i32
        %parallel_loop3A_386 = arith.andi %parallel_loop3A_226, %parallel_loop3A_385 : i32
        %parallel_loop3A_387 = arith.constant 16 : i32
        %parallel_loop3A_388 = arith.muli %parallel_loop3A_386, %parallel_loop3A_387 : i32
        %parallel_loop3A_389 = arith.index_cast %parallel_loop3A_384 : i32 to index
        %parallel_loop3A_390 = arith.index_cast %parallel_loop3A_388 : i32 to index
        %parallel_loop3A_391 = tpu.vector_load %arg30[%parallel_loop3A_389, %parallel_loop3A_390] {strides = array<i32>} : memref<16x128xf32, #tpu.memory_space<vmem>>, vector<16xf32>,
        tpu.vector_store %arg30[%parallel_loop3A_389, %parallel_loop3A_390], %parallel_loop3A_382 {strides = array<i32>} : memref<16x128xf32, #tpu.memory_space<vmem>>, vector<16xf32>,
      } {sc.loop_unroll_factor = 4 : i64, sc.parallel_access}
      %mul3A_187 = arith.constant 49 : i32
      %mul3A_188 = arith.muli %arg1, %mul3A_187 : i32
      %add3A_189 = arith.addi %mul3A_188, %add3A_150 : i32
      %mul3A_190 = arith.constant 16 : i32
      %mul3A_191 = arith.muli %add3A_189, %mul3A_190 : i32
      %dma_start3A_192 = arith.constant 0 : i32
      %dma_start3A_193 = tpu.memref_slice %arg17[%arg0, %mul3A_191, %dma_start3A_192] : memref<2x12544x128xf32, #tpu.memory_space<hbm>> -> memref<1x16x128xf32, #tpu.memory_space<hbm>>
      %dma_start3A_194 = tpu.memref_squeeze %dma_start3A_193 : memref<1x16x128xf32, #tpu.memory_space<hbm>> -> memref<16x128xf32, #tpu.memory_space<hbm>>
      %dma_start3A_195 = arith.constant 0 : i32
      %dma_start3A_196 = tpu.memref_slice %arg17[%arg0, %mul3A_191, %dma_start3A_195] : memref<2x12544x128xf32, #tpu.memory_space<hbm>> -> memref<1x16x128xf32, #tpu.memory_space<hbm>>
      %dma_start3A_197 = tpu.memref_squeeze %dma_start3A_196 : memref<1x16x128xf32, #tpu.memory_space<hbm>> -> memref<16x128xf32, #tpu.memory_space<hbm>>
      tpu.enqueue_dma source(%arg30 : memref<16x128xf32, #tpu.memory_space<vmem>>) target(%dma_start3A_197 : memref<16x128xf32, #tpu.memory_space<hbm>>) target_semaphore(%arg34 : memref<!tpu.dma_semaphore, #tpu.memory_space<semaphore_mem>>)
      %scan3A_198 = arith.constant 0 : i32
      %scan3A_199 = arith.constant 8 : i32
      %scan3A_200 = arith.addi %scan3A_198, %scan3A_199 : i32
      %scan3A_201 = arith.constant 1 : i32
      scf.for %scan3A_226 = %scan3A_198 to %scan3A_200 step %scan3A_201  : i32 {
        %mul3A_227 = arith.constant 1 : i32
        %mul3A_228 = arith.muli %scan3A_226, %mul3A_227 : i32
        %add3A_229 = arith.constant 0 : i32
        %add3A_230 = arith.addi %add3A_229, %mul3A_228 : i32
        %mul3A_231 = arith.constant 2 : i32
        %mul3A_232 = arith.muli %mul3A_231, %add3A_230 : i32
        %broadcast_in_dim3A_233 = vector.broadcast %mul3A_232 : i32 to vector<16xi32>
        %add3A_234 = arith.addi %broadcast_in_dim3A_233, %shift_right_logical3A_72 : vector<16xi32>
        %mul3A_235 = arith.constant 16 : i32
        %mul3A_236 = arith.muli %mul3A_235, %add3A_230 : i32
        %broadcast_in_dim3A_237 = vector.broadcast %mul3A_236 : i32 to vector<16xi32>
        %add3A_238 = arith.addi %broadcast_in_dim3A_237, %iota3A_69 : vector<16xi32>
        %mul3A_239 = arith.constant 16 : i32
        %mul3A_240 = arith.muli %mul3A_239, %add3A_230 : i32
        %get3A = arith.index_cast %mul3A_240 : i32 to index
        %get3A_241 = tpu.vector_load %arg23[%get3A] {strides = array<i32>} : memref<128xi32, #tpu.memory_space<vmem>>, vector<16xi32>,
        %add3A_242 = arith.constant 0 : i32
        %add3A_243 = vector.broadcast %add3A_242 : i32 to vector<16xi32>
        %add3A_244 = arith.addi %mul3A_78, %add3A_243 : vector<16xi32>
        %gather3A = tpu.vector_load_idx %arg30[%add3A_234, %add3A_244] : memref<16x128xf32, #tpu.memory_space<vmem>>[vector<16xi32>, vector<16xi32>], vector<16xf32>,
        %add3A_245 = arith.constant 0 : i32
        %add3A_246 = vector.broadcast %add3A_245 : i32 to vector<16xi32>
        %add3A_247 = arith.addi %get3A_241, %add3A_246 : vector<16xi32>
        tpu.vector_store_idx %arg29[%add3A_238, %add3A_247], %gather3A : memref<128x128xf32, #tpu.memory_space<vmem>>[vector<16xi32>, vector<16xi32>], vector<16xf32>,
        %add3A_248 = arith.constant 1 : i32
        %add3A_249 = vector.broadcast %add3A_248 : i32 to vector<16xi32>
        %add3A_250 = arith.addi %mul3A_78, %add3A_249 : vector<16xi32>
        %gather3A_251 = tpu.vector_load_idx %arg30[%add3A_234, %add3A_250] : memref<16x128xf32, #tpu.memory_space<vmem>>[vector<16xi32>, vector<16xi32>], vector<16xf32>,
        %add3A_252 = arith.constant 1 : i32
        %add3A_253 = vector.broadcast %add3A_252 : i32 to vector<16xi32>
        %add3A_254 = arith.addi %get3A_241, %add3A_253 : vector<16xi32>
        tpu.vector_store_idx %arg29[%add3A_238, %add3A_254], %gather3A_251 : memref<128x128xf32, #tpu.memory_space<vmem>>[vector<16xi32>, vector<16xi32>], vector<16xf32>,
        %add3A_255 = arith.constant 2 : i32
        %add3A_256 = vector.broadcast %add3A_255 : i32 to vector<16xi32>
        %add3A_257 = arith.addi %mul3A_78, %add3A_256 : vector<16xi32>
        %gather3A_258 = tpu.vector_load_idx %arg30[%add3A_234, %add3A_257] : memref<16x128xf32, #tpu.memory_space<vmem>>[vector<16xi32>, vector<16xi32>], vector<16xf32>,
        %add3A_259 = arith.constant 2 : i32
        %add3A_260 = vector.broadcast %add3A_259 : i32 to vector<16xi32>
        %add3A_261 = arith.addi %get3A_241, %add3A_260 : vector<16xi32>
        tpu.vector_store_idx %arg29[%add3A_238, %add3A_261], %gather3A_258 : memref<128x128xf32, #tpu.memory_space<vmem>>[vector<16xi32>, vector<16xi32>], vector<16xf32>,
        %add3A_262 = arith.constant 3 : i32
        %add3A_263 = vector.broadcast %add3A_262 : i32 to vector<16xi32>
        %add3A_264 = arith.addi %mul3A_78, %add3A_263 : vector<16xi32>
        %gather3A_265 = tpu.vector_load_idx %arg30[%add3A_234, %add3A_264] : memref<16x128xf32, #tpu.memory_space<vmem>>[vector<16xi32>, vector<16xi32>], vector<16xf32>,
        %add3A_266 = arith.constant 3 : i32
        %add3A_267 = vector.broadcast %add3A_266 : i32 to vector<16xi32>
        %add3A_268 = arith.addi %get3A_241, %add3A_267 : vector<16xi32>
        tpu.vector_store_idx %arg29[%add3A_238, %add3A_268], %gather3A_265 : memref<128x128xf32, #tpu.memory_space<vmem>>[vector<16xi32>, vector<16xi32>], vector<16xf32>,
      }
      %scan3A_202 = arith.constant 8 : i32
      %dma_start3A_203 = arith.constant 0 : i32
      %dma_start3A_204 = arith.constant 0 : i32
      %dma_start3A_205 = tpu.memref_slice %arg31[%dma_start3A_203, %dma_start3A_204] : memref<5120x128xf32, #tpu.memory_space<vmem_shared>> -> memref<5120x128xf32, #tpu.memory_space<vmem_shared>>
      tpu.enqueue_indirect_dma source(%arg28 : memref<128x128xf32, #tpu.memory_space<vmem>>) target(%dma_start3A_205 : memref<5120x128xf32, #tpu.memory_space<vmem_shared>>) offsets(%arg24 : memref<128xi32, #tpu.memory_space<vmem>>) semaphore(%arg34 : memref<!tpu.dma_semaphore, #tpu.memory_space<semaphore_mem>>) {add = true}
      %dma_start3A_206 = arith.constant 0 : i32
      %dma_start3A_207 = arith.constant 0 : i32
      %dma_start3A_208 = tpu.memref_slice %arg32[%dma_start3A_206, %dma_start3A_207] : memref<320x128xf32, #tpu.memory_space<vmem_shared>> -> memref<320x128xf32, #tpu.memory_space<vmem_shared>>
      tpu.enqueue_indirect_dma source(%arg29 : memref<128x128xf32, #tpu.memory_space<vmem>>) target(%dma_start3A_208 : memref<320x128xf32, #tpu.memory_space<vmem_shared>>) offsets(%arg22 : memref<128xi32, #tpu.memory_space<vmem>>) semaphore(%arg34 : memref<!tpu.dma_semaphore, #tpu.memory_space<semaphore_mem>>) {add = true}
      %dma_wait3A_209 = arith.constant 0 : i32
      %dma_wait3A_210 = tpu.memref_slice %arg17[%arg0, %mul3A_191, %dma_wait3A_209] : memref<2x12544x128xf32, #tpu.memory_space<hbm>> -> memref<1x16x128xf32, #tpu.memory_space<hbm>>
      %dma_wait3A_211 = tpu.memref_squeeze %dma_wait3A_210 : memref<1x16x128xf32, #tpu.memory_space<hbm>> -> memref<16x128xf32, #tpu.memory_space<hbm>>
      %dma_wait3A_212 = arith.constant 0 : i32
      %dma_wait3A_213 = tpu.memref_slice %arg17[%arg0, %mul3A_191, %dma_wait3A_212] : memref<2x12544x128xf32, #tpu.memory_space<hbm>> -> memref<1x16x128xf32, #tpu.memory_space<hbm>>
      %dma_wait3A_214 = tpu.memref_squeeze %dma_wait3A_213 : memref<1x16x128xf32, #tpu.memory_space<hbm>> -> memref<16x128xf32, #tpu.memory_space<hbm>>
      tpu.wait_dma2 semaphore(%arg34 : memref<!tpu.dma_semaphore, #tpu.memory_space<semaphore_mem>>) src(%arg30 : memref<16x128xf32, #tpu.memory_space<vmem>>) dst(%dma_wait3A_214 : memref<16x128xf32, #tpu.memory_space<hbm>>)
      %dma_wait3A_215 = arith.constant 0 : i32
      %dma_wait3A_216 = arith.constant 0 : i32
      %dma_wait3A_217 = tpu.memref_slice %arg31[%dma_wait3A_215, %dma_wait3A_216] : memref<5120x128xf32, #tpu.memory_space<vmem_shared>> -> memref<5120x128xf32, #tpu.memory_space<vmem_shared>>
      tpu.wait_indirect_dma semaphore(%arg34 : memref<!tpu.dma_semaphore, #tpu.memory_space<semaphore_mem>>) src(%arg28 : memref<128x128xf32, #tpu.memory_space<vmem>>) dst(%dma_wait3A_217 : memref<5120x128xf32, #tpu.memory_space<vmem_shared>>)
      %dma_wait3A_218 = arith.constant 0 : i32
      %dma_wait3A_219 = arith.constant 0 : i32
      %dma_wait3A_220 = tpu.memref_slice %arg32[%dma_wait3A_218, %dma_wait3A_219] : memref<320x128xf32, #tpu.memory_space<vmem_shared>> -> memref<320x128xf32, #tpu.memory_space<vmem_shared>>
      tpu.wait_indirect_dma semaphore(%arg34 : memref<!tpu.dma_semaphore, #tpu.memory_space<semaphore_mem>>) src(%arg29 : memref<128x128xf32, #tpu.memory_space<vmem>>) dst(%dma_wait3A_220 : memref<320x128xf32, #tpu.memory_space<vmem_shared>>)
      %scan3A_221 = arith.constant 0 : i32
      %scan3A_222 = arith.constant 8 : i32
      %scan3A_223 = arith.addi %scan3A_221, %scan3A_222 : i32
      %scan3A_224 = arith.constant 1 : i32
      scf.for %scan3A_226 = %scan3A_221 to %scan3A_223 step %scan3A_224  : i32 {
        %mul3A_227 = arith.constant 1 : i32
        %mul3A_228 = arith.muli %scan3A_226, %mul3A_227 : i32
        %add3A_229 = arith.constant 0 : i32
        %add3A_230 = arith.addi %add3A_229, %mul3A_228 : i32
        %mul3A_231 = arith.constant 16 : i32
        %mul3A_232 = arith.muli %mul3A_231, %add3A_230 : i32
        %broadcast_in_dim3A_233 = vector.broadcast %mul3A_232 : i32 to vector<16xi32>
        %add3A_234 = arith.addi %broadcast_in_dim3A_233, %iota3A_69 : vector<16xi32>
        %mul3A_235 = arith.constant 16 : i32
        %mul3A_236 = arith.muli %mul3A_235, %add3A_230 : i32
        %get3A = arith.index_cast %mul3A_236 : i32 to index
        %get3A_237 = tpu.vector_load %arg23[%get3A] {strides = array<i32>} : memref<128xi32, #tpu.memory_space<vmem>>, vector<16xi32>,
        %add3A_238 = arith.constant 0 : i32
        %add3A_239 = vector.broadcast %add3A_238 : i32 to vector<16xi32>
        %add3A_240 = arith.addi %get3A_237, %add3A_239 : vector<16xi32>
        tpu.vector_store_idx %arg29[%add3A_234, %add3A_240], %broadcast_in_dim3A_68 : memref<128x128xf32, #tpu.memory_space<vmem>>[vector<16xi32>, vector<16xi32>], vector<16xf32>,
        %add3A_241 = arith.constant 1 : i32
        %add3A_242 = vector.broadcast %add3A_241 : i32 to vector<16xi32>
        %add3A_243 = arith.addi %get3A_237, %add3A_242 : vector<16xi32>
        tpu.vector_store_idx %arg29[%add3A_234, %add3A_243], %broadcast_in_dim3A_68 : memref<128x128xf32, #tpu.memory_space<vmem>>[vector<16xi32>, vector<16xi32>], vector<16xf32>,
        %add3A_244 = arith.constant 2 : i32
        %add3A_245 = vector.broadcast %add3A_244 : i32 to vector<16xi32>
        %add3A_246 = arith.addi %get3A_237, %add3A_245 : vector<16xi32>
        tpu.vector_store_idx %arg29[%add3A_234, %add3A_246], %broadcast_in_dim3A_68 : memref<128x128xf32, #tpu.memory_space<vmem>>[vector<16xi32>, vector<16xi32>], vector<16xf32>,
        %add3A_247 = arith.constant 3 : i32
        %add3A_248 = vector.broadcast %add3A_247 : i32 to vector<16xi32>
        %add3A_249 = arith.addi %get3A_237, %add3A_248 : vector<16xi32>
        tpu.vector_store_idx %arg29[%add3A_234, %add3A_249], %broadcast_in_dim3A_68 : memref<128x128xf32, #tpu.memory_space<vmem>>[vector<16xi32>, vector<16xi32>], vector<16xf32>,
      }
      %scan3A_225 = arith.constant 8 : i32
    }
    %scan3A_113 = arith.constant 49 : i32
    %barrier3A_114 = arith.constant 0 : index
    tpu.barrier barrier_id(%barrier3A_114)
    "tpu.region"() ({
      %run_scoped3A = tpu.sem_alloc : memref<!tpu.dma_semaphore, #tpu.memory_space<semaphore_mem>>
      %dma_start3A = arith.constant 0 : i32
      %dma_start3A_146 = tpu.memref_slice %arg15[%arg0, %mul3A_108, %dma_start3A] : memref<2x10120x128xf32, #tpu.memory_space<hbm>> -> memref<1x320x128xf32, #tpu.memory_space<hbm>>
      %dma_start3A_147 = tpu.memref_squeeze %dma_start3A_146 : memref<1x320x128xf32, #tpu.memory_space<hbm>> -> memref<320x128xf32, #tpu.memory_space<hbm>>
      %dma_start3A_148 = arith.constant 0 : i32
      %dma_start3A_149 = tpu.memref_slice %arg31[%mul3A_108, %dma_start3A_148] : memref<5120x128xf32, #tpu.memory_space<vmem_shared>> -> memref<320x128xf32, #tpu.memory_space<vmem_shared>>
      tpu.enqueue_dma source(%dma_start3A_149 : memref<320x128xf32, #tpu.memory_space<vmem_shared>>) target(%dma_start3A_147 : memref<320x128xf32, #tpu.memory_space<hbm>>) target_semaphore(%run_scoped3A : memref<!tpu.dma_semaphore, #tpu.memory_space<semaphore_mem>>)
      %dma_wait3A = arith.constant 0 : i32
      %dma_wait3A_150 = tpu.memref_slice %arg15[%arg0, %mul3A_108, %dma_wait3A] : memref<2x10120x128xf32, #tpu.memory_space<hbm>> -> memref<1x320x128xf32, #tpu.memory_space<hbm>>
      %dma_wait3A_151 = tpu.memref_squeeze %dma_wait3A_150 : memref<1x320x128xf32, #tpu.memory_space<hbm>> -> memref<320x128xf32, #tpu.memory_space<hbm>>
      %dma_wait3A_152 = arith.constant 0 : i32
      %dma_wait3A_153 = tpu.memref_slice %arg31[%mul3A_108, %dma_wait3A_152] : memref<5120x128xf32, #tpu.memory_space<vmem_shared>> -> memref<320x128xf32, #tpu.memory_space<vmem_shared>>
      tpu.wait_dma2 semaphore(%run_scoped3A : memref<!tpu.dma_semaphore, #tpu.memory_space<semaphore_mem>>) src(%dma_wait3A_153 : memref<320x128xf32, #tpu.memory_space<vmem_shared>>) dst(%dma_wait3A_151 : memref<320x128xf32, #tpu.memory_space<hbm>>)
      tpu.yield
    }) : () -> ()
    %lt3A_115 = arith.constant 4 : i32
    %lt3A_116 = arith.cmpi slt, %arg1, %lt3A_115 : i32
    %convert_element_type3A_117 = arith.extui %lt3A_116 : i1 to i32
    %cond3A_118 = arith.constant 0 : i32
    %cond3A_119 = arith.cmpi ne, %convert_element_type3A_117, %cond3A_118 : i32
    scf.if %cond3A_119 {
      %mul3A_146 = arith.constant 80 : i32
      %mul3A_147 = arith.muli %arg1, %mul3A_146 : i32
      "tpu.region"() ({
        %run_scoped3A = tpu.sem_alloc : memref<!tpu.dma_semaphore, #tpu.memory_space<semaphore_mem>>
        %dma_start3A = arith.constant 0 : i32
        %dma_start3A_148 = tpu.memref_slice %arg16[%arg0, %mul3A_147, %dma_start3A] : memref<2x320x128xf32, #tpu.memory_space<hbm>> -> memref<1x80x128xf32, #tpu.memory_space<hbm>>
        %dma_start3A_149 = tpu.memref_squeeze %dma_start3A_148 : memref<1x80x128xf32, #tpu.memory_space<hbm>> -> memref<80x128xf32, #tpu.memory_space<hbm>>
        %dma_start3A_150 = arith.constant 0 : i32
        %dma_start3A_151 = tpu.memref_slice %arg32[%mul3A_147, %dma_start3A_150] : memref<320x128xf32, #tpu.memory_space<vmem_shared>> -> memref<80x128xf32, #tpu.memory_space<vmem_shared>>
        tpu.enqueue_dma source(%dma_start3A_151 : memref<80x128xf32, #tpu.memory_space<vmem_shared>>) target(%dma_start3A_149 : memref<80x128xf32, #tpu.memory_space<hbm>>) target_semaphore(%run_scoped3A : memref<!tpu.dma_semaphore, #tpu.memory_space<semaphore_mem>>)
        %dma_wait3A = arith.constant 0 : i32
        %dma_wait3A_152 = tpu.memref_slice %arg16[%arg0, %mul3A_147, %dma_wait3A] : memref<2x320x128xf32, #tpu.memory_space<hbm>> -> memref<1x80x128xf32, #tpu.memory_space<hbm>>
        %dma_wait3A_153 = tpu.memref_squeeze %dma_wait3A_152 : memref<1x80x128xf32, #tpu.memory_space<hbm>> -> memref<80x128xf32, #tpu.memory_space<hbm>>
        %dma_wait3A_154 = arith.constant 0 : i32
        %dma_wait3A_155 = tpu.memref_slice %arg32[%mul3A_147, %dma_wait3A_154] : memref<320x128xf32, #tpu.memory_space<vmem_shared>> -> memref<80x128xf32, #tpu.memory_space<vmem_shared>>
        tpu.wait_dma2 semaphore(%run_scoped3A : memref<!tpu.dma_semaphore, #tpu.memory_space<semaphore_mem>>) src(%dma_wait3A_155 : memref<80x128xf32, #tpu.memory_space<vmem_shared>>) dst(%dma_wait3A_153 : memref<80x128xf32, #tpu.memory_space<hbm>>)
        tpu.yield
      }) : () -> ()
    } else {
    }
    %barrier3A_120 = arith.constant 0 : index
    tpu.barrier barrier_id(%barrier3A_120)
    %broadcast_in_dim3A_121 = arith.constant 0.000000e+00 : f32
    %broadcast_in_dim3A_122 = vector.broadcast %broadcast_in_dim3A_121 : f32 to vector<16xf32>
    %scan3A_123 = arith.constant 0 : i32
    %scan3A_124 = arith.constant 128 : i32
    %scan3A_125 = arith.addi %scan3A_123, %scan3A_124 : i32
    %scan3A_126 = arith.constant 1 : i32
    scf.for %scan3A_146 = %scan3A_123 to %scan3A_125 step %scan3A_126  : i32 {
      %mul3A_147 = arith.constant 1 : i32
      %mul3A_148 = arith.muli %scan3A_146, %mul3A_147 : i32
      %add3A_149 = arith.constant 0 : i32
      %add3A_150 = arith.addi %add3A_149, %mul3A_148 : i32
      %swap3A = arith.index_cast %add3A_150 : i32 to index
      %swap3A_151 = arith.constant 0 : index
      %swap3A_152 = tpu.vector_load %arg28[%swap3A, %swap3A_151] {strides = array<i32>} : memref<128x128xf32, #tpu.memory_space<vmem>>, vector<16xf32>,
      tpu.vector_store %arg28[%swap3A, %swap3A_151], %broadcast_in_dim3A_122 {strides = array<i32>} : memref<128x128xf32, #tpu.memory_space<vmem>>, vector<16xf32>,
      %swap3A_153 = arith.index_cast %add3A_150 : i32 to index
      %swap3A_154 = arith.constant 16 : index
      %swap3A_155 = tpu.vector_load %arg28[%swap3A_153, %swap3A_154] {strides = array<i32>} : memref<128x128xf32, #tpu.memory_space<vmem>>, vector<16xf32>,
      tpu.vector_store %arg28[%swap3A_153, %swap3A_154], %broadcast_in_dim3A_122 {strides = array<i32>} : memref<128x128xf32, #tpu.memory_space<vmem>>, vector<16xf32>,
      %swap3A_156 = arith.index_cast %add3A_150 : i32 to index
      %swap3A_157 = arith.constant 32 : index
      %swap3A_158 = tpu.vector_load %arg28[%swap3A_156, %swap3A_157] {strides = array<i32>} : memref<128x128xf32, #tpu.memory_space<vmem>>, vector<16xf32>,
      tpu.vector_store %arg28[%swap3A_156, %swap3A_157], %broadcast_in_dim3A_122 {strides = array<i32>} : memref<128x128xf32, #tpu.memory_space<vmem>>, vector<16xf32>,
      %swap3A_159 = arith.index_cast %add3A_150 : i32 to index
      %swap3A_160 = arith.constant 48 : index
      %swap3A_161 = tpu.vector_load %arg28[%swap3A_159, %swap3A_160] {strides = array<i32>} : memref<128x128xf32, #tpu.memory_space<vmem>>, vector<16xf32>,
      tpu.vector_store %arg28[%swap3A_159, %swap3A_160], %broadcast_in_dim3A_122 {strides = array<i32>} : memref<128x128xf32, #tpu.memory_space<vmem>>, vector<16xf32>,
      %swap3A_162 = arith.index_cast %add3A_150 : i32 to index
      %swap3A_163 = arith.constant 64 : index
      %swap3A_164 = tpu.vector_load %arg28[%swap3A_162, %swap3A_163] {strides = array<i32>} : memref<128x128xf32, #tpu.memory_space<vmem>>, vector<16xf32>,
      tpu.vector_store %arg28[%swap3A_162, %swap3A_163], %broadcast_in_dim3A_122 {strides = array<i32>} : memref<128x128xf32, #tpu.memory_space<vmem>>, vector<16xf32>,
      %swap3A_165 = arith.index_cast %add3A_150 : i32 to index
      %swap3A_166 = arith.constant 80 : index
      %swap3A_167 = tpu.vector_load %arg28[%swap3A_165, %swap3A_166] {strides = array<i32>} : memref<128x128xf32, #tpu.memory_space<vmem>>, vector<16xf32>,
      tpu.vector_store %arg28[%swap3A_165, %swap3A_166], %broadcast_in_dim3A_122 {strides = array<i32>} : memref<128x128xf32, #tpu.memory_space<vmem>>, vector<16xf32>,
      %swap3A_168 = arith.index_cast %add3A_150 : i32 to index
      %swap3A_169 = arith.constant 96 : index
      %swap3A_170 = tpu.vector_load %arg28[%swap3A_168, %swap3A_169] {strides = array<i32>} : memref<128x128xf32, #tpu.memory_space<vmem>>, vector<16xf32>,
      tpu.vector_store %arg28[%swap3A_168, %swap3A_169], %broadcast_in_dim3A_122 {strides = array<i32>} : memref<128x128xf32, #tpu.memory_space<vmem>>, vector<16xf32>,
      %swap3A_171 = arith.index_cast %add3A_150 : i32 to index
      %swap3A_172 = arith.constant 112 : index
      %swap3A_173 = tpu.vector_load %arg28[%swap3A_171, %swap3A_172] {strides = array<i32>} : memref<128x128xf32, #tpu.memory_space<vmem>>, vector<16xf32>,
      tpu.vector_store %arg28[%swap3A_171, %swap3A_172], %broadcast_in_dim3A_122 {strides = array<i32>} : memref<128x128xf32, #tpu.memory_space<vmem>>, vector<16xf32>,
    }
    %scan3A_127 = arith.constant 128 : i32
    %mul3A_128 = arith.constant 320 : i32
    %mul3A_129 = arith.muli %mul3A_128, %arg1 : i32
    %add3A_130 = arith.constant 0 : i32
    %add3A_131 = arith.addi %mul3A_129, %add3A_130 : i32
    "tpu.region"() ({
      %run_scoped3A = tpu.sem_alloc : memref<!tpu.dma_semaphore, #tpu.memory_space<semaphore_mem>>
      %dma_start3A = arith.constant 0 : i32
      %dma_start3A_146 = arith.constant 0 : i32
      %dma_start3A_147 = tpu.memref_slice %arg28[%dma_start3A, %dma_start3A_146] : memref<128x128xf32, #tpu.memory_space<vmem>> -> memref<128x128xf32, #tpu.memory_space<vmem>>
      %dma_start3A_148 = arith.constant 0 : i32
      %dma_start3A_149 = tpu.memref_slice %arg31[%add3A_131, %dma_start3A_148] : memref<5120x128xf32, #tpu.memory_space<vmem_shared>> -> memref<128x128xf32, #tpu.memory_space<vmem_shared>>
      %dma_start3A_150 = arith.constant 0 : i32
      %dma_start3A_151 = tpu.memref_slice %arg31[%add3A_131, %dma_start3A_150] : memref<5120x128xf32, #tpu.memory_space<vmem_shared>> -> memref<128x128xf32, #tpu.memory_space<vmem_shared>>
      %dma_start3A_152 = arith.constant 0 : i32
      %dma_start3A_153 = arith.constant 0 : i32
      %dma_start3A_154 = tpu.memref_slice %arg28[%dma_start3A_152, %dma_start3A_153] : memref<128x128xf32, #tpu.memory_space<vmem>> -> memref<128x128xf32, #tpu.memory_space<vmem>>
      tpu.enqueue_dma source(%dma_start3A_154 : memref<128x128xf32, #tpu.memory_space<vmem>>) target(%dma_start3A_151 : memref<128x128xf32, #tpu.memory_space<vmem_shared>>) target_semaphore(%run_scoped3A : memref<!tpu.dma_semaphore, #tpu.memory_space<semaphore_mem>>)
      %dma_wait3A = arith.constant 0 : i32
      %dma_wait3A_155 = arith.constant 0 : i32
      %dma_wait3A_156 = tpu.memref_slice %arg28[%dma_wait3A, %dma_wait3A_155] : memref<128x128xf32, #tpu.memory_space<vmem>> -> memref<128x128xf32, #tpu.memory_space<vmem>>
      %dma_wait3A_157 = arith.constant 0 : i32
      %dma_wait3A_158 = tpu.memref_slice %arg31[%add3A_131, %dma_wait3A_157] : memref<5120x128xf32, #tpu.memory_space<vmem_shared>> -> memref<128x128xf32, #tpu.memory_space<vmem_shared>>
      %dma_wait3A_159 = arith.constant 0 : i32
      %dma_wait3A_160 = tpu.memref_slice %arg31[%add3A_131, %dma_wait3A_159] : memref<5120x128xf32, #tpu.memory_space<vmem_shared>> -> memref<128x128xf32, #tpu.memory_space<vmem_shared>>
      %dma_wait3A_161 = arith.constant 0 : i32
      %dma_wait3A_162 = arith.constant 0 : i32
      %dma_wait3A_163 = tpu.memref_slice %arg28[%dma_wait3A_161, %dma_wait3A_162] : memref<128x128xf32, #tpu.memory_space<vmem>> -> memref<128x128xf32, #tpu.memory_space<vmem>>
      tpu.wait_dma2 semaphore(%run_scoped3A : memref<!tpu.dma_semaphore, #tpu.memory_space<semaphore_mem>>) src(%dma_wait3A_163 : memref<128x128xf32, #tpu.memory_space<vmem>>) dst(%dma_wait3A_160 : memref<128x128xf32, #tpu.memory_space<vmem_shared>>)
      tpu.yield
    }) : () -> ()
    %add3A_132 = arith.constant 128 : i32
    %add3A_133 = arith.addi %mul3A_129, %add3A_132 : i32
    "tpu.region"() ({
      %run_scoped3A = tpu.sem_alloc : memref<!tpu.dma_semaphore, #tpu.memory_space<semaphore_mem>>
      %dma_start3A = arith.constant 0 : i32
      %dma_start3A_146 = arith.constant 0 : i32
      %dma_start3A_147 = tpu.memref_slice %arg28[%dma_start3A, %dma_start3A_146] : memref<128x128xf32, #tpu.memory_space<vmem>> -> memref<128x128xf32, #tpu.memory_space<vmem>>
      %dma_start3A_148 = arith.constant 0 : i32
      %dma_start3A_149 = tpu.memref_slice %arg31[%add3A_133, %dma_start3A_148] : memref<5120x128xf32, #tpu.memory_space<vmem_shared>> -> memref<128x128xf32, #tpu.memory_space<vmem_shared>>
      %dma_start3A_150 = arith.constant 0 : i32
      %dma_start3A_151 = tpu.memref_slice %arg31[%add3A_133, %dma_start3A_150] : memref<5120x128xf32, #tpu.memory_space<vmem_shared>> -> memref<128x128xf32, #tpu.memory_space<vmem_shared>>
      %dma_start3A_152 = arith.constant 0 : i32
      %dma_start3A_153 = arith.constant 0 : i32
      %dma_start3A_154 = tpu.memref_slice %arg28[%dma_start3A_152, %dma_start3A_153] : memref<128x128xf32, #tpu.memory_space<vmem>> -> memref<128x128xf32, #tpu.memory_space<vmem>>
      tpu.enqueue_dma source(%dma_start3A_154 : memref<128x128xf32, #tpu.memory_space<vmem>>) target(%dma_start3A_151 : memref<128x128xf32, #tpu.memory_space<vmem_shared>>) target_semaphore(%run_scoped3A : memref<!tpu.dma_semaphore, #tpu.memory_space<semaphore_mem>>)
      %dma_wait3A = arith.constant 0 : i32
      %dma_wait3A_155 = arith.constant 0 : i32
      %dma_wait3A_156 = tpu.memref_slice %arg28[%dma_wait3A, %dma_wait3A_155] : memref<128x128xf32, #tpu.memory_space<vmem>> -> memref<128x128xf32, #tpu.memory_space<vmem>>
      %dma_wait3A_157 = arith.constant 0 : i32
      %dma_wait3A_158 = tpu.memref_slice %arg31[%add3A_133, %dma_wait3A_157] : memref<5120x128xf32, #tpu.memory_space<vmem_shared>> -> memref<128x128xf32, #tpu.memory_space<vmem_shared>>
      %dma_wait3A_159 = arith.constant 0 : i32
      %dma_wait3A_160 = tpu.memref_slice %arg31[%add3A_133, %dma_wait3A_159] : memref<5120x128xf32, #tpu.memory_space<vmem_shared>> -> memref<128x128xf32, #tpu.memory_space<vmem_shared>>
      %dma_wait3A_161 = arith.constant 0 : i32
      %dma_wait3A_162 = arith.constant 0 : i32
      %dma_wait3A_163 = tpu.memref_slice %arg28[%dma_wait3A_161, %dma_wait3A_162] : memref<128x128xf32, #tpu.memory_space<vmem>> -> memref<128x128xf32, #tpu.memory_space<vmem>>
      tpu.wait_dma2 semaphore(%run_scoped3A : memref<!tpu.dma_semaphore, #tpu.memory_space<semaphore_mem>>) src(%dma_wait3A_163 : memref<128x128xf32, #tpu.memory_space<vmem>>) dst(%dma_wait3A_160 : memref<128x128xf32, #tpu.memory_space<vmem_shared>>)
      tpu.yield
    }) : () -> ()
    %add3A_134 = arith.constant 256 : i32
    %add3A_135 = arith.addi %mul3A_129, %add3A_134 : i32
    "tpu.region"() ({
      %run_scoped3A = tpu.sem_alloc : memref<!tpu.dma_semaphore, #tpu.memory_space<semaphore_mem>>
      %dma_start3A = arith.constant 0 : i32
      %dma_start3A_146 = arith.constant 0 : i32
      %dma_start3A_147 = tpu.memref_slice %arg28[%dma_start3A, %dma_start3A_146] : memref<128x128xf32, #tpu.memory_space<vmem>> -> memref<64x128xf32, #tpu.memory_space<vmem>>
      %dma_start3A_148 = arith.constant 0 : i32
      %dma_start3A_149 = tpu.memref_slice %arg31[%add3A_135, %dma_start3A_148] : memref<5120x128xf32, #tpu.memory_space<vmem_shared>> -> memref<64x128xf32, #tpu.memory_space<vmem_shared>>
      %dma_start3A_150 = arith.constant 0 : i32
      %dma_start3A_151 = tpu.memref_slice %arg31[%add3A_135, %dma_start3A_150] : memref<5120x128xf32, #tpu.memory_space<vmem_shared>> -> memref<64x128xf32, #tpu.memory_space<vmem_shared>>
      %dma_start3A_152 = arith.constant 0 : i32
      %dma_start3A_153 = arith.constant 0 : i32
      %dma_start3A_154 = tpu.memref_slice %arg28[%dma_start3A_152, %dma_start3A_153] : memref<128x128xf32, #tpu.memory_space<vmem>> -> memref<64x128xf32, #tpu.memory_space<vmem>>
      tpu.enqueue_dma source(%dma_start3A_154 : memref<64x128xf32, #tpu.memory_space<vmem>>) target(%dma_start3A_151 : memref<64x128xf32, #tpu.memory_space<vmem_shared>>) target_semaphore(%run_scoped3A : memref<!tpu.dma_semaphore, #tpu.memory_space<semaphore_mem>>)
      %dma_wait3A = arith.constant 0 : i32
      %dma_wait3A_155 = arith.constant 0 : i32
      %dma_wait3A_156 = tpu.memref_slice %arg28[%dma_wait3A, %dma_wait3A_155] : memref<128x128xf32, #tpu.memory_space<vmem>> -> memref<64x128xf32, #tpu.memory_space<vmem>>
      %dma_wait3A_157 = arith.constant 0 : i32
      %dma_wait3A_158 = tpu.memref_slice %arg31[%add3A_135, %dma_wait3A_157] : memref<5120x128xf32, #tpu.memory_space<vmem_shared>> -> memref<64x128xf32, #tpu.memory_space<vmem_shared>>
      %dma_wait3A_159 = arith.constant 0 : i32
      %dma_wait3A_160 = tpu.memref_slice %arg31[%add3A_135, %dma_wait3A_159] : memref<5120x128xf32, #tpu.memory_space<vmem_shared>> -> memref<64x128xf32, #tpu.memory_space<vmem_shared>>
      %dma_wait3A_161 = arith.constant 0 : i32
      %dma_wait3A_162 = arith.constant 0 : i32
      %dma_wait3A_163 = tpu.memref_slice %arg28[%dma_wait3A_161, %dma_wait3A_162] : memref<128x128xf32, #tpu.memory_space<vmem>> -> memref<64x128xf32, #tpu.memory_space<vmem>>
      tpu.wait_dma2 semaphore(%run_scoped3A : memref<!tpu.dma_semaphore, #tpu.memory_space<semaphore_mem>>) src(%dma_wait3A_163 : memref<64x128xf32, #tpu.memory_space<vmem>>) dst(%dma_wait3A_160 : memref<64x128xf32, #tpu.memory_space<vmem_shared>>)
      tpu.yield
    }) : () -> ()
    %barrier3A_136 = arith.constant 0 : index
    tpu.barrier barrier_id(%barrier3A_136)
    %scan3A_137 = arith.constant 0 : i32
    %scan3A_138 = arith.constant 49 : i32
    %scan3A_139 = arith.addi %scan3A_137, %scan3A_138 : i32
    %scan3A_140 = arith.constant 1 : i32
    scf.for %scan3A_146 = %scan3A_137 to %scan3A_139 step %scan3A_140  : i32 {
      %mul3A_147 = arith.constant 1 : i32
      %mul3A_148 = arith.muli %scan3A_146, %mul3A_147 : i32
      %add3A_149 = arith.constant 0 : i32
      %add3A_150 = arith.addi %add3A_149, %mul3A_148 : i32
      %mul3A_151 = arith.constant 49 : i32
      %mul3A_152 = arith.muli %arg1, %mul3A_151 : i32
      %add3A_153 = arith.addi %mul3A_152, %add3A_150 : i32
      %mul3A_154 = arith.constant 128 : i32
      %mul3A_155 = arith.muli %add3A_153, %mul3A_154 : i32
      %dma_start3A = tpu.memref_slice %arg10[%mul3A_155] : memref<100352xi32, #tpu.memory_space<hbm>> -> memref<128xi32, #tpu.memory_space<hbm>>
      %dma_start3A_156 = tpu.memref_slice %arg10[%mul3A_155] : memref<100352xi32, #tpu.memory_space<hbm>> -> memref<128xi32, #tpu.memory_space<hbm>>
      tpu.enqueue_dma source(%dma_start3A_156 : memref<128xi32, #tpu.memory_space<hbm>>) target(%arg18 : memref<128xi32, #tpu.memory_space<vmem>>) target_semaphore(%arg33 : memref<!tpu.dma_semaphore, #tpu.memory_space<semaphore_mem>>)
      %dma_start3A_157 = tpu.memref_slice %arg11[%mul3A_155] : memref<100352xi32, #tpu.memory_space<hbm>> -> memref<128xi32, #tpu.memory_space<hbm>>
      %dma_start3A_158 = tpu.memref_slice %arg11[%mul3A_155] : memref<100352xi32, #tpu.memory_space<hbm>> -> memref<128xi32, #tpu.memory_space<hbm>>
      tpu.enqueue_dma source(%dma_start3A_158 : memref<128xi32, #tpu.memory_space<hbm>>) target(%arg19 : memref<128xi32, #tpu.memory_space<vmem>>) target_semaphore(%arg33 : memref<!tpu.dma_semaphore, #tpu.memory_space<semaphore_mem>>)
      %dma_wait3A = tpu.memref_slice %arg10[%mul3A_155] : memref<100352xi32, #tpu.memory_space<hbm>> -> memref<128xi32, #tpu.memory_space<hbm>>
      %dma_wait3A_159 = tpu.memref_slice %arg10[%mul3A_155] : memref<100352xi32, #tpu.memory_space<hbm>> -> memref<128xi32, #tpu.memory_space<hbm>>
      tpu.wait_dma2 semaphore(%arg33 : memref<!tpu.dma_semaphore, #tpu.memory_space<semaphore_mem>>) src(%dma_wait3A_159 : memref<128xi32, #tpu.memory_space<hbm>>) dst(%arg18 : memref<128xi32, #tpu.memory_space<vmem>>)
      %dma_wait3A_160 = tpu.memref_slice %arg11[%mul3A_155] : memref<100352xi32, #tpu.memory_space<hbm>> -> memref<128xi32, #tpu.memory_space<hbm>>
      %dma_wait3A_161 = tpu.memref_slice %arg11[%mul3A_155] : memref<100352xi32, #tpu.memory_space<hbm>> -> memref<128xi32, #tpu.memory_space<hbm>>
      tpu.wait_dma2 semaphore(%arg33 : memref<!tpu.dma_semaphore, #tpu.memory_space<semaphore_mem>>) src(%dma_wait3A_161 : memref<128xi32, #tpu.memory_space<hbm>>) dst(%arg19 : memref<128xi32, #tpu.memory_space<vmem>>)
      %scan3A_162 = arith.constant 0 : i32
      %scan3A_163 = arith.constant 8 : i32
      %scan3A_164 = arith.addi %scan3A_162, %scan3A_163 : i32
      %scan3A_165 = arith.constant 1 : i32
      scf.for %scan3A_192 = %scan3A_162 to %scan3A_164 step %scan3A_165  : i32 {
        %mul3A_193 = arith.constant 1 : i32
        %mul3A_194 = arith.muli %scan3A_192, %mul3A_193 : i32
        %add3A_195 = arith.constant 0 : i32
        %add3A_196 = arith.addi %add3A_195, %mul3A_194 : i32
        %mul3A_197 = arith.constant 16 : i32
        %mul3A_198 = arith.muli %mul3A_197, %add3A_196 : i32
        %get3A = arith.index_cast %mul3A_198 : i32 to index
        %get3A_199 = tpu.vector_load %arg19[%get3A] {strides = array<i32>} : memref<128xi32, #tpu.memory_space<vmem>>, vector<16xi32>,
        %get3A_200 = arith.index_cast %mul3A_198 : i32 to index
        %get3A_201 = tpu.vector_load %arg18[%get3A_200] {strides = array<i32>} : memref<128xi32, #tpu.memory_space<vmem>>, vector<16xi32>,
        %add3A_202 = vector.broadcast %mul3A_106 : i32 to vector<16xi32>
        %add3A_203 = arith.addi %get3A_201, %add3A_202 : vector<16xi32>
        %swap3A = arith.index_cast %mul3A_198 : i32 to index
        %swap3A_204 = tpu.vector_load %arg20[%swap3A] {strides = array<i32>} : memref<128xi32, #tpu.memory_space<vmem>>, vector<16xi32>,
        tpu.vector_store %arg20[%swap3A], %add3A_203 {strides = array<i32>} : memref<128xi32, #tpu.memory_space<vmem>>, vector<16xi32>,
        %ge3A = arith.constant 5000 : i32
        %ge3A_205 = vector.broadcast %ge3A : i32 to vector<16xi32>
        %ge3A_206 = arith.cmpi sge, %get3A_199, %ge3A_205 : vector<16xi32>
        %sub3A = arith.constant 5000 : i32
        %sub3A_207 = vector.broadcast %sub3A : i32 to vector<16xi32>
        %sub3A_208 = arith.subi %get3A_199, %sub3A_207 : vector<16xi32>
        %jit3A = arith.constant 5119 : i32
        %broadcast_in_dim3A_209 = vector.broadcast %jit3A : i32 to vector<16xi32>
        %select_n3A = arith.select %ge3A_206, %sub3A_208, %broadcast_in_dim3A_209 : vector<16xi1>, vector<16xi32>
        %swap3A_210 = arith.index_cast %mul3A_198 : i32 to index
        %swap3A_211 = tpu.vector_load %arg24[%swap3A_210] {strides = array<i32>} : memref<128xi32, #tpu.memory_space<vmem>>, vector<16xi32>,
        tpu.vector_store %arg24[%swap3A_210], %select_n3A {strides = array<i32>} : memref<128xi32, #tpu.memory_space<vmem>>, vector<16xi32>,
      }
      %scan3A_166 = arith.constant 8 : i32
      %dma_start3A_167 = arith.constant 0 : i32
      %dma_start3A_168 = arith.constant 0 : i32
      %dma_start3A_169 = tpu.memref_slice %arg9[%dma_start3A_167, %dma_start3A_168] : memref<20000x128xf32, #tpu.memory_space<hbm>> -> memref<20000x128xf32, #tpu.memory_space<hbm>>
      tpu.enqueue_indirect_dma source(%dma_start3A_169 : memref<20000x128xf32, #tpu.memory_space<hbm>>) target(%arg27 : memref<128x128xf32, #tpu.memory_space<vmem>>) offsets(%arg20 : memref<128xi32, #tpu.memory_space<vmem>>) semaphore(%arg33 : memref<!tpu.dma_semaphore, #tpu.memory_space<semaphore_mem>>)
      %mul3A_170 = arith.constant 49 : i32
      %mul3A_171 = arith.muli %arg1, %mul3A_170 : i32
      %add3A_172 = arith.addi %mul3A_171, %add3A_150 : i32
      %mul3A_173 = arith.constant 16 : i32
      %mul3A_174 = arith.muli %add3A_172, %mul3A_173 : i32
      %dma_start3A_175 = arith.constant 0 : i32
      %dma_start3A_176 = tpu.memref_slice %arg17[%arg0, %mul3A_174, %dma_start3A_175] : memref<2x12544x128xf32, #tpu.memory_space<hbm>> -> memref<1x16x128xf32, #tpu.memory_space<hbm>>
      %dma_start3A_177 = tpu.memref_squeeze %dma_start3A_176 : memref<1x16x128xf32, #tpu.memory_space<hbm>> -> memref<16x128xf32, #tpu.memory_space<hbm>>
      %dma_start3A_178 = arith.constant 0 : i32
      %dma_start3A_179 = tpu.memref_slice %arg17[%arg0, %mul3A_174, %dma_start3A_178] : memref<2x12544x128xf32, #tpu.memory_space<hbm>> -> memref<1x16x128xf32, #tpu.memory_space<hbm>>
      %dma_start3A_180 = tpu.memref_squeeze %dma_start3A_179 : memref<1x16x128xf32, #tpu.memory_space<hbm>> -> memref<16x128xf32, #tpu.memory_space<hbm>>
      tpu.enqueue_dma source(%dma_start3A_180 : memref<16x128xf32, #tpu.memory_space<hbm>>) target(%arg30 : memref<16x128xf32, #tpu.memory_space<vmem>>) target_semaphore(%arg33 : memref<!tpu.dma_semaphore, #tpu.memory_space<semaphore_mem>>)
      %dma_wait3A_181 = arith.constant 0 : i32
      %dma_wait3A_182 = arith.constant 0 : i32
      %dma_wait3A_183 = tpu.memref_slice %arg9[%dma_wait3A_181, %dma_wait3A_182] : memref<20000x128xf32, #tpu.memory_space<hbm>> -> memref<20000x128xf32, #tpu.memory_space<hbm>>
      tpu.wait_indirect_dma semaphore(%arg33 : memref<!tpu.dma_semaphore, #tpu.memory_space<semaphore_mem>>) src(%dma_wait3A_183 : memref<20000x128xf32, #tpu.memory_space<hbm>>) dst(%arg27 : memref<128x128xf32, #tpu.memory_space<vmem>>)
      %dma_wait3A_184 = arith.constant 0 : i32
      %dma_wait3A_185 = tpu.memref_slice %arg17[%arg0, %mul3A_174, %dma_wait3A_184] : memref<2x12544x128xf32, #tpu.memory_space<hbm>> -> memref<1x16x128xf32, #tpu.memory_space<hbm>>
      %dma_wait3A_186 = tpu.memref_squeeze %dma_wait3A_185 : memref<1x16x128xf32, #tpu.memory_space<hbm>> -> memref<16x128xf32, #tpu.memory_space<hbm>>
      %dma_wait3A_187 = arith.constant 0 : i32
      %dma_wait3A_188 = tpu.memref_slice %arg17[%arg0, %mul3A_174, %dma_wait3A_187] : memref<2x12544x128xf32, #tpu.memory_space<hbm>> -> memref<1x16x128xf32, #tpu.memory_space<hbm>>
      %dma_wait3A_189 = tpu.memref_squeeze %dma_wait3A_188 : memref<1x16x128xf32, #tpu.memory_space<hbm>> -> memref<16x128xf32, #tpu.memory_space<hbm>>
      tpu.wait_dma2 semaphore(%arg33 : memref<!tpu.dma_semaphore, #tpu.memory_space<semaphore_mem>>) src(%dma_wait3A_189 : memref<16x128xf32, #tpu.memory_space<hbm>>) dst(%arg30 : memref<16x128xf32, #tpu.memory_space<vmem>>)
      %parallel_loop3A = arith.constant 0 : i32
      %parallel_loop3A_190 = arith.constant 128 : i32
      %parallel_loop3A_191 = arith.constant 1 : i32
      scf.for %parallel_loop3A_192 = %parallel_loop3A to %parallel_loop3A_190 step %parallel_loop3A_191  : i32 {
        %parallel_loop3A_193 = arith.constant 3 : i32
        %parallel_loop3A_194 = arith.shrui %parallel_loop3A_192, %parallel_loop3A_193 : i32
        %parallel_loop3A_195 = arith.constant 7 : i32
        %parallel_loop3A_196 = arith.andi %parallel_loop3A_192, %parallel_loop3A_195 : i32
        %parallel_loop3A_197 = arith.constant 16 : i32
        %parallel_loop3A_198 = arith.muli %parallel_loop3A_196, %parallel_loop3A_197 : i32
        %parallel_loop3A_199 = vector.broadcast %parallel_loop3A_194 : i32 to vector<16xi32>
        %parallel_loop3A_200 = arith.constant 0 : i32
        %parallel_loop3A_201 = arith.addi %parallel_loop3A_198, %parallel_loop3A_200 : i32
        %parallel_loop3A_202 = vector.broadcast %parallel_loop3A_201 : i32 to vector<16xi32>
        %parallel_loop3A_203 = tpu.vector_load_idx %arg30[%parallel_loop3A_199, %parallel_loop3A_202] : memref<16x128xf32, #tpu.memory_space<vmem>>[vector<16xi32>, vector<16xi32>], vector<16xf32>,
        %parallel_loop3A_204 = vector.broadcast %parallel_loop3A_194 : i32 to vector<16xi32>
        %parallel_loop3A_205 = arith.constant 1 : i32
        %parallel_loop3A_206 = arith.addi %parallel_loop3A_198, %parallel_loop3A_205 : i32
        %parallel_loop3A_207 = vector.broadcast %parallel_loop3A_206 : i32 to vector<16xi32>
        %parallel_loop3A_208 = tpu.vector_load_idx %arg30[%parallel_loop3A_204, %parallel_loop3A_207] : memref<16x128xf32, #tpu.memory_space<vmem>>[vector<16xi32>, vector<16xi32>], vector<16xf32>,
        %parallel_loop3A_209 = vector.broadcast %parallel_loop3A_194 : i32 to vector<16xi32>
        %parallel_loop3A_210 = arith.constant 2 : i32
        %parallel_loop3A_211 = arith.addi %parallel_loop3A_198, %parallel_loop3A_210 : i32
        %parallel_loop3A_212 = vector.broadcast %parallel_loop3A_211 : i32 to vector<16xi32>
        %parallel_loop3A_213 = tpu.vector_load_idx %arg30[%parallel_loop3A_209, %parallel_loop3A_212] : memref<16x128xf32, #tpu.memory_space<vmem>>[vector<16xi32>, vector<16xi32>], vector<16xf32>,
        %parallel_loop3A_214 = vector.broadcast %parallel_loop3A_194 : i32 to vector<16xi32>
        %parallel_loop3A_215 = arith.constant 3 : i32
        %parallel_loop3A_216 = arith.addi %parallel_loop3A_198, %parallel_loop3A_215 : i32
        %parallel_loop3A_217 = vector.broadcast %parallel_loop3A_216 : i32 to vector<16xi32>
        %parallel_loop3A_218 = tpu.vector_load_idx %arg30[%parallel_loop3A_214, %parallel_loop3A_217] : memref<16x128xf32, #tpu.memory_space<vmem>>[vector<16xi32>, vector<16xi32>], vector<16xf32>,
        %parallel_loop3A_219 = arith.index_cast %parallel_loop3A_192 : i32 to index
        %parallel_loop3A_220 = arith.constant 0 : index
        %parallel_loop3A_221 = tpu.vector_load %arg27[%parallel_loop3A_219, %parallel_loop3A_220] {strides = array<i32>} : memref<128x128xf32, #tpu.memory_space<vmem>>, vector<16xf32>,
        %parallel_loop3A_222 = arith.mulf %parallel_loop3A_221, %parallel_loop3A_203 : vector<16xf32>
        %parallel_loop3A_223 = arith.index_cast %parallel_loop3A_192 : i32 to index
        %parallel_loop3A_224 = arith.constant 0 : index
        %parallel_loop3A_225 = tpu.vector_load %arg28[%parallel_loop3A_223, %parallel_loop3A_224] {strides = array<i32>} : memref<128x128xf32, #tpu.memory_space<vmem>>, vector<16xf32>,
        tpu.vector_store %arg28[%parallel_loop3A_223, %parallel_loop3A_224], %parallel_loop3A_222 {strides = array<i32>} : memref<128x128xf32, #tpu.memory_space<vmem>>, vector<16xf32>,
        %parallel_loop3A_226 = arith.index_cast %parallel_loop3A_192 : i32 to index
        %parallel_loop3A_227 = arith.constant 16 : index
        %parallel_loop3A_228 = tpu.vector_load %arg27[%parallel_loop3A_226, %parallel_loop3A_227] {strides = array<i32>} : memref<128x128xf32, #tpu.memory_space<vmem>>, vector<16xf32>,
        %parallel_loop3A_229 = arith.mulf %parallel_loop3A_228, %parallel_loop3A_203 : vector<16xf32>
        %parallel_loop3A_230 = arith.index_cast %parallel_loop3A_192 : i32 to index
        %parallel_loop3A_231 = arith.constant 16 : index
        %parallel_loop3A_232 = tpu.vector_load %arg28[%parallel_loop3A_230, %parallel_loop3A_231] {strides = array<i32>} : memref<128x128xf32, #tpu.memory_space<vmem>>, vector<16xf32>,
        tpu.vector_store %arg28[%parallel_loop3A_230, %parallel_loop3A_231], %parallel_loop3A_229 {strides = array<i32>} : memref<128x128xf32, #tpu.memory_space<vmem>>, vector<16xf32>,
        %parallel_loop3A_233 = arith.index_cast %parallel_loop3A_192 : i32 to index
        %parallel_loop3A_234 = arith.constant 32 : index
        %parallel_loop3A_235 = tpu.vector_load %arg27[%parallel_loop3A_233, %parallel_loop3A_234] {strides = array<i32>} : memref<128x128xf32, #tpu.memory_space<vmem>>, vector<16xf32>,
        %parallel_loop3A_236 = arith.mulf %parallel_loop3A_235, %parallel_loop3A_208 : vector<16xf32>
        %parallel_loop3A_237 = arith.index_cast %parallel_loop3A_192 : i32 to index
        %parallel_loop3A_238 = arith.constant 32 : index
        %parallel_loop3A_239 = tpu.vector_load %arg28[%parallel_loop3A_237, %parallel_loop3A_238] {strides = array<i32>} : memref<128x128xf32, #tpu.memory_space<vmem>>, vector<16xf32>,
        tpu.vector_store %arg28[%parallel_loop3A_237, %parallel_loop3A_238], %parallel_loop3A_236 {strides = array<i32>} : memref<128x128xf32, #tpu.memory_space<vmem>>, vector<16xf32>,
        %parallel_loop3A_240 = arith.index_cast %parallel_loop3A_192 : i32 to index
        %parallel_loop3A_241 = arith.constant 48 : index
        %parallel_loop3A_242 = tpu.vector_load %arg27[%parallel_loop3A_240, %parallel_loop3A_241] {strides = array<i32>} : memref<128x128xf32, #tpu.memory_space<vmem>>, vector<16xf32>,
        %parallel_loop3A_243 = arith.mulf %parallel_loop3A_242, %parallel_loop3A_208 : vector<16xf32>
        %parallel_loop3A_244 = arith.index_cast %parallel_loop3A_192 : i32 to index
        %parallel_loop3A_245 = arith.constant 48 : index
        %parallel_loop3A_246 = tpu.vector_load %arg28[%parallel_loop3A_244, %parallel_loop3A_245] {strides = array<i32>} : memref<128x128xf32, #tpu.memory_space<vmem>>, vector<16xf32>,
        tpu.vector_store %arg28[%parallel_loop3A_244, %parallel_loop3A_245], %parallel_loop3A_243 {strides = array<i32>} : memref<128x128xf32, #tpu.memory_space<vmem>>, vector<16xf32>,
        %parallel_loop3A_247 = arith.index_cast %parallel_loop3A_192 : i32 to index
        %parallel_loop3A_248 = arith.constant 64 : index
        %parallel_loop3A_249 = tpu.vector_load %arg27[%parallel_loop3A_247, %parallel_loop3A_248] {strides = array<i32>} : memref<128x128xf32, #tpu.memory_space<vmem>>, vector<16xf32>,
        %parallel_loop3A_250 = arith.mulf %parallel_loop3A_249, %parallel_loop3A_213 : vector<16xf32>
        %parallel_loop3A_251 = arith.index_cast %parallel_loop3A_192 : i32 to index
        %parallel_loop3A_252 = arith.constant 64 : index
        %parallel_loop3A_253 = tpu.vector_load %arg28[%parallel_loop3A_251, %parallel_loop3A_252] {strides = array<i32>} : memref<128x128xf32, #tpu.memory_space<vmem>>, vector<16xf32>,
        tpu.vector_store %arg28[%parallel_loop3A_251, %parallel_loop3A_252], %parallel_loop3A_250 {strides = array<i32>} : memref<128x128xf32, #tpu.memory_space<vmem>>, vector<16xf32>,
        %parallel_loop3A_254 = arith.index_cast %parallel_loop3A_192 : i32 to index
        %parallel_loop3A_255 = arith.constant 80 : index
        %parallel_loop3A_256 = tpu.vector_load %arg27[%parallel_loop3A_254, %parallel_loop3A_255] {strides = array<i32>} : memref<128x128xf32, #tpu.memory_space<vmem>>, vector<16xf32>,
        %parallel_loop3A_257 = arith.mulf %parallel_loop3A_256, %parallel_loop3A_213 : vector<16xf32>
        %parallel_loop3A_258 = arith.index_cast %parallel_loop3A_192 : i32 to index
        %parallel_loop3A_259 = arith.constant 80 : index
        %parallel_loop3A_260 = tpu.vector_load %arg28[%parallel_loop3A_258, %parallel_loop3A_259] {strides = array<i32>} : memref<128x128xf32, #tpu.memory_space<vmem>>, vector<16xf32>,
        tpu.vector_store %arg28[%parallel_loop3A_258, %parallel_loop3A_259], %parallel_loop3A_257 {strides = array<i32>} : memref<128x128xf32, #tpu.memory_space<vmem>>, vector<16xf32>,
        %parallel_loop3A_261 = arith.index_cast %parallel_loop3A_192 : i32 to index
        %parallel_loop3A_262 = arith.constant 96 : index
        %parallel_loop3A_263 = tpu.vector_load %arg27[%parallel_loop3A_261, %parallel_loop3A_262] {strides = array<i32>} : memref<128x128xf32, #tpu.memory_space<vmem>>, vector<16xf32>,
        %parallel_loop3A_264 = arith.mulf %parallel_loop3A_263, %parallel_loop3A_218 : vector<16xf32>
        %parallel_loop3A_265 = arith.index_cast %parallel_loop3A_192 : i32 to index
        %parallel_loop3A_266 = arith.constant 96 : index
        %parallel_loop3A_267 = tpu.vector_load %arg28[%parallel_loop3A_265, %parallel_loop3A_266] {strides = array<i32>} : memref<128x128xf32, #tpu.memory_space<vmem>>, vector<16xf32>,
        tpu.vector_store %arg28[%parallel_loop3A_265, %parallel_loop3A_266], %parallel_loop3A_264 {strides = array<i32>} : memref<128x128xf32, #tpu.memory_space<vmem>>, vector<16xf32>,
        %parallel_loop3A_268 = arith.index_cast %parallel_loop3A_192 : i32 to index
        %parallel_loop3A_269 = arith.constant 112 : index
        %parallel_loop3A_270 = tpu.vector_load %arg27[%parallel_loop3A_268, %parallel_loop3A_269] {strides = array<i32>} : memref<128x128xf32, #tpu.memory_space<vmem>>, vector<16xf32>,
        %parallel_loop3A_271 = arith.mulf %parallel_loop3A_270, %parallel_loop3A_218 : vector<16xf32>
        %parallel_loop3A_272 = arith.index_cast %parallel_loop3A_192 : i32 to index
        %parallel_loop3A_273 = arith.constant 112 : index
        %parallel_loop3A_274 = tpu.vector_load %arg28[%parallel_loop3A_272, %parallel_loop3A_273] {strides = array<i32>} : memref<128x128xf32, #tpu.memory_space<vmem>>, vector<16xf32>,
        tpu.vector_store %arg28[%parallel_loop3A_272, %parallel_loop3A_273], %parallel_loop3A_271 {strides = array<i32>} : memref<128x128xf32, #tpu.memory_space<vmem>>, vector<16xf32>,
      } {sc.loop_unroll_factor = 4 : i64, sc.parallel_access}
      "tpu.region"() ({
        %run_scoped3A = tpu.sem_alloc : memref<!tpu.dma_semaphore, #tpu.memory_space<semaphore_mem>>
        %dma_start3A_192 = arith.constant 0 : i32
        %dma_start3A_193 = arith.constant 0 : i32
        %dma_start3A_194 = tpu.memref_slice %arg31[%dma_start3A_192, %dma_start3A_193] : memref<5120x128xf32, #tpu.memory_space<vmem_shared>> -> memref<5120x128xf32, #tpu.memory_space<vmem_shared>>
        tpu.enqueue_indirect_dma source(%arg28 : memref<128x128xf32, #tpu.memory_space<vmem>>) target(%dma_start3A_194 : memref<5120x128xf32, #tpu.memory_space<vmem_shared>>) offsets(%arg24 : memref<128xi32, #tpu.memory_space<vmem>>) semaphore(%run_scoped3A : memref<!tpu.dma_semaphore, #tpu.memory_space<semaphore_mem>>) {add = true}
        %dma_wait3A_195 = arith.constant 0 : i32
        %dma_wait3A_196 = arith.constant 0 : i32
        %dma_wait3A_197 = tpu.memref_slice %arg31[%dma_wait3A_195, %dma_wait3A_196] : memref<5120x128xf32, #tpu.memory_space<vmem_shared>> -> memref<5120x128xf32, #tpu.memory_space<vmem_shared>>
        tpu.wait_indirect_dma semaphore(%run_scoped3A : memref<!tpu.dma_semaphore, #tpu.memory_space<semaphore_mem>>) src(%arg28 : memref<128x128xf32, #tpu.memory_space<vmem>>) dst(%dma_wait3A_197 : memref<5120x128xf32, #tpu.memory_space<vmem_shared>>)
        tpu.yield
      }) : () -> ()
    }
    %scan3A_141 = arith.constant 49 : i32
    %barrier3A_142 = arith.constant 0 : index
    tpu.barrier barrier_id(%barrier3A_142)
    %add3A_143 = arith.constant 5000 : i32
    %add3A_144 = arith.addi %add3A_143, %mul3A_108 : i32
    "tpu.region"() ({
      %run_scoped3A = tpu.sem_alloc : memref<!tpu.dma_semaphore, #tpu.memory_space<semaphore_mem>>
      %dma_start3A = arith.constant 0 : i32
      %dma_start3A_146 = tpu.memref_slice %arg15[%arg0, %add3A_144, %dma_start3A] : memref<2x10120x128xf32, #tpu.memory_space<hbm>> -> memref<1x320x128xf32, #tpu.memory_space<hbm>>
      %dma_start3A_147 = tpu.memref_squeeze %dma_start3A_146 : memref<1x320x128xf32, #tpu.memory_space<hbm>> -> memref<320x128xf32, #tpu.memory_space<hbm>>
      %dma_start3A_148 = arith.constant 0 : i32
      %dma_start3A_149 = tpu.memref_slice %arg31[%mul3A_108, %dma_start3A_148] : memref<5120x128xf32, #tpu.memory_space<vmem_shared>> -> memref<320x128xf32, #tpu.memory_space<vmem_shared>>
      tpu.enqueue_dma source(%dma_start3A_149 : memref<320x128xf32, #tpu.memory_space<vmem_shared>>) target(%dma_start3A_147 : memref<320x128xf32, #tpu.memory_space<hbm>>) target_semaphore(%run_scoped3A : memref<!tpu.dma_semaphore, #tpu.memory_space<semaphore_mem>>)
      %dma_wait3A = arith.constant 0 : i32
      %dma_wait3A_150 = tpu.memref_slice %arg15[%arg0, %add3A_144, %dma_wait3A] : memref<2x10120x128xf32, #tpu.memory_space<hbm>> -> memref<1x320x128xf32, #tpu.memory_space<hbm>>
      %dma_wait3A_151 = tpu.memref_squeeze %dma_wait3A_150 : memref<1x320x128xf32, #tpu.memory_space<hbm>> -> memref<320x128xf32, #tpu.memory_space<hbm>>
      %dma_wait3A_152 = arith.constant 0 : i32
      %dma_wait3A_153 = tpu.memref_slice %arg31[%mul3A_108, %dma_wait3A_152] : memref<5120x128xf32, #tpu.memory_space<vmem_shared>> -> memref<320x128xf32, #tpu.memory_space<vmem_shared>>
      tpu.wait_dma2 semaphore(%run_scoped3A : memref<!tpu.dma_semaphore, #tpu.memory_space<semaphore_mem>>) src(%dma_wait3A_153 : memref<320x128xf32, #tpu.memory_space<vmem_shared>>) dst(%dma_wait3A_151 : memref<320x128xf32, #tpu.memory_space<hbm>>)
      tpu.yield
    }) : () -> ()
    %barrier3A_145 = arith.constant 0 : index
    tpu.barrier barrier_id(%barrier3A_145)
    return
  }
}

module attributes {stable_mosaic.version = 14 : i64} {
  func.func @_proj_body(%arg0: i32, %arg1: memref<1000x256xf32, #tpu.memory_space<vmem>>, %arg2: memref<256x768xf32, #tpu.memory_space<vmem>>, %arg3: memref<1x768xf32, #tpu.memory_space<vmem>>, %arg4: memref<2x1000x128xf32, #tpu.memory_space<vmem>>, %arg5: memref<2x1000x128xf32, #tpu.memory_space<vmem>>, %arg6: memref<2x1000x128xf32, #tpu.memory_space<vmem>>) attributes {dimension_semantics = [#tpu.dimension_semantics<arbitrary>], iteration_bounds = array<i64: 10>, scalar_prefetch = 0 : i64, scratch_operands = 0 : i64, tpu.core_type = #tpu.core_type<tc>, window_params = [{transform_indices = @transform_0, window_bounds = array<i64: 1000, 256>}, {pipeline_mode = #tpu.pipeline_mode<synchronous>, transform_indices = @transform_1, window_bounds = array<i64: 256, 768>}, {pipeline_mode = #tpu.pipeline_mode<synchronous>, transform_indices = @transform_2, window_bounds = array<i64: 1, 768>}, {transform_indices = @transform_3, window_bounds = array<i64: 2, 1000, 128>}, {transform_indices = @transform_4, window_bounds = array<i64: 2, 1000, 128>}, {transform_indices = @transform_5, window_bounds = array<i64: 2, 1000, 128>}]} {
    %get3A = arith.constant 0 : index
    %get3A_0 = arith.constant 0 : index
    %get3A_1 = vector.load %arg1[%get3A, %get3A_0] : memref<1000x256xf32, #tpu.memory_space<vmem>>, vector<1000x256xf32>
    %get3A_2 = arith.constant 0 : index
    %get3A_3 = arith.constant 0 : index
    %get3A_4 = vector.load %arg2[%get3A_2, %get3A_3] : memref<256x768xf32, #tpu.memory_space<vmem>>, vector<256x768xf32>
    %dot_general3A = arith.constant dense<0.000000e+00> : vector<1000x768xf32>
    %dot_general3A_5 = tpu.matmul %get3A_1, %get3A_4, %dot_general3A {dimension_numbers = #tpu.dot_dimension_numbers<[1], [0], [0], [1], [0, 0, 1, 1], [], []>, transpose_lhs_hint = false} : vector<1000x256xf32>, vector<256x768xf32>, vector<1000x768xf32> -> vector<1000x768xf32>
    %get3A_6 = arith.constant 0 : index
    %get3A_7 = arith.constant 0 : index
    %get3A_8 = vector.load %arg3[%get3A_6, %get3A_7] : memref<1x768xf32, #tpu.memory_space<vmem>>, vector<1x768xf32>
    %add3A = vector.broadcast %get3A_8 : vector<1x768xf32> to vector<1000x768xf32>
    %add3A_9 = arith.addf %dot_general3A_5, %add3A : vector<1000x768xf32>
    %slice3A = vector.extract_strided_slice %add3A_9 {offsets = [0, 0], sizes = [1000, 128], strides = [1, 1]} : vector<1000x768xf32> to vector<1000x128xf32>
    %swap3A = arith.constant 0 : index
    %swap3A_10 = arith.constant 0 : index
    %swap3A_11 = arith.constant 0 : index
    %swap3A_12 = vector.load %arg4[%swap3A, %swap3A_10, %swap3A_11] : memref<2x1000x128xf32, #tpu.memory_space<vmem>>, vector<1x1000x128xf32>
    %swap3A_13 = vector.shape_cast %swap3A_12 : vector<1x1000x128xf32> to vector<1000x128xf32>
    %swap3A_14 = vector.shape_cast %slice3A : vector<1000x128xf32> to vector<1x1000x128xf32>
    tpu.vector_store %arg4[%swap3A, %swap3A_10, %swap3A_11], %swap3A_14 {strides = array<i32>} : memref<2x1000x128xf32, #tpu.memory_space<vmem>>, vector<1x1000x128xf32>,
    %slice3A_15 = vector.extract_strided_slice %add3A_9 {offsets = [0, 128], sizes = [1000, 128], strides = [1, 1]} : vector<1000x768xf32> to vector<1000x128xf32>
    %swap3A_16 = arith.constant 1 : index
    %swap3A_17 = arith.constant 0 : index
    %swap3A_18 = arith.constant 0 : index
    %swap3A_19 = vector.load %arg4[%swap3A_16, %swap3A_17, %swap3A_18] : memref<2x1000x128xf32, #tpu.memory_space<vmem>>, vector<1x1000x128xf32>
    %swap3A_20 = vector.shape_cast %swap3A_19 : vector<1x1000x128xf32> to vector<1000x128xf32>
    %swap3A_21 = vector.shape_cast %slice3A_15 : vector<1000x128xf32> to vector<1x1000x128xf32>
    tpu.vector_store %arg4[%swap3A_16, %swap3A_17, %swap3A_18], %swap3A_21 {strides = array<i32>} : memref<2x1000x128xf32, #tpu.memory_space<vmem>>, vector<1x1000x128xf32>,
    %slice3A_22 = vector.extract_strided_slice %add3A_9 {offsets = [0, 256], sizes = [1000, 128], strides = [1, 1]} : vector<1000x768xf32> to vector<1000x128xf32>
    %swap3A_23 = arith.constant 0 : index
    %swap3A_24 = arith.constant 0 : index
    %swap3A_25 = arith.constant 0 : index
    %swap3A_26 = vector.load %arg5[%swap3A_23, %swap3A_24, %swap3A_25] : memref<2x1000x128xf32, #tpu.memory_space<vmem>>, vector<1x1000x128xf32>
    %swap3A_27 = vector.shape_cast %swap3A_26 : vector<1x1000x128xf32> to vector<1000x128xf32>
    %swap3A_28 = vector.shape_cast %slice3A_22 : vector<1000x128xf32> to vector<1x1000x128xf32>
    tpu.vector_store %arg5[%swap3A_23, %swap3A_24, %swap3A_25], %swap3A_28 {strides = array<i32>} : memref<2x1000x128xf32, #tpu.memory_space<vmem>>, vector<1x1000x128xf32>,
    %slice3A_29 = vector.extract_strided_slice %add3A_9 {offsets = [0, 384], sizes = [1000, 128], strides = [1, 1]} : vector<1000x768xf32> to vector<1000x128xf32>
    %swap3A_30 = arith.constant 1 : index
    %swap3A_31 = arith.constant 0 : index
    %swap3A_32 = arith.constant 0 : index
    %swap3A_33 = vector.load %arg5[%swap3A_30, %swap3A_31, %swap3A_32] : memref<2x1000x128xf32, #tpu.memory_space<vmem>>, vector<1x1000x128xf32>
    %swap3A_34 = vector.shape_cast %swap3A_33 : vector<1x1000x128xf32> to vector<1000x128xf32>
    %swap3A_35 = vector.shape_cast %slice3A_29 : vector<1000x128xf32> to vector<1x1000x128xf32>
    tpu.vector_store %arg5[%swap3A_30, %swap3A_31, %swap3A_32], %swap3A_35 {strides = array<i32>} : memref<2x1000x128xf32, #tpu.memory_space<vmem>>, vector<1x1000x128xf32>,
    %slice3A_36 = vector.extract_strided_slice %add3A_9 {offsets = [0, 512], sizes = [1000, 128], strides = [1, 1]} : vector<1000x768xf32> to vector<1000x128xf32>
    %swap3A_37 = arith.constant 0 : index
    %swap3A_38 = arith.constant 0 : index
    %swap3A_39 = arith.constant 0 : index
    %swap3A_40 = vector.load %arg6[%swap3A_37, %swap3A_38, %swap3A_39] : memref<2x1000x128xf32, #tpu.memory_space<vmem>>, vector<1x1000x128xf32>
    %swap3A_41 = vector.shape_cast %swap3A_40 : vector<1x1000x128xf32> to vector<1000x128xf32>
    %swap3A_42 = vector.shape_cast %slice3A_36 : vector<1000x128xf32> to vector<1x1000x128xf32>
    tpu.vector_store %arg6[%swap3A_37, %swap3A_38, %swap3A_39], %swap3A_42 {strides = array<i32>} : memref<2x1000x128xf32, #tpu.memory_space<vmem>>, vector<1x1000x128xf32>,
    %slice3A_43 = vector.extract_strided_slice %add3A_9 {offsets = [0, 640], sizes = [1000, 128], strides = [1, 1]} : vector<1000x768xf32> to vector<1000x128xf32>
    %swap3A_44 = arith.constant 1 : index
    %swap3A_45 = arith.constant 0 : index
    %swap3A_46 = arith.constant 0 : index
    %swap3A_47 = vector.load %arg6[%swap3A_44, %swap3A_45, %swap3A_46] : memref<2x1000x128xf32, #tpu.memory_space<vmem>>, vector<1x1000x128xf32>
    %swap3A_48 = vector.shape_cast %swap3A_47 : vector<1x1000x128xf32> to vector<1000x128xf32>
    %swap3A_49 = vector.shape_cast %slice3A_43 : vector<1000x128xf32> to vector<1x1000x128xf32>
    tpu.vector_store %arg6[%swap3A_44, %swap3A_45, %swap3A_46], %swap3A_49 {strides = array<i32>} : memref<2x1000x128xf32, #tpu.memory_space<vmem>>, vector<1x1000x128xf32>,
    return
  }
  func.func @transform_0(%arg0: i32) -> (i32, i32) {
    %c0_i32 = arith.constant 0 : i32
    %c0_i32_0 = arith.constant 0 : i32
    return %arg0, %c0_i32 : i32, i32
  }
  func.func @transform_1(%arg0: i32) -> (i32, i32) {
    %c0_i32 = arith.constant 0 : i32
    %c0_i32_0 = arith.constant 0 : i32
    %c0_i32_1 = arith.constant 0 : i32
    return %c0_i32, %c0_i32_0 : i32, i32
  }
  func.func @transform_2(%arg0: i32) -> (i32, i32) {
    %c0_i32 = arith.constant 0 : i32
    %c0_i32_0 = arith.constant 0 : i32
    %c0_i32_1 = arith.constant 0 : i32
    return %c0_i32, %c0_i32_0 : i32, i32
  }
  func.func @transform_3(%arg0: i32) -> (i32, i32, i32) {
    %c0_i32 = arith.constant 0 : i32
    %c0_i32_0 = arith.constant 0 : i32
    %c0_i32_1 = arith.constant 0 : i32
    return %c0_i32, %arg0, %c0_i32_0 : i32, i32, i32
  }
  func.func @transform_4(%arg0: i32) -> (i32, i32, i32) {
    %c0_i32 = arith.constant 0 : i32
    %c0_i32_0 = arith.constant 0 : i32
    %c0_i32_1 = arith.constant 0 : i32
    return %c0_i32, %arg0, %c0_i32_0 : i32, i32, i32
  }
  func.func @transform_5(%arg0: i32) -> (i32, i32, i32) {
    %c0_i32 = arith.constant 0 : i32
    %c0_i32_0 = arith.constant 0 : i32
    %c0_i32_1 = arith.constant 0 : i32
    return %c0_i32, %arg0, %c0_i32_0 : i32, i32, i32
  }
}

module attributes {stable_mosaic.version = 14 : i64} {
  func.func @_post_body(%arg0: i32, %arg1: memref<2x1000x128xf32, #tpu.memory_space<vmem>>, %arg2: memref<1000x8xf32, #tpu.memory_space<vmem>>, %arg3: memref<1000x256xf32, #tpu.memory_space<vmem>>, %arg4: memref<256x256xf32, #tpu.memory_space<vmem>>, %arg5: memref<1x256xf32, #tpu.memory_space<vmem>>, %arg6: memref<1x1xf32, #tpu.memory_space<smem>>, %arg7: memref<1x256xf32, #tpu.memory_space<vmem>>, %arg8: memref<1x256xf32, #tpu.memory_space<vmem>>, %arg9: memref<1000x256xf32, #tpu.memory_space<vmem>>) attributes {dimension_semantics = [#tpu.dimension_semantics<arbitrary>], iteration_bounds = array<i64: 10>, scalar_prefetch = 0 : i64, scratch_operands = 0 : i64, tpu.core_type = #tpu.core_type<tc>, window_params = [{transform_indices = @transform_0, window_bounds = array<i64: 2, 1000, 128>}, {transform_indices = @transform_1, window_bounds = array<i64: 1000, 8>}, {transform_indices = @transform_2, window_bounds = array<i64: 1000, 256>}, {pipeline_mode = #tpu.pipeline_mode<synchronous>, transform_indices = @transform_3, window_bounds = array<i64: 256, 256>}, {pipeline_mode = #tpu.pipeline_mode<synchronous>, transform_indices = @transform_4, window_bounds = array<i64: 1, 256>}, {transform_indices = @transform_5, window_bounds = array<i64: 1, 1>}, {pipeline_mode = #tpu.pipeline_mode<synchronous>, transform_indices = @transform_6, window_bounds = array<i64: 1, 256>}, {pipeline_mode = #tpu.pipeline_mode<synchronous>, transform_indices = @transform_7, window_bounds = array<i64: 1, 256>}, {transform_indices = @transform_8, window_bounds = array<i64: 1000, 256>}]} {
    %get3A = arith.constant 0 : index
    %get3A_0 = arith.constant 0 : index
    %get3A_1 = arith.constant 0 : index
    %get3A_2 = vector.load %arg1[%get3A, %get3A_0, %get3A_1] : memref<2x1000x128xf32, #tpu.memory_space<vmem>>, vector<1x1000x128xf32>
    %get3A_3 = vector.shape_cast %get3A_2 : vector<1x1000x128xf32> to vector<1000x128xf32>
    %get3A_4 = arith.constant 1 : index
    %get3A_5 = arith.constant 0 : index
    %get3A_6 = arith.constant 0 : index
    %get3A_7 = vector.load %arg1[%get3A_4, %get3A_5, %get3A_6] : memref<2x1000x128xf32, #tpu.memory_space<vmem>>, vector<1x1000x128xf32>
    %get3A_8 = vector.shape_cast %get3A_7 : vector<1x1000x128xf32> to vector<1000x128xf32>
    %concatenate3A = tpu.concatenate %get3A_3, %get3A_8 in 1 : vector<1000x128xf32>, vector<1000x128xf32> -> vector<1000x256xf32>
    %get3A_9 = arith.constant 0 : index
    %get3A_10 = arith.constant 0 : index
    %get3A_11 = vector.load %arg2[%get3A_9, %get3A_10] : memref<1000x8xf32, #tpu.memory_space<vmem>>, vector<1000x8xf32>
    %broadcast_in_dim3A = vector.shape_cast %get3A_11 : vector<1000x8xf32> to vector<1000x8x1xf32>
    %broadcast_in_dim3A_12 = vector.shape_cast %broadcast_in_dim3A : vector<1000x8x1xf32> to vector<1000x8x1xf32>
    %broadcast_in_dim3A_13 = vector.broadcast %broadcast_in_dim3A_12 : vector<1000x8x1xf32> to vector<1000x8x32xf32>
    %reshape3A = vector.shape_cast %broadcast_in_dim3A_13 : vector<1000x8x32xf32> to vector<1000x256xf32>
    %add3A = arith.constant 1.000000e-16 : f32
    %add3A_14 = vector.broadcast %add3A : f32 to vector<1000x256xf32>
    %add3A_15 = arith.addf %reshape3A, %add3A_14 : vector<1000x256xf32>
    %div3A = arith.divf %concatenate3A, %add3A_15 : vector<1000x256xf32>
    %integer_pow3A = arith.mulf %div3A, %div3A : vector<1000x256xf32>
    %integer_pow3A_16 = arith.mulf %div3A, %integer_pow3A : vector<1000x256xf32>
    %mul3A = arith.constant 4.471500e-02 : f32
    %mul3A_17 = vector.broadcast %mul3A : f32 to vector<1000x256xf32>
    %mul3A_18 = arith.mulf %mul3A_17, %integer_pow3A_16 : vector<1000x256xf32>
    %add3A_19 = arith.addf %div3A, %mul3A_18 : vector<1000x256xf32>
    %mul3A_20 = arith.constant 0.797884583 : f32
    %mul3A_21 = vector.broadcast %mul3A_20 : f32 to vector<1000x256xf32>
    %mul3A_22 = arith.mulf %mul3A_21, %add3A_19 : vector<1000x256xf32>
    %tanh3A = math.tanh %mul3A_22 : vector<1000x256xf32>
    %add3A_23 = arith.constant 1.000000e+00 : f32
    %add3A_24 = vector.broadcast %add3A_23 : f32 to vector<1000x256xf32>
    %add3A_25 = arith.addf %add3A_24, %tanh3A : vector<1000x256xf32>
    %mul3A_26 = arith.constant 5.000000e-01 : f32
    %mul3A_27 = vector.broadcast %mul3A_26 : f32 to vector<1000x256xf32>
    %mul3A_28 = arith.mulf %mul3A_27, %add3A_25 : vector<1000x256xf32>
    %mul3A_29 = arith.mulf %div3A, %mul3A_28 : vector<1000x256xf32>
    %get3A_30 = arith.constant 0 : index
    %get3A_31 = arith.constant 0 : index
    %get3A_32 = vector.load %arg4[%get3A_30, %get3A_31] : memref<256x256xf32, #tpu.memory_space<vmem>>, vector<256x256xf32>
    %dot_general3A = arith.constant dense<0.000000e+00> : vector<1000x256xf32>
    %dot_general3A_33 = tpu.matmul %mul3A_29, %get3A_32, %dot_general3A {dimension_numbers = #tpu.dot_dimension_numbers<[1], [0], [0], [1], [0, 0, 1, 1], [], []>, transpose_lhs_hint = false} : vector<1000x256xf32>, vector<256x256xf32>, vector<1000x256xf32> -> vector<1000x256xf32>
    %get3A_34 = arith.constant 0 : index
    %get3A_35 = arith.constant 0 : index
    %get3A_36 = vector.load %arg5[%get3A_34, %get3A_35] : memref<1x256xf32, #tpu.memory_space<vmem>>, vector<1x256xf32>
    %add3A_37 = vector.broadcast %get3A_36 : vector<1x256xf32> to vector<1000x256xf32>
    %add3A_38 = arith.addf %dot_general3A_33, %add3A_37 : vector<1000x256xf32>
    %get3A_39 = arith.constant 0 : index
    %get3A_40 = arith.constant 0 : index
    %get3A_41 = memref.load %arg6[%get3A_39, %get3A_40] : memref<1x1xf32, #tpu.memory_space<smem>>
    %get3A_42 = arith.constant 0 : index
    %get3A_43 = arith.constant 0 : index
    %get3A_44 = vector.load %arg3[%get3A_42, %get3A_43] : memref<1000x256xf32, #tpu.memory_space<vmem>>, vector<1000x256xf32>
    %mul3A_45 = vector.broadcast %get3A_41 : f32 to vector<1000x256xf32>
    %mul3A_46 = arith.mulf %mul3A_45, %add3A_38 : vector<1000x256xf32>
    %add3A_47 = arith.addf %get3A_44, %mul3A_46 : vector<1000x256xf32>
    %sub3A = arith.constant 1.000000e+00 : f32
    %sub3A_48 = arith.subf %sub3A, %get3A_41 : f32
    %mul3A_49 = vector.broadcast %sub3A_48 : f32 to vector<1000x256xf32>
    %mul3A_50 = arith.mulf %mul3A_49, %get3A_44 : vector<1000x256xf32>
    %add3A_51 = arith.addf %add3A_47, %mul3A_50 : vector<1000x256xf32>
    %reduce_sum3A = arith.constant dense<0.000000e+00> : vector<1000xf32>
    %reduce_sum3A_52 = vector.multi_reduction <add>, %add3A_51, %reduce_sum3A [1] : vector<1000x256xf32> to vector<1000xf32>
    %broadcast_in_dim3A_53 = vector.shape_cast %reduce_sum3A_52 : vector<1000xf32> to vector<1000x1xf32>
    %div3A_54 = arith.constant 2.560000e+02 : f32
    %div3A_55 = vector.broadcast %div3A_54 : f32 to vector<1000x1xf32>
    %div3A_56 = arith.divf %broadcast_in_dim3A_53, %div3A_55 : vector<1000x1xf32>
    %sub3A_57 = vector.broadcast %div3A_56 : vector<1000x1xf32> to vector<1000x256xf32>
    %sub3A_58 = arith.subf %add3A_51, %sub3A_57 : vector<1000x256xf32>
    %integer_pow3A_59 = arith.mulf %sub3A_58, %sub3A_58 : vector<1000x256xf32>
    %reduce_sum3A_60 = arith.constant dense<0.000000e+00> : vector<1000xf32>
    %reduce_sum3A_61 = vector.multi_reduction <add>, %integer_pow3A_59, %reduce_sum3A_60 [1] : vector<1000x256xf32> to vector<1000xf32>
    %broadcast_in_dim3A_62 = vector.shape_cast %reduce_sum3A_61 : vector<1000xf32> to vector<1000x1xf32>
    %div3A_63 = arith.constant 2.560000e+02 : f32
    %div3A_64 = vector.broadcast %div3A_63 : f32 to vector<1000x1xf32>
    %div3A_65 = arith.divf %broadcast_in_dim3A_62, %div3A_64 : vector<1000x1xf32>
    %sub3A_66 = vector.broadcast %div3A_56 : vector<1000x1xf32> to vector<1000x256xf32>
    %sub3A_67 = arith.subf %add3A_51, %sub3A_66 : vector<1000x256xf32>
    %add3A_68 = arith.constant 9.99999974E-6 : f32
    %add3A_69 = vector.broadcast %add3A_68 : f32 to vector<1000x1xf32>
    %add3A_70 = arith.addf %div3A_65, %add3A_69 : vector<1000x1xf32>
    %rsqrt3A = math.rsqrt %add3A_70 : vector<1000x1xf32>
    %mul3A_71 = vector.broadcast %rsqrt3A : vector<1000x1xf32> to vector<1000x256xf32>
    %mul3A_72 = arith.mulf %sub3A_67, %mul3A_71 : vector<1000x256xf32>
    %get3A_73 = arith.constant 0 : index
    %get3A_74 = arith.constant 0 : index
    %get3A_75 = vector.load %arg7[%get3A_73, %get3A_74] : memref<1x256xf32, #tpu.memory_space<vmem>>, vector<1x256xf32>
    %mul3A_76 = vector.broadcast %get3A_75 : vector<1x256xf32> to vector<1000x256xf32>
    %mul3A_77 = arith.mulf %mul3A_72, %mul3A_76 : vector<1000x256xf32>
    %get3A_78 = arith.constant 0 : index
    %get3A_79 = arith.constant 0 : index
    %get3A_80 = vector.load %arg8[%get3A_78, %get3A_79] : memref<1x256xf32, #tpu.memory_space<vmem>>, vector<1x256xf32>
    %add3A_81 = vector.broadcast %get3A_80 : vector<1x256xf32> to vector<1000x256xf32>
    %add3A_82 = arith.addf %mul3A_77, %add3A_81 : vector<1000x256xf32>
    %swap3A = arith.constant 0 : index
    %swap3A_83 = arith.constant 0 : index
    %swap3A_84 = vector.load %arg9[%swap3A, %swap3A_83] : memref<1000x256xf32, #tpu.memory_space<vmem>>, vector<1000x256xf32>
    tpu.vector_store %arg9[%swap3A, %swap3A_83], %add3A_82 {strides = array<i32>} : memref<1000x256xf32, #tpu.memory_space<vmem>>, vector<1000x256xf32>,
    return
  }
  func.func @transform_0(%arg0: i32) -> (i32, i32, i32) {
    %c0_i32 = arith.constant 0 : i32
    %c0_i32_0 = arith.constant 0 : i32
    %c0_i32_1 = arith.constant 0 : i32
    return %c0_i32, %arg0, %c0_i32_0 : i32, i32, i32
  }
  func.func @transform_1(%arg0: i32) -> (i32, i32) {
    %c0_i32 = arith.constant 0 : i32
    %c0_i32_0 = arith.constant 0 : i32
    return %arg0, %c0_i32 : i32, i32
  }
  func.func @transform_2(%arg0: i32) -> (i32, i32) {
    %c0_i32 = arith.constant 0 : i32
    %c0_i32_0 = arith.constant 0 : i32
    return %arg0, %c0_i32 : i32, i32
  }
  func.func @transform_3(%arg0: i32) -> (i32, i32) {
    %c0_i32 = arith.constant 0 : i32
    %c0_i32_0 = arith.constant 0 : i32
    %c0_i32_1 = arith.constant 0 : i32
    return %c0_i32, %c0_i32_0 : i32, i32
  }
  func.func @transform_4(%arg0: i32) -> (i32, i32) {
    %c0_i32 = arith.constant 0 : i32
    %c0_i32_0 = arith.constant 0 : i32
    %c0_i32_1 = arith.constant 0 : i32
    return %c0_i32, %c0_i32_0 : i32, i32
  }
  func.func @transform_5(%arg0: i32) -> (i32, i32) {
    %c0_i32 = arith.constant 0 : i32
    %c0_i32_0 = arith.constant 0 : i32
    %c0_i32_1 = arith.constant 0 : i32
    return %c0_i32, %c0_i32_0 : i32, i32
  }
  func.func @transform_6(%arg0: i32) -> (i32, i32) {
    %c0_i32 = arith.constant 0 : i32
    %c0_i32_0 = arith.constant 0 : i32
    %c0_i32_1 = arith.constant 0 : i32
    return %c0_i32, %c0_i32_0 : i32, i32
  }
  func.func @transform_7(%arg0: i32) -> (i32, i32) {
    %c0_i32 = arith.constant 0 : i32
    %c0_i32_0 = arith.constant 0 : i32
    %c0_i32_1 = arith.constant 0 : i32
    return %c0_i32, %c0_i32_0 : i32, i32
  }
  func.func @transform_8(%arg0: i32) -> (i32, i32) {
    %c0_i32 = arith.constant 0 : i32
    %c0_i32_0 = arith.constant 0 : i32
    return %arg0, %c0_i32 : i32, i32
  }
}

module attributes {stable_mosaic.version = 14 : i64} {
  func.func @_post_body(%arg0: i32, %arg1: memref<2x1000x128xf32, #tpu.memory_space<vmem>>, %arg2: memref<1000x8xf32, #tpu.memory_space<vmem>>, %arg3: memref<1000x256xf32, #tpu.memory_space<vmem>>, %arg4: memref<256x256xf32, #tpu.memory_space<vmem>>, %arg5: memref<1x256xf32, #tpu.memory_space<vmem>>, %arg6: memref<1x1xf32, #tpu.memory_space<smem>>, %arg7: memref<1x256xf32, #tpu.memory_space<vmem>>, %arg8: memref<1x256xf32, #tpu.memory_space<vmem>>, %arg9: memref<1000x256xf32, #tpu.memory_space<vmem>>) attributes {dimension_semantics = [#tpu.dimension_semantics<arbitrary>], iteration_bounds = array<i64: 10>, scalar_prefetch = 0 : i64, scratch_operands = 0 : i64, tpu.core_type = #tpu.core_type<tc>, window_params = [{transform_indices = @transform_0, window_bounds = array<i64: 2, 1000, 128>}, {transform_indices = @transform_1, window_bounds = array<i64: 1000, 8>}, {transform_indices = @transform_2, window_bounds = array<i64: 1000, 256>}, {pipeline_mode = #tpu.pipeline_mode<synchronous>, transform_indices = @transform_3, window_bounds = array<i64: 256, 256>}, {pipeline_mode = #tpu.pipeline_mode<synchronous>, transform_indices = @transform_4, window_bounds = array<i64: 1, 256>}, {transform_indices = @transform_5, window_bounds = array<i64: 1, 1>}, {pipeline_mode = #tpu.pipeline_mode<synchronous>, transform_indices = @transform_6, window_bounds = array<i64: 1, 256>}, {pipeline_mode = #tpu.pipeline_mode<synchronous>, transform_indices = @transform_7, window_bounds = array<i64: 1, 256>}, {transform_indices = @transform_8, window_bounds = array<i64: 1000, 256>}]} {
    %get3A = arith.constant 0 : index
    %get3A_0 = arith.constant 0 : index
    %get3A_1 = arith.constant 0 : index
    %get3A_2 = vector.load %arg1[%get3A, %get3A_0, %get3A_1] : memref<2x1000x128xf32, #tpu.memory_space<vmem>>, vector<1x1000x128xf32>
    %get3A_3 = vector.shape_cast %get3A_2 : vector<1x1000x128xf32> to vector<1000x128xf32>
    %get3A_4 = arith.constant 1 : index
    %get3A_5 = arith.constant 0 : index
    %get3A_6 = arith.constant 0 : index
    %get3A_7 = vector.load %arg1[%get3A_4, %get3A_5, %get3A_6] : memref<2x1000x128xf32, #tpu.memory_space<vmem>>, vector<1x1000x128xf32>
    %get3A_8 = vector.shape_cast %get3A_7 : vector<1x1000x128xf32> to vector<1000x128xf32>
    %concatenate3A = tpu.concatenate %get3A_3, %get3A_8 in 1 : vector<1000x128xf32>, vector<1000x128xf32> -> vector<1000x256xf32>
    %get3A_9 = arith.constant 0 : index
    %get3A_10 = arith.constant 0 : index
    %get3A_11 = vector.load %arg2[%get3A_9, %get3A_10] : memref<1000x8xf32, #tpu.memory_space<vmem>>, vector<1000x8xf32>
    %broadcast_in_dim3A = vector.shape_cast %get3A_11 : vector<1000x8xf32> to vector<1000x8x1xf32>
    %broadcast_in_dim3A_12 = vector.shape_cast %broadcast_in_dim3A : vector<1000x8x1xf32> to vector<1000x8x1xf32>
    %broadcast_in_dim3A_13 = vector.broadcast %broadcast_in_dim3A_12 : vector<1000x8x1xf32> to vector<1000x8x32xf32>
    %reshape3A = vector.shape_cast %broadcast_in_dim3A_13 : vector<1000x8x32xf32> to vector<1000x256xf32>
    %add3A = arith.constant 1.000000e-16 : f32
    %add3A_14 = vector.broadcast %add3A : f32 to vector<1000x256xf32>
    %add3A_15 = arith.addf %reshape3A, %add3A_14 : vector<1000x256xf32>
    %div3A = arith.divf %concatenate3A, %add3A_15 : vector<1000x256xf32>
    %integer_pow3A = arith.mulf %div3A, %div3A : vector<1000x256xf32>
    %integer_pow3A_16 = arith.mulf %div3A, %integer_pow3A : vector<1000x256xf32>
    %mul3A = arith.constant 4.471500e-02 : f32
    %mul3A_17 = vector.broadcast %mul3A : f32 to vector<1000x256xf32>
    %mul3A_18 = arith.mulf %mul3A_17, %integer_pow3A_16 : vector<1000x256xf32>
    %add3A_19 = arith.addf %div3A, %mul3A_18 : vector<1000x256xf32>
    %mul3A_20 = arith.constant 0.797884583 : f32
    %mul3A_21 = vector.broadcast %mul3A_20 : f32 to vector<1000x256xf32>
    %mul3A_22 = arith.mulf %mul3A_21, %add3A_19 : vector<1000x256xf32>
    %tanh3A = math.tanh %mul3A_22 : vector<1000x256xf32>
    %add3A_23 = arith.constant 1.000000e+00 : f32
    %add3A_24 = vector.broadcast %add3A_23 : f32 to vector<1000x256xf32>
    %add3A_25 = arith.addf %add3A_24, %tanh3A : vector<1000x256xf32>
    %mul3A_26 = arith.constant 5.000000e-01 : f32
    %mul3A_27 = vector.broadcast %mul3A_26 : f32 to vector<1000x256xf32>
    %mul3A_28 = arith.mulf %mul3A_27, %add3A_25 : vector<1000x256xf32>
    %mul3A_29 = arith.mulf %div3A, %mul3A_28 : vector<1000x256xf32>
    %get3A_30 = arith.constant 0 : index
    %get3A_31 = arith.constant 0 : index
    %get3A_32 = vector.load %arg4[%get3A_30, %get3A_31] : memref<256x256xf32, #tpu.memory_space<vmem>>, vector<256x256xf32>
    %dot_general3A = arith.constant dense<0.000000e+00> : vector<1000x256xf32>
    %dot_general3A_33 = tpu.matmul %mul3A_29, %get3A_32, %dot_general3A {dimension_numbers = #tpu.dot_dimension_numbers<[1], [0], [0], [1], [0, 0, 1, 1], [], []>, transpose_lhs_hint = false} : vector<1000x256xf32>, vector<256x256xf32>, vector<1000x256xf32> -> vector<1000x256xf32>
    %get3A_34 = arith.constant 0 : index
    %get3A_35 = arith.constant 0 : index
    %get3A_36 = vector.load %arg5[%get3A_34, %get3A_35] : memref<1x256xf32, #tpu.memory_space<vmem>>, vector<1x256xf32>
    %add3A_37 = vector.broadcast %get3A_36 : vector<1x256xf32> to vector<1000x256xf32>
    %add3A_38 = arith.addf %dot_general3A_33, %add3A_37 : vector<1000x256xf32>
    %get3A_39 = arith.constant 0 : index
    %get3A_40 = arith.constant 0 : index
    %get3A_41 = memref.load %arg6[%get3A_39, %get3A_40] : memref<1x1xf32, #tpu.memory_space<smem>>
    %get3A_42 = arith.constant 0 : index
    %get3A_43 = arith.constant 0 : index
    %get3A_44 = vector.load %arg3[%get3A_42, %get3A_43] : memref<1000x256xf32, #tpu.memory_space<vmem>>, vector<1000x256xf32>
    %mul3A_45 = vector.broadcast %get3A_41 : f32 to vector<1000x256xf32>
    %mul3A_46 = arith.mulf %mul3A_45, %add3A_38 : vector<1000x256xf32>
    %add3A_47 = arith.addf %get3A_44, %mul3A_46 : vector<1000x256xf32>
    %sub3A = arith.constant 1.000000e+00 : f32
    %sub3A_48 = arith.subf %sub3A, %get3A_41 : f32
    %mul3A_49 = vector.broadcast %sub3A_48 : f32 to vector<1000x256xf32>
    %mul3A_50 = arith.mulf %mul3A_49, %get3A_44 : vector<1000x256xf32>
    %add3A_51 = arith.addf %add3A_47, %mul3A_50 : vector<1000x256xf32>
    %reduce_sum3A = arith.constant dense<0.000000e+00> : vector<1000xf32>
    %reduce_sum3A_52 = vector.multi_reduction <add>, %add3A_51, %reduce_sum3A [1] : vector<1000x256xf32> to vector<1000xf32>
    %broadcast_in_dim3A_53 = vector.shape_cast %reduce_sum3A_52 : vector<1000xf32> to vector<1000x1xf32>
    %div3A_54 = arith.constant 2.560000e+02 : f32
    %div3A_55 = vector.broadcast %div3A_54 : f32 to vector<1000x1xf32>
    %div3A_56 = arith.divf %broadcast_in_dim3A_53, %div3A_55 : vector<1000x1xf32>
    %sub3A_57 = vector.broadcast %div3A_56 : vector<1000x1xf32> to vector<1000x256xf32>
    %sub3A_58 = arith.subf %add3A_51, %sub3A_57 : vector<1000x256xf32>
    %integer_pow3A_59 = arith.mulf %sub3A_58, %sub3A_58 : vector<1000x256xf32>
    %reduce_sum3A_60 = arith.constant dense<0.000000e+00> : vector<1000xf32>
    %reduce_sum3A_61 = vector.multi_reduction <add>, %integer_pow3A_59, %reduce_sum3A_60 [1] : vector<1000x256xf32> to vector<1000xf32>
    %broadcast_in_dim3A_62 = vector.shape_cast %reduce_sum3A_61 : vector<1000xf32> to vector<1000x1xf32>
    %div3A_63 = arith.constant 2.560000e+02 : f32
    %div3A_64 = vector.broadcast %div3A_63 : f32 to vector<1000x1xf32>
    %div3A_65 = arith.divf %broadcast_in_dim3A_62, %div3A_64 : vector<1000x1xf32>
    %sub3A_66 = vector.broadcast %div3A_56 : vector<1000x1xf32> to vector<1000x256xf32>
    %sub3A_67 = arith.subf %add3A_51, %sub3A_66 : vector<1000x256xf32>
    %add3A_68 = arith.constant 9.99999974E-6 : f32
    %add3A_69 = vector.broadcast %add3A_68 : f32 to vector<1000x1xf32>
    %add3A_70 = arith.addf %div3A_65, %add3A_69 : vector<1000x1xf32>
    %rsqrt3A = math.rsqrt %add3A_70 : vector<1000x1xf32>
    %mul3A_71 = vector.broadcast %rsqrt3A : vector<1000x1xf32> to vector<1000x256xf32>
    %mul3A_72 = arith.mulf %sub3A_67, %mul3A_71 : vector<1000x256xf32>
    %get3A_73 = arith.constant 0 : index
    %get3A_74 = arith.constant 0 : index
    %get3A_75 = vector.load %arg7[%get3A_73, %get3A_74] : memref<1x256xf32, #tpu.memory_space<vmem>>, vector<1x256xf32>
    %mul3A_76 = vector.broadcast %get3A_75 : vector<1x256xf32> to vector<1000x256xf32>
    %mul3A_77 = arith.mulf %mul3A_72, %mul3A_76 : vector<1000x256xf32>
    %get3A_78 = arith.constant 0 : index
    %get3A_79 = arith.constant 0 : index
    %get3A_80 = vector.load %arg8[%get3A_78, %get3A_79] : memref<1x256xf32, #tpu.memory_space<vmem>>, vector<1x256xf32>
    %add3A_81 = vector.broadcast %get3A_80 : vector<1x256xf32> to vector<1000x256xf32>
    %add3A_82 = arith.addf %mul3A_77, %add3A_81 : vector<1000x256xf32>
    %swap3A = arith.constant 0 : index
    %swap3A_83 = arith.constant 0 : index
    %swap3A_84 = vector.load %arg9[%swap3A, %swap3A_83] : memref<1000x256xf32, #tpu.memory_space<vmem>>, vector<1000x256xf32>
    tpu.vector_store %arg9[%swap3A, %swap3A_83], %add3A_82 {strides = array<i32>} : memref<1000x256xf32, #tpu.memory_space<vmem>>, vector<1000x256xf32>,
    return
  }
  func.func @transform_0(%arg0: i32) -> (i32, i32, i32) {
    %c0_i32 = arith.constant 0 : i32
    %c0_i32_0 = arith.constant 0 : i32
    %c0_i32_1 = arith.constant 0 : i32
    return %c0_i32, %arg0, %c0_i32_0 : i32, i32, i32
  }
  func.func @transform_1(%arg0: i32) -> (i32, i32) {
    %c0_i32 = arith.constant 0 : i32
    %c0_i32_0 = arith.constant 0 : i32
    return %arg0, %c0_i32 : i32, i32
  }
  func.func @transform_2(%arg0: i32) -> (i32, i32) {
    %c0_i32 = arith.constant 0 : i32
    %c0_i32_0 = arith.constant 0 : i32
    return %arg0, %c0_i32 : i32, i32
  }
  func.func @transform_3(%arg0: i32) -> (i32, i32) {
    %c0_i32 = arith.constant 0 : i32
    %c0_i32_0 = arith.constant 0 : i32
    %c0_i32_1 = arith.constant 0 : i32
    return %c0_i32, %c0_i32_0 : i32, i32
  }
  func.func @transform_4(%arg0: i32) -> (i32, i32) {
    %c0_i32 = arith.constant 0 : i32
    %c0_i32_0 = arith.constant 0 : i32
    %c0_i32_1 = arith.constant 0 : i32
    return %c0_i32, %c0_i32_0 : i32, i32
  }
  func.func @transform_5(%arg0: i32) -> (i32, i32) {
    %c0_i32 = arith.constant 0 : i32
    %c0_i32_0 = arith.constant 0 : i32
    %c0_i32_1 = arith.constant 0 : i32
    return %c0_i32, %c0_i32_0 : i32, i32
  }
  func.func @transform_6(%arg0: i32) -> (i32, i32) {
    %c0_i32 = arith.constant 0 : i32
    %c0_i32_0 = arith.constant 0 : i32
    %c0_i32_1 = arith.constant 0 : i32
    return %c0_i32, %c0_i32_0 : i32, i32
  }
  func.func @transform_7(%arg0: i32) -> (i32, i32) {
    %c0_i32 = arith.constant 0 : i32
    %c0_i32_0 = arith.constant 0 : i32
    %c0_i32_1 = arith.constant 0 : i32
    return %c0_i32, %c0_i32_0 : i32, i32
  }
  func.func @transform_8(%arg0: i32) -> (i32, i32) {
    %c0_i32 = arith.constant 0 : i32
    %c0_i32_0 = arith.constant 0 : i32
    return %arg0, %c0_i32 : i32, i32
  }
}

</mosaic_0001>

<sc_bundles>
// kernel: closed_call.20.cloned.1.call-start
scs
__scs_entry_jumppad:
0x0: {  	(pc) =	sbr.rel $0x88, $3  }
0x1: {  	(tag) =	ssettag $0x0;
	lr =	simm.s32 $0x1  }
0x2: {  	[smem:$0x3F8F] =	sst lr;
	_ =	strace $0xD0000000  }
0x3: {  	_ = 	snop  }
0x4: {  	_ = 	snop  }
0x5: {  	_ = 	snop  }
0x6: {  	_ = 	snop  }
0x7: {  	_ = 	snop  }
__scs_overlays_trampoline_lowered:
0x8: {  	[smem:$0x3F9E] =	sst s0  }
0x9: {  	[smem:$0x3F9F] =	sst s1  }
0xa: {  	[smem:$0x3FA0] =	sst s2  }
0xb: {  	[smem:$0x3FA1] =	sst s3  }
0xc: {  	[smem:$0x3FA2] =	sst s4  }
0xd: {  	[smem:$0x3FA3] =	sst s5  }
0xe: {  	[smem:$0x3FA4] =	sst s6  }
0xf: {  	[smem:$0x3FA5] =	sst s7  }
0x10: {  	[smem:$0x3FA6] =	sst s8  }
0x11: {  	[smem:$0x3FA7] =	sst s9;
	s0 =	simm.s32 @!p0 $0x0  }
0x12: {  	s1 =	sld [smem:$0x3F8D];
	s0 =	simm.s32 @p0 $0x1  }
0x13: {  	[smem:$0x3FA8] =	sst s0;
	s0 =	simm.s32 @!p1 $0x0  }
0x14: {  	s2 =	sld [smem:$0x3F8C];
	s0 =	simm.s32 @p1 $0x1  }
0x15: {  	[smem:$0x3FA9] =	sst s0;
	s0 =	simm.s32 @!p2 $0x0  }
0x16: {  	s3 =	sld [smem:$0x3FDB];
	s0 =	simm.s32 @p2 $0x1  }
0x17: {  	s4 =	simm.s32 $0x1BF5;
	[smem:$0x3FAB] =	sst s0  }
0x18: {  	s0 =	sld [smem:$0x3F8E];
	_ =	swait.ge [sflag:s4], $0x0  }
0x19: {  	s7 =	sld [smem:$0x3F8F]  }
0x1a: {  	s8 =	sadd.s32 $0xFFFFE003, lr  }
0x1b: {  	s9 =	sadd.s32 $0xFFFFFEF7, lr;
	s5 =	simm.s32 $0xFFFFFFFF;
	p2 =	slt.u32 s8, $0xFFFFF086  }
0x1c: {  	p1 =	slt.u32 s9, $0xF7A;
	s5 =	simm.s32 @!p2 $0x0  }
0x1d: {  	s5 =	simm.s32 @p1 $0x1;
	p0 =	seq.s32 s7, s2  }
0x1e: {  	s7 =	smul.u32 @!p0 $0xF7A, s2;
	p2 =	seq.s32 @!p0 s5, $0x0  }
0x1f: {  	s9 =	smul.u32 $0xF7A, s1;
	s8 =	simm.s32 @!p0 $0x1BF5;
	p2 =	por !p2, p0  }
0x20: {  	[sflag:s8] =	ssyncset.s32 @!p0 $0xFFFFF086;
	s6 =	sadd.s32 @!p0 s3, s7;
	s7 =	simm.s32 @!p0 $0x108  }
0x21: {  	s3 =	sadd.s32 s3, s9;
	s6 =	sadd.s32 @!p0 $0x88, s6;
	s7 =	simm.s32 @p2 $0x1082  }
0x22: {  	[simem:s7], [sflag:s8] =	dma.local @!p0 [hbm:s6], $0xF7A  }
0x23: {  	s9 =	sor.u32 $0xD0000000, s2;
	s6 =	simm.s32 $0x108;
	_ =	swait.ge @!p0 [sflag:s8], $0x0  }
0x24: {  	s3 =	sadd.s32 $0x88, s3;
	s6 =	simm.s32 @!p1 $0x1082;
	[sflag:s4] =	ssyncset.s32 $0xFFFFF086  }
0x25: {  	[simem:s6], [sflag:s4] =	dma.local [hbm:s3], $0xF7A  }
0x26: {  	[smem:$0x3F8F] =	sst s1;
	(tag) =	ssettag s2;
	_ =	strace s9  }
0x27: {  	s1 =	sld [smem:$0x3F9F]  }
0x28: {  	s2 =	sld [smem:$0x3FA0]  }
0x29: {  	s4 =	sld [smem:$0x3FA2]  }
0x2a: {  	p0 =	seq.s32 s5, $0x0;
	s5 =	sld [smem:$0x3FA3]  }
0x2b: {  	s6 =	sld [smem:$0x3FA4]  }
0x2c: {  	s7 =	sld [smem:$0x3FA5]  }
0x2d: {  	s3 =	simm.s32 $0x108;
	s8 =	sld [smem:$0x3FA6]  }
0x2e: {  	s3 =	simm.s32 @!p0 $0x1082;
	s9 =	sld [smem:$0x3FA7]  }
0x2f: {  	lr =	sadd.s32 s0, s3;
	s0 =	sld [smem:$0x3F9E]  }
0x30: {  	s3 =	sld [smem:$0x3FA1]  }
0x31: {  	[smem:$0x3FAA] =	sst s10  }
0x32: {  	s10 =	sld [smem:$0x3FA8];
	_ =	sdelay $0x3  }
0x33: {  	p0 =	seq.s32 s10, $0x1;
	s10 =	sld [smem:$0x3FAA];
	_ =	sdelay $0x3  }
0x34: {  	[smem:$0x3FAA] =	sst s10  }
0x35: {  	s10 =	sld [smem:$0x3FA9];
	_ =	sdelay $0x3  }
0x36: {  	p1 =	seq.s32 s10, $0x1;
	s10 =	sld [smem:$0x3FAA];
	_ =	sdelay $0x3  }
0x37: {  	[smem:$0x3FAA] =	sst s10  }
0x38: {  	s10 =	sld [smem:$0x3FAB]  }
0x39: {  	_ = 	snop;
	(pc) =	sbr.ind lr, $3  }
0x3a: {  	_ = 	snop  }
0x3b: {  	_ = 	snop  }
0x3c: {  	p2 =	seq.s32 s10, $0x1;
	s10 =	sld [smem:$0x3FAA]  }
0x3d: {  	_ =	shalt  }
0x3e: {  	_ =	shalt  }
0x3f: {  	_ =	shalt  }
0x40: {  	_ =	shalt  }
0x41: {  	_ =	shalt  }
0x42: {  	_ =	shalt  }
0x43: {  	_ =	shalt  }
0x44: {  	_ =	shalt  }
0x45: {  	_ =	shalt  }
0x46: {  	_ =	shalt  }
0x47: {  	_ =	shalt  }
0x48: {  	_ =	shalt  }
0x49: {  	_ =	shalt  }
0x4a: {  	_ =	shalt  }
0x4b: {  	_ =	shalt  }
0x4c: {  	_ =	shalt  }
0x4d: {  	_ =	shalt  }
0x4e: {  	_ =	shalt  }
0x4f: {  	_ =	shalt  }
0x50: {  	_ =	shalt  }
0x51: {  	_ =	shalt  }
0x52: {  	_ =	shalt  }
0x53: {  	_ =	shalt  }
0x54: {  	_ =	shalt  }
0x55: {  	_ =	shalt  }
0x56: {  	_ =	shalt  }
0x57: {  	_ =	shalt  }
0x58: {  	_ =	shalt  }
0x59: {  	_ =	shalt  }
0x5a: {  	_ =	shalt  }
0x5b: {  	_ =	shalt  }
0x5c: {  	_ =	shalt  }
0x5d: {  	_ =	shalt  }
0x5e: {  	_ =	shalt  }
0x5f: {  	_ =	shalt  }
0x60: {  	_ =	shalt  }
0x61: {  	_ =	shalt  }
0x62: {  	_ =	shalt  }
0x63: {  	_ =	shalt  }
0x64: {  	_ =	shalt  }
0x65: {  	_ =	shalt  }
0x66: {  	_ =	shalt  }
0x67: {  	_ =	shalt  }
0x68: {  	_ =	shalt  }
0x69: {  	_ =	shalt  }
0x6a: {  	_ =	shalt  }
0x6b: {  	_ =	shalt  }
0x6c: {  	_ =	shalt  }
0x6d: {  	_ =	shalt  }
0x6e: {  	_ =	shalt  }
0x6f: {  	_ =	shalt  }
0x70: {  	_ =	shalt  }
0x71: {  	_ =	shalt  }
0x72: {  	_ =	shalt  }
0x73: {  	_ =	shalt  }
0x74: {  	_ =	shalt  }
0x75: {  	_ =	shalt  }
0x76: {  	_ =	shalt  }
0x77: {  	_ =	shalt  }
0x78: {  	_ =	shalt  }
0x79: {  	_ =	shalt  }
0x7a: {  	_ =	shalt  }
0x7b: {  	_ =	shalt  }
0x7c: {  	_ =	shalt  }
0x7d: {  	_ =	shalt  }
0x7e: {  	_ =	shalt  }
0x7f: {  	_ =	shalt  }
0x80: {  	_ =	shalt  }
0x81: {  	_ =	shalt  }
0x82: {  	_ =	shalt  }
0x83: {  	_ =	shalt  }
0x84: {  	_ =	shalt  }
0x85: {  	_ =	shalt  }
0x86: {  	_ =	shalt  }
0x87: {  	_ =	shalt  }
.Lfunc_end0:
.L_simem_size_0:
called_computation_lowered:
.L_overlay_start_0:
0x88: {  	s2 =	sld [smem:$0x3FD9]  }
0x89: {  	s3 =	sld [smem:$0x3FFE];
	_ =	sdelay $0x1  }
0x8a: {  	s1 =	srdreg.scid  }
0x8b: {  	s0 =	sand.u32 $0x1, s1  }
0x8c: {  	s17 =	sshll.u32 s0, $0xA;
	s2 =	sadd.s32 s3, s2  }
0x8d: {  	s2 =	sadd.s32 s2, s17  }
0x8e: {  	[smem:$0x3FB6] =	sst s2  }
0x8f: {  	_ = 	snop  }
0x90: {  	s2 =	sld [smem:$0x3FD0];
	(tm) =	ssettm $0x1  }
0x91: {  	s18 =	sld [smem:$0x3FFB];
	_ =	sdelay $0x3  }
0x92: {  	_ =	strace s18  }
0x93: {  	s3 =	sld [smem:$0x3FFC];
	_ =	sdelay $0x3  }
0x94: {  	_ =	strace s3  }
0x95: {  	s3 =	sld [smem:$0x3FFD];
	_ =	sdelay $0x3  }
0x96: {  	_ =	strace s3  }
0x97: {  	_ =	strace $0x8FFFFFFF  }
0x98: {  	s19 =	sld [smem:$0x3FDB];
	_ =	sdelay $0x1  }
0x99: {  	s4 =	simm.s32 $_scs_section_size  }
0x9a: {  	s5 =	simm.s32 $_size__tile_overlayer_lowered;
	s6 =	simm.s32 $_tile_overlayer_lowered  }
0x9b: {  	s22 =	simm.s32 $0x1BFF;
	s21 =	sshll.u32 s6, $0x1;
	s3 =	sadd.s32 s4, s19  }
0x9c: {  	s7 =	simm.s32 $0x0;
	s20 =	sshll.u32 s5, $0x1;
	s5 =	sadd.s32 s21, s3  }
0x9d: {  	[timem:s7], [sflag:s22] =	dma.local [hbm:s5], s20  }
0x9e: {  	_ =	swait.ge [sflag:s22], s20  }
0x9f: {  	s4 =	ssub.s32 $0x0, s20;
	[sflag:s22] =	ssyncset.done $0x0  }
0xa0: {  	[sflag:s22] =	ssyncadd.s32 s4;
	_ =	sdelay $0x1  }
0xa1: {  	s23 =	simm.s32 $0x1B8B  }
0xa2: {  	_ =	swait.ge [sflag:s23], $0x1  }
0xa3: {  	[sflag:s23] =	ssyncset.done $0x0  }
0xa4: {  	s25 =	simm.s32 $0x1B8E;
	s24 =	sld [smem:$0x3FFE];
	[sflag:s23] =	ssyncadd.s32 $0xFFFFFFFF  }
0xa5: {  	s26 =	simm.s32 $execute0_lowered;
	[smem:$0x3FD2] =	sst s25  }
0xa6: {  	s5 =	sshll.u32 s26, $0x1;
	_ =	strace $0x80000046;
	[dreg:$0x1] =	wrdreg $0xFFFFFFFF  }
0xa7: {  	s28 =	simm.s32 $_size_execute0_lowered;
	s3 =	sadd.s32 s3, s5;
	[dreg:$0x0] =	wrdreg $0x0  }
0xa8: {  	s5 =	sshll.u32 s28, $0x1;
	[dreg:$0x2] =	wrdreg s3  }
0xa9: {  	[dreg:$0x3] =	wrdreg s5  }
0xaa: {  	[dreg:$0x4] =	wrdreg $0xC0  }
0xab: {  	_ =	task [dreg:s7], $0x5FFFF  }
0xac: {  	[dreg:$0x1] =	wrdreg $0xFFFFFFFF  }
0xad: {  	[dreg:$0x0] =	wrdreg $0x60  }
0xae: {  	[dreg:$0x2] =	wrdreg s24  }
0xaf: {  	[dreg:$0x3] =	wrdreg s2  }
0xb0: {  	[dreg:$0x4] =	wrdreg $0x14B800  }
0xb1: {  	[dreg:$0x5] =	wrdreg $0x1EB800  }
0xb2: {  	[dreg:$0x6] =	wrdreg $0x9  }
0xb3: {  	_ =	task.clear_ibuf [dreg:s7], $0x7FFFF;
	_ =	strace $0x90000046  }
0xb4: {  	s29 =	simm.s32 $0x9;
	_ =	strace $0x80000048  }
0xb5: {  	_ =	swait.ge [sflag:s29], $0x1  }
0xb6: {  	[sflag:s29] =	ssyncadd.s32 $0xFFFFFFFF  }
0xb7: {  	_ =	strace $0x90000048  }
0xb8: {  	_ =	sfence  }
0xb9: {  	s30 =	sld [smem:$0x0];
	_ =	sdelay $0x2  }
0xba: {  	s31 =	sshll.u32 s1, $0xD;
	s1 =	sshrl.u32 s1, $0x2  }
0xbb: {  	s3 =	sand.u32 $0x4000, s31;
	s1 =	sadd.s32 s1, s30  }
0xbc: {  	s0 =	sor.u32 s3, s0;
	s1 =	sshll.u32 s1, $0x11  }
0xbd: {  	s0 =	sor.u32 s1, s0  }
0xbe: {  	s0 =	sadd.s32 $0x8F2B, s0  }
0xbf: {  	[sflag:s0] =	ssyncadd.remote.s32 $0x1  }
0xc0: {  	_ =	sfence.sel $0xFFFF  }
0xc1: {  	[dreg:$0x0] =	wrdreg $0xFFFFFFFF;
	(pc) =	sbr.abs _section_cstart, $3  }
0xc2: {  	[dreg:$0x1] =	wrdreg $0xFFFFFFFF  }
0xc3: {  	_ =	task.clear_ibuf [dreg:s7], $0x2FFFF;
	_ =	strace $0x9FFFFFFF  }
0xc4: {  	(tm) =	ssettm $0x7FFFFFFF  }
0xc5: {  	_ =	shalt  }
tec
execute0_lowered:
.L_overlay_start_1:
0x0: {  	(tag) =	ssettag $0x1  }
0x1: {  	s0 =	rddreg [dreg:$0x0]  }
0x2: {  	s12 =	rddreg [dreg:$0x2]  }
0x3: {  	s13 =	rddreg [dreg:$0x3]  }
0x4: {  	s14 =	simm.s32 $0x0;
	s1 =	srdreg.scid;
	s8 =	stileid.u32  }
0x5: {  	s30 =	simm.s32 $0x14380;
	s31 =	simm.s32 $0x10380;
	s28 =	simm.s32 $0x300  }
0x6: {  	[smem:$0x7FF] =	sst s14;
	s19 =	sadd.s32 $0x163000, s0;
	s20 =	sadd.s32 $0x29B800, s0  }
0x7: {  	s2 =	sadd.s32 $0x1FF400, s0;
	s1 =	sand.u32 $0x1, s1;
	s17 =	sadd.s32 $0x6C200, s0  }
0x8: {  	s18 =	sadd.s32 $0x24D600, s0;
	_ =	strace $0x80000047;
	[dreg:$0x7] =	wrdreg s2  }
0x9: {  	s3 =	sadd.s32 $0x1B1200, s0;
	s4 =	sadd.s32 $0x72600, s0;
	[dreg:$0x8] =	wrdreg s17  }
0xa: {  	s23 =	sadd.s32 $0x114E00, s0;
	s24 =	smul.u32 $0xA000, s8;
	[dreg:$0x9] =	wrdreg s18  }
0xb: {  	s5 =	sadd.s32 $0x6F400, s0;
	s25 =	sadd.s32 $0x350A00, s0;
	[dreg:$0xa] =	wrdreg s3  }
0xc: {  	s6 =	smul.u32 $0x2800, s8;
	s7 =	sadd.s32 $0x39FC00, s0;
	[dreg:$0xb] =	wrdreg s4  }
0xd: {  	s29 =	smul.u32 $0x28000, s8;
	p0 =	sne.s32 s8, $0x0;
	[dreg:$0xc] =	wrdreg s23  }
0xe: {  	p1 =	sgt.u32 s8, $0x3;
	s22 =	smul.u32 $0x13C400, s1;
	[dreg:$0xd] =	wrdreg s5  }
0xf: {  	s21 =	smul.u32 $0xA000, s1;
	s9 =	ssub.s32 $0x2, s1;
	[dreg:$0x5] =	wrdreg s19  }
0x10: {  	[dreg:$0x6] =	wrdreg s20;
	s26 =	sshrl.u32 s9, $0x1;
	s3 =	sadd.s32 s24, s22  }
0x11: {  	s2 =	sadd.s32 s6, s21;
	s6 =	ssub.s32 s9, s26;
	s26 =	sadd.s32 $0x4000, s13  }
0x12: {  	s3 =	sshrl.u32 s3, $0x3;
	s23 =	smax.u32 s6, $0x1;
	[dreg:$0x1b] =	wrdreg s26  }
0x13: {  	s17 =	smul.u32 $0x2710, s1;
	s11 =	sadd.s32 s25, s3;
	[dreg:$0x18] =	wrdreg s23  }
0x14: {  	s10 =	sadd.s32 $0x13880, s3;
	s3 =	sadd.s32 s7, s3;
	[dreg:$0xe] =	wrdreg s11  }
0x15: {  	s16 =	sshrl.u32 s24, $0x2;
	s5 =	sadd.s32 s25, s10;
	[dreg:$0x10] =	wrdreg s3  }
0x16: {  	s22 =	smul.u32 $0x188000, s1;
	s7 =	sadd.s32 s7, s10;
	[dreg:$0xf] =	wrdreg s5  }
0x17: {  	s2 =	sshrl.u32 s2, $0x3;
	s10 =	sadd.s32 $0x75800, s0;
	[dreg:$0x11] =	wrdreg s7  }
0x18: {  	s2 =	sadd.s32 s2, s0;
	s0 =	sadd.s32 $0x2E9A00, s0;
	[dreg:$0x12] =	wrdreg s10  }
0x19: {  	v0 =	vmov s17;
	s17 =	simm.s32 $0x1;
	s18 =	sadd.s32 $0x34BA00, s2;
	[dreg:$0x13] =	wrdreg s0  }
0x1a: {  	s11 =	sshrl.u32 s29, $0x2;
	s21 =	sadd.s32 $0x34E200, s2;
	[dreg:$0x16] =	wrdreg s18  }
0x1b: {  	s29 =	sadd.s32 $0x8000, s13;
	s2 =	simm.s32 $0x0;
	[dreg:$0x17] =	wrdreg s21  }
0x1c: {  	v1 =	vimm.f32 $0.0e+00;
	v4 =	vlaneseq.u32;
	s15 =	sadd.s32 s11, s12;
	s0 =	sadd.s32 s16, s13;
	[dreg:$0x1c] =	wrdreg s29  }
0x1d: {  	vm0 =	vmmov $0x1;
	vm1 =	vcmask $0x310;
	v2 =	vand.u32 $0x7, v4;
	s11 =	simm.s32 $0xC380;
	s16 =	simm.s32 $0x80;
	[dreg:$0x15] =	wrdreg s0  }
0x1e: {  	vm2 =	vcmask $0x710;
	v3 =	vshrl.u32 v4, $0x3;
	v2 =	vmul.u32 $0x10, v2;
	s21 =	simm.s32 $0x2;
	s24 =	sadd.s32 $0x4000, s15;
	[dreg:$0x14] =	wrdreg s15  }
0x1f: {  	vm3 =	vcmask $0xB10;
	v4 =	vmul.u32 $0x80, v4;
	v3 =	vmul.u32 $0x80, v3;
	s25 =	sadd.s32 $0x8000, s15;
	s0 =	smul.u32 $0x31, s8;
	[dreg:$0x19] =	wrdreg s24  }
0x20: {  	v5 =	vor.u32 $0x1, v2;
	v6 =	vor.u32 $0x2, v2;
	v7 =	vor.u32 $0x3, v2;
	s15 =	simm.s32 $0x3;
	[dreg:$0x1a] =	wrdreg s25;
	s24 =	simm.s32 $0x100  }
.LBB2_1:
0x21: {  	[dreg:$0x1d] =	wrdreg s2;
	s1 =	simm.s32 $0x0;
	s2 =	simm.s32 $0x200  }
.LBB2_2:
0x22: {  	p2 =	sne.s32 s2, $0xFE00;
	[tilespmem:s1+$0xC3F0] =	vst v1  }
0x23: {  	[tilespmem:s1+$0xC380] =	vst v1  }
0x24: {  	[tilespmem:s1+$0xC390] =	vst v1  }
.Ltmp0:
0x25: {  	[tilespmem:s1+$0xC3A0] =	vst v1;
	(pc) =	sbr.rel @p2 .LBB2_2-.Ltmp0, $4  }
0x26: {  	[tilespmem:s1+$0xC3B0] =	vst v1  }
0x27: {  	[tilespmem:s1+$0xC3C0] =	vst v1  }
0x28: {  	[tilespmem:s1+$0xC3D0] =	vst v1  }
0x29: {  	[tilespmem:s1+$0xC3E0] =	vst v1;
	s1 =	sshra.s32 s2, $0x2;
	s2 =	sadd.s32 $0x200, s2  }
0x2a: {  	[tilespmem:s1+$0xC3F0] =	vst v1  }
0x2b: {  	[tilespmem:s1+$0xC380] =	vst v1  }
0x2c: {  	[tilespmem:s1+$0xC390] =	vst v1  }
0x2d: {  	[tilespmem:s1+$0xC3A0] =	vst v1  }
0x2e: {  	[tilespmem:s1+$0xC3B0] =	vst v1  }
0x2f: {  	[tilespmem:s1+$0xC3C0] =	vst v1  }
0x30: {  	[tilespmem:s1+$0xC3D0] =	vst v1  }
0x31: {  	[tilespmem:s1+$0xC3E0] =	vst v1;
	s1 =	simm.s32 $0x0;
	s2 =	simm.s32 $0x200  }
.LBB2_4:
0x32: {  	p2 =	sne.s32 s2, $0xFE00;
	[tilespmem:s1+$0x103F0] =	vst v1  }
0x33: {  	[tilespmem:s1+$0x10380] =	vst v1  }
0x34: {  	[tilespmem:s1+$0x10390] =	vst v1  }
.Ltmp1:
0x35: {  	[tilespmem:s1+$0x103A0] =	vst v1;
	(pc) =	sbr.rel @p2 .LBB2_4-.Ltmp1, $4  }
0x36: {  	[tilespmem:s1+$0x103B0] =	vst v1  }
0x37: {  	[tilespmem:s1+$0x103C0] =	vst v1  }
0x38: {  	[tilespmem:s1+$0x103D0] =	vst v1  }
0x39: {  	[tilespmem:s1+$0x103E0] =	vst v1;
	s1 =	sshra.s32 s2, $0x2;
	s2 =	sadd.s32 $0x200, s2  }
0x3a: {  	[tilespmem:s1+$0x103F0] =	vst v1  }
0x3b: {  	[tilespmem:s1+$0x10380] =	vst v1  }
0x3c: {  	[tilespmem:s1+$0x10390] =	vst v1  }
0x3d: {  	[tilespmem:s1+$0x103A0] =	vst v1  }
0x3e: {  	[tilespmem:s1+$0x103B0] =	vst v1  }
0x3f: {  	[tilespmem:s1+$0x103C0] =	vst v1  }
0x40: {  	[tilespmem:s1+$0x103D0] =	vst v1  }
0x41: {  	[tilespmem:s1+$0x103E0] =	vst v1;
	s25 =	rddreg [dreg:$0x14]  }
0x42: {  	[spmem:s25] =	stream.linear.scatter [tilespmem:s11], [sflag:$0x3], $0x4000, $0x38;
	[tilespmem:$0x1F580] =	vst v63  }
0x43: {  	_ =	swait.ge [sflag:s15], $0x4000  }
0x44: {  	[sflag:s15] =	ssyncset.done $0x0  }
0x45: {  	s26 =	rddreg [dreg:$0x19];
	[sflag:s15] =	ssyncadd.s32 $0xFFFFC000  }
0x46: {  	[spmem:s26] =	stream.linear.scatter [tilespmem:s11], [sflag:$0x3], $0x4000, $0x38;
	[tilespmem:$0x1F580] =	vst v63  }
0x47: {  	_ =	swait.ge [sflag:s15], $0x4000  }
0x48: {  	[sflag:s15] =	ssyncset.done $0x0  }
0x49: {  	s29 =	rddreg [dreg:$0x1a];
	[sflag:s15] =	ssyncadd.s32 $0xFFFFC000  }
0x4a: {  	[spmem:s29] =	stream.linear.scatter [tilespmem:s11], [sflag:$0x3], $0x2000, $0x38;
	[tilespmem:$0x1F580] =	vst v63  }
0x4b: {  	_ =	swait.ge [sflag:s15], $0x2000  }
0x4c: {  	[sflag:s15] =	ssyncset.done $0x0  }
0x4d: {  	s1 =	simm.s32 @!p0 $0xC380;
	s2 =	simm.s32 @!p0 $0x3;
	[sflag:s15] =	ssyncadd.s32 $0xFFFFE000  }
0x4e: {  	[spmem:s13] =	stream.linear.scatter @!p0 [tilespmem:s1], [sflag:$0x3], $0x4000, $0x38;
	[tilespmem:$0x1F580] =	vst v63  }
0x4f: {  	_ =	swait.ge @!p0 [sflag:s2], $0x4000  }
0x50: {  	[sflag:s2] =	ssyncset.done @!p0 $0x0  }
0x51: {  	s3 =	rddreg [dreg:$0x1b];
	[sflag:s2] =	ssyncadd.s32 @!p0 $0xFFFFC000  }
0x52: {  	[spmem:s3] =	stream.linear.scatter @!p0 [tilespmem:s1], [sflag:$0x3], $0x4000, $0x38;
	[tilespmem:$0x1F580] =	vst v63  }
0x53: {  	_ =	swait.ge @!p0 [sflag:s2], $0x4000  }
0x54: {  	[sflag:s2] =	ssyncset.done @!p0 $0x0  }
0x55: {  	s3 =	rddreg [dreg:$0x1c];
	[sflag:s2] =	ssyncadd.s32 @!p0 $0xFFFFC000  }
0x56: {  	[spmem:s3] =	stream.linear.scatter @!p0 [tilespmem:s1], [sflag:$0x3], $0x2000, $0x38;
	[tilespmem:$0x1F580] =	vst v63  }
0x57: {  	_ =	swait.ge @!p0 [sflag:s2], $0x2000  }
0x58: {  	[sflag:s2] =	ssyncset.done @!p0 $0x0  }
0x59: {  	[sflag:s2] =	ssyncadd.s32 @!p0 $0xFFFFE000  }
0x5a: {  	s1 =	simm.s32 $0x0;
	[bflag:$0x0] =	sbarrier.arrive $0xFFFF  }
.LBB2_6:
0x5b: {  	s5 =	sadd.s32 s0, s1  }
0x5c: {  	s3 =	rddreg [dreg:$0x8];
	s2 =	sshll.u32 s5, $0x4  }
0x5d: {  	s23 =	rddreg [dreg:$0xb];
	s3 =	sadd.s32 s3, s2  }
0x5e: {  	[tilespmem:s14], [sflag:$0x1] =	stream.linear.gather [hbm4b:s3+s14], $0x80, $0x38;
	[tilespmem:$0x1F580] =	vst v63  }
0x5f: {  	s2 =	sadd.s32 s23, s2  }
0x60: {  	[tilespmem:s16], [sflag:$0x1] =	stream.linear.gather [hbm4b:s2+s14], $0x80, $0x38;
	[tilespmem:$0x1F580] =	vst v63  }
0x61: {  	_ =	swait.ge [sflag:s17], $0x80  }
0x62: {  	[sflag:s17] =	ssyncset.done $0x0  }
0x63: {  	[sflag:s17] =	ssyncadd.s32 $0xFFFFFF80  }
0x64: {  	_ =	swait.ge [sflag:s17], $0x80  }
0x65: {  	[sflag:s17] =	ssyncset.done $0x0  }
0x66: {  	[sflag:s17] =	ssyncadd.s32 $0xFFFFFF80  }
0x67: {  	v8 =	vld [tilespmem:$0x80]  }
0x68: {  	v9 =	vld [tilespmem:$0x0];
	_ =	sdelay $0x3  }
0x69: {  	v10 =	vld [tilespmem:$0x90];
	vm4 =	vlt.s32 v8, $0x270F  }
0x6a: {  	v12 =	vld [tilespmem:$0x10];
	v9 =	vadd.s32 v0, v9;
	v11 =	vnsel vm4, $0x270F, v8  }
0x6b: {  	[tilespmem:$0x100] =	vst v9;
	v9 =	vadd.s32 v0, v11  }
0x6c: {  	v11 =	vshll.u32 v8, $0x2;
	[tilespmem:$0x180] =	vst v9;
	v9 =	vshrl.u32 v8, $0x5  }
0x6d: {  	vm4 =	vlt.s32 v8, $0x13FF;
	[tilespmem:$0x200] =	vst v9;
	v9 =	vand.u32 $0x7C, v11  }
0x6e: {  	v8 =	vnsel vm4, $0x13FF, v8;
	vm4 =	vlt.s32 v10, $0x270F;
	[tilespmem:$0x280] =	vst v9;
	v9 =	vld [tilespmem:$0xA0]  }
0x6f: {  	[tilespmem:$0x300] =	vst v8;
	v8 =	vadd.s32 v0, v12;
	v11 =	vnsel vm4, $0x270F, v10;
	v12 =	vld [tilespmem:$0x20]  }
0x70: {  	[tilespmem:$0x110] =	vst v8;
	v8 =	vadd.s32 v0, v11  }
0x71: {  	v11 =	vshll.u32 v10, $0x2;
	[tilespmem:$0x190] =	vst v8;
	v8 =	vshrl.u32 v10, $0x5  }
0x72: {  	vm4 =	vlt.s32 v10, $0x13FF;
	[tilespmem:$0x210] =	vst v8;
	v8 =	vand.u32 $0x7C, v11  }
0x73: {  	[tilespmem:$0x290] =	vst v8;
	v8 =	vnsel vm4, $0x13FF, v10;
	v10 =	vld [tilespmem:$0xB0];
	vm4 =	vlt.s32 v9, $0x270F  }
0x74: {  	[tilespmem:$0x310] =	vst v8;
	v8 =	vadd.s32 v0, v12;
	v12 =	vld [tilespmem:$0x30];
	v11 =	vnsel vm4, $0x270F, v9  }
0x75: {  	[tilespmem:$0x120] =	vst v8;
	v8 =	vadd.s32 v0, v11  }
0x76: {  	v11 =	vshll.u32 v9, $0x2;
	[tilespmem:$0x1A0] =	vst v8;
	v8 =	vshrl.u32 v9, $0x5  }
0x77: {  	vm4 =	vlt.s32 v9, $0x13FF;
	[tilespmem:$0x220] =	vst v8;
	v8 =	vand.u32 $0x7C, v11  }
0x78: {  	[tilespmem:$0x2A0] =	vst v8;
	v8 =	vnsel vm4, $0x13FF, v9;
	vm4 =	vlt.s32 v10, $0x270F;
	v9 =	vld [tilespmem:$0xC0]  }
0x79: {  	[tilespmem:$0x320] =	vst v8;
	v8 =	vadd.s32 v0, v12;
	v11 =	vnsel vm4, $0x270F, v10;
	v12 =	vld [tilespmem:$0x40]  }
0x7a: {  	[tilespmem:$0x130] =	vst v8;
	v8 =	vadd.s32 v0, v11  }
0x7b: {  	v11 =	vshll.u32 v10, $0x2;
	[tilespmem:$0x1B0] =	vst v8;
	v8 =	vshrl.u32 v10, $0x5  }
0x7c: {  	vm4 =	vlt.s32 v10, $0x13FF;
	[tilespmem:$0x230] =	vst v8;
	v8 =	vand.u32 $0x7C, v11  }
0x7d: {  	[tilespmem:$0x2B0] =	vst v8;
	v8 =	vnsel vm4, $0x13FF, v10;
	vm4 =	vlt.s32 v9, $0x270F;
	v10 =	vld [tilespmem:$0xD0]  }
0x7e: {  	[tilespmem:$0x330] =	vst v8;
	v8 =	vadd.s32 v0, v12;
	v11 =	vnsel vm4, $0x270F, v9;
	v12 =	vld [tilespmem:$0x50]  }
0x7f: {  	[tilespmem:$0x140] =	vst v8;
	v8 =	vadd.s32 v0, v11  }
0x80: {  	v11 =	vshll.u32 v9, $0x2;
	[tilespmem:$0x1C0] =	vst v8;
	v8 =	vshrl.u32 v9, $0x5  }
0x81: {  	vm4 =	vlt.s32 v9, $0x13FF;
	[tilespmem:$0x240] =	vst v8;
	v8 =	vand.u32 $0x7C, v11  }
0x82: {  	[tilespmem:$0x2C0] =	vst v8;
	v8 =	vnsel vm4, $0x13FF, v9;
	vm4 =	vlt.s32 v10, $0x270F;
	v9 =	vld [tilespmem:$0xE0]  }
0x83: {  	[tilespmem:$0x340] =	vst v8;
	v8 =	vadd.s32 v0, v12;
	v11 =	vnsel vm4, $0x270F, v10;
	v12 =	vld [tilespmem:$0x60]  }
0x84: {  	[tilespmem:$0x150] =	vst v8;
	v8 =	vadd.s32 v0, v11  }
0x85: {  	v11 =	vshll.u32 v10, $0x2;
	[tilespmem:$0x1D0] =	vst v8;
	v8 =	vshrl.u32 v10, $0x5  }
0x86: {  	vm4 =	vlt.s32 v10, $0x13FF;
	[tilespmem:$0x250] =	vst v8;
	v8 =	vand.u32 $0x7C, v11  }
0x87: {  	[tilespmem:$0x2D0] =	vst v8;
	v8 =	vnsel vm4, $0x13FF, v10;
	vm4 =	vlt.s32 v9, $0x270F;
	v10 =	vld [tilespmem:$0xF0]  }
0x88: {  	[tilespmem:$0x350] =	vst v8;
	v8 =	vadd.s32 v0, v12;
	v11 =	vnsel vm4, $0x270F, v9;
	v12 =	vld [tilespmem:$0x70]  }
0x89: {  	[tilespmem:$0x160] =	vst v8;
	v8 =	vadd.s32 v0, v11  }
0x8a: {  	v11 =	vshll.u32 v9, $0x2;
	[tilespmem:$0x1E0] =	vst v8;
	v8 =	vshrl.u32 v9, $0x5  }
0x8b: {  	vm4 =	vlt.s32 v9, $0x13FF;
	[tilespmem:$0x260] =	vst v8;
	v8 =	vand.u32 $0x7C, v11  }
0x8c: {  	[tilespmem:$0x2E0] =	vst v8;
	v8 =	vnsel vm4, $0x13FF, v9;
	vm4 =	vlt.s32 v10, $0x270F  }
0x8d: {  	[tilespmem:$0x360] =	vst v8;
	v8 =	vadd.s32 v0, v12;
	v9 =	vnsel vm4, $0x270F, v10  }
0x8e: {  	[tilespmem:$0x170] =	vst v8;
	v8 =	vadd.s32 v0, v9  }
0x8f: {  	v9 =	vshll.u32 v10, $0x2;
	[tilespmem:$0x1F0] =	vst v8;
	v8 =	vshrl.u32 v10, $0x5  }
0x90: {  	vm4 =	vlt.s32 v10, $0x13FF;
	[tilespmem:$0x270] =	vst v8;
	v8 =	vand.u32 $0x7C, v9  }
0x91: {  	[tilespmem:$0x2F0] =	vst v8;
	v8 =	vnsel vm4, $0x13FF, v10  }
0x92: {  	s25 =	simm.s32 $0x180;
	s26 =	simm.s32 $0x380;
	[tilespmem:$0x370] =	vst v8  }
0x93: {  	[tilespmem:s26], [sflag:$0x1] =	stream.indirect.gather [hbm4b:s19+s16], $0x80, s25, s16, $0xb8;
	[tilespmem:$0x1F580] =	vst v63  }
0x94: {  	s3 =	simm.s32 $0x4380  }
0x95: {  	[tilespmem:s3], [sflag:$0x1] =	stream.indirect.gather [hbm4b:s20+s16], $0x80, s24, s16, $0xb8;
	[tilespmem:$0x1F580] =	vst v63  }
0x96: {  	s6 =	simm.s32 $0x8380;
	s4 =	rddreg [dreg:$0x7]  }
0x97: {  	[tilespmem:s6], [sflag:$0x1] =	stream.indirect.gather [hbm4b:s4+s16], $0x80, s24, s16, $0xb8;
	[tilespmem:$0x1F580] =	vst v63  }
0x98: {  	_ =	swait.ge [sflag:s17], $0x4000  }
0x99: {  	[sflag:s17] =	ssyncset.done $0x0  }
0x9a: {  	[sflag:s17] =	ssyncadd.s32 $0xFFFFC000  }
0x9b: {  	_ =	swait.ge [sflag:s17], $0x4000  }
0x9c: {  	[sflag:s17] =	ssyncset.done $0x0  }
0x9d: {  	[sflag:s17] =	ssyncadd.s32 $0xFFFFC000  }
0x9e: {  	_ =	swait.ge [sflag:s17], $0x4000  }
0x9f: {  	[sflag:s17] =	ssyncset.done $0x0  }
0xa0: {  	s9 =	simm.s32 $0x4480;
	[sflag:s17] =	ssyncadd.s32 $0xFFFFC000  }
0xa1: {  	s7 =	simm.s32 $0x480;
	v15 =	vld [tilespmem:s9+$0xFFFFFFD0]  }
0xa2: {  	v9 =	vld [tilespmem:s7+$0xE0]  }
0xa3: {  	v10 =	vld [tilespmem:s9+$0xE0]  }
0xa4: {  	v13 =	vld [tilespmem:s7+$0xF0]  }
0xa5: {  	v14 =	vld [tilespmem:s9+$0xF0]  }
0xa6: {  	v11 =	vld [tilespmem:s7+$0x70]  }
0xa7: {  	v12 =	vld [tilespmem:s9+$0x70]  }
0xa8: {  	v8 =	vld [tilespmem:s9+$0xFFFFFFF0]  }
0xa9: {  	v16 =	vld [tilespmem:s9+$0xFFFFFFC0]  }
0xaa: {  	v17 =	vld [tilespmem:s7+$0xFFFFFFC0]  }
0xab: {  	v18 =	vld [tilespmem:s9+$0xFFFFFFB0]  }
0xac: {  	v19 =	vld [tilespmem:s7+$0xFFFFFFB0]  }
0xad: {  	v20 =	vld [tilespmem:s9+$0x50]  }
0xae: {  	v21 =	vld [tilespmem:s7+$0x50]  }
0xaf: {  	v22 =	vld [tilespmem:s9+$0xD0]  }
0xb0: {  	v23 =	vld [tilespmem:s7+$0xD0]  }
0xb1: {  	v26 =	vld [tilespmem:s9+$0x90]  }
0xb2: {  	v27 =	vld [tilespmem:s7+$0x90]  }
0xb3: {  	v28 =	vld [tilespmem:s9+$0x80]  }
0xb4: {  	v29 =	vld [tilespmem:s7+$0x80]  }
0xb5: {  	v30 =	vld [tilespmem:s9+$0x10]  }
0xb6: {  	v31 =	vld [tilespmem:s7+$0x10]  }
0xb7: {  	v32 =	vld [tilespmem:s9+$0x0]  }
0xb8: {  	v45 =	vld [tilespmem:s9+$0xFFFFFF90];
	v9 =	vmul.f32 v10, v9;
	v10 =	vmul.f32 v14, v13  }
0xb9: {  	v47 =	vld [tilespmem:s9+$0xFFFFFF80]  }
0xba: {  	v13 =	vld [tilespmem:s7+$0x0];
	v14 =	vmul.f32 v26, v27;
	v46 =	vmul.f32 v28, v29;
	v9 =	vadd.f32 v10, v9  }
0xbb: {  	v10 =	vld [tilespmem:s7+$0xFFFFFF90]  }
0xbc: {  	v14 =	vadd.f32 v14, v46;
	(xrf2) =	vadd.scan.msk.f32 $0xffff, v9;
	v9 =	vld [tilespmem:s7+$0xFFFFFF80]  }
0xbd: {  	v24 =	vld [tilespmem:s9+$0xC0]  }
0xbe: {  	v25 =	vld [tilespmem:s7+$0xFFFFFF00];
	(xrf2) =	vadd.scan.msk.f32 $0xffff, v14  }
0xbf: {  	v48 =	vld [tilespmem:s9+$0xFFFFFF10];
	v49 =	vmul.f32 v30, v31;
	v13 =	vmul.f32 v32, v13  }
0xc0: {  	v50 =	vld [tilespmem:s9+$0xFFFFFF00]  }
0xc1: {  	v51 =	vld [tilespmem:s7+$0xC0];
	v10 =	vmul.f32 v45, v10;
	v13 =	vadd.f32 v49, v13;
	v9 =	vmul.f32 v47, v9  }
0xc2: {  	v14 =	vld [tilespmem:s7+$0xFFFFFF10]  }
0xc3: {  	v52 =	vld [tilespmem:s9+$0x30];
	(xrf2) =	vadd.scan.msk.f32 $0xffff, v13;
	v9 =	vadd.f32 v10, v9  }
0xc4: {  	v53 =	vld [tilespmem:s9+$0xB0]  }
0xc5: {  	v54 =	vld [tilespmem:s9+$0xA0];
	(xrf2) =	vadd.scan.msk.f32 $0xffff, v9  }
0xc6: {  	v55 =	vld [tilespmem:s7+$0xA0]  }
0xc7: {  	v56 =	vld [tilespmem:s7+$0x30];
	v9 =	vmul.f32 v48, v14;
	v14 =	vmul.f32 v50, v25;
	v10, _, _ =	vpop (xrf2)  }
0xc8: {  	v13 =	vld [tilespmem:s7+$0xB0];
	v58, _, _ =	vpop (xrf2)  }
0xc9: {  	v57 =	vld [tilespmem:s9+$0x20];
	v9 =	vadd.f32 v9, v14;
	v30 =	vmul.f32 $1.442695020e+00, v58  }
0xca: {  	v33 =	vld [tilespmem:s9+$0x40]  }
0xcb: {  	v59 =	vld [tilespmem:s9+$0xFFFFFFA0];
	(xrf2) =	vadd.scan.msk.f32 $0xffff, v9;
	v9 =	vbroadcast v30, $0xF  }
0xcc: {  	v60 =	vld [tilespmem:s7+$0xFFFFFFA0];
	v22 =	vmul.f32 v22, v23;
	v24 =	vmul.f32 v24, v51  }
0xcd: {  	v34 =	vld [tilespmem:s7+$0x40];
	(erf) = vpow2.f32 v9;
	v9 =	vmul.f32 v53, v13;
	v13, _, _ =	vpop (xrf2)  }
0xce: {  	v22 =	vadd.f32 v22, v24;
	v14 =	vld [tilespmem:s7+$0x20];
	v13 =	vmul.f32 $1.442695020e+00, v13  }
0xcf: {  	v63 =	vld [tilespmem:s9+$0xFFFFFF30];
	v62 =	vmul.f32 v54, v55;
	v35, _, _ =	vpop (xrf2)  }
0xd0: {  	v36 =	vld [tilespmem:s9+$0xFFFFFF20];
	(xrf2) =	vadd.scan.msk.f32 $0xffff, v22;
	v13 =	vbroadcast v13, $0xF;
	v37 =	vmul.f32 $1.442695020e+00, v35  }
0xd1: {  	v18 =	vmul.f32 v18, v19;
	v23 =	vmul.f32 v59, v60;
	v32 =	vld [tilespmem:s7+$0xFFFFFF30]  }
0xd2: {  	v9 =	vadd.f32 v9, v62;
	(erf) = vpow2.f32 v13;
	v13 =	vld [tilespmem:s7+$0xFFFFFF20];
	v24 =	vbroadcast v37, $0xF  }
0xd3: {  	s8 =	simm.s32 $0x8480;
	v61 =	vld [tilespmem:s7+$0xFFFFFFD0];
	v31 =	vmul.f32 v52, v56;
	v14 =	vmul.f32 v57, v14  }
0xd4: {  	v38 =	vld [tilespmem:s8+$0x80];
	(xrf2) =	vadd.scan.msk.f32 $0xffff, v9;
	v9 =	vadd.f32 v18, v23;
	(erf) = vpow2.f32 v24  }
0xd5: {  	v39 =	vld [tilespmem:s9+$0xFFFFFF40];
	v14 =	vadd.f32 v31, v14;
	v40, _, _ =	vpop (xrf2)  }
0xd6: {  	v41 =	vld [tilespmem:s9+$0xFFFFFF50];
	(xrf2) =	vadd.scan.msk.f32 $0xffff, v9;
	v18 =	vmul.f32 $1.442695020e+00, v40  }
0xd7: {  	v42 =	vld [tilespmem:s8+$0x0];
	(xrf2) =	vadd.scan.msk.f32 $0xffff, v14;
	v14 =	vmul.f32 v63, v32;
	v13 =	vmul.f32 v36, v13  }
0xd8: {  	v43 =	vld [tilespmem:s7+$0xFFFFFF50]  }
0xd9: {  	v45 =	vld [tilespmem:s8+$0xFFFFFF80];
	v18 =	vbroadcast v18, $0xF;
	v14 =	vadd.f32 v14, v13  }
0xda: {  	v44 =	vld [tilespmem:s7+$0xFFFFFF40];
	v46, _, _ =	vpop (xrf2)  }
0xdb: {  	v51 =	vld [tilespmem:s7+$0xFFFFFFF0];
	v9 =	vpop (erf);
	(erf) = vpow2.f32 v18;
	(xrf2) =	vadd.scan.msk.f32 $0xffff, v14  }
0xdc: {  	v52 =	vld [tilespmem:s7+$0xFFFFFFE0];
	v26 =	vmul.f32 v38, v9;
	v13 =	vpop (erf)  }
0xdd: {  	s6 =	simm.s32 $0xC480;
	v16 =	vmul.f32 v16, v17;
	v55 =	vld [tilespmem:s9+$0xFFFFFF70];
	v14 =	vpop (erf)  }
0xde: {  	v17 =	vmul.f32 v20, v21;
	v49 =	vld [tilespmem:s9+$0xFFFFFFE0];
	[tilespmem:s6+$0x80] =	vst v26;
	v50, _, _ =	vpop (xrf2);
	v25 =	vmul.f32 v45, v14  }
0xdf: {  	v19 =	vmul.f32 v41, v43;
	v26 =	vld [tilespmem:s8+$0x90];
	v21 =	vmul.f32 $1.442695020e+00, v50  }
0xe0: {  	v15 =	vmul.f32 v15, v61;
	v22 =	vmul.f32 v39, v44;
	v53 =	vld [tilespmem:s8+$0xFFFFFF00];
	[tilespmem:s6+$0xFFFFFF80] =	vst v25  }
0xe1: {  	v21 =	vbroadcast v21, $0xF;
	v58 =	vld [tilespmem:s8+$0xFFFFFF90]  }
0xe2: {  	v60 =	vmul.f32 v33, v34;
	v34 =	vld [tilespmem:s9+$0xFFFFFF60];
	v19 =	vadd.f32 v19, v22;
	v23 =	vmul.f32 v42, v13;
	v54, _, _ =	vpop (xrf2)  }
0xe3: {  	v16 =	vadd.f32 v15, v16;
	v47 =	vld [tilespmem:s9+$0x60];
	v56 =	vmul.f32 $1.442695020e+00, v54;
	v57, _, _ =	vpop (xrf2);
	(erf) = vpow2.f32 v21  }
0xe4: {  	v17 =	vadd.f32 v17, v60;
	v48 =	vld [tilespmem:s7+$0x60];
	(xrf2) =	vadd.scan.msk.f32 $0xffff, v19;
	v26 =	vmul.f32 v26, v9;
	v59 =	vmul.f32 $1.442695020e+00, v57;
	v15 =	vpop (erf)  }
0xe5: {  	v63 =	vld [tilespmem:s7+$0xFFFFFF70];
	[tilespmem:s6+$0x0] =	vst v23;
	(xrf2) =	vadd.scan.msk.f32 $0xffff, v16;
	v61 =	vbroadcast v56, $0xF;
	v35 =	vmul.f32 v53, v15;
	v36, _, _ =	vpop (xrf2)  }
0xe6: {  	v62 =	vld [tilespmem:s8+$0x10];
	[tilespmem:s6+$0x90] =	vst v26;
	(xrf2) =	vadd.scan.msk.f32 $0xffff, v17;
	v38 =	vmul.f32 $1.442695020e+00, v36;
	v17 =	vmul.f32 v58, v14  }
0xe7: {  	v29 =	vmul.f32 $1.442695020e+00, v46;
	v16 =	vld [tilespmem:s7+$0xFFFFFF60];
	v23 =	vbroadcast v59, $0xF;
	[tilespmem:s6+$0xFFFFFF00] =	vst v35  }
0xe8: {  	v37 =	vld [tilespmem:s8+$0xA0];
	(erf) = vpow2.f32 v61;
	[tilespmem:s6+$0xFFFFFF90] =	vst v17;
	v17 =	vbroadcast v38, $0xF  }
0xe9: {  	v39 =	vbroadcast v29, $0xF;
	(erf) = vpow2.f32 v23;
	v28 =	vld [tilespmem:s8+$0xFFFFFF10];
	_ =	sdelay $0x1  }
0xea: {  	(erf) = vpow2.f32 v39  }
0xeb: {  	v25 =	vmul.f32 v62, v13;
	(erf) = vpow2.f32 v17;
	v17 =	vpop (erf)  }
0xec: {  	v40 =	vld [tilespmem:s8+$0xFFFFFFA0];
	v23 =	vmul.f32 v37, v17  }
0xed: {  	[tilespmem:s6+$0x10] =	vst v25;
	v28 =	vmul.f32 v28, v15  }
0xee: {  	v11 =	vmul.f32 v12, v11;
	v18 =	vmul.f32 v47, v48;
	v25 =	vld [tilespmem:s8+$0x20];
	v41, _, _ =	vpop (xrf2);
	[tilespmem:s6+$0xA0] =	vst v23  }
0xef: {  	v43, _, _ =	vpop (xrf2);
	[tilespmem:s6+$0xFFFFFF10] =	vst v28;
	v23 =	vld [tilespmem:s8+$0xB0]  }
0xf0: {  	v11 =	vadd.f32 v11, v18;
	v45 =	vmul.f32 $1.442695020e+00, v43;
	v12 =	vpop (erf);
	v44 =	vld [tilespmem:s8+$0xFFFFFF20]  }
0xf1: {  	v8 =	vmul.f32 v8, v51;
	v21 =	vmul.f32 v40, v12;
	v42 =	vpop (erf)  }
0xf2: {  	v20 =	vmul.f32 v49, v52;
	(xrf2) =	vadd.scan.msk.f32 $0xffff, v11;
	v11 =	vbroadcast v45, $0xF;
	v46, _, _ =	vpop (xrf2)  }
0xf3: {  	v25 =	vmul.f32 v25, v42;
	v49 =	vpop (erf);
	[tilespmem:s6+$0xFFFFFFA0] =	vst v21  }
0xf4: {  	v8 =	vadd.f32 v8, v20;
	(erf) = vpow2.f32 v11;
	v47 =	vld [tilespmem:s8+$0xFFFFFFB0];
	v52 =	vpop (erf);
	v51 =	vmul.f32 v23, v17  }
0xf5: {  	v21 =	vmul.f32 $1.442695020e+00, v46;
	[tilespmem:s6+$0x20] =	vst v25;
	v11 =	vmul.f32 v44, v52  }
0xf6: {  	(xrf2) =	vadd.scan.msk.f32 $0xffff, v8;
	v8 =	vmul.f32 $1.442695020e+00, v41;
	v48 =	vld [tilespmem:s8+$0x30];
	[tilespmem:s6+$0xB0] =	vst v51  }
0xf7: {  	v22 =	vmul.f32 v55, v63;
	v50 =	vbroadcast v21, $0xF;
	[tilespmem:s6+$0xFFFFFF20] =	vst v11;
	v53 =	vld [tilespmem:s8+$0xC0]  }
0xf8: {  	v16 =	vmul.f32 v34, v16;
	v8 =	vbroadcast v8, $0xF;
	v54 =	vld [tilespmem:s8+$0xFFFFFF30]  }
0xf9: {  	(erf) = vpow2.f32 v50;
	v11 =	vmul.f32 v47, v12;
	_ =	sdelay $0x1  }
0xfa: {  	(erf) = vpow2.f32 v8;
	v18 =	vmul.f32 v48, v42;
	[tilespmem:s6+$0xFFFFFFB0] =	vst v11;
	v11 =	vadd.f32 v22, v16  }
0xfb: {  	v16 =	vld [tilespmem:s8+$0xFFFFFFC0];
	v8 =	vmul.f32 v53, v49  }
0xfc: {  	[tilespmem:s6+$0x30] =	vst v18;
	v19 =	vmul.f32 v54, v52  }
0xfd: {  	v18 =	vld [tilespmem:s8+$0x40];
	(xrf2) =	vadd.scan.msk.f32 $0xffff, v11  }
0xfe: {  	v10 =	vmul.f32 $1.442695020e+00, v10;
	v11, _, _ =	vpop (xrf2);
	[tilespmem:s6+$0xFFFFFF30] =	vst v19  }
0xff: {  	[tilespmem:s6+$0xC0] =	vst v8;
	v58 =	vld [tilespmem:s8+$0xFFFFFF40];
	v8 =	vpop (erf)  }
0x100: {  	v10 =	vbroadcast v10, $0xF;
	v57, _, _ =	vpop (xrf2);
	v55 =	vld [tilespmem:s8+$0xD0];
	v16 =	vmul.f32 v16, v8  }
0x101: {  	v21 =	vmul.f32 $1.442695020e+00, v57;
	v56 =	vpop (erf)  }
0x102: {  	(erf) = vpow2.f32 v10;
	v18 =	vmul.f32 v18, v56;
	[tilespmem:s6+$0xFFFFFFC0] =	vst v16  }
0x103: {  	v11 =	vmul.f32 $1.442695020e+00, v11;
	v10 =	vbroadcast v21, $0xF;
	v59 =	vpop (erf);
	v16 =	vld [tilespmem:s8+$0xFFFFFFD0]  }
0x104: {  	v22 =	vmul.f32 v58, v59;
	[tilespmem:s6+$0x40] =	vst v18  }
0x105: {  	v11 =	vbroadcast v11, $0xF;
	v19 =	vmul.f32 v55, v49;
	v18 =	vld [tilespmem:s8+$0x50]  }
0x106: {  	(erf) = vpow2.f32 v10;
	[tilespmem:s6+$0xFFFFFF40] =	vst v22  }
0x107: {  	(erf) = vpow2.f32 v11;
	v10, _, _ =	vpop (xrf2);
	[tilespmem:s6+$0xD0] =	vst v19;
	v60 =	vld [tilespmem:s8+$0xFFFFFF50]  }
0x108: {  	v10 =	vmul.f32 $1.442695020e+00, v10;
	v11 =	vmul.f32 v16, v8;
	v16 =	vld [tilespmem:s8+$0xE0];
	_ =	sdelay $0x1  }
0x109: {  	v10 =	vbroadcast v10, $0xF;
	v18 =	vmul.f32 v18, v56  }
0x10a: {  	[tilespmem:s6+$0xFFFFFFD0] =	vst v11  }
0x10b: {  	v61 =	vpop (erf);
	(erf) = vpow2.f32 v10;
	v11 =	vld [tilespmem:s8+$0xFFFFFFE0];
	[tilespmem:s6+$0x50] =	vst v18  }
0x10c: {  	v18 =	vld [tilespmem:s8+$0x60];
	v10 =	vmul.f32 v16, v61;
	v16 =	vmul.f32 v60, v59;
	_ =	sdelay $0x2  }
0x10d: {  	v62 =	vpop (erf);
	[tilespmem:s6+$0xE0] =	vst v10  }
0x10e: {  	[tilespmem:s6+$0xFFFFFF50] =	vst v16;
	v10 =	vmul.f32 v11, v62;
	v11 =	vld [tilespmem:s8+$0xF0];
	v16 =	vpop (erf)  }
0x10f: {  	v63 =	vld [tilespmem:s8+$0xFFFFFF60];
	v18 =	vmul.f32 v18, v16  }
0x110: {  	v9 =	vnsel vm0, $0x0, v9;
	[tilespmem:s6+$0xFFFFFFE0] =	vst v10  }
0x111: {  	v10 =	vnsel vm0, $0x0, v14;
	v14 =	vld [tilespmem:s8+$0xFFFFFFF0];
	[tilespmem:s6+$0x60] =	vst v18  }
0x112: {  	v13 =	vnsel vm0, $0x0, v13;
	v15 =	vnsel vm0, $0x0, v15;
	v10 =	vsel vm1, v10, v12;
	v18 =	vld [tilespmem:s8+$0x70]  }
0x113: {  	s7 =	simm.s32 $0x0;
	v12 =	vsel vm1, v13, v42;
	v13 =	vsel vm1, v9, v17;
	v9 =	vpop (erf);
	v11 =	vmul.f32 v11, v61  }
0x114: {  	s10 =	simm.s32 $0x30;
	s18 =	simm.s32 $0x0;
	s25 =	sand.u32 $0x780, s7;
	v15 =	vsel vm1, v15, v52;
	v17 =	vmul.f32 v63, v9  }
0x115: {  	s29 =	simm.s32 $0x4680;
	s26 =	sand.u32 $0x70, s10;
	s4 =	sadd.s32 $0x14380, s25;
	v13 =	vsel vm2, v13, v49;
	v10 =	vsel vm2, v10, v8;
	v12 =	vsel vm2, v12, v56;
	[tilespmem:s6+$0xF0] =	vst v11  }
0x116: {  	s23 =	simm.s32 $0x8680;
	s2 =	simm.s32 $0x20;
	s3 =	sor.u32 s26, s4;
	v8 =	vsel vm2, v15, v59;
	v10 =	vsel vm3, v10, v62;
	[tilespmem:s6+$0xFFFFFF60] =	vst v17;
	v11 =	vsel vm3, v13, v61  }
0x117: {  	s9 =	simm.s32 $0x10;
	s25 =	simm.s32 $0xC680;
	v12 =	vsel vm3, v12, v16;
	v13 =	vmul.f32 v14, v62;
	v14 =	vld [tilespmem:s8+$0xFFFFFF70];
	[tilespmem:s3+$0x0] =	vst v11;
	s3 =	simm.s32 $0x680;
	v15 =	vmul.f32 v18, v16  }
.LBB2_7:
0x118: {  	v11 =	vld [tilespmem:s29+$0xFFFFFFD0];
	s18 =	sadd.s32 $0x4, s18;
	s2 =	sand.u32 $0x60, s2;
	s10 =	sadd.s32 $0x40, s10  }
0x119: {  	s8 =	sadd.s32 $0xFFFFFFE0, s10;
	v16 =	vld [tilespmem:s3+$0xE0];
	p2 =	slt.u32 s18, $0x7C;
	[tilespmem:s6+$0x70] =	vst v15;
	s2 =	sor.u32 s2, s4  }
0x11a: {  	v15 =	vld [tilespmem:s29+$0xE0];
	[tilespmem:s2+$0x0] =	vst v12;
	s2 =	smov.u32 s23  }
0x11b: {  	v12 =	vld [tilespmem:s3+$0xF0]  }
0x11c: {  	v17 =	vld [tilespmem:s29+$0xF0];
	v14 =	vmul.f32 v14, v9  }
0x11d: {  	s7 =	sand.u32 $0x40, s7;
	v18 =	vld [tilespmem:s3+$0x70];
	[tilespmem:s6+$0xFFFFFFF0] =	vst v13  }
0x11e: {  	v8 =	vsel vm3, v8, v9;
	v13 =	vld [tilespmem:s29+$0x70];
	[tilespmem:s6+$0xFFFFFF70] =	vst v14;
	s6 =	sor.u32 s7, s4;
	s7 =	sand.u32 $0x50, s9;
	s9 =	smov.u32 s8  }
0x11f: {  	v9 =	vld [tilespmem:s29+$0xFFFFFFF0];
	v14 =	vmul.f32 v15, v16;
	[tilespmem:s6+$0x0] =	vst v8;
	s4 =	sor.u32 s7, s4;
	s6 =	smov.u32 s25  }
0x120: {  	v8 =	vld [tilespmem:s29+$0xFFFFFFC0];
	[tilespmem:s4+$0x0] =	vst v10  }
0x121: {  	v15 =	vld [tilespmem:s3+$0xFFFFFFC0];
	v12 =	vmul.f32 v17, v12  }
0x122: {  	v16 =	vld [tilespmem:s29+$0xFFFFFFB0]  }
0x123: {  	v17 =	vld [tilespmem:s3+$0xFFFFFFB0];
	v10 =	vmul.f32 v13, v18;
	v12 =	vadd.f32 v12, v14  }
0x124: {  	v13 =	vld [tilespmem:s29+$0x50]  }
0x125: {  	v14 =	vld [tilespmem:s3+$0x50];
	(xrf2) =	vadd.scan.msk.f32 $0xffff, v12  }
0x126: {  	v12 =	vmul.f32 v8, v15;
	v8 =	vld [tilespmem:s29+$0xD0]  }
0x127: {  	v15 =	vld [tilespmem:s3+$0xD0]  }
0x128: {  	v16 =	vmul.f32 v16, v17;
	v17 =	vld [tilespmem:s29+$0xC0]  }
0x129: {  	v18 =	vld [tilespmem:s3+$0xFFFFFF00]  }
0x12a: {  	v13 =	vmul.f32 v13, v14;
	v14 =	vld [tilespmem:s29+$0x90]  }
0x12b: {  	v19 =	vld [tilespmem:s3+$0x90]  }
0x12c: {  	v20 =	vld [tilespmem:s29+$0x80];
	v15 =	vmul.f32 v8, v15  }
0x12d: {  	v8 =	vld [tilespmem:s3+$0x80]  }
0x12e: {  	v21 =	vld [tilespmem:s29+$0x10]  }
0x12f: {  	v22 =	vld [tilespmem:s3+$0x10];
	v23, _, _ =	vpop (xrf2)  }
0x130: {  	v24 =	vld [tilespmem:s29+$0x0];
	v14 =	vmul.f32 v14, v19;
	v19 =	vmul.f32 $1.442695020e+00, v23  }
0x131: {  	v23 =	vld [tilespmem:s3+$0x0]  }
0x132: {  	v25 =	vld [tilespmem:s29+$0xFFFFFF90];
	v20 =	vmul.f32 v20, v8;
	v8 =	vbroadcast v19, $0xF  }
0x133: {  	v19 =	vld [tilespmem:s3+$0xFFFFFF90]  }
0x134: {  	v26 =	vld [tilespmem:s29+$0xFFFFFF80];
	v21 =	vmul.f32 v21, v22;
	v14 =	vadd.f32 v14, v20  }
0x135: {  	v20 =	vld [tilespmem:s3+$0xFFFFFF80]  }
0x136: {  	v22 =	vld [tilespmem:s29+$0xFFFFFF10];
	v23 =	vmul.f32 v24, v23;
	(xrf2) =	vadd.scan.msk.f32 $0xffff, v14  }
0x137: {  	v14 =	vld [tilespmem:s3+$0xFFFFFF10]  }
0x138: {  	v24 =	vld [tilespmem:s29+$0xFFFFFF00];
	v19 =	vmul.f32 v25, v19;
	v21 =	vadd.f32 v21, v23  }
0x139: {  	v23 =	vld [tilespmem:s3+$0xC0]  }
0x13a: {  	v20 =	vmul.f32 v26, v20;
	v25 =	vld [tilespmem:s29+$0x30];
	(xrf2) =	vadd.scan.msk.f32 $0xffff, v21  }
0x13b: {  	v21 =	vld [tilespmem:s29+$0xB0]  }
0x13c: {  	v14 =	vmul.f32 v22, v14;
	v19 =	vadd.f32 v19, v20;
	v20 =	vld [tilespmem:s3+$0xB0]  }
0x13d: {  	v18 =	vmul.f32 v24, v18;
	v22 =	vld [tilespmem:s29+$0xA0]  }
0x13e: {  	v24 =	vld [tilespmem:s3+$0xA0];
	v23 =	vmul.f32 v17, v23;
	(xrf2) =	vadd.scan.msk.f32 $0xffff, v19  }
0x13f: {  	v14 =	vadd.f32 v14, v18;
	v18 =	vld [tilespmem:s3+$0x30]  }
0x140: {  	v19 =	vld [tilespmem:s29+$0x20];
	v15 =	vadd.f32 v15, v23;
	v17, _, _ =	vpop (xrf2)  }
0x141: {  	v23 =	vld [tilespmem:s3+$0x20];
	v20 =	vmul.f32 v21, v20;
	v17 =	vmul.f32 $1.442695020e+00, v17  }
0x142: {  	v21 =	vld [tilespmem:s29+$0x40];
	(xrf2) =	vadd.scan.msk.f32 $0xffff, v14  }
0x143: {  	v14 =	vld [tilespmem:s3+$0x40];
	v22 =	vmul.f32 v22, v24;
	v17 =	vbroadcast v17, $0xF  }
0x144: {  	v24 =	vld [tilespmem:s29+$0xFFFFFFA0];
	v18 =	vmul.f32 v25, v18;
	v25, _, _ =	vpop (xrf2)  }
0x145: {  	v26 =	vld [tilespmem:s3+$0xFFFFFFA0];
	v25 =	vmul.f32 $1.442695020e+00, v25;
	v20 =	vadd.f32 v20, v22;
	(erf) = vpow2.f32 v17  }
0x146: {  	v17 =	vld [tilespmem:s3+$0xFFFFFFD0];
	v27 =	vmul.f32 v19, v23  }
0x147: {  	v22 =	vld [tilespmem:s29+$0xFFFFFF30];
	v23 =	vbroadcast v25, $0xF;
	(xrf2) =	vadd.scan.msk.f32 $0xffff, v15  }
0x148: {  	v15 =	vld [tilespmem:s3+$0xFFFFFF30];
	v18 =	vadd.f32 v18, v27;
	v14 =	vmul.f32 v21, v14;
	v19, _, _ =	vpop (xrf2)  }
0x149: {  	v21 =	vld [tilespmem:s29+$0xFFFFFF20];
	v19 =	vmul.f32 $1.442695020e+00, v19;
	(erf) = vpow2.f32 v23  }
0x14a: {  	v23 =	vmul.f32 v24, v26;
	v13 =	vadd.f32 v13, v14;
	v14 =	vld [tilespmem:s23+$0x80]  }
0x14b: {  	v24 =	vld [tilespmem:s3+$0xFFFFFF20];
	v25 =	vmul.f32 v11, v17;
	v17 =	vbroadcast v19, $0xF;
	(xrf2) =	vadd.scan.msk.f32 $0xffff, v20  }
0x14c: {  	v19 =	vld [tilespmem:s29+$0xFFFFFF40];
	v16 =	vadd.f32 v16, v23;
	v20, _, _ =	vpop (xrf2)  }
0x14d: {  	v23 =	vld [tilespmem:s29+$0xFFFFFF50];
	v20 =	vmul.f32 $1.442695020e+00, v20;
	v12 =	vadd.f32 v25, v12;
	(erf) = vpow2.f32 v17  }
0x14e: {  	v17 =	vld [tilespmem:s23+$0x0];
	(xrf2) =	vadd.scan.msk.f32 $0xffff, v16;
	v11 =	vpop (erf)  }
0x14f: {  	v16 =	vld [tilespmem:s3+$0xFFFFFF50];
	v26 =	vbroadcast v20, $0xF;
	v25 =	vmul.f32 v14, v11  }
0x150: {  	v15 =	vmul.f32 v22, v15;
	v21 =	vmul.f32 v21, v24;
	v22 =	vld [tilespmem:s3+$0xFFFFFF40]  }
0x151: {  	v24 =	vld [tilespmem:s23+$0xFFFFFF80];
	[tilespmem:s25+$0x80] =	vst v25;
	v14, _, _ =	vpop (xrf2)  }
0x152: {  	v15 =	vadd.f32 v15, v21;
	v21 =	vld [tilespmem:s23+$0x90];
	(erf) = vpow2.f32 v26;
	v20 =	vpop (erf)  }
0x153: {  	v25 =	vld [tilespmem:s29+$0x60];
	v26 =	vmul.f32 v17, v20;
	(xrf2) =	vadd.scan.msk.f32 $0xffff, v18  }
0x154: {  	v16 =	vmul.f32 v23, v16;
	v18 =	vld [tilespmem:s3+$0x60]  }
0x155: {  	v19 =	vmul.f32 v19, v22;
	v22 =	vld [tilespmem:s29+$0xFFFFFFE0];
	[tilespmem:s25+$0x0] =	vst v26;
	v17, _, _ =	vpop (xrf2)  }
0x156: {  	v23 =	vld [tilespmem:s3+$0xFFFFFFF0];
	(xrf2) =	vadd.scan.msk.f32 $0xffff, v15;
	v15 =	vpop (erf)  }
0x157: {  	v16 =	vadd.f32 v16, v19;
	v19 =	vld [tilespmem:s3+$0xFFFFFFE0];
	v24 =	vmul.f32 v24, v15;
	v21 =	vmul.f32 v21, v11  }
0x158: {  	v14 =	vmul.f32 $1.442695020e+00, v14;
	v26 =	vld [tilespmem:s23+$0xFFFFFF00];
	v27, _, _ =	vpop (xrf2)  }
0x159: {  	v17 =	vmul.f32 $1.442695020e+00, v17;
	v28 =	vld [tilespmem:s29+$0xFFFFFF70];
	[tilespmem:s25+$0xFFFFFF80] =	vst v24;
	v18 =	vmul.f32 v25, v18;
	(xrf2) =	vadd.scan.msk.f32 $0xffff, v16  }
0x15a: {  	v14 =	vbroadcast v14, $0xF;
	v16 =	vld [tilespmem:s3+$0xFFFFFF70];
	[tilespmem:s25+$0x90] =	vst v21  }
0x15b: {  	v9 =	vmul.f32 v9, v23;
	v10 =	vadd.f32 v10, v18;
	v18 =	vld [tilespmem:s23+$0xA0];
	v21 =	vpop (erf)  }
0x15c: {  	v17 =	vbroadcast v17, $0xF;
	v23 =	vld [tilespmem:s29+$0xFFFFFF60];
	v19 =	vmul.f32 v22, v19;
	(xrf2) =	vadd.scan.msk.f32 $0xffff, v12  }
0x15d: {  	v22 =	vmul.f32 $1.442695020e+00, v27;
	v12 =	vmul.f32 v26, v21;
	v24 =	vld [tilespmem:s23+$0xFFFFFF90];
	v25, _, _ =	vpop (xrf2)  }
0x15e: {  	v26 =	vld [tilespmem:s3+$0xFFFFFF60];
	v27 =	vmul.f32 $1.442695020e+00, v25;
	(erf) = vpow2.f32 v17  }
0x15f: {  	v16 =	vmul.f32 v28, v16;
	[tilespmem:s25+$0xFFFFFF00] =	vst v12;
	v12 =	vbroadcast v22, $0xF;
	v17 =	vld [tilespmem:s23+$0x10];
	(xrf2) =	vadd.scan.msk.f32 $0xffff, v13  }
0x160: {  	v13 =	vld [tilespmem:s23+$0xFFFFFF10];
	v22 =	vbroadcast v27, $0xF;
	v25, _, _ =	vpop (xrf2)  }
0x161: {  	(erf) = vpow2.f32 v12  }
0x162: {  	v12 =	vmul.f32 v24, v15;
	(xrf2) =	vadd.scan.msk.f32 $0xffff, v10;
	(erf) = vpow2.f32 v22  }
0x163: {  	v22 =	vmul.f32 $1.442695020e+00, v25;
	v10 =	vmul.f32 v23, v26;
	v23 =	vnsel vm0, $0x0, v20;
	v24, _, _ =	vpop (xrf2)  }
0x164: {  	v24 =	vmul.f32 $1.442695020e+00, v24;
	[tilespmem:s25+$0xFFFFFF90] =	vst v12;
	v20 =	vmul.f32 v17, v20  }
0x165: {  	v10 =	vadd.f32 v16, v10;
	v16 =	vbroadcast v22, $0xF;
	v13 =	vmul.f32 v13, v21  }
0x166: {  	v22 =	vadd.f32 v9, v19;
	v17 =	vbroadcast v24, $0xF;
	v19 =	vld [tilespmem:s23+$0xFFFFFFA0];
	[tilespmem:s25+$0x10] =	vst v20;
	v12, _, _ =	vpop (xrf2);
	(erf) = vpow2.f32 v14  }
0x167: {  	[tilespmem:s25+$0xFFFFFF10] =	vst v13;
	v12 =	vmul.f32 $1.442695020e+00, v12;
	v13 =	vld [tilespmem:s23+$0x20];
	(erf) = vpow2.f32 v16;
	v14 =	vpop (erf)  }
0x168: {  	v16 =	vld [tilespmem:s23+$0xFFFFFF20];
	v20 =	vmul.f32 v18, v14  }
0x169: {  	v12 =	vbroadcast v12, $0xF;
	(xrf2) =	vadd.scan.msk.f32 $0xffff, v22;
	v9, _, _ =	vpop (xrf2)  }
0x16a: {  	v15 =	vnsel vm0, $0x0, v15;
	v9 =	vmul.f32 $1.442695020e+00, v9;
	[tilespmem:s25+$0xA0] =	vst v20;
	v18 =	vpop (erf)  }
0x16b: {  	v19 =	vmul.f32 v19, v18;
	v15 =	vsel vm1, v15, v18;
	v20 =	vld [tilespmem:s23+$0xB0];
	v22 =	vpop (erf)  }
0x16c: {  	v13 =	vmul.f32 v13, v22;
	v23 =	vsel vm1, v23, v22;
	(xrf2) =	vadd.scan.msk.f32 $0xffff, v10;
	v10, _, _ =	vpop (xrf2)  }
0x16d: {  	[tilespmem:s25+$0xFFFFFFA0] =	vst v19;
	v10 =	vmul.f32 $1.442695020e+00, v10  }
0x16e: {  	v11 =	vnsel vm0, $0x0, v11;
	v19 =	vld [tilespmem:s23+$0xFFFFFFB0];
	[tilespmem:s25+$0x20] =	vst v13  }
0x16f: {  	v11 =	vsel vm1, v11, v14;
	v9 =	vbroadcast v9, $0xF;
	v10 =	vbroadcast v10, $0xF;
	v13 =	vld [tilespmem:s23+$0x30];
	v24 =	vpop (erf)  }
0x170: {  	v21 =	vnsel vm0, $0x0, v21;
	v25 =	vmul.f32 v20, v14;
	v11 =	vsel vm2, v11, v24;
	v20 =	vpop (erf)  }
0x171: {  	v16 =	vmul.f32 v16, v20;
	v21 =	vsel vm1, v21, v20;
	(erf) = vpow2.f32 v12  }
0x172: {  	[tilespmem:s25+$0xB0] =	vst v25;
	(erf) = vpow2.f32 v9  }
0x173: {  	[tilespmem:s25+$0xFFFFFF20] =	vst v16;
	v9 =	vmul.f32 v19, v18;
	v12 =	vld [tilespmem:s23+$0xC0];
	v14, _, _ =	vpop (xrf2)  }
0x174: {  	v16 =	vld [tilespmem:s23+$0xFFFFFF30];
	v14 =	vmul.f32 $1.442695020e+00, v14;
	v18 =	vmul.f32 v13, v22  }
0x175: {  	[tilespmem:s25+$0xFFFFFFB0] =	vst v9  }
0x176: {  	v9 =	vbroadcast v14, $0xF;
	v14 =	vld [tilespmem:s23+$0xFFFFFFC0];
	[tilespmem:s25+$0x30] =	vst v18;
	v13, _, _ =	vpop (xrf2)  }
0x177: {  	v13 =	vmul.f32 $1.442695020e+00, v13;
	v18 =	vld [tilespmem:s23+$0x40];
	(erf) = vpow2.f32 v17  }
0x178: {  	v19 =	vmul.f32 v12, v24  }
0x179: {  	v13 =	vbroadcast v13, $0xF;
	v16 =	vmul.f32 v16, v20  }
0x17a: {  	[tilespmem:s25+$0xC0] =	vst v19;
	v12 =	vpop (erf)  }
0x17b: {  	[tilespmem:s25+$0xFFFFFF30] =	vst v16;
	v14 =	vmul.f32 v14, v12;
	v15 =	vsel vm2, v15, v12;
	v16 =	vld [tilespmem:s23+$0xD0];
	v17 =	vpop (erf)  }
0x17c: {  	v19 =	vld [tilespmem:s23+$0xFFFFFF40];
	v18 =	vmul.f32 v18, v17;
	v20 =	vsel vm2, v23, v17  }
0x17d: {  	[tilespmem:s25+$0xFFFFFFC0] =	vst v14  }
0x17e: {  	v14 =	vld [tilespmem:s23+$0xFFFFFFD0];
	[tilespmem:s25+$0x40] =	vst v18;
	(erf) = vpow2.f32 v8  }
0x17f: {  	v18 =	vld [tilespmem:s23+$0x50]  }
0x180: {  	v16 =	vmul.f32 v16, v24;
	v22 =	vpop (erf)  }
0x181: {  	v19 =	vmul.f32 v19, v22;
	v8 =	vsel vm2, v21, v22;
	(erf) = vpow2.f32 v9  }
0x182: {  	[tilespmem:s25+$0xD0] =	vst v16;
	(erf) = vpow2.f32 v10  }
0x183: {  	[tilespmem:s25+$0xFFFFFF40] =	vst v19;
	v9 =	vmul.f32 v14, v12;
	v10 =	vld [tilespmem:s23+$0xE0]  }
0x184: {  	v12 =	vld [tilespmem:s23+$0xFFFFFF50];
	v14 =	vmul.f32 v18, v17  }
0x185: {  	[tilespmem:s25+$0xFFFFFFD0] =	vst v9  }
0x186: {  	v9 =	vld [tilespmem:s23+$0xFFFFFFE0];
	[tilespmem:s25+$0x50] =	vst v14  }
0x187: {  	v14 =	vld [tilespmem:s23+$0x60];
	(erf) = vpow2.f32 v13;
	v16 =	vpop (erf)  }
0x188: {  	v10 =	vmul.f32 v10, v16  }
0x189: {  	v12 =	vmul.f32 v12, v22  }
0x18a: {  	[tilespmem:s25+$0xE0] =	vst v10;
	v13 =	vpop (erf)  }
0x18b: {  	[tilespmem:s25+$0xFFFFFF50] =	vst v12;
	v9 =	vmul.f32 v9, v13;
	v10 =	vsel vm3, v15, v13;
	v15 =	vld [tilespmem:s23+$0xF0];
	v17 =	vpop (erf)  }
0x18c: {  	v18 =	vld [tilespmem:s23+$0xFFFFFF60];
	v14 =	vmul.f32 v14, v17;
	v12 =	vsel vm3, v20, v17  }
0x18d: {  	[tilespmem:s25+$0xFFFFFFE0] =	vst v9  }
0x18e: {  	v19 =	vld [tilespmem:s23+$0xFFFFFFF0];
	[tilespmem:s25+$0x60] =	vst v14  }
0x18f: {  	v20 =	vld [tilespmem:s23+$0x70]  }
.Ltmp2:
0x190: {  	s7 =	sadd.s32 $0xFFFFFFD0, s10;
	v14 =	vmul.f32 v15, v16;
	v9 =	vpop (erf);
	(pc) =	sbr.rel @p2 .LBB2_7-.Ltmp2, $4  }
0x191: {  	s4 =	sand.u32 $0x780, s7;
	v15 =	vmul.f32 v18, v9  }
0x192: {  	s8 =	sand.u32 $0x70, s10;
	s4 =	sadd.s32 $0x14380, s4;
	[tilespmem:s25+$0xF0] =	vst v14  }
0x193: {  	s8 =	sor.u32 s8, s4;
	v11 =	vsel vm3, v11, v16;
	s23 =	sadd.s32 $0x200, s23;
	s25 =	sadd.s32 $0x200, s25;
	[tilespmem:s6+$0xFFFFFF60] =	vst v15;
	v13 =	vmul.f32 v19, v13  }
0x194: {  	s29 =	sadd.s32 $0x200, s29;
	s3 =	sadd.s32 $0x200, s3;
	v14 =	vld [tilespmem:s2+$0xFFFFFF70];
	v15 =	vmul.f32 v20, v17;
	s2 =	sadd.s32 $0xFFFFFFF0, s10;
	[tilespmem:s8+$0x0] =	vst v11  }
0x195: {  	_ =	sdelay $0x1  }
0x196: {  	s2 =	sand.u32 $0x60, s2;
	[tilespmem:s6+$0xFFFFFFF0] =	vst v13  }
0x197: {  	s23 =	sand.u32 $0x50, s9;
	[tilespmem:s6+$0x70] =	vst v15;
	s2 =	sor.u32 s2, s4  }
0x198: {  	s3 =	sshll.u32 s5, $0xB;
	s25 =	sor.u32 s23, s4;
	[tilespmem:s2+$0x0] =	vst v12;
	v11 =	vmul.f32 v14, v9  }
0x199: {  	s18 =	sand.u32 $0x40, s7;
	s3 =	sadd.s32 s22, s3;
	[tilespmem:s25+$0x0] =	vst v10  }
0x19a: {  	v8 =	vsel vm3, v8, v9;
	s26 =	rddreg [dreg:$0x1];
	s2 =	sor.u32 s18, s4;
	s3 =	sshrl.u32 s3, $0x3;
	[tilespmem:s6+$0xFFFFFF70] =	vst v11  }
0x19b: {  	s3 =	sadd.s32 s26, s3;
	[tilespmem:s2+$0x0] =	vst v8;
	s2 =	simm.s32 $0x0  }
0x19c: {  	[hbm4b:s3+s2] =	stream.linear.scatter [tilespmem:s30], [sflag:$0x2], $0x800, $0x38;
	[tilespmem:$0x1F580] =	vst v63  }
0x19d: {  	s3 =	simm.s32 $0x280;
	v8 =	vmov s2  }
0x19e: {  	v8 =	vshll.u32 v8, $0x7;
	v9 =	vld [tilespmem:s3+$0x0]  }
0x19f: {  	v8 =	vor.u32 v3, v8  }
0x1a0: {  	v10 =	vor.u32 v2, v8  }
0x1a1: {  	v11 =	vmov s2  }
0x1a2: {  	v11 =	vshll.u32 v11, $0x7  }
0x1a3: {  	v11 =	vor.u32 v4, v11;
	v55 =	vand.u32 $0xFFFFFF80, v9  }
0x1a4: {  	v56 =	vand.u32 $0x7F, v9;
	v12 =	vadd.s32 v11, v55  }
0x1a5: {  	v10 =	vld.idx.msk [tilespmem:v10+s30+$0x0], $0xffff;
	v12 =	vor.u32 v56, v12  }
0x1a6: {  	v57 =	vor.u32 v5, v8;
	_ =	sdelay $0x1  }
0x1a7: {  	v58 =	vadd.s32 $0x1, v9  }
0x1a8: {  	v59 =	vand.u32 $0xFFFFFF80, v58  }
0x1a9: {  	v15 =	vadd.s32 v11, v59;
	[tilespmem:v12+s31+$0x0] =	vst.idx.msk $0xffff, v10;
	v10 =	vand.u32 $0x7F, v58  }
0x1aa: {  	v12 =	vld.idx.msk [tilespmem:v57+s30+$0x0], $0xffff;
	v10 =	vor.u32 v10, v15  }
0x1ab: {  	v60 =	vor.u32 v6, v8;
	_ =	sdelay $0x1  }
0x1ac: {  	v61 =	vadd.s32 $0x2, v9  }
0x1ad: {  	v62 =	vand.u32 $0xFFFFFF80, v61  }
0x1ae: {  	v15 =	vadd.s32 v11, v62;
	[tilespmem:v10+s31+$0x0] =	vst.idx.msk $0xffff, v12;
	v10 =	vand.u32 $0x7F, v61  }
0x1af: {  	v12 =	vld.idx.msk [tilespmem:v60+s30+$0x0], $0xffff;
	v10 =	vor.u32 v10, v15  }
0x1b0: {  	v8 =	vor.u32 v7, v8;
	_ =	sdelay $0x1  }
0x1b1: {  	v9 =	vadd.s32 $0x3, v9  }
0x1b2: {  	v63 =	vand.u32 $0xFFFFFF80, v9  }
0x1b3: {  	v9 =	vand.u32 $0x7F, v9;
	v11 =	vadd.s32 v11, v63;
	[tilespmem:v10+s31+$0x0] =	vst.idx.msk $0xffff, v12  }
0x1b4: {  	v9 =	vor.u32 v9, v11;
	v8 =	vld.idx.msk [tilespmem:v8+s30+$0x0], $0xffff  }
0x1b5: {  	s29 =	simm.s32 $0x2  }
0x1b6: {  	s6 =	simm.s32 $0x4;
	v10 =	vmov s29  }
.LBB2_9:
0x1b7: {  	s3 =	sadd.s32 $0x10, s3  }
0x1b8: {  	v10 =	vshll.u32 v10, $0x7;
	s2 =	sadd.s32 $0x10, s2;
	s4 =	smov.u32 s6;
	s5 =	sadd.s32 $0x2, s6  }
0x1b9: {  	p2 =	sne.s32 s6, $0xE;
	v10 =	vor.u32 v3, v10;
	[tilespmem:v9+s31+$0x0] =	vst.idx.msk $0xffff, v8  }
0x1ba: {  	v8 =	vld [tilespmem:s3+$0x0];
	v9 =	vor.u32 v2, v10;
	_ =	sdelay $0x1  }
0x1bb: {  	v11 =	vmov s2  }
0x1bc: {  	v11 =	vshll.u32 v11, $0x7;
	_ =	sdelay $0x1  }
0x1bd: {  	v11 =	vor.u32 v4, v11;
	v9 =	vld.idx.msk [tilespmem:v9+s30+$0x0], $0xffff;
	v12 =	vand.u32 $0xFFFFFF80, v8;
	v13 =	vand.u32 $0x7F, v8  }
0x1be: {  	v14 =	vadd.s32 $0x1, v8;
	v15 =	vadd.s32 $0x2, v8;
	v12 =	vadd.s32 v11, v12  }
0x1bf: {  	v16 =	vand.u32 $0xFFFFFF80, v14;
	v12 =	vor.u32 v13, v12;
	v13 =	vor.u32 v5, v10  }
0x1c0: {  	v8 =	vadd.s32 $0x3, v8;
	v17 =	vand.u32 $0xFFFFFF80, v15;
	v16 =	vadd.s32 v11, v16  }
0x1c1: {  	v18 =	vand.u32 $0xFFFFFF80, v8;
	v17 =	vadd.s32 v11, v17  }
0x1c2: {  	v11 =	vadd.s32 v11, v18;
	_ =	sdelay $0x1  }
0x1c3: {  	[tilespmem:v12+s31+$0x0] =	vst.idx.msk $0xffff, v9;
	v9 =	vand.u32 $0x7F, v14  }
0x1c4: {  	v12 =	vld.idx.msk [tilespmem:v13+s30+$0x0], $0xffff;
	v9 =	vor.u32 v9, v16  }
0x1c5: {  	v13 =	vor.u32 v6, v10;
	_ =	sdelay $0x4  }
0x1c6: {  	[tilespmem:v9+s31+$0x0] =	vst.idx.msk $0xffff, v12;
	v9 =	vand.u32 $0x7F, v15  }
0x1c7: {  	v12 =	vld.idx.msk [tilespmem:v13+s30+$0x0], $0xffff;
	v9 =	vor.u32 v9, v17  }
0x1c8: {  	v10 =	vor.u32 v7, v10;
	_ =	sdelay $0x4  }
0x1c9: {  	[tilespmem:v9+s31+$0x0] =	vst.idx.msk $0xffff, v12;
	v9 =	vand.u32 $0x7F, v8  }
.Ltmp3:
0x1ca: {  	v8 =	vld.idx.msk [tilespmem:v10+s30+$0x0], $0xffff;
	v9 =	vor.u32 v9, v11;
	(pc) =	sbr.rel @p2 .LBB2_9-.Ltmp3, $2  }
0x1cb: {  	_ =	sdelay $0x2  }
0x1cc: {  	s6 =	smov.u32 s5;
	v10 =	vmov s4  }
0x1cd: {  	_ =	sdelay $0x3  }
0x1ce: {  	s3 =	sadd.s32 $0x10, s3;
	[tilespmem:v9+s31+$0x0] =	vst.idx.msk $0xffff, v8  }
0x1cf: {  	v8 =	vshll.u32 v10, $0x7;
	v9 =	vld [tilespmem:s3+$0x0]  }
0x1d0: {  	v8 =	vor.u32 v3, v8  }
0x1d1: {  	s2 =	sadd.s32 $0x10, s2;
	v10 =	vor.u32 v2, v8  }
0x1d2: {  	v11 =	vmov s2  }
0x1d3: {  	v11 =	vshll.u32 v11, $0x7  }
0x1d4: {  	v11 =	vor.u32 v4, v11;
	v12 =	vand.u32 $0xFFFFFF80, v9  }
0x1d5: {  	v13 =	vand.u32 $0x7F, v9;
	v12 =	vadd.s32 v11, v12  }
0x1d6: {  	v10 =	vld.idx.msk [tilespmem:v10+s30+$0x0], $0xffff;
	v12 =	vor.u32 v13, v12  }
0x1d7: {  	v13 =	vor.u32 v5, v8;
	_ =	sdelay $0x1  }
0x1d8: {  	v14 =	vadd.s32 $0x1, v9  }
0x1d9: {  	v15 =	vand.u32 $0xFFFFFF80, v14  }
0x1da: {  	v15 =	vadd.s32 v11, v15;
	[tilespmem:v12+s31+$0x0] =	vst.idx.msk $0xffff, v10;
	v10 =	vand.u32 $0x7F, v14  }
0x1db: {  	v12 =	vld.idx.msk [tilespmem:v13+s30+$0x0], $0xffff;
	v10 =	vor.u32 v10, v15  }
0x1dc: {  	v13 =	vor.u32 v6, v8;
	_ =	sdelay $0x1  }
0x1dd: {  	v14 =	vadd.s32 $0x2, v9  }
0x1de: {  	v15 =	vand.u32 $0xFFFFFF80, v14  }
0x1df: {  	v15 =	vadd.s32 v11, v15;
	[tilespmem:v10+s31+$0x0] =	vst.idx.msk $0xffff, v12;
	v10 =	vand.u32 $0x7F, v14  }
0x1e0: {  	v12 =	vld.idx.msk [tilespmem:v13+s30+$0x0], $0xffff;
	v10 =	vor.u32 v10, v15  }
0x1e1: {  	v8 =	vor.u32 v7, v8;
	_ =	sdelay $0x1  }
0x1e2: {  	v9 =	vadd.s32 $0x3, v9  }
0x1e3: {  	v13 =	vand.u32 $0xFFFFFF80, v9  }
0x1e4: {  	v9 =	vand.u32 $0x7F, v9;
	v11 =	vadd.s32 v11, v13;
	[tilespmem:v10+s31+$0x0] =	vst.idx.msk $0xffff, v12  }
0x1e5: {  	v9 =	vor.u32 v9, v11;
	v8 =	vld.idx.msk [tilespmem:v8+s30+$0x0], $0xffff;
	_ =	sdelay $0x4  }
0x1e6: {  	[tilespmem:v9+s31+$0x0] =	vst.idx.msk $0xffff, v8  }
0x1e7: {  	[spmem:s12] =	stream.indirect.scatter.add.f32 [tilespmem:s11], [sflag:$0x2], $0x80, s28, s16, $0xb8;
	[tilespmem:$0x1F580] =	vst v63  }
0x1e8: {  	s26 =	simm.s32 $0x200  }
0x1e9: {  	[spmem:s13] =	stream.indirect.scatter.add.f32 [tilespmem:s31], [sflag:$0x2], $0x80, s26, s16, $0xb8;
	[tilespmem:$0x1F580] =	vst v63  }
0x1ea: {  	_ =	swait.ge [sflag:s21], $0x800  }
0x1eb: {  	[sflag:s21] =	ssyncset.done $0x0  }
0x1ec: {  	[sflag:s21] =	ssyncadd.s32 $0xFFFFF800  }
0x1ed: {  	_ =	swait.ge [sflag:s21], $0x4000  }
0x1ee: {  	[sflag:s21] =	ssyncset.done $0x0  }
0x1ef: {  	[sflag:s21] =	ssyncadd.s32 $0xFFFFC000  }
0x1f0: {  	_ =	swait.ge [sflag:s21], $0x4000  }
0x1f1: {  	[sflag:s21] =	ssyncset.done $0x0  }
0x1f2: {  	s2 =	simm.s32 $0x280;
	[sflag:s21] =	ssyncadd.s32 $0xFFFFC000  }
0x1f3: {  	v9 =	vld [tilespmem:s2+$0x0]  }
0x1f4: {  	s29 =	simm.s32 $0x0  }
0x1f5: {  	v8 =	vmov s29  }
0x1f6: {  	v8 =	vshll.u32 v8, $0x7  }
0x1f7: {  	v8 =	vor.u32 v4, v8  }
0x1f8: {  	s3 =	simm.s32 $0x10;
	v12 =	vand.u32 $0xFFFFFF80, v9;
	v11 =	vadd.s32 $0x1, v9;
	v10 =	vadd.s32 $0x2, v9  }
.LBB2_11:
0x1f9: {  	p2 =	sne.s32 s3, $0x70  }
0x1fa: {  	v12 =	vadd.s32 v8, v12;
	v13 =	vand.u32 $0xFFFFFF80, v11;
	v14 =	vadd.s32 $0x3, v9;
	s2 =	sadd.s32 $0x10, s2;
	s4 =	smov.u32 s3;
	s3 =	sadd.s32 $0x10, s3  }
0x1fb: {  	v9 =	vand.u32 $0x7F, v9;
	v11 =	vand.u32 $0x7F, v11;
	v13 =	vadd.s32 v8, v13  }
0x1fc: {  	v9 =	vor.u32 v9, v12;
	v12 =	vand.u32 $0xFFFFFF80, v10;
	v10 =	vand.u32 $0x7F, v10  }
0x1fd: {  	v11 =	vor.u32 v11, v13;
	v12 =	vadd.s32 v8, v12;
	v13 =	vand.u32 $0xFFFFFF80, v14  }
0x1fe: {  	v10 =	vor.u32 v10, v12;
	v12 =	vand.u32 $0x7F, v14;
	v8 =	vadd.s32 v8, v13  }
0x1ff: {  	v13 =	vmov s4;
	v12 =	vor.u32 v12, v8  }
0x200: {  	v8 =	vshll.u32 v13, $0x7  }
0x201: {  	v8 =	vor.u32 v4, v8;
	[tilespmem:v9+s31+$0x0] =	vst.idx.msk $0xffff, v1  }
0x202: {  	[tilespmem:v11+s31+$0x0] =	vst.idx.msk $0xffff, v1  }
0x203: {  	[tilespmem:v10+s31+$0x0] =	vst.idx.msk $0xffff, v1  }
0x204: {  	[tilespmem:v12+s31+$0x0] =	vst.idx.msk $0xffff, v1  }
0x205: {  	v9 =	vld [tilespmem:s2+$0x0]  }
.Ltmp4:
0x206: {  	(pc) =	sbr.rel @p2 .LBB2_11-.Ltmp4, $2  }
0x207: {  	_ =	sdelay $0x2  }
0x208: {  	v12 =	vand.u32 $0xFFFFFF80, v9;
	v11 =	vadd.s32 $0x1, v9;
	v10 =	vadd.s32 $0x2, v9  }
0x209: {  	v12 =	vadd.s32 v8, v12;
	v13 =	vand.u32 $0xFFFFFF80, v11;
	v14 =	vadd.s32 $0x3, v9  }
0x20a: {  	v58 =	vand.u32 $0x7F, v9;
	v59 =	vand.u32 $0x7F, v11;
	v60 =	vand.u32 $0xFFFFFF80, v10  }
0x20b: {  	v61 =	vand.u32 $0x7F, v10;
	v13 =	vadd.s32 v8, v13;
	v9 =	vor.u32 v58, v12  }
0x20c: {  	v12 =	vadd.s32 v8, v60;
	v62 =	vand.u32 $0xFFFFFF80, v14;
	v11 =	vor.u32 v59, v13  }
0x20d: {  	s1 =	sadd.s32 $0x1, s1;
	v63 =	vand.u32 $0x7F, v14;
	v10 =	vor.u32 v61, v12;
	v8 =	vadd.s32 v8, v62  }
0x20e: {  	p2 =	sne.s32 s1, $0x31;
	v8 =	vor.u32 v63, v8  }
.Ltmp5:
0x20f: {  	_ = 	snop;
	(pc) =	sbr.rel @p2 .LBB2_6-.Ltmp5, $4  }
0x210: {  	[tilespmem:v9+s31+$0x0] =	vst.idx.msk $0xffff, v1  }
0x211: {  	[tilespmem:v11+s31+$0x0] =	vst.idx.msk $0xffff, v1  }
0x212: {  	[tilespmem:v10+s31+$0x0] =	vst.idx.msk $0xffff, v1  }
0x213: {  	[tilespmem:v8+s31+$0x0] =	vst.idx.msk $0xffff, v1  }
0x214: {  	[bflag:$0x0] =	sbarrier.arrive $0xFFFF  }
0x215: {  	s1 =	stileid.u32;
	s26 =	rddreg [dreg:$0x14]  }
0x216: {  	s1 =	sshll.u32 s1, $0x6;
	s29 =	rddreg [dreg:$0xe];
	s3 =	sshrl.u32 s26, $0x3  }
0x217: {  	s2 =	sor.u32 $0x1C03, s1;
	[dreg:$0x1f] =	wrdreg s3  }
0x218: {  	[hbm:s29], [sflag:s2] =	dma.local [spmem:s3], $0x1400  }
0x219: {  	_ =	swait.ge [sflag:s15], $0x1400;
	[dreg:$0x1e] =	wrdreg s2  }
0x21a: {  	s1 =	rddreg [dreg:$0x15]  }
0x21b: {  	[sflag:s15] =	ssyncset.done $0x0;
	s3 =	sshrl.u32 @!p1 s1, $0x3;
	s1 =	rddreg [dreg:$0x16]  }
0x21c: {  	[sflag:s15] =	ssyncadd.s32 $0xFFFFEC00;
	[smem:$0x7FD] =	sst s3  }
0x21d: {  	[hbm:s1], [sflag:s2] =	dma.local @!p1 [spmem:s3], $0x500  }
0x21e: {  	s1 =	simm.s32 @!p1 $0x3  }
0x21f: {  	_ =	swait.ge @!p1 [sflag:s1], $0x500  }
0x220: {  	[sflag:s1] =	ssyncset.done @!p1 $0x0  }
0x221: {  	[sflag:s1] =	ssyncadd.s32 @!p1 $0xFFFFFB00  }
0x222: {  	s2 =	simm.s32 $0x200;
	s1 =	simm.s32 $0x0;
	[bflag:$0x0] =	sbarrier.arrive $0xFFFF  }
.LBB2_14:
0x223: {  	p2 =	sne.s32 s2, $0xFE00;
	[tilespmem:s1+$0xC3F0] =	vst v1  }
0x224: {  	[tilespmem:s1+$0xC380] =	vst v1  }
0x225: {  	[tilespmem:s1+$0xC390] =	vst v1  }
.Ltmp6:
0x226: {  	[tilespmem:s1+$0xC3A0] =	vst v1;
	(pc) =	sbr.rel @p2 .LBB2_14-.Ltmp6, $4  }
0x227: {  	[tilespmem:s1+$0xC3B0] =	vst v1  }
0x228: {  	[tilespmem:s1+$0xC3C0] =	vst v1  }
0x229: {  	[tilespmem:s1+$0xC3D0] =	vst v1  }
0x22a: {  	[tilespmem:s1+$0xC3E0] =	vst v1;
	s1 =	sshra.s32 s2, $0x2;
	s2 =	sadd.s32 $0x200, s2  }
0x22b: {  	[tilespmem:s1+$0xC3F0] =	vst v1  }
0x22c: {  	[tilespmem:s1+$0xC380] =	vst v1  }
0x22d: {  	[tilespmem:s1+$0xC390] =	vst v1  }
0x22e: {  	[tilespmem:s1+$0xC3A0] =	vst v1  }
0x22f: {  	[tilespmem:s1+$0xC3B0] =	vst v1  }
0x230: {  	[tilespmem:s1+$0xC3C0] =	vst v1  }
0x231: {  	[tilespmem:s1+$0xC3D0] =	vst v1  }
0x232: {  	[tilespmem:s1+$0xC3E0] =	vst v1;
	s25 =	rddreg [dreg:$0x14]  }
0x233: {  	[spmem:s25] =	stream.linear.scatter [tilespmem:s11], [sflag:$0x3], $0x4000, $0x38;
	[tilespmem:$0x1F580] =	vst v63  }
0x234: {  	_ =	swait.ge [sflag:s15], $0x4000  }
0x235: {  	[sflag:s15] =	ssyncset.done $0x0  }
0x236: {  	s26 =	rddreg [dreg:$0x19];
	[sflag:s15] =	ssyncadd.s32 $0xFFFFC000  }
0x237: {  	[spmem:s26] =	stream.linear.scatter [tilespmem:s11], [sflag:$0x3], $0x4000, $0x38;
	[tilespmem:$0x1F580] =	vst v63  }
0x238: {  	_ =	swait.ge [sflag:s15], $0x4000  }
0x239: {  	[sflag:s15] =	ssyncset.done $0x0  }
0x23a: {  	s29 =	rddreg [dreg:$0x1a];
	[sflag:s15] =	ssyncadd.s32 $0xFFFFC000  }
0x23b: {  	[spmem:s29] =	stream.linear.scatter [tilespmem:s11], [sflag:$0x3], $0x2000, $0x38;
	[tilespmem:$0x1F580] =	vst v63  }
0x23c: {  	_ =	swait.ge [sflag:s15], $0x2000  }
0x23d: {  	[sflag:s15] =	ssyncset.done $0x0  }
0x23e: {  	[sflag:s15] =	ssyncadd.s32 $0xFFFFE000  }
0x23f: {  	s1 =	simm.s32 $0x0;
	s5 =	simm.s32 $0x0;
	[bflag:$0x0] =	sbarrier.arrive $0xFFFF  }
.LBB2_16:
0x240: {  	s2 =	sadd.s32 s0, s5  }
0x241: {  	s4 =	rddreg [dreg:$0x8];
	s3 =	sshll.u32 s2, $0x4  }
0x242: {  	s6 =	rddreg [dreg:$0xb];
	s4 =	sadd.s32 s4, s3  }
0x243: {  	[tilespmem:s1], [sflag:$0x1] =	stream.linear.gather [hbm4b:s4+s1], $0x80, $0x38;
	[tilespmem:$0x1F580] =	vst v63  }
0x244: {  	s3 =	sadd.s32 s6, s3  }
0x245: {  	[tilespmem:s16], [sflag:$0x1] =	stream.linear.gather [hbm4b:s3+s1], $0x80, $0x38;
	[tilespmem:$0x1F580] =	vst v63  }
0x246: {  	_ =	swait.ge [sflag:s17], $0x80  }
0x247: {  	[sflag:s17] =	ssyncset.done $0x0  }
0x248: {  	[sflag:s17] =	ssyncadd.s32 $0xFFFFFF80  }
0x249: {  	_ =	swait.ge [sflag:s17], $0x80  }
0x24a: {  	[sflag:s17] =	ssyncset.done $0x0  }
0x24b: {  	[sflag:s17] =	ssyncadd.s32 $0xFFFFFF80  }
0x24c: {  	v8 =	vld [tilespmem:$0x80]  }
0x24d: {  	v9 =	vld [tilespmem:$0x0]  }
0x24e: {  	v10 =	vld [tilespmem:$0x90]  }
0x24f: {  	v11 =	vld [tilespmem:$0x10]  }
0x250: {  	v12 =	vld [tilespmem:$0xA0]  }
0x251: {  	v13 =	vld [tilespmem:$0x20]  }
0x252: {  	v14 =	vld [tilespmem:$0xB0];
	v9 =	vadd.s32 v0, v9;
	vm4 =	vgt.s32 v8, $0x1387;
	v8 =	vadd.s32 $0xFFFFEC78, v8  }
0x253: {  	[tilespmem:$0x100] =	vst v9;
	v8 =	vnsel vm4, $0x13FF, v8;
	v9 =	vld [tilespmem:$0x30]  }
0x254: {  	vm4 =	vgt.s32 v10, $0x1387;
	v10 =	vadd.s32 $0xFFFFEC78, v10;
	[tilespmem:$0x300] =	vst v8;
	v8 =	vadd.s32 v0, v11;
	v11 =	vld [tilespmem:$0xC0]  }
0x255: {  	[tilespmem:$0x110] =	vst v8;
	v8 =	vnsel vm4, $0x13FF, v10;
	v10 =	vld [tilespmem:$0x40]  }
0x256: {  	vm4 =	vgt.s32 v12, $0x1387;
	v12 =	vadd.s32 $0xFFFFEC78, v12;
	[tilespmem:$0x310] =	vst v8;
	v8 =	vadd.s32 v0, v13;
	v13 =	vld [tilespmem:$0xD0]  }
0x257: {  	[tilespmem:$0x120] =	vst v8;
	v8 =	vnsel vm4, $0x13FF, v12;
	v12 =	vld [tilespmem:$0x50]  }
0x258: {  	vm4 =	vgt.s32 v14, $0x1387;
	[tilespmem:$0x320] =	vst v8;
	v8 =	vadd.s32 v0, v9;
	v9 =	vadd.s32 $0xFFFFEC78, v14;
	v14 =	vld [tilespmem:$0xE0]  }
0x259: {  	[tilespmem:$0x130] =	vst v8;
	v8 =	vnsel vm4, $0x13FF, v9;
	v9 =	vld [tilespmem:$0x60]  }
0x25a: {  	vm4 =	vgt.s32 v11, $0x1387;
	[tilespmem:$0x330] =	vst v8;
	v8 =	vadd.s32 v0, v10;
	v10 =	vadd.s32 $0xFFFFEC78, v11;
	v11 =	vld [tilespmem:$0xF0]  }
0x25b: {  	[tilespmem:$0x140] =	vst v8;
	v8 =	vnsel vm4, $0x13FF, v10;
	v10 =	vld [tilespmem:$0x70]  }
0x25c: {  	vm4 =	vgt.s32 v13, $0x1387;
	[tilespmem:$0x340] =	vst v8;
	v8 =	vadd.s32 v0, v12;
	v12 =	vadd.s32 $0xFFFFEC78, v13  }
0x25d: {  	[tilespmem:$0x150] =	vst v8;
	v8 =	vnsel vm4, $0x13FF, v12  }
0x25e: {  	vm4 =	vgt.s32 v14, $0x1387;
	[tilespmem:$0x350] =	vst v8;
	v8 =	vadd.s32 v0, v9;
	v9 =	vadd.s32 $0xFFFFEC78, v14  }
0x25f: {  	[tilespmem:$0x160] =	vst v8;
	v8 =	vnsel vm4, $0x13FF, v9  }
0x260: {  	s2 =	sshll.u32 s2, $0xB;
	vm4 =	vgt.s32 v11, $0x1387;
	v9 =	vadd.s32 $0xFFFFEC78, v11;
	[tilespmem:$0x360] =	vst v8;
	v8 =	vadd.s32 v0, v10  }
0x261: {  	s2 =	sadd.s32 s22, s2;
	s7 =	rddreg [dreg:$0x7];
	[tilespmem:$0x170] =	vst v8;
	v8 =	vnsel vm4, $0x13FF, v9  }
0x262: {  	s8 =	simm.s32 $0x8380;
	s2 =	sshrl.u32 s2, $0x3;
	s9 =	rddreg [dreg:$0x1];
	[tilespmem:$0x370] =	vst v8  }
0x263: {  	[tilespmem:s8], [sflag:$0x1] =	stream.indirect.gather [hbm4b:s7+s16], $0x80, s24, s16, $0xb8;
	[tilespmem:$0x1F580] =	vst v63  }
0x264: {  	s2 =	sadd.s32 s9, s2  }
0x265: {  	[tilespmem:s30], [sflag:$0x1] =	stream.linear.gather [hbm4b:s2+s1], $0x800, $0x38;
	[tilespmem:$0x1F580] =	vst v63  }
0x266: {  	s26 =	smov.u32 s12;
	_ =	swait.ge [sflag:s17], $0x4000  }
0x267: {  	s10 =	simm.s32 $0x0;
	s12 =	simm.s32 $0x20;
	[sflag:s17] =	ssyncset.done $0x0  }
0x268: {  	s13 =	sand.u32 $0x40, s1;
	s6 =	simm.s32 $0x8480;
	[sflag:s17] =	ssyncadd.s32 $0xFFFFC000  }
0x269: {  	s3 =	sand.u32 $0x60, s12;
	s2 =	sand.u32 $0xFFFFFF80, s10;
	_ =	swait.ge [sflag:s17], $0x800  }
0x26a: {  	s7 =	simm.s32 $0x10;
	s4 =	sor.u32 s13, s2;
	[sflag:s17] =	ssyncset.done $0x0  }
0x26b: {  	s7 =	sand.u32 $0x50, s7;
	s3 =	sor.u32 s3, s2;
	v8 =	vmov s4;
	[sflag:s17] =	ssyncadd.s32 $0xFFFFF800  }
0x26c: {  	s7 =	sor.u32 s7, s2;
	v19 =	vmov s3;
	v10 =	vld [tilespmem:s6+$0x80]  }
0x26d: {  	s8 =	sor.u32 $0x2, s3;
	v21 =	vmov s7;
	v11 =	vld [tilespmem:s6+$0x0]  }
0x26e: {  	s14 =	sor.u32 $0x1, s4;
	v9 =	vmov s8;
	v15 =	vld [tilespmem:s6+$0xFFFFFF80]  }
0x26f: {  	s19 =	simm.s32 $0x30;
	s9 =	sor.u32 $0x3, s7;
	v13 =	vmov s14;
	v17 =	vld [tilespmem:s6+$0xFFFFFF00]  }
0x270: {  	s18 =	sor.u32 $0x1, s3;
	v14 =	vmov s9;
	s8 =	sand.u32 $0x70, s19;
	v20 =	vld.idx.msk [tilespmem:v8+s30+$0x0], $0xffff  }
0x271: {  	v16 =	vmov s18;
	s2 =	sor.u32 s8, s2;
	v19 =	vld.idx.msk [tilespmem:v19+s30+$0x0], $0xffff  }
0x272: {  	v22 =	vmov s2;
	s25 =	sor.u32 $0x1, s2;
	s29 =	sor.u32 $0x3, s2;
	s2 =	sor.u32 $0x2, s2;
	v21 =	vld.idx.msk [tilespmem:v21+s30+$0x0], $0xffff  }
0x273: {  	s20 =	sor.u32 $0x2, s7;
	v27 =	vmov s2;
	v12 =	vld.idx.msk [tilespmem:v9+s30+$0x0], $0xffff  }
0x274: {  	s7 =	sor.u32 $0x1, s7;
	v9 =	vmov s20;
	v18 =	vld.idx.msk [tilespmem:v13+s30+$0x0], $0xffff  }
0x275: {  	s3 =	sor.u32 $0x3, s3;
	v8 =	vld.idx.msk [tilespmem:v14+s30+$0x0], $0xffff;
	v14 =	vmov s7  }
0x276: {  	s23 =	sor.u32 $0x2, s4;
	v28 =	vld.idx.msk [tilespmem:v16+s30+$0x0], $0xffff;
	v16 =	vmov s3  }
0x277: {  	v23 =	vmov s23;
	v22 =	vld.idx.msk [tilespmem:v22+s30+$0x0], $0xffff  }
0x278: {  	v24 =	vmov s25;
	v27 =	vld.idx.msk [tilespmem:v27+s30+$0x0], $0xffff  }
0x279: {  	v13 =	vld.idx.msk [tilespmem:v9+s30+$0x0], $0xffff  }
0x27a: {  	v25 =	vmov s29;
	s7 =	sor.u32 $0x3, s4;
	v26 =	vld.idx.msk [tilespmem:v14+s30+$0x0], $0xffff  }
0x27b: {  	v11 =	vmul.f32 v11, v19;
	v9 =	vld.idx.msk [tilespmem:v16+s30+$0x0], $0xffff;
	v16 =	vmov s7  }
0x27c: {  	s3 =	simm.s32 $0xC480;
	v14 =	vld.idx.msk [tilespmem:v23+s30+$0x0], $0xffff  }
0x27d: {  	v23 =	vld.idx.msk [tilespmem:v24+s30+$0x0], $0xffff;
	[tilespmem:s3+$0x0] =	vst v11  }
0x27e: {  	v15 =	vmul.f32 v15, v21;
	v24 =	vld [tilespmem:s6+$0x10]  }
0x27f: {  	v17 =	vmul.f32 v17, v20;
	v11 =	vld.idx.msk [tilespmem:v25+s30+$0x0], $0xffff  }
0x280: {  	[tilespmem:s3+$0xFFFFFF80] =	vst v15;
	v15 =	vmul.f32 v10, v22;
	v10 =	vld.idx.msk [tilespmem:v16+s30+$0x0], $0xffff  }
0x281: {  	[tilespmem:s3+$0xFFFFFF00] =	vst v17;
	v16 =	vld [tilespmem:s6+$0xFFFFFF90]  }
0x282: {  	s12 =	simm.s32 $0x50;
	s10 =	simm.s32 $0x60;
	[tilespmem:s3+$0x80] =	vst v15;
	v15 =	vld [tilespmem:s6+$0xFFFFFF10]  }
0x283: {  	s9 =	simm.s32 $0x40;
	s8 =	simm.s32 $0x40;
	s2 =	simm.s32 $0x8680;
	v17 =	vmul.f32 v24, v19  }
0x284: {  	v29 =	vld [tilespmem:s2+$0x80];
	s4 =	sand.u32 $0x40, s8;
	s8 =	sand.u32 $0x60, s10;
	s7 =	sand.u32 $0xFFFFFF80, s9  }
0x285: {  	s9 =	sand.u32 $0x50, s12;
	s8 =	sor.u32 s8, s7;
	v19 =	vld [tilespmem:s6+$0x90];
	[tilespmem:s3+$0x10] =	vst v17  }
0x286: {  	s9 =	sor.u32 s9, s7;
	v34 =	vmov s8;
	v17 =	vld [tilespmem:s6+$0x20];
	v16 =	vmul.f32 v16, v21  }
0x287: {  	v30 =	vld [tilespmem:s2+$0xFFFFFF80];
	v35 =	vmov s9;
	v15 =	vmul.f32 v15, v20  }
0x288: {  	v31 =	vld [tilespmem:s2+$0xFFFFFF00];
	[tilespmem:s3+$0xFFFFFF90] =	vst v16  }
0x289: {  	s10 =	sor.u32 $0x2, s8;
	[tilespmem:s3+$0xFFFFFF10] =	vst v15;
	v15 =	vld [tilespmem:s6+$0xFFFFFFA0]  }
0x28a: {  	v24 =	vld [tilespmem:s2+$0x0];
	v21 =	vmov s10;
	v19 =	vmul.f32 v19, v22  }
0x28b: {  	v51 =	vld.idx.msk [tilespmem:v34+s30+$0x0], $0xffff;
	v17 =	vmul.f32 v17, v28  }
0x28c: {  	s4 =	sor.u32 s4, s7;
	v35 =	vld.idx.msk [tilespmem:v35+s30+$0x0], $0xffff;
	[tilespmem:s3+$0x90] =	vst v19  }
0x28d: {  	s19 =	simm.s32 $0x70;
	s13 =	sor.u32 $0x1, s4;
	v19 =	vld [tilespmem:s6+$0xA0];
	[tilespmem:s3+$0x20] =	vst v17;
	v17 =	vmov s4  }
0x28e: {  	s14 =	sor.u32 $0x1, s8;
	s10 =	sand.u32 $0x70, s19;
	v22 =	vmov s13;
	v16 =	vld [tilespmem:s6+$0xFFFFFF20];
	v15 =	vmul.f32 v15, v26  }
0x28f: {  	v32 =	vmov s14;
	s7 =	sor.u32 s10, s7;
	v21 =	vld.idx.msk [tilespmem:v21+s30+$0x0], $0xffff  }
0x290: {  	s29 =	sor.u32 $0x3, s7;
	v20 =	vld [tilespmem:s6+$0x30];
	[tilespmem:s3+$0xFFFFFFA0] =	vst v15  }
0x291: {  	s18 =	sor.u32 $0x3, s9;
	v41 =	vmov s29;
	v25 =	vld [tilespmem:s6+$0xFFFFFFB0]  }
0x292: {  	v15 =	vmov s18;
	v19 =	vmul.f32 v19, v23;
	v33 =	vld.idx.msk [tilespmem:v17+s30+$0x0], $0xffff  }
0x293: {  	s20 =	sor.u32 $0x2, s9;
	v17 =	vld.idx.msk [tilespmem:v22+s30+$0x0], $0xffff  }
0x294: {  	s9 =	sor.u32 $0x1, s9;
	v36 =	vmov s20;
	[tilespmem:s3+$0xA0] =	vst v19;
	v22 =	vld.idx.msk [tilespmem:v32+s30+$0x0], $0xffff  }
0x295: {  	v52 =	vmov s9;
	v19 =	vld [tilespmem:s6+$0xB0];
	v28 =	vmul.f32 v20, v28  }
0x296: {  	v20 =	vld.idx.msk [tilespmem:v41+s30+$0x0], $0xffff;
	v25 =	vmul.f32 v25, v26;
	v26 =	vmov s7  }
0x297: {  	v15 =	vld.idx.msk [tilespmem:v15+s30+$0x0], $0xffff;
	[tilespmem:s3+$0x30] =	vst v28  }
0x298: {  	v59 =	vld [tilespmem:s6+$0x40]  }
0x299: {  	s8 =	sor.u32 $0x3, s8;
	[tilespmem:s3+$0xFFFFFFB0] =	vst v25;
	v25 =	vld.idx.msk [tilespmem:v36+s30+$0x0], $0xffff  }
0x29a: {  	v38 =	vmov s8;
	v19 =	vmul.f32 v19, v23;
	v23 =	vld.idx.msk [tilespmem:v52+s30+$0x0], $0xffff  }
0x29b: {  	s23 =	sor.u32 $0x2, s4;
	v40 =	vld.idx.msk [tilespmem:v26+s30+$0x0], $0xffff;
	v26 =	vmul.f32 v16, v18  }
0x29c: {  	v39 =	vmov s23;
	s25 =	sor.u32 $0x1, s7;
	v37 =	vld [tilespmem:s6+$0xFFFFFFC0];
	[tilespmem:s3+$0xB0] =	vst v19  }
0x29d: {  	v42 =	vmul.f32 v24, v51;
	s7 =	sor.u32 $0x2, s7;
	v19 =	vmov s25;
	v53 =	vld [tilespmem:s6+$0xC0];
	[tilespmem:s3+$0xFFFFFF20] =	vst v26  }
0x29e: {  	s10 =	simm.s32 $0xC680;
	s4 =	sor.u32 $0x3, s4;
	v54 =	vmov s7;
	v55 =	vld [tilespmem:s6+$0xFFFFFF30]  }
0x29f: {  	v56 =	vmov s4;
	v16 =	vld.idx.msk [tilespmem:v38+s30+$0x0], $0xffff;
	[tilespmem:s10+$0x0] =	vst v42  }
0x2a0: {  	v57 =	vld [tilespmem:s2+$0x10]  }
0x2a1: {  	v26 =	vld.idx.msk [tilespmem:v39+s30+$0x0], $0xffff  }
0x2a2: {  	v24 =	vld.idx.msk [tilespmem:v19+s30+$0x0], $0xffff;
	v28 =	vmul.f32 v53, v27  }
0x2a3: {  	v19 =	vld.idx.msk [tilespmem:v54+s30+$0x0], $0xffff;
	v58 =	vmul.f32 v55, v18  }
0x2a4: {  	v31 =	vmul.f32 v31, v33;
	[tilespmem:s3+$0xC0] =	vst v28;
	v18 =	vld.idx.msk [tilespmem:v56+s30+$0x0], $0xffff  }
0x2a5: {  	v28 =	vmul.f32 v29, v40;
	v29 =	vld [tilespmem:s6+$0xD0];
	[tilespmem:s3+$0xFFFFFF30] =	vst v58  }
0x2a6: {  	v30 =	vmul.f32 v30, v35;
	[tilespmem:s10+$0xFFFFFF00] =	vst v31;
	v36 =	vld [tilespmem:s6+$0xFFFFFF40]  }
0x2a7: {  	[tilespmem:s10+$0x80] =	vst v28;
	v60 =	vld [tilespmem:s2+$0xFFFFFF10];
	v28 =	vmul.f32 v57, v51  }
0x2a8: {  	[tilespmem:s10+$0xFFFFFF80] =	vst v30;
	v30 =	vmul.f32 v59, v12;
	v61 =	vld [tilespmem:s2+$0x90]  }
0x2a9: {  	v63 =	vld [tilespmem:s2+$0xFFFFFF90];
	v62 =	vmul.f32 v37, v13;
	[tilespmem:s10+$0x10] =	vst v28  }
0x2aa: {  	[tilespmem:s3+$0x40] =	vst v30;
	v31 =	vld [tilespmem:s2+$0x20];
	v27 =	vmul.f32 v29, v27  }
0x2ab: {  	[tilespmem:s3+$0xFFFFFFC0] =	vst v62;
	v28 =	vld [tilespmem:s6+$0x50];
	v29 =	vmul.f32 v36, v14  }
0x2ac: {  	v30 =	vld [tilespmem:s6+$0xFFFFFFD0];
	v33 =	vmul.f32 v60, v33;
	[tilespmem:s3+$0xD0] =	vst v27  }
0x2ad: {  	s23 =	simm.s32 $0x80;
	v32 =	vmul.f32 v61, v40;
	v27 =	vld [tilespmem:s6+$0xE0];
	[tilespmem:s3+$0xFFFFFF40] =	vst v29  }
0x2ae: {  	s9 =	simm.s32 $0xC680;
	s18 =	simm.s32 $0x4;
	s25 =	simm.s32 $0x8880;
	[tilespmem:s10+$0xFFFFFF10] =	vst v33;
	v33 =	vmul.f32 v63, v35;
	v29 =	vld [tilespmem:s6+$0xFFFFFF50]  }
.LBB2_17:
0x2af: {  	s18 =	sadd.s32 $0x4, s18;
	s4 =	sand.u32 $0x40, s23;
	s7 =	sadd.s32 $0x30, s23;
	v34 =	vld [tilespmem:s2+$0xFFFFFF20];
	v31 =	vmul.f32 v31, v22;
	[tilespmem:s10+$0x90] =	vst v32  }
0x2b0: {  	s29 =	sadd.s32 $0x20, s23;
	s8 =	sshll.u32 s18, $0x4;
	s7 =	sand.u32 $0x70, s7;
	[tilespmem:s10+$0xFFFFFF90] =	vst v33;
	v32 =	vld [tilespmem:s2+$0xA0];
	v33 =	vmul.f32 v28, v12;
	v12 =	vmov v21  }
0x2b1: {  	s12 =	sadd.s32 $0x10, s23;
	s29 =	sand.u32 $0x60, s29;
	s8 =	sand.u32 $0xFFFFFF80, s8;
	v21 =	vld [tilespmem:s2+$0xFFFFFFA0];
	[tilespmem:s10+$0x20] =	vst v31;
	v30 =	vmul.f32 v30, v13;
	v13 =	vmov v25  }
0x2b2: {  	s12 =	sand.u32 $0x50, s12;
	s4 =	sor.u32 s4, s8;
	s29 =	sor.u32 s29, s8;
	v28 =	vld [tilespmem:s25+$0x80];
	[tilespmem:s3+$0x50] =	vst v33  }
0x2b3: {  	s12 =	sor.u32 s12, s8;
	v25 =	vmov s4;
	s13 =	sor.u32 $0x1, s29;
	s14 =	sor.u32 $0x2, s29;
	v31 =	vld [tilespmem:s2+$0x30];
	[tilespmem:s3+$0xFFFFFFD0] =	vst v30  }
0x2b4: {  	s7 =	sor.u32 s7, s8;
	v30 =	vmov s12;
	s19 =	sor.u32 $0x3, s12;
	v29 =	vmul.f32 v29, v14;
	v14 =	vmovc v26;
	v33 =	vmov s14;
	s14 =	sor.u32 $0x3, s29;
	v35 =	vld [tilespmem:s6+$0xFFFFFFE0]  }
0x2b5: {  	s8 =	sor.u32 $0x2, s4;
	s20 =	sor.u32 $0x1, s12;
	v36 =	vmov s29;
	v26 =	vmov s19;
	v37 =	vmov s14;
	v38 =	vld [tilespmem:s25+$0x0];
	s14 =	sor.u32 $0x1, s7  }
0x2b6: {  	v40 =	vmov s7;
	s19 =	sor.u32 $0x1, s4;
	v39 =	vld [tilespmem:s25+$0xFFFFFF80];
	v41 =	vmov s14;
	s14 =	sor.u32 $0x2, s7;
	s7 =	sor.u32 $0x3, s7;
	v21 =	vmul.f32 v21, v23;
	[tilespmem:s3+$0xFFFFFF50] =	vst v29  }
0x2b7: {  	p2 =	slt.u32 s18, $0x7C;
	v27 =	vmul.f32 v27, v11;
	v29 =	vmov s19;
	v42 =	vmov s14;
	v43 =	vld [tilespmem:s6+$0xFFFFFF60]  }
0x2b8: {  	v44 =	vmov s13;
	[tilespmem:s10+$0xFFFFFFA0] =	vst v21;
	v22 =	vmul.f32 v31, v22;
	v21 =	vmul.f32 v32, v24;
	v31 =	vld [tilespmem:s6+$0x60]  }
0x2b9: {  	v32 =	vmov s8;
	v45 =	vld [tilespmem:s25+$0xFFFFFF00];
	v35 =	vmul.f32 v35, v8  }
0x2ba: {  	v46 =	vmov s20;
	s8 =	sor.u32 $0x2, s12;
	v47 =	vld [tilespmem:s2+$0xFFFFFFB0];
	[tilespmem:s10+$0xA0] =	vst v21  }
0x2bb: {  	v48 =	vld.idx.msk [tilespmem:v25+s30+$0x0], $0xffff;
	v25 =	vmov s8;
	[tilespmem:s3+$0xE0] =	vst v27  }
0x2bc: {  	s4 =	sor.u32 $0x3, s4;
	v21 =	vld.idx.msk [tilespmem:v33+s30+$0x0], $0xffff;
	v27 =	vmul.f32 v43, v10;
	[tilespmem:s3+$0xFFFFFFE0] =	vst v35  }
0x2bd: {  	v33 =	vmov s4;
	[tilespmem:s10+$0x30] =	vst v22;
	v22 =	vld [tilespmem:s2+$0xB0];
	v31 =	vmul.f32 v31, v9  }
0x2be: {  	[tilespmem:s3+$0xFFFFFF60] =	vst v27;
	v27 =	vld [tilespmem:s6+$0xF0]  }
0x2bf: {  	s10 =	sadd.s32 $0x200, s10;
	v29 =	vld.idx.msk [tilespmem:v29+s30+$0x0], $0xffff;
	v23 =	vmul.f32 v47, v23;
	[tilespmem:s3+$0x60] =	vst v31  }
0x2c0: {  	v34 =	vmul.f32 v34, v17;
	v31 =	vmov s7;
	v26 =	vld.idx.msk [tilespmem:v26+s30+$0x0], $0xffff  }
0x2c1: {  	[tilespmem:s9+$0xFFFFFFB0] =	vst v23;
	v23 =	vld [tilespmem:s6+$0xFFFFFFF0]  }
0x2c2: {  	[tilespmem:s9+$0xFFFFFF20] =	vst v34;
	v24 =	vmul.f32 v22, v24;
	v34 =	vld [tilespmem:s6+$0x70]  }
0x2c3: {  	v35 =	vld [tilespmem:s6+$0xFFFFFF70];
	v27 =	vmul.f32 v27, v11;
	v11 =	vmov v20;
	s6 =	smov.u32 s2;
	s2 =	smov.u32 s25  }
0x2c4: {  	v22 =	vld.idx.msk [tilespmem:v44+s30+$0x0], $0xffff;
	[tilespmem:s9+$0xB0] =	vst v24  }
0x2c5: {  	v36 =	vld.idx.msk [tilespmem:v36+s30+$0x0], $0xffff;
	[tilespmem:s3+$0xF0] =	vst v27  }
0x2c6: {  	v20 =	vld [tilespmem:s6+$0xFFFFFFC0];
	v23 =	vmul.f32 v23, v8;
	v8 =	vmov v15;
	v15 =	vmov v26  }
0x2c7: {  	v27 =	vmul.f32 v45, v48;
	v43 =	vld.idx.msk [tilespmem:v30+s30+$0x0], $0xffff;
	v24 =	vmul.f32 v34, v9;
	v9 =	vmov v16  }
0x2c8: {  	v25 =	vld.idx.msk [tilespmem:v25+s30+$0x0], $0xffff;
	v16 =	vmul.f32 v35, v10;
	[tilespmem:s3+$0xFFFFFFF0] =	vst v23;
	v10 =	vmov v18  }
0x2c9: {  	v18 =	vld [tilespmem:s6+$0xC0];
	[tilespmem:s3+$0x70] =	vst v24  }
0x2ca: {  	v34 =	vld.idx.msk [tilespmem:v40+s30+$0x0], $0xffff;
	[tilespmem:s3+$0xFFFFFF70] =	vst v16;
	s3 =	smov.u32 s9;
	s9 =	smov.u32 s10  }
0x2cb: {  	v23 =	vld.idx.msk [tilespmem:v46+s30+$0x0], $0xffff;
	v20 =	vmul.f32 v20, v13  }
0x2cc: {  	v16 =	vld.idx.msk [tilespmem:v37+s30+$0x0], $0xffff  }
0x2cd: {  	v24 =	vmul.f32 v39, v43;
	v26 =	vld.idx.msk [tilespmem:v32+s30+$0x0], $0xffff;
	[tilespmem:s3+$0xFFFFFFC0] =	vst v20  }
0x2ce: {  	v30 =	vld [tilespmem:s6+$0xFFFFFF30];
	v18 =	vmul.f32 v18, v19  }
0x2cf: {  	v32 =	vmul.f32 v38, v36;
	[tilespmem:s10+$0xFFFFFF80] =	vst v24;
	v24 =	vld.idx.msk [tilespmem:v41+s30+$0x0], $0xffff  }
0x2d0: {  	v28 =	vmul.f32 v28, v34;
	v20 =	vld.idx.msk [tilespmem:v31+s30+$0x0], $0xffff;
	[tilespmem:s3+$0xC0] =	vst v18  }
0x2d1: {  	[tilespmem:s10+$0x0] =	vst v32;
	v32 =	vld.idx.msk [tilespmem:v42+s30+$0x0], $0xffff  }
0x2d2: {  	v31 =	vld [tilespmem:s25+$0x10]  }
0x2d3: {  	[tilespmem:s10+$0x80] =	vst v28;
	v28 =	vmul.f32 v30, v17;
	v30 =	vld [tilespmem:s6+$0x40];
	v17 =	vmov v29  }
0x2d4: {  	v18 =	vld.idx.msk [tilespmem:v33+s30+$0x0], $0xffff  }
0x2d5: {  	[tilespmem:s3+$0xFFFFFF30] =	vst v28;
	v28 =	vld [tilespmem:s6+$0xD0]  }
0x2d6: {  	[tilespmem:s10+$0xFFFFFF00] =	vst v27;
	v27 =	vld [tilespmem:s6+$0xFFFFFF40]  }
0x2d7: {  	v29 =	vld [tilespmem:s25+$0xFFFFFF10];
	v31 =	vmul.f32 v31, v36  }
0x2d8: {  	v33 =	vld [tilespmem:s25+$0x90];
	v30 =	vmul.f32 v30, v12  }
0x2d9: {  	v35 =	vld [tilespmem:s25+$0xFFFFFF90];
	[tilespmem:s10+$0x10] =	vst v31  }
.Ltmp7:
0x2da: {  	v31 =	vld [tilespmem:s25+$0x20];
	[tilespmem:s3+$0x40] =	vst v30;
	v36 =	vmul.f32 v28, v19;
	v19 =	vmov v32;
	(pc) =	sbr.rel @p2 .LBB2_17-.Ltmp7, $4  }
0x2db: {  	v27 =	vmul.f32 v27, v14;
	v28 =	vld [tilespmem:s6+$0x50]  }
0x2dc: {  	v29 =	vmul.f32 v29, v48;
	v30 =	vld [tilespmem:s6+$0xFFFFFFD0];
	[tilespmem:s3+$0xD0] =	vst v36  }
0x2dd: {  	v32 =	vmul.f32 v33, v34;
	[tilespmem:s3+$0xFFFFFF40] =	vst v27;
	v27 =	vld [tilespmem:s6+$0xE0]  }
0x2de: {  	s23 =	sadd.s32 $0x40, s23;
	s25 =	sadd.s32 $0x200, s25;
	[tilespmem:s10+$0xFFFFFF10] =	vst v29;
	v33 =	vmul.f32 v35, v43;
	v29 =	vld [tilespmem:s6+$0xFFFFFF50]  }
0x2df: {  	[tilespmem:s10+$0x90] =	vst v32  }
0x2e0: {  	v32 =	vld [tilespmem:s2+$0xA0]  }
0x2e1: {  	v34 =	vld [tilespmem:s2+$0xFFFFFF20];
	[tilespmem:s10+$0xFFFFFF90] =	vst v33  }
0x2e2: {  	v33 =	vld [tilespmem:s2+$0xFFFFFFA0];
	_ =	sdelay $0x2  }
0x2e3: {  	v32 =	vmul.f32 v32, v24  }
0x2e4: {  	v58 =	vmul.f32 v34, v17  }
0x2e5: {  	v33 =	vmul.f32 v33, v23;
	[tilespmem:s10+$0xA0] =	vst v32  }
0x2e6: {  	v31 =	vmul.f32 v31, v22;
	[tilespmem:s9+$0xFFFFFF20] =	vst v58;
	v32 =	vld [tilespmem:s2+$0xB0]  }
0x2e7: {  	[tilespmem:s10+$0xFFFFFFA0] =	vst v33;
	v33 =	vld [tilespmem:s2+$0xFFFFFF30]  }
0x2e8: {  	[tilespmem:s10+$0x20] =	vst v31;
	v59 =	vld [tilespmem:s2+$0xFFFFFFB0]  }
0x2e9: {  	v60 =	vld [tilespmem:s2+$0x30];
	_ =	sdelay $0x1  }
0x2ea: {  	v61 =	vmul.f32 v32, v24  }
0x2eb: {  	v32 =	vmul.f32 v33, v17  }
0x2ec: {  	v62 =	vmul.f32 v59, v23;
	[tilespmem:s9+$0xB0] =	vst v61  }
0x2ed: {  	v63 =	vmul.f32 v60, v22;
	[tilespmem:s9+$0xFFFFFF30] =	vst v32;
	v31 =	vld [tilespmem:s2+$0xC0]  }
0x2ee: {  	[tilespmem:s9+$0xFFFFFFB0] =	vst v62;
	v17 =	vld [tilespmem:s2+$0xFFFFFF40]  }
0x2ef: {  	[tilespmem:s10+$0x30] =	vst v63;
	v33 =	vld [tilespmem:s2+$0xFFFFFFC0]  }
0x2f0: {  	v34 =	vld [tilespmem:s2+$0x40];
	_ =	sdelay $0x1  }
0x2f1: {  	v23 =	vmul.f32 v31, v19  }
0x2f2: {  	v17 =	vmul.f32 v17, v26  }
0x2f3: {  	v22 =	vmul.f32 v33, v25;
	[tilespmem:s9+$0xC0] =	vst v23  }
0x2f4: {  	v35 =	vmul.f32 v34, v21;
	[tilespmem:s9+$0xFFFFFF40] =	vst v17;
	v36 =	vld [tilespmem:s2+$0xD0]  }
0x2f5: {  	[tilespmem:s9+$0xFFFFFFC0] =	vst v22;
	v17 =	vld [tilespmem:s2+$0xFFFFFF50]  }
0x2f6: {  	v12 =	vmul.f32 v28, v12;
	[tilespmem:s9+$0x40] =	vst v35;
	v37 =	vld [tilespmem:s2+$0xFFFFFFD0]  }
0x2f7: {  	v13 =	vmul.f32 v30, v13;
	v38 =	vld [tilespmem:s2+$0x50]  }
0x2f8: {  	[tilespmem:s3+$0x50] =	vst v12;
	v39 =	vmul.f32 v29, v14  }
0x2f9: {  	[tilespmem:s3+$0xFFFFFFD0] =	vst v13;
	v42 =	vld [tilespmem:s6+$0x60];
	v41 =	vmul.f32 v36, v19  }
0x2fa: {  	v40 =	vld [tilespmem:s6+$0xFFFFFFE0];
	[tilespmem:s3+$0xFFFFFF50] =	vst v39;
	v17 =	vmul.f32 v17, v26  }
0x2fb: {  	v44 =	vld [tilespmem:s6+$0xFFFFFF60];
	v43 =	vmul.f32 v37, v25;
	[tilespmem:s9+$0xD0] =	vst v41  }
0x2fc: {  	v45 =	vmul.f32 v38, v21;
	[tilespmem:s9+$0xFFFFFF50] =	vst v17;
	v46 =	vld [tilespmem:s2+$0xE0]  }
0x2fd: {  	v47 =	vmul.f32 v27, v11;
	[tilespmem:s9+$0xFFFFFFD0] =	vst v43;
	v50 =	vld [tilespmem:s2+$0xFFFFFF60]  }
0x2fe: {  	v13 =	vmul.f32 v42, v9;
	[tilespmem:s9+$0x50] =	vst v45;
	v48 =	vld [tilespmem:s2+$0xFFFFFFE0]  }
0x2ff: {  	[tilespmem:s3+$0xE0] =	vst v47;
	v12 =	vmul.f32 v40, v8;
	v49 =	vld [tilespmem:s2+$0x60]  }
0x300: {  	v51 =	vld [tilespmem:s6+$0xF0];
	[tilespmem:s3+$0x60] =	vst v13;
	v22 =	vmul.f32 v44, v10  }
0x301: {  	[tilespmem:s3+$0xFFFFFFE0] =	vst v12;
	v53 =	vld [tilespmem:s6+$0x70];
	v21 =	vmul.f32 v46, v20  }
0x302: {  	v52 =	vld [tilespmem:s6+$0xFFFFFFF0];
	[tilespmem:s3+$0xFFFFFF60] =	vst v22;
	v19 =	vmul.f32 v50, v18  }
0x303: {  	v54 =	vld [tilespmem:s6+$0xFFFFFF70];
	v14 =	vmul.f32 v48, v15;
	[tilespmem:s9+$0xE0] =	vst v21  }
0x304: {  	v17 =	vmul.f32 v49, v16;
	[tilespmem:s9+$0xFFFFFF60] =	vst v19;
	v55 =	vld [tilespmem:s2+$0xF0]  }
0x305: {  	v56 =	vmul.f32 v51, v11;
	[tilespmem:s9+$0xFFFFFFE0] =	vst v14;
	v60 =	vld [tilespmem:s2+$0xFFFFFF70]  }
0x306: {  	v59 =	vmul.f32 v53, v9;
	[tilespmem:s9+$0x60] =	vst v17;
	v57 =	vld [tilespmem:s2+$0xFFFFFFF0]  }
0x307: {  	[tilespmem:s3+$0xF0] =	vst v56;
	v8 =	vmul.f32 v52, v8;
	v58 =	vld [tilespmem:s2+$0x70]  }
0x308: {  	[tilespmem:s3+$0x70] =	vst v59;
	v61 =	vmul.f32 v54, v10  }
0x309: {  	[tilespmem:s3+$0xFFFFFFF0] =	vst v8;
	v8 =	vmul.f32 v55, v20  }
0x30a: {  	[tilespmem:s3+$0xFFFFFF70] =	vst v61;
	v63 =	vmul.f32 v60, v18  }
0x30b: {  	v62 =	vmul.f32 v57, v15;
	[tilespmem:s9+$0xF0] =	vst v8  }
0x30c: {  	s5 =	sadd.s32 $0x1, s5;
	v8 =	vmul.f32 v58, v16;
	[tilespmem:s9+$0xFFFFFF70] =	vst v63  }
0x30d: {  	p2 =	sne.s32 s5, $0x31;
	[tilespmem:s9+$0xFFFFFFF0] =	vst v62  }
.Ltmp8:
0x30e: {  	[tilespmem:s9+$0x70] =	vst v8;
	(pc) =	sbr.rel @p2 .LBB2_16-.Ltmp8, $4  }
0x30f: {  	[spmem:s26] =	stream.indirect.scatter.add.f32 [tilespmem:s11], [sflag:$0x3], $0x80, s28, s16, $0xb8;
	[tilespmem:$0x1F580] =	vst v63  }
0x310: {  	_ =	swait.ge [sflag:s15], $0x4000  }
0x311: {  	[sflag:s15] =	ssyncset.done $0x0  }
0x312: {  	s12 =	smov.u32 s26;
	[sflag:s15] =	ssyncadd.s32 $0xFFFFC000  }
0x313: {  	[bflag:$0x0] =	sbarrier.arrive $0xFFFF  }
0x314: {  	s1 =	rddreg [dreg:$0xf]  }
0x315: {  	s2 =	rddreg [dreg:$0x1e]  }
0x316: {  	s3 =	rddreg [dreg:$0x1f]  }
0x317: {  	[hbm:s1], [sflag:s2] =	dma.local [spmem:s3], $0x1400  }
0x318: {  	_ =	swait.ge [sflag:s15], $0x1400  }
0x319: {  	[sflag:s15] =	ssyncset.done $0x0  }
0x31a: {  	[sflag:s15] =	ssyncadd.s32 $0xFFFFEC00  }
0x31b: {  	s1 =	simm.s32 $0x0;
	s2 =	simm.s32 $0x200;
	[bflag:$0x0] =	sbarrier.arrive $0xFFFF  }
.LBB2_20:
0x31c: {  	p2 =	sne.s32 s2, $0xFE00;
	[tilespmem:s1+$0xC3F0] =	vst v1  }
0x31d: {  	[tilespmem:s1+$0xC380] =	vst v1  }
0x31e: {  	[tilespmem:s1+$0xC390] =	vst v1  }
.Ltmp9:
0x31f: {  	[tilespmem:s1+$0xC3A0] =	vst v1;
	(pc) =	sbr.rel @p2 .LBB2_20-.Ltmp9, $4  }
0x320: {  	[tilespmem:s1+$0xC3B0] =	vst v1  }
0x321: {  	[tilespmem:s1+$0xC3C0] =	vst v1  }
0x322: {  	[tilespmem:s1+$0xC3D0] =	vst v1  }
0x323: {  	[tilespmem:s1+$0xC3E0] =	vst v1;
	s1 =	sshra.s32 s2, $0x2;
	s2 =	sadd.s32 $0x200, s2  }
0x324: {  	[tilespmem:s1+$0xC3F0] =	vst v1  }
0x325: {  	[tilespmem:s1+$0xC380] =	vst v1  }
0x326: {  	[tilespmem:s1+$0xC390] =	vst v1  }
0x327: {  	[tilespmem:s1+$0xC3A0] =	vst v1  }
0x328: {  	[tilespmem:s1+$0xC3B0] =	vst v1  }
0x329: {  	[tilespmem:s1+$0xC3C0] =	vst v1  }
0x32a: {  	[tilespmem:s1+$0xC3D0] =	vst v1;
	s13 =	rddreg [dreg:$0x3]  }
0x32b: {  	[tilespmem:s1+$0xC3E0] =	vst v1;
	s1 =	simm.s32 $0x0;
	s19 =	rddreg [dreg:$0x9]  }
0x32c: {  	s2 =	simm.s32 $0x200;
	s14 =	simm.s32 $0x0;
	s20 =	rddreg [dreg:$0xa]  }
.LBB2_22:
0x32d: {  	p2 =	sne.s32 s2, $0xFE00;
	[tilespmem:s1+$0x103F0] =	vst v1  }
0x32e: {  	[tilespmem:s1+$0x10380] =	vst v1  }
0x32f: {  	[tilespmem:s1+$0x10390] =	vst v1  }
.Ltmp10:
0x330: {  	[tilespmem:s1+$0x103A0] =	vst v1;
	(pc) =	sbr.rel @p2 .LBB2_22-.Ltmp10, $4  }
0x331: {  	[tilespmem:s1+$0x103B0] =	vst v1  }
0x332: {  	[tilespmem:s1+$0x103C0] =	vst v1  }
0x333: {  	[tilespmem:s1+$0x103D0] =	vst v1  }
0x334: {  	[tilespmem:s1+$0x103E0] =	vst v1;
	s1 =	sshra.s32 s2, $0x2;
	s2 =	sadd.s32 $0x200, s2  }
0x335: {  	[tilespmem:s1+$0x103F0] =	vst v1  }
0x336: {  	[tilespmem:s1+$0x10380] =	vst v1  }
0x337: {  	[tilespmem:s1+$0x10390] =	vst v1  }
0x338: {  	[tilespmem:s1+$0x103A0] =	vst v1  }
0x339: {  	[tilespmem:s1+$0x103B0] =	vst v1  }
0x33a: {  	[tilespmem:s1+$0x103C0] =	vst v1  }
0x33b: {  	[tilespmem:s1+$0x103D0] =	vst v1  }
0x33c: {  	[tilespmem:s1+$0x103E0] =	vst v1;
	s23 =	rddreg [dreg:$0x14]  }
0x33d: {  	[spmem:s23] =	stream.linear.scatter [tilespmem:s11], [sflag:$0x3], $0x4000, $0x38;
	[tilespmem:$0x1F580] =	vst v63  }
0x33e: {  	_ =	swait.ge [sflag:s15], $0x4000  }
0x33f: {  	[sflag:s15] =	ssyncset.done $0x0  }
0x340: {  	s25 =	rddreg [dreg:$0x19];
	[sflag:s15] =	ssyncadd.s32 $0xFFFFC000  }
0x341: {  	[spmem:s25] =	stream.linear.scatter [tilespmem:s11], [sflag:$0x3], $0x4000, $0x38;
	[tilespmem:$0x1F580] =	vst v63  }
0x342: {  	_ =	swait.ge [sflag:s15], $0x4000  }
0x343: {  	[sflag:s15] =	ssyncset.done $0x0  }
0x344: {  	s29 =	rddreg [dreg:$0x1a];
	[sflag:s15] =	ssyncadd.s32 $0xFFFFC000  }
0x345: {  	[spmem:s29] =	stream.linear.scatter [tilespmem:s11], [sflag:$0x3], $0x2000, $0x38;
	[tilespmem:$0x1F580] =	vst v63  }
0x346: {  	_ =	swait.ge [sflag:s15], $0x2000  }
0x347: {  	[sflag:s15] =	ssyncset.done $0x0  }
0x348: {  	s1 =	simm.s32 @!p0 $0xC380;
	s2 =	simm.s32 @!p0 $0x3;
	[sflag:s15] =	ssyncadd.s32 $0xFFFFE000  }
0x349: {  	[spmem:s13] =	stream.linear.scatter @!p0 [tilespmem:s1], [sflag:$0x3], $0x4000, $0x38;
	[tilespmem:$0x1F580] =	vst v63  }
0x34a: {  	_ =	swait.ge @!p0 [sflag:s2], $0x4000  }
0x34b: {  	[sflag:s2] =	ssyncset.done @!p0 $0x0  }
0x34c: {  	s3 =	rddreg [dreg:$0x1b];
	[sflag:s2] =	ssyncadd.s32 @!p0 $0xFFFFC000  }
0x34d: {  	[spmem:s3] =	stream.linear.scatter @!p0 [tilespmem:s1], [sflag:$0x3], $0x4000, $0x38;
	[tilespmem:$0x1F580] =	vst v63  }
0x34e: {  	_ =	swait.ge @!p0 [sflag:s2], $0x4000  }
0x34f: {  	[sflag:s2] =	ssyncset.done @!p0 $0x0  }
0x350: {  	s3 =	rddreg [dreg:$0x1c];
	[sflag:s2] =	ssyncadd.s32 @!p0 $0xFFFFC000  }
0x351: {  	[spmem:s3] =	stream.linear.scatter @!p0 [tilespmem:s1], [sflag:$0x3], $0x2000, $0x38;
	[tilespmem:$0x1F580] =	vst v63  }
0x352: {  	_ =	swait.ge @!p0 [sflag:s2], $0x2000  }
0x353: {  	[sflag:s2] =	ssyncset.done @!p0 $0x0  }
0x354: {  	[sflag:s2] =	ssyncadd.s32 @!p0 $0xFFFFE000  }
0x355: {  	s1 =	simm.s32 $0x0;
	[bflag:$0x0] =	sbarrier.arrive $0xFFFF  }
.LBB2_24:
0x356: {  	s5 =	sadd.s32 s0, s1  }
0x357: {  	s3 =	rddreg [dreg:$0xd];
	s2 =	sshll.u32 s5, $0x4  }
0x358: {  	s18 =	rddreg [dreg:$0x12];
	s3 =	sadd.s32 s3, s2  }
0x359: {  	[tilespmem:s14], [sflag:$0x1] =	stream.linear.gather [hbm4b:s3+s14], $0x80, $0x38;
	[tilespmem:$0x1F580] =	vst v63  }
0x35a: {  	s2 =	sadd.s32 s18, s2  }
0x35b: {  	[tilespmem:s16], [sflag:$0x1] =	stream.linear.gather [hbm4b:s2+s14], $0x80, $0x38;
	[tilespmem:$0x1F580] =	vst v63  }
0x35c: {  	_ =	swait.ge [sflag:s17], $0x80  }
0x35d: {  	[sflag:s17] =	ssyncset.done $0x0  }
0x35e: {  	[sflag:s17] =	ssyncadd.s32 $0xFFFFFF80  }
0x35f: {  	_ =	swait.ge [sflag:s17], $0x80  }
0x360: {  	[sflag:s17] =	ssyncset.done $0x0  }
0x361: {  	[sflag:s17] =	ssyncadd.s32 $0xFFFFFF80  }
0x362: {  	v8 =	vld [tilespmem:$0x80]  }
0x363: {  	v9 =	vld [tilespmem:$0x0];
	_ =	sdelay $0x3  }
0x364: {  	v10 =	vld [tilespmem:$0x90];
	vm4 =	vlt.s32 v8, $0x270F  }
0x365: {  	v12 =	vld [tilespmem:$0x10];
	v9 =	vadd.s32 v0, v9;
	v11 =	vnsel vm4, $0x270F, v8  }
0x366: {  	[tilespmem:$0x100] =	vst v9;
	v9 =	vadd.s32 v0, v11  }
0x367: {  	v11 =	vshll.u32 v8, $0x2;
	[tilespmem:$0x180] =	vst v9;
	v9 =	vshrl.u32 v8, $0x5  }
0x368: {  	vm4 =	vlt.s32 v8, $0x13FF;
	[tilespmem:$0x200] =	vst v9;
	v9 =	vand.u32 $0x7C, v11  }
0x369: {  	v8 =	vnsel vm4, $0x13FF, v8;
	vm4 =	vlt.s32 v10, $0x270F;
	[tilespmem:$0x280] =	vst v9;
	v9 =	vld [tilespmem:$0xA0]  }
0x36a: {  	[tilespmem:$0x300] =	vst v8;
	v8 =	vadd.s32 v0, v12;
	v11 =	vnsel vm4, $0x270F, v10;
	v12 =	vld [tilespmem:$0x20]  }
0x36b: {  	[tilespmem:$0x110] =	vst v8;
	v8 =	vadd.s32 v0, v11  }
0x36c: {  	v11 =	vshll.u32 v10, $0x2;
	[tilespmem:$0x190] =	vst v8;
	v8 =	vshrl.u32 v10, $0x5  }
0x36d: {  	vm4 =	vlt.s32 v10, $0x13FF;
	[tilespmem:$0x210] =	vst v8;
	v8 =	vand.u32 $0x7C, v11  }
0x36e: {  	[tilespmem:$0x290] =	vst v8;
	v8 =	vnsel vm4, $0x13FF, v10;
	v10 =	vld [tilespmem:$0xB0];
	vm4 =	vlt.s32 v9, $0x270F  }
0x36f: {  	[tilespmem:$0x310] =	vst v8;
	v8 =	vadd.s32 v0, v12;
	v12 =	vld [tilespmem:$0x30];
	v11 =	vnsel vm4, $0x270F, v9  }
0x370: {  	[tilespmem:$0x120] =	vst v8;
	v8 =	vadd.s32 v0, v11  }
0x371: {  	v11 =	vshll.u32 v9, $0x2;
	[tilespmem:$0x1A0] =	vst v8;
	v8 =	vshrl.u32 v9, $0x5  }
0x372: {  	vm4 =	vlt.s32 v9, $0x13FF;
	[tilespmem:$0x220] =	vst v8;
	v8 =	vand.u32 $0x7C, v11  }
0x373: {  	[tilespmem:$0x2A0] =	vst v8;
	v8 =	vnsel vm4, $0x13FF, v9;
	vm4 =	vlt.s32 v10, $0x270F;
	v9 =	vld [tilespmem:$0xC0]  }
0x374: {  	[tilespmem:$0x320] =	vst v8;
	v8 =	vadd.s32 v0, v12;
	v11 =	vnsel vm4, $0x270F, v10;
	v12 =	vld [tilespmem:$0x40]  }
0x375: {  	[tilespmem:$0x130] =	vst v8;
	v8 =	vadd.s32 v0, v11  }
0x376: {  	v11 =	vshll.u32 v10, $0x2;
	[tilespmem:$0x1B0] =	vst v8;
	v8 =	vshrl.u32 v10, $0x5  }
0x377: {  	vm4 =	vlt.s32 v10, $0x13FF;
	[tilespmem:$0x230] =	vst v8;
	v8 =	vand.u32 $0x7C, v11  }
0x378: {  	[tilespmem:$0x2B0] =	vst v8;
	v8 =	vnsel vm4, $0x13FF, v10;
	vm4 =	vlt.s32 v9, $0x270F;
	v10 =	vld [tilespmem:$0xD0]  }
0x379: {  	[tilespmem:$0x330] =	vst v8;
	v8 =	vadd.s32 v0, v12;
	v11 =	vnsel vm4, $0x270F, v9;
	v12 =	vld [tilespmem:$0x50]  }
0x37a: {  	[tilespmem:$0x140] =	vst v8;
	v8 =	vadd.s32 v0, v11  }
0x37b: {  	v11 =	vshll.u32 v9, $0x2;
	[tilespmem:$0x1C0] =	vst v8;
	v8 =	vshrl.u32 v9, $0x5  }
0x37c: {  	vm4 =	vlt.s32 v9, $0x13FF;
	[tilespmem:$0x240] =	vst v8;
	v8 =	vand.u32 $0x7C, v11  }
0x37d: {  	[tilespmem:$0x2C0] =	vst v8;
	v8 =	vnsel vm4, $0x13FF, v9;
	vm4 =	vlt.s32 v10, $0x270F;
	v9 =	vld [tilespmem:$0xE0]  }
0x37e: {  	[tilespmem:$0x340] =	vst v8;
	v8 =	vadd.s32 v0, v12;
	v11 =	vnsel vm4, $0x270F, v10;
	v12 =	vld [tilespmem:$0x60]  }
0x37f: {  	[tilespmem:$0x150] =	vst v8;
	v8 =	vadd.s32 v0, v11  }
0x380: {  	v11 =	vshll.u32 v10, $0x2;
	[tilespmem:$0x1D0] =	vst v8;
	v8 =	vshrl.u32 v10, $0x5  }
0x381: {  	vm4 =	vlt.s32 v10, $0x13FF;
	[tilespmem:$0x250] =	vst v8;
	v8 =	vand.u32 $0x7C, v11  }
0x382: {  	[tilespmem:$0x2D0] =	vst v8;
	v8 =	vnsel vm4, $0x13FF, v10;
	vm4 =	vlt.s32 v9, $0x270F;
	v10 =	vld [tilespmem:$0xF0]  }
0x383: {  	[tilespmem:$0x350] =	vst v8;
	v8 =	vadd.s32 v0, v12;
	v11 =	vnsel vm4, $0x270F, v9;
	v12 =	vld [tilespmem:$0x70]  }
0x384: {  	[tilespmem:$0x160] =	vst v8;
	v8 =	vadd.s32 v0, v11  }
0x385: {  	v11 =	vshll.u32 v9, $0x2;
	[tilespmem:$0x1E0] =	vst v8;
	v8 =	vshrl.u32 v9, $0x5  }
0x386: {  	vm4 =	vlt.s32 v9, $0x13FF;
	[tilespmem:$0x260] =	vst v8;
	v8 =	vand.u32 $0x7C, v11  }
0x387: {  	[tilespmem:$0x2E0] =	vst v8;
	v8 =	vnsel vm4, $0x13FF, v9;
	vm4 =	vlt.s32 v10, $0x270F  }
0x388: {  	[tilespmem:$0x360] =	vst v8;
	v8 =	vadd.s32 v0, v12;
	v9 =	vnsel vm4, $0x270F, v10  }
0x389: {  	[tilespmem:$0x170] =	vst v8;
	v8 =	vadd.s32 v0, v9  }
0x38a: {  	v9 =	vshll.u32 v10, $0x2;
	[tilespmem:$0x1F0] =	vst v8;
	v8 =	vshrl.u32 v10, $0x5  }
0x38b: {  	vm4 =	vlt.s32 v10, $0x13FF;
	[tilespmem:$0x270] =	vst v8;
	v8 =	vand.u32 $0x7C, v9  }
0x38c: {  	[tilespmem:$0x2F0] =	vst v8;
	v8 =	vnsel vm4, $0x13FF, v10  }
0x38d: {  	s23 =	simm.s32 $0x180;
	s25 =	simm.s32 $0x380;
	[tilespmem:$0x370] =	vst v8  }
0x38e: {  	[tilespmem:s25], [sflag:$0x1] =	stream.indirect.gather [hbm4b:s19+s16], $0x80, s23, s16, $0xb8;
	[tilespmem:$0x1F580] =	vst v63  }
0x38f: {  	s3 =	simm.s32 $0x4380  }
0x390: {  	[tilespmem:s3], [sflag:$0x1] =	stream.indirect.gather [hbm4b:s20+s16], $0x80, s24, s16, $0xb8;
	[tilespmem:$0x1F580] =	vst v63  }
0x391: {  	s6 =	simm.s32 $0x8380;
	s4 =	rddreg [dreg:$0xc]  }
0x392: {  	[tilespmem:s6], [sflag:$0x1] =	stream.indirect.gather [hbm4b:s4+s16], $0x80, s24, s16, $0xb8;
	[tilespmem:$0x1F580] =	vst v63  }
0x393: {  	_ =	swait.ge [sflag:s17], $0x4000  }
0x394: {  	[sflag:s17] =	ssyncset.done $0x0  }
0x395: {  	[sflag:s17] =	ssyncadd.s32 $0xFFFFC000  }
0x396: {  	_ =	swait.ge [sflag:s17], $0x4000  }
0x397: {  	[sflag:s17] =	ssyncset.done $0x0  }
0x398: {  	[sflag:s17] =	ssyncadd.s32 $0xFFFFC000  }
0x399: {  	_ =	swait.ge [sflag:s17], $0x4000  }
0x39a: {  	[sflag:s17] =	ssyncset.done $0x0  }
0x39b: {  	s9 =	simm.s32 $0x4480;
	[sflag:s17] =	ssyncadd.s32 $0xFFFFC000  }
0x39c: {  	s7 =	simm.s32 $0x480;
	v15 =	vld [tilespmem:s9+$0xFFFFFFD0]  }
0x39d: {  	v9 =	vld [tilespmem:s7+$0xE0]  }
0x39e: {  	v10 =	vld [tilespmem:s9+$0xE0]  }
0x39f: {  	v13 =	vld [tilespmem:s7+$0xF0]  }
0x3a0: {  	v14 =	vld [tilespmem:s9+$0xF0]  }
0x3a1: {  	v11 =	vld [tilespmem:s7+$0x70]  }
0x3a2: {  	v12 =	vld [tilespmem:s9+$0x70]  }
0x3a3: {  	v8 =	vld [tilespmem:s9+$0xFFFFFFF0]  }
0x3a4: {  	v16 =	vld [tilespmem:s9+$0xFFFFFFC0]  }
0x3a5: {  	v17 =	vld [tilespmem:s7+$0xFFFFFFC0]  }
0x3a6: {  	v18 =	vld [tilespmem:s9+$0xFFFFFFB0]  }
0x3a7: {  	v19 =	vld [tilespmem:s7+$0xFFFFFFB0]  }
0x3a8: {  	v20 =	vld [tilespmem:s9+$0x50]  }
0x3a9: {  	v21 =	vld [tilespmem:s7+$0x50]  }
0x3aa: {  	v22 =	vld [tilespmem:s9+$0xD0]  }
0x3ab: {  	v23 =	vld [tilespmem:s7+$0xD0]  }
0x3ac: {  	v26 =	vld [tilespmem:s9+$0x90]  }
0x3ad: {  	v27 =	vld [tilespmem:s7+$0x90]  }
0x3ae: {  	v28 =	vld [tilespmem:s9+$0x80]  }
0x3af: {  	v29 =	vld [tilespmem:s7+$0x80]  }
0x3b0: {  	v30 =	vld [tilespmem:s9+$0x10]  }
0x3b1: {  	v31 =	vld [tilespmem:s7+$0x10]  }
0x3b2: {  	v32 =	vld [tilespmem:s9+$0x0]  }
0x3b3: {  	v45 =	vld [tilespmem:s9+$0xFFFFFF90];
	v9 =	vmul.f32 v10, v9;
	v10 =	vmul.f32 v14, v13  }
0x3b4: {  	v47 =	vld [tilespmem:s9+$0xFFFFFF80]  }
0x3b5: {  	v13 =	vld [tilespmem:s7+$0x0];
	v14 =	vmul.f32 v26, v27;
	v46 =	vmul.f32 v28, v29;
	v9 =	vadd.f32 v10, v9  }
0x3b6: {  	v10 =	vld [tilespmem:s7+$0xFFFFFF90]  }
0x3b7: {  	v14 =	vadd.f32 v14, v46;
	(xrf2) =	vadd.scan.msk.f32 $0xffff, v9;
	v9 =	vld [tilespmem:s7+$0xFFFFFF80]  }
0x3b8: {  	v24 =	vld [tilespmem:s9+$0xC0]  }
0x3b9: {  	v25 =	vld [tilespmem:s7+$0xFFFFFF00];
	(xrf2) =	vadd.scan.msk.f32 $0xffff, v14  }
0x3ba: {  	v48 =	vld [tilespmem:s9+$0xFFFFFF10];
	v49 =	vmul.f32 v30, v31;
	v13 =	vmul.f32 v32, v13  }
0x3bb: {  	v50 =	vld [tilespmem:s9+$0xFFFFFF00]  }
0x3bc: {  	v51 =	vld [tilespmem:s7+$0xC0];
	v10 =	vmul.f32 v45, v10;
	v13 =	vadd.f32 v49, v13;
	v9 =	vmul.f32 v47, v9  }
0x3bd: {  	v14 =	vld [tilespmem:s7+$0xFFFFFF10]  }
0x3be: {  	v52 =	vld [tilespmem:s9+$0x30];
	(xrf2) =	vadd.scan.msk.f32 $0xffff, v13;
	v9 =	vadd.f32 v10, v9  }
0x3bf: {  	v53 =	vld [tilespmem:s9+$0xB0]  }
0x3c0: {  	v54 =	vld [tilespmem:s9+$0xA0];
	(xrf2) =	vadd.scan.msk.f32 $0xffff, v9  }
0x3c1: {  	v55 =	vld [tilespmem:s7+$0xA0]  }
0x3c2: {  	v56 =	vld [tilespmem:s7+$0x30];
	v9 =	vmul.f32 v48, v14;
	v14 =	vmul.f32 v50, v25;
	v10, _, _ =	vpop (xrf2)  }
0x3c3: {  	v13 =	vld [tilespmem:s7+$0xB0];
	v58, _, _ =	vpop (xrf2)  }
0x3c4: {  	v57 =	vld [tilespmem:s9+$0x20];
	v9 =	vadd.f32 v9, v14;
	v30 =	vmul.f32 $1.442695020e+00, v58  }
0x3c5: {  	v33 =	vld [tilespmem:s9+$0x40]  }
0x3c6: {  	v59 =	vld [tilespmem:s9+$0xFFFFFFA0];
	(xrf2) =	vadd.scan.msk.f32 $0xffff, v9;
	v9 =	vbroadcast v30, $0xF  }
0x3c7: {  	v60 =	vld [tilespmem:s7+$0xFFFFFFA0];
	v22 =	vmul.f32 v22, v23;
	v24 =	vmul.f32 v24, v51  }
0x3c8: {  	v34 =	vld [tilespmem:s7+$0x40];
	(erf) = vpow2.f32 v9;
	v9 =	vmul.f32 v53, v13;
	v13, _, _ =	vpop (xrf2)  }
0x3c9: {  	v22 =	vadd.f32 v22, v24;
	v14 =	vld [tilespmem:s7+$0x20];
	v13 =	vmul.f32 $1.442695020e+00, v13  }
0x3ca: {  	v63 =	vld [tilespmem:s9+$0xFFFFFF30];
	v62 =	vmul.f32 v54, v55;
	v35, _, _ =	vpop (xrf2)  }
0x3cb: {  	v36 =	vld [tilespmem:s9+$0xFFFFFF20];
	(xrf2) =	vadd.scan.msk.f32 $0xffff, v22;
	v13 =	vbroadcast v13, $0xF;
	v37 =	vmul.f32 $1.442695020e+00, v35  }
0x3cc: {  	v18 =	vmul.f32 v18, v19;
	v23 =	vmul.f32 v59, v60;
	v32 =	vld [tilespmem:s7+$0xFFFFFF30]  }
0x3cd: {  	v9 =	vadd.f32 v9, v62;
	(erf) = vpow2.f32 v13;
	v13 =	vld [tilespmem:s7+$0xFFFFFF20];
	v24 =	vbroadcast v37, $0xF  }
0x3ce: {  	s8 =	simm.s32 $0x8480;
	v61 =	vld [tilespmem:s7+$0xFFFFFFD0];
	v31 =	vmul.f32 v52, v56;
	v14 =	vmul.f32 v57, v14  }
0x3cf: {  	v38 =	vld [tilespmem:s8+$0x80];
	(xrf2) =	vadd.scan.msk.f32 $0xffff, v9;
	v9 =	vadd.f32 v18, v23;
	(erf) = vpow2.f32 v24  }
0x3d0: {  	v39 =	vld [tilespmem:s9+$0xFFFFFF40];
	v14 =	vadd.f32 v31, v14;
	v40, _, _ =	vpop (xrf2)  }
0x3d1: {  	v41 =	vld [tilespmem:s9+$0xFFFFFF50];
	(xrf2) =	vadd.scan.msk.f32 $0xffff, v9;
	v18 =	vmul.f32 $1.442695020e+00, v40  }
0x3d2: {  	v42 =	vld [tilespmem:s8+$0x0];
	(xrf2) =	vadd.scan.msk.f32 $0xffff, v14;
	v14 =	vmul.f32 v63, v32;
	v13 =	vmul.f32 v36, v13  }
0x3d3: {  	v43 =	vld [tilespmem:s7+$0xFFFFFF50]  }
0x3d4: {  	v45 =	vld [tilespmem:s8+$0xFFFFFF80];
	v18 =	vbroadcast v18, $0xF;
	v14 =	vadd.f32 v14, v13  }
0x3d5: {  	v44 =	vld [tilespmem:s7+$0xFFFFFF40];
	v46, _, _ =	vpop (xrf2)  }
0x3d6: {  	v51 =	vld [tilespmem:s7+$0xFFFFFFF0];
	v9 =	vpop (erf);
	(erf) = vpow2.f32 v18;
	(xrf2) =	vadd.scan.msk.f32 $0xffff, v14  }
0x3d7: {  	v52 =	vld [tilespmem:s7+$0xFFFFFFE0];
	v26 =	vmul.f32 v38, v9;
	v13 =	vpop (erf)  }
0x3d8: {  	s6 =	simm.s32 $0xC480;
	v16 =	vmul.f32 v16, v17;
	v55 =	vld [tilespmem:s9+$0xFFFFFF70];
	v14 =	vpop (erf)  }
0x3d9: {  	v17 =	vmul.f32 v20, v21;
	v49 =	vld [tilespmem:s9+$0xFFFFFFE0];
	[tilespmem:s6+$0x80] =	vst v26;
	v50, _, _ =	vpop (xrf2);
	v25 =	vmul.f32 v45, v14  }
0x3da: {  	v19 =	vmul.f32 v41, v43;
	v26 =	vld [tilespmem:s8+$0x90];
	v21 =	vmul.f32 $1.442695020e+00, v50  }
0x3db: {  	v15 =	vmul.f32 v15, v61;
	v22 =	vmul.f32 v39, v44;
	v53 =	vld [tilespmem:s8+$0xFFFFFF00];
	[tilespmem:s6+$0xFFFFFF80] =	vst v25  }
0x3dc: {  	v21 =	vbroadcast v21, $0xF;
	v58 =	vld [tilespmem:s8+$0xFFFFFF90]  }
0x3dd: {  	v60 =	vmul.f32 v33, v34;
	v34 =	vld [tilespmem:s9+$0xFFFFFF60];
	v19 =	vadd.f32 v19, v22;
	v23 =	vmul.f32 v42, v13;
	v54, _, _ =	vpop (xrf2)  }
0x3de: {  	v16 =	vadd.f32 v15, v16;
	v47 =	vld [tilespmem:s9+$0x60];
	v56 =	vmul.f32 $1.442695020e+00, v54;
	v57, _, _ =	vpop (xrf2);
	(erf) = vpow2.f32 v21  }
0x3df: {  	v17 =	vadd.f32 v17, v60;
	v48 =	vld [tilespmem:s7+$0x60];
	(xrf2) =	vadd.scan.msk.f32 $0xffff, v19;
	v26 =	vmul.f32 v26, v9;
	v59 =	vmul.f32 $1.442695020e+00, v57;
	v15 =	vpop (erf)  }
0x3e0: {  	v63 =	vld [tilespmem:s7+$0xFFFFFF70];
	[tilespmem:s6+$0x0] =	vst v23;
	(xrf2) =	vadd.scan.msk.f32 $0xffff, v16;
	v61 =	vbroadcast v56, $0xF;
	v35 =	vmul.f32 v53, v15;
	v36, _, _ =	vpop (xrf2)  }
0x3e1: {  	v62 =	vld [tilespmem:s8+$0x10];
	[tilespmem:s6+$0x90] =	vst v26;
	(xrf2) =	vadd.scan.msk.f32 $0xffff, v17;
	v38 =	vmul.f32 $1.442695020e+00, v36;
	v17 =	vmul.f32 v58, v14  }
0x3e2: {  	v29 =	vmul.f32 $1.442695020e+00, v46;
	v16 =	vld [tilespmem:s7+$0xFFFFFF60];
	v23 =	vbroadcast v59, $0xF;
	[tilespmem:s6+$0xFFFFFF00] =	vst v35  }
0x3e3: {  	v37 =	vld [tilespmem:s8+$0xA0];
	(erf) = vpow2.f32 v61;
	[tilespmem:s6+$0xFFFFFF90] =	vst v17;
	v17 =	vbroadcast v38, $0xF  }
0x3e4: {  	v39 =	vbroadcast v29, $0xF;
	(erf) = vpow2.f32 v23;
	v28 =	vld [tilespmem:s8+$0xFFFFFF10];
	_ =	sdelay $0x1  }
0x3e5: {  	(erf) = vpow2.f32 v39  }
0x3e6: {  	v25 =	vmul.f32 v62, v13;
	(erf) = vpow2.f32 v17;
	v17 =	vpop (erf)  }
0x3e7: {  	v40 =	vld [tilespmem:s8+$0xFFFFFFA0];
	v23 =	vmul.f32 v37, v17  }
0x3e8: {  	[tilespmem:s6+$0x10] =	vst v25;
	v28 =	vmul.f32 v28, v15  }
0x3e9: {  	v11 =	vmul.f32 v12, v11;
	v18 =	vmul.f32 v47, v48;
	v25 =	vld [tilespmem:s8+$0x20];
	v41, _, _ =	vpop (xrf2);
	[tilespmem:s6+$0xA0] =	vst v23  }
0x3ea: {  	v43, _, _ =	vpop (xrf2);
	[tilespmem:s6+$0xFFFFFF10] =	vst v28;
	v23 =	vld [tilespmem:s8+$0xB0]  }
0x3eb: {  	v11 =	vadd.f32 v11, v18;
	v45 =	vmul.f32 $1.442695020e+00, v43;
	v12 =	vpop (erf);
	v44 =	vld [tilespmem:s8+$0xFFFFFF20]  }
0x3ec: {  	v8 =	vmul.f32 v8, v51;
	v21 =	vmul.f32 v40, v12;
	v42 =	vpop (erf)  }
0x3ed: {  	v20 =	vmul.f32 v49, v52;
	(xrf2) =	vadd.scan.msk.f32 $0xffff, v11;
	v11 =	vbroadcast v45, $0xF;
	v46, _, _ =	vpop (xrf2)  }
0x3ee: {  	v25 =	vmul.f32 v25, v42;
	v49 =	vpop (erf);
	[tilespmem:s6+$0xFFFFFFA0] =	vst v21  }
0x3ef: {  	v8 =	vadd.f32 v8, v20;
	(erf) = vpow2.f32 v11;
	v47 =	vld [tilespmem:s8+$0xFFFFFFB0];
	v52 =	vpop (erf);
	v51 =	vmul.f32 v23, v17  }
0x3f0: {  	v21 =	vmul.f32 $1.442695020e+00, v46;
	[tilespmem:s6+$0x20] =	vst v25;
	v11 =	vmul.f32 v44, v52  }
0x3f1: {  	(xrf2) =	vadd.scan.msk.f32 $0xffff, v8;
	v8 =	vmul.f32 $1.442695020e+00, v41;
	v48 =	vld [tilespmem:s8+$0x30];
	[tilespmem:s6+$0xB0] =	vst v51  }
0x3f2: {  	v22 =	vmul.f32 v55, v63;
	v50 =	vbroadcast v21, $0xF;
	[tilespmem:s6+$0xFFFFFF20] =	vst v11;
	v53 =	vld [tilespmem:s8+$0xC0]  }
0x3f3: {  	v16 =	vmul.f32 v34, v16;
	v8 =	vbroadcast v8, $0xF;
	v54 =	vld [tilespmem:s8+$0xFFFFFF30]  }
0x3f4: {  	(erf) = vpow2.f32 v50;
	v11 =	vmul.f32 v47, v12;
	_ =	sdelay $0x1  }
0x3f5: {  	(erf) = vpow2.f32 v8;
	v18 =	vmul.f32 v48, v42;
	[tilespmem:s6+$0xFFFFFFB0] =	vst v11;
	v11 =	vadd.f32 v22, v16  }
0x3f6: {  	v16 =	vld [tilespmem:s8+$0xFFFFFFC0];
	v8 =	vmul.f32 v53, v49  }
0x3f7: {  	[tilespmem:s6+$0x30] =	vst v18;
	v19 =	vmul.f32 v54, v52  }
0x3f8: {  	v18 =	vld [tilespmem:s8+$0x40];
	(xrf2) =	vadd.scan.msk.f32 $0xffff, v11  }
0x3f9: {  	v10 =	vmul.f32 $1.442695020e+00, v10;
	v11, _, _ =	vpop (xrf2);
	[tilespmem:s6+$0xFFFFFF30] =	vst v19  }
0x3fa: {  	[tilespmem:s6+$0xC0] =	vst v8;
	v58 =	vld [tilespmem:s8+$0xFFFFFF40];
	v8 =	vpop (erf)  }
0x3fb: {  	v10 =	vbroadcast v10, $0xF;
	v57, _, _ =	vpop (xrf2);
	v55 =	vld [tilespmem:s8+$0xD0];
	v16 =	vmul.f32 v16, v8  }
0x3fc: {  	v21 =	vmul.f32 $1.442695020e+00, v57;
	v56 =	vpop (erf)  }
0x3fd: {  	(erf) = vpow2.f32 v10;
	v18 =	vmul.f32 v18, v56;
	[tilespmem:s6+$0xFFFFFFC0] =	vst v16  }
0x3fe: {  	v11 =	vmul.f32 $1.442695020e+00, v11;
	v10 =	vbroadcast v21, $0xF;
	v59 =	vpop (erf);
	v16 =	vld [tilespmem:s8+$0xFFFFFFD0]  }
0x3ff: {  	v22 =	vmul.f32 v58, v59;
	[tilespmem:s6+$0x40] =	vst v18  }
0x400: {  	v11 =	vbroadcast v11, $0xF;
	v19 =	vmul.f32 v55, v49;
	v18 =	vld [tilespmem:s8+$0x50]  }
0x401: {  	(erf) = vpow2.f32 v10;
	[tilespmem:s6+$0xFFFFFF40] =	vst v22  }
0x402: {  	(erf) = vpow2.f32 v11;
	v10, _, _ =	vpop (xrf2);
	[tilespmem:s6+$0xD0] =	vst v19;
	v60 =	vld [tilespmem:s8+$0xFFFFFF50]  }
0x403: {  	v10 =	vmul.f32 $1.442695020e+00, v10;
	v11 =	vmul.f32 v16, v8;
	v16 =	vld [tilespmem:s8+$0xE0];
	_ =	sdelay $0x1  }
0x404: {  	v10 =	vbroadcast v10, $0xF;
	v18 =	vmul.f32 v18, v56  }
0x405: {  	[tilespmem:s6+$0xFFFFFFD0] =	vst v11  }
0x406: {  	v61 =	vpop (erf);
	(erf) = vpow2.f32 v10;
	v11 =	vld [tilespmem:s8+$0xFFFFFFE0];
	[tilespmem:s6+$0x50] =	vst v18  }
0x407: {  	v18 =	vld [tilespmem:s8+$0x60];
	v10 =	vmul.f32 v16, v61;
	v16 =	vmul.f32 v60, v59;
	_ =	sdelay $0x2  }
0x408: {  	v62 =	vpop (erf);
	[tilespmem:s6+$0xE0] =	vst v10  }
0x409: {  	[tilespmem:s6+$0xFFFFFF50] =	vst v16;
	v10 =	vmul.f32 v11, v62;
	v11 =	vld [tilespmem:s8+$0xF0];
	v16 =	vpop (erf)  }
0x40a: {  	v63 =	vld [tilespmem:s8+$0xFFFFFF60];
	v18 =	vmul.f32 v18, v16  }
0x40b: {  	v9 =	vnsel vm0, $0x0, v9;
	[tilespmem:s6+$0xFFFFFFE0] =	vst v10  }
0x40c: {  	v10 =	vnsel vm0, $0x0, v14;
	v14 =	vld [tilespmem:s8+$0xFFFFFFF0];
	[tilespmem:s6+$0x60] =	vst v18  }
0x40d: {  	v13 =	vnsel vm0, $0x0, v13;
	v15 =	vnsel vm0, $0x0, v15;
	v10 =	vsel vm1, v10, v12;
	v18 =	vld [tilespmem:s8+$0x70]  }
0x40e: {  	s7 =	simm.s32 $0x0;
	v12 =	vsel vm1, v13, v42;
	v13 =	vsel vm1, v9, v17;
	v9 =	vpop (erf);
	v11 =	vmul.f32 v11, v61  }
0x40f: {  	s10 =	simm.s32 $0x30;
	s29 =	simm.s32 $0x4680;
	s23 =	sand.u32 $0x780, s7;
	v15 =	vsel vm1, v15, v52;
	v17 =	vmul.f32 v63, v9  }
0x410: {  	s18 =	simm.s32 $0x0;
	s25 =	sand.u32 $0x70, s10;
	s4 =	sadd.s32 $0x14380, s23;
	v13 =	vsel vm2, v13, v49;
	v10 =	vsel vm2, v10, v8;
	v12 =	vsel vm2, v12, v56;
	[tilespmem:s6+$0xF0] =	vst v11  }
0x411: {  	s2 =	simm.s32 $0x20;
	s9 =	simm.s32 $0x10;
	s3 =	sor.u32 s25, s4;
	v8 =	vsel vm2, v15, v59;
	v10 =	vsel vm3, v10, v62;
	[tilespmem:s6+$0xFFFFFF60] =	vst v17;
	v11 =	vsel vm3, v13, v61  }
0x412: {  	s23 =	simm.s32 $0x8680;
	s25 =	simm.s32 $0xC680;
	v12 =	vsel vm3, v12, v16;
	v13 =	vmul.f32 v14, v62;
	v14 =	vld [tilespmem:s8+$0xFFFFFF70];
	[tilespmem:s3+$0x0] =	vst v11;
	s3 =	simm.s32 $0x680;
	v15 =	vmul.f32 v18, v16  }
.LBB2_25:
0x413: {  	v11 =	vld [tilespmem:s29+$0xFFFFFFD0];
	s18 =	sadd.s32 $0x4, s18;
	s2 =	sand.u32 $0x60, s2;
	s10 =	sadd.s32 $0x40, s10  }
0x414: {  	s8 =	sadd.s32 $0xFFFFFFE0, s10;
	v16 =	vld [tilespmem:s3+$0xE0];
	p2 =	slt.u32 s18, $0x7C;
	[tilespmem:s6+$0x70] =	vst v15;
	s2 =	sor.u32 s2, s4  }
0x415: {  	v15 =	vld [tilespmem:s29+$0xE0];
	[tilespmem:s2+$0x0] =	vst v12;
	s2 =	smov.u32 s23  }
0x416: {  	v12 =	vld [tilespmem:s3+$0xF0]  }
0x417: {  	v17 =	vld [tilespmem:s29+$0xF0];
	v14 =	vmul.f32 v14, v9  }
0x418: {  	s7 =	sand.u32 $0x40, s7;
	v18 =	vld [tilespmem:s3+$0x70];
	[tilespmem:s6+$0xFFFFFFF0] =	vst v13  }
0x419: {  	v8 =	vsel vm3, v8, v9;
	v13 =	vld [tilespmem:s29+$0x70];
	[tilespmem:s6+$0xFFFFFF70] =	vst v14;
	s6 =	sor.u32 s7, s4;
	s7 =	sand.u32 $0x50, s9;
	s9 =	smov.u32 s8  }
0x41a: {  	v9 =	vld [tilespmem:s29+$0xFFFFFFF0];
	v14 =	vmul.f32 v15, v16;
	[tilespmem:s6+$0x0] =	vst v8;
	s4 =	sor.u32 s7, s4;
	s6 =	smov.u32 s25  }
0x41b: {  	v8 =	vld [tilespmem:s29+$0xFFFFFFC0];
	[tilespmem:s4+$0x0] =	vst v10  }
0x41c: {  	v15 =	vld [tilespmem:s3+$0xFFFFFFC0];
	v12 =	vmul.f32 v17, v12  }
0x41d: {  	v16 =	vld [tilespmem:s29+$0xFFFFFFB0]  }
0x41e: {  	v17 =	vld [tilespmem:s3+$0xFFFFFFB0];
	v10 =	vmul.f32 v13, v18;
	v12 =	vadd.f32 v12, v14  }
0x41f: {  	v13 =	vld [tilespmem:s29+$0x50]  }
0x420: {  	v14 =	vld [tilespmem:s3+$0x50];
	(xrf2) =	vadd.scan.msk.f32 $0xffff, v12  }
0x421: {  	v12 =	vmul.f32 v8, v15;
	v8 =	vld [tilespmem:s29+$0xD0]  }
0x422: {  	v15 =	vld [tilespmem:s3+$0xD0]  }
0x423: {  	v16 =	vmul.f32 v16, v17;
	v17 =	vld [tilespmem:s29+$0xC0]  }
0x424: {  	v18 =	vld [tilespmem:s3+$0xFFFFFF00]  }
0x425: {  	v13 =	vmul.f32 v13, v14;
	v14 =	vld [tilespmem:s29+$0x90]  }
0x426: {  	v19 =	vld [tilespmem:s3+$0x90]  }
0x427: {  	v20 =	vld [tilespmem:s29+$0x80];
	v15 =	vmul.f32 v8, v15  }
0x428: {  	v8 =	vld [tilespmem:s3+$0x80]  }
0x429: {  	v21 =	vld [tilespmem:s29+$0x10]  }
0x42a: {  	v22 =	vld [tilespmem:s3+$0x10];
	v23, _, _ =	vpop (xrf2)  }
0x42b: {  	v24 =	vld [tilespmem:s29+$0x0];
	v14 =	vmul.f32 v14, v19;
	v19 =	vmul.f32 $1.442695020e+00, v23  }
0x42c: {  	v23 =	vld [tilespmem:s3+$0x0]  }
0x42d: {  	v25 =	vld [tilespmem:s29+$0xFFFFFF90];
	v20 =	vmul.f32 v20, v8;
	v8 =	vbroadcast v19, $0xF  }
0x42e: {  	v19 =	vld [tilespmem:s3+$0xFFFFFF90]  }
0x42f: {  	v26 =	vld [tilespmem:s29+$0xFFFFFF80];
	v21 =	vmul.f32 v21, v22;
	v14 =	vadd.f32 v14, v20  }
0x430: {  	v20 =	vld [tilespmem:s3+$0xFFFFFF80]  }
0x431: {  	v22 =	vld [tilespmem:s29+$0xFFFFFF10];
	v23 =	vmul.f32 v24, v23;
	(xrf2) =	vadd.scan.msk.f32 $0xffff, v14  }
0x432: {  	v14 =	vld [tilespmem:s3+$0xFFFFFF10]  }
0x433: {  	v24 =	vld [tilespmem:s29+$0xFFFFFF00];
	v19 =	vmul.f32 v25, v19;
	v21 =	vadd.f32 v21, v23  }
0x434: {  	v23 =	vld [tilespmem:s3+$0xC0]  }
0x435: {  	v20 =	vmul.f32 v26, v20;
	v25 =	vld [tilespmem:s29+$0x30];
	(xrf2) =	vadd.scan.msk.f32 $0xffff, v21  }
0x436: {  	v21 =	vld [tilespmem:s29+$0xB0]  }
0x437: {  	v14 =	vmul.f32 v22, v14;
	v19 =	vadd.f32 v19, v20;
	v20 =	vld [tilespmem:s3+$0xB0]  }
0x438: {  	v18 =	vmul.f32 v24, v18;
	v22 =	vld [tilespmem:s29+$0xA0]  }
0x439: {  	v24 =	vld [tilespmem:s3+$0xA0];
	v23 =	vmul.f32 v17, v23;
	(xrf2) =	vadd.scan.msk.f32 $0xffff, v19  }
0x43a: {  	v14 =	vadd.f32 v14, v18;
	v18 =	vld [tilespmem:s3+$0x30]  }
0x43b: {  	v19 =	vld [tilespmem:s29+$0x20];
	v15 =	vadd.f32 v15, v23;
	v17, _, _ =	vpop (xrf2)  }
0x43c: {  	v23 =	vld [tilespmem:s3+$0x20];
	v20 =	vmul.f32 v21, v20;
	v17 =	vmul.f32 $1.442695020e+00, v17  }
0x43d: {  	v21 =	vld [tilespmem:s29+$0x40];
	(xrf2) =	vadd.scan.msk.f32 $0xffff, v14  }
0x43e: {  	v14 =	vld [tilespmem:s3+$0x40];
	v22 =	vmul.f32 v22, v24;
	v17 =	vbroadcast v17, $0xF  }
0x43f: {  	v24 =	vld [tilespmem:s29+$0xFFFFFFA0];
	v18 =	vmul.f32 v25, v18;
	v25, _, _ =	vpop (xrf2)  }
0x440: {  	v26 =	vld [tilespmem:s3+$0xFFFFFFA0];
	v25 =	vmul.f32 $1.442695020e+00, v25;
	v20 =	vadd.f32 v20, v22;
	(erf) = vpow2.f32 v17  }
0x441: {  	v17 =	vld [tilespmem:s3+$0xFFFFFFD0];
	v27 =	vmul.f32 v19, v23  }
0x442: {  	v22 =	vld [tilespmem:s29+$0xFFFFFF30];
	v23 =	vbroadcast v25, $0xF;
	(xrf2) =	vadd.scan.msk.f32 $0xffff, v15  }
0x443: {  	v15 =	vld [tilespmem:s3+$0xFFFFFF30];
	v18 =	vadd.f32 v18, v27;
	v14 =	vmul.f32 v21, v14;
	v19, _, _ =	vpop (xrf2)  }
0x444: {  	v21 =	vld [tilespmem:s29+$0xFFFFFF20];
	v19 =	vmul.f32 $1.442695020e+00, v19;
	(erf) = vpow2.f32 v23  }
0x445: {  	v23 =	vmul.f32 v24, v26;
	v13 =	vadd.f32 v13, v14;
	v14 =	vld [tilespmem:s23+$0x80]  }
0x446: {  	v24 =	vld [tilespmem:s3+$0xFFFFFF20];
	v25 =	vmul.f32 v11, v17;
	v17 =	vbroadcast v19, $0xF;
	(xrf2) =	vadd.scan.msk.f32 $0xffff, v20  }
0x447: {  	v19 =	vld [tilespmem:s29+$0xFFFFFF40];
	v16 =	vadd.f32 v16, v23;
	v20, _, _ =	vpop (xrf2)  }
0x448: {  	v23 =	vld [tilespmem:s29+$0xFFFFFF50];
	v20 =	vmul.f32 $1.442695020e+00, v20;
	v12 =	vadd.f32 v25, v12;
	(erf) = vpow2.f32 v17  }
0x449: {  	v17 =	vld [tilespmem:s23+$0x0];
	(xrf2) =	vadd.scan.msk.f32 $0xffff, v16;
	v11 =	vpop (erf)  }
0x44a: {  	v16 =	vld [tilespmem:s3+$0xFFFFFF50];
	v26 =	vbroadcast v20, $0xF;
	v25 =	vmul.f32 v14, v11  }
0x44b: {  	v15 =	vmul.f32 v22, v15;
	v21 =	vmul.f32 v21, v24;
	v22 =	vld [tilespmem:s3+$0xFFFFFF40]  }
0x44c: {  	v24 =	vld [tilespmem:s23+$0xFFFFFF80];
	[tilespmem:s25+$0x80] =	vst v25;
	v14, _, _ =	vpop (xrf2)  }
0x44d: {  	v15 =	vadd.f32 v15, v21;
	v21 =	vld [tilespmem:s23+$0x90];
	(erf) = vpow2.f32 v26;
	v20 =	vpop (erf)  }
0x44e: {  	v25 =	vld [tilespmem:s29+$0x60];
	v26 =	vmul.f32 v17, v20;
	(xrf2) =	vadd.scan.msk.f32 $0xffff, v18  }
0x44f: {  	v16 =	vmul.f32 v23, v16;
	v18 =	vld [tilespmem:s3+$0x60]  }
0x450: {  	v19 =	vmul.f32 v19, v22;
	v22 =	vld [tilespmem:s29+$0xFFFFFFE0];
	[tilespmem:s25+$0x0] =	vst v26;
	v17, _, _ =	vpop (xrf2)  }
0x451: {  	v23 =	vld [tilespmem:s3+$0xFFFFFFF0];
	(xrf2) =	vadd.scan.msk.f32 $0xffff, v15;
	v15 =	vpop (erf)  }
0x452: {  	v16 =	vadd.f32 v16, v19;
	v19 =	vld [tilespmem:s3+$0xFFFFFFE0];
	v24 =	vmul.f32 v24, v15;
	v21 =	vmul.f32 v21, v11  }
0x453: {  	v14 =	vmul.f32 $1.442695020e+00, v14;
	v26 =	vld [tilespmem:s23+$0xFFFFFF00];
	v27, _, _ =	vpop (xrf2)  }
0x454: {  	v17 =	vmul.f32 $1.442695020e+00, v17;
	v28 =	vld [tilespmem:s29+$0xFFFFFF70];
	[tilespmem:s25+$0xFFFFFF80] =	vst v24;
	v18 =	vmul.f32 v25, v18;
	(xrf2) =	vadd.scan.msk.f32 $0xffff, v16  }
0x455: {  	v14 =	vbroadcast v14, $0xF;
	v16 =	vld [tilespmem:s3+$0xFFFFFF70];
	[tilespmem:s25+$0x90] =	vst v21  }
0x456: {  	v9 =	vmul.f32 v9, v23;
	v10 =	vadd.f32 v10, v18;
	v18 =	vld [tilespmem:s23+$0xA0];
	v21 =	vpop (erf)  }
0x457: {  	v17 =	vbroadcast v17, $0xF;
	v23 =	vld [tilespmem:s29+$0xFFFFFF60];
	v19 =	vmul.f32 v22, v19;
	(xrf2) =	vadd.scan.msk.f32 $0xffff, v12  }
0x458: {  	v22 =	vmul.f32 $1.442695020e+00, v27;
	v12 =	vmul.f32 v26, v21;
	v24 =	vld [tilespmem:s23+$0xFFFFFF90];
	v25, _, _ =	vpop (xrf2)  }
0x459: {  	v26 =	vld [tilespmem:s3+$0xFFFFFF60];
	v27 =	vmul.f32 $1.442695020e+00, v25;
	(erf) = vpow2.f32 v17  }
0x45a: {  	v16 =	vmul.f32 v28, v16;
	[tilespmem:s25+$0xFFFFFF00] =	vst v12;
	v12 =	vbroadcast v22, $0xF;
	v17 =	vld [tilespmem:s23+$0x10];
	(xrf2) =	vadd.scan.msk.f32 $0xffff, v13  }
0x45b: {  	v13 =	vld [tilespmem:s23+$0xFFFFFF10];
	v22 =	vbroadcast v27, $0xF;
	v25, _, _ =	vpop (xrf2)  }
0x45c: {  	(erf) = vpow2.f32 v12  }
0x45d: {  	v12 =	vmul.f32 v24, v15;
	(xrf2) =	vadd.scan.msk.f32 $0xffff, v10;
	(erf) = vpow2.f32 v22  }
0x45e: {  	v22 =	vmul.f32 $1.442695020e+00, v25;
	v10 =	vmul.f32 v23, v26;
	v23 =	vnsel vm0, $0x0, v20;
	v24, _, _ =	vpop (xrf2)  }
0x45f: {  	v24 =	vmul.f32 $1.442695020e+00, v24;
	[tilespmem:s25+$0xFFFFFF90] =	vst v12;
	v20 =	vmul.f32 v17, v20  }
0x460: {  	v10 =	vadd.f32 v16, v10;
	v16 =	vbroadcast v22, $0xF;
	v13 =	vmul.f32 v13, v21  }
0x461: {  	v22 =	vadd.f32 v9, v19;
	v17 =	vbroadcast v24, $0xF;
	v19 =	vld [tilespmem:s23+$0xFFFFFFA0];
	[tilespmem:s25+$0x10] =	vst v20;
	v12, _, _ =	vpop (xrf2);
	(erf) = vpow2.f32 v14  }
0x462: {  	[tilespmem:s25+$0xFFFFFF10] =	vst v13;
	v12 =	vmul.f32 $1.442695020e+00, v12;
	v13 =	vld [tilespmem:s23+$0x20];
	(erf) = vpow2.f32 v16;
	v14 =	vpop (erf)  }
0x463: {  	v16 =	vld [tilespmem:s23+$0xFFFFFF20];
	v20 =	vmul.f32 v18, v14  }
0x464: {  	v12 =	vbroadcast v12, $0xF;
	(xrf2) =	vadd.scan.msk.f32 $0xffff, v22;
	v9, _, _ =	vpop (xrf2)  }
0x465: {  	v15 =	vnsel vm0, $0x0, v15;
	v9 =	vmul.f32 $1.442695020e+00, v9;
	[tilespmem:s25+$0xA0] =	vst v20;
	v18 =	vpop (erf)  }
0x466: {  	v19 =	vmul.f32 v19, v18;
	v15 =	vsel vm1, v15, v18;
	v20 =	vld [tilespmem:s23+$0xB0];
	v22 =	vpop (erf)  }
0x467: {  	v13 =	vmul.f32 v13, v22;
	v23 =	vsel vm1, v23, v22;
	(xrf2) =	vadd.scan.msk.f32 $0xffff, v10;
	v10, _, _ =	vpop (xrf2)  }
0x468: {  	[tilespmem:s25+$0xFFFFFFA0] =	vst v19;
	v10 =	vmul.f32 $1.442695020e+00, v10  }
0x469: {  	v11 =	vnsel vm0, $0x0, v11;
	v19 =	vld [tilespmem:s23+$0xFFFFFFB0];
	[tilespmem:s25+$0x20] =	vst v13  }
0x46a: {  	v11 =	vsel vm1, v11, v14;
	v9 =	vbroadcast v9, $0xF;
	v10 =	vbroadcast v10, $0xF;
	v13 =	vld [tilespmem:s23+$0x30];
	v24 =	vpop (erf)  }
0x46b: {  	v21 =	vnsel vm0, $0x0, v21;
	v25 =	vmul.f32 v20, v14;
	v11 =	vsel vm2, v11, v24;
	v20 =	vpop (erf)  }
0x46c: {  	v16 =	vmul.f32 v16, v20;
	v21 =	vsel vm1, v21, v20;
	(erf) = vpow2.f32 v12  }
0x46d: {  	[tilespmem:s25+$0xB0] =	vst v25;
	(erf) = vpow2.f32 v9  }
0x46e: {  	[tilespmem:s25+$0xFFFFFF20] =	vst v16;
	v9 =	vmul.f32 v19, v18;
	v12 =	vld [tilespmem:s23+$0xC0];
	v14, _, _ =	vpop (xrf2)  }
0x46f: {  	v16 =	vld [tilespmem:s23+$0xFFFFFF30];
	v14 =	vmul.f32 $1.442695020e+00, v14;
	v18 =	vmul.f32 v13, v22  }
0x470: {  	[tilespmem:s25+$0xFFFFFFB0] =	vst v9  }
0x471: {  	v9 =	vbroadcast v14, $0xF;
	v14 =	vld [tilespmem:s23+$0xFFFFFFC0];
	[tilespmem:s25+$0x30] =	vst v18;
	v13, _, _ =	vpop (xrf2)  }
0x472: {  	v13 =	vmul.f32 $1.442695020e+00, v13;
	v18 =	vld [tilespmem:s23+$0x40];
	(erf) = vpow2.f32 v17  }
0x473: {  	v19 =	vmul.f32 v12, v24  }
0x474: {  	v13 =	vbroadcast v13, $0xF;
	v16 =	vmul.f32 v16, v20  }
0x475: {  	[tilespmem:s25+$0xC0] =	vst v19;
	v12 =	vpop (erf)  }
0x476: {  	[tilespmem:s25+$0xFFFFFF30] =	vst v16;
	v14 =	vmul.f32 v14, v12;
	v15 =	vsel vm2, v15, v12;
	v16 =	vld [tilespmem:s23+$0xD0];
	v17 =	vpop (erf)  }
0x477: {  	v19 =	vld [tilespmem:s23+$0xFFFFFF40];
	v18 =	vmul.f32 v18, v17;
	v20 =	vsel vm2, v23, v17  }
0x478: {  	[tilespmem:s25+$0xFFFFFFC0] =	vst v14  }
0x479: {  	v14 =	vld [tilespmem:s23+$0xFFFFFFD0];
	[tilespmem:s25+$0x40] =	vst v18;
	(erf) = vpow2.f32 v8  }
0x47a: {  	v18 =	vld [tilespmem:s23+$0x50]  }
0x47b: {  	v16 =	vmul.f32 v16, v24;
	v22 =	vpop (erf)  }
0x47c: {  	v19 =	vmul.f32 v19, v22;
	v8 =	vsel vm2, v21, v22;
	(erf) = vpow2.f32 v9  }
0x47d: {  	[tilespmem:s25+$0xD0] =	vst v16;
	(erf) = vpow2.f32 v10  }
0x47e: {  	[tilespmem:s25+$0xFFFFFF40] =	vst v19;
	v9 =	vmul.f32 v14, v12;
	v10 =	vld [tilespmem:s23+$0xE0]  }
0x47f: {  	v12 =	vld [tilespmem:s23+$0xFFFFFF50];
	v14 =	vmul.f32 v18, v17  }
0x480: {  	[tilespmem:s25+$0xFFFFFFD0] =	vst v9  }
0x481: {  	v9 =	vld [tilespmem:s23+$0xFFFFFFE0];
	[tilespmem:s25+$0x50] =	vst v14  }
0x482: {  	v14 =	vld [tilespmem:s23+$0x60];
	(erf) = vpow2.f32 v13;
	v16 =	vpop (erf)  }
0x483: {  	v10 =	vmul.f32 v10, v16  }
0x484: {  	v12 =	vmul.f32 v12, v22  }
0x485: {  	[tilespmem:s25+$0xE0] =	vst v10;
	v13 =	vpop (erf)  }
0x486: {  	[tilespmem:s25+$0xFFFFFF50] =	vst v12;
	v9 =	vmul.f32 v9, v13;
	v10 =	vsel vm3, v15, v13;
	v15 =	vld [tilespmem:s23+$0xF0];
	v17 =	vpop (erf)  }
0x487: {  	v18 =	vld [tilespmem:s23+$0xFFFFFF60];
	v14 =	vmul.f32 v14, v17;
	v12 =	vsel vm3, v20, v17  }
0x488: {  	[tilespmem:s25+$0xFFFFFFE0] =	vst v9  }
0x489: {  	v19 =	vld [tilespmem:s23+$0xFFFFFFF0];
	[tilespmem:s25+$0x60] =	vst v14  }
0x48a: {  	v20 =	vld [tilespmem:s23+$0x70]  }
.Ltmp11:
0x48b: {  	s7 =	sadd.s32 $0xFFFFFFD0, s10;
	v14 =	vmul.f32 v15, v16;
	v9 =	vpop (erf);
	(pc) =	sbr.rel @p2 .LBB2_25-.Ltmp11, $4  }
0x48c: {  	s4 =	sand.u32 $0x780, s7;
	v15 =	vmul.f32 v18, v9  }
0x48d: {  	s8 =	sand.u32 $0x70, s10;
	s4 =	sadd.s32 $0x14380, s4;
	[tilespmem:s25+$0xF0] =	vst v14  }
0x48e: {  	s8 =	sor.u32 s8, s4;
	v11 =	vsel vm3, v11, v16;
	s23 =	sadd.s32 $0x200, s23;
	s25 =	sadd.s32 $0x200, s25;
	[tilespmem:s6+$0xFFFFFF60] =	vst v15;
	v13 =	vmul.f32 v19, v13  }
0x48f: {  	s29 =	sadd.s32 $0x200, s29;
	s3 =	sadd.s32 $0x200, s3;
	v14 =	vld [tilespmem:s2+$0xFFFFFF70];
	v15 =	vmul.f32 v20, v17;
	s2 =	sadd.s32 $0xFFFFFFF0, s10;
	[tilespmem:s8+$0x0] =	vst v11  }
0x490: {  	_ =	sdelay $0x1  }
0x491: {  	s2 =	sand.u32 $0x60, s2;
	[tilespmem:s6+$0xFFFFFFF0] =	vst v13  }
0x492: {  	s23 =	sand.u32 $0x50, s9;
	[tilespmem:s6+$0x70] =	vst v15;
	s2 =	sor.u32 s2, s4  }
0x493: {  	s25 =	sor.u32 s23, s4;
	[tilespmem:s2+$0x0] =	vst v12;
	v11 =	vmul.f32 v14, v9  }
0x494: {  	s18 =	sand.u32 $0x40, s7;
	[tilespmem:s25+$0x0] =	vst v10  }
0x495: {  	s3 =	sshll.u32 s5, $0xB;
	v8 =	vsel vm3, v8, v9;
	s2 =	sor.u32 s18, s4;
	[tilespmem:s6+$0xFFFFFF70] =	vst v11  }
0x496: {  	s3 =	sadd.s32 s22, s3;
	[tilespmem:s2+$0x0] =	vst v8  }
0x497: {  	s3 =	sshrl.u32 s3, $0x3;
	s2 =	rddreg [dreg:$0x13]  }
0x498: {  	s3 =	sadd.s32 s2, s3;
	s2 =	simm.s32 $0x0  }
0x499: {  	[hbm4b:s3+s2] =	stream.linear.scatter [tilespmem:s30], [sflag:$0x2], $0x800, $0x38;
	[tilespmem:$0x1F580] =	vst v63  }
0x49a: {  	s3 =	simm.s32 $0x280;
	v8 =	vmov s2  }
0x49b: {  	v8 =	vshll.u32 v8, $0x7;
	v9 =	vld [tilespmem:s3+$0x0]  }
0x49c: {  	v8 =	vor.u32 v3, v8  }
0x49d: {  	v10 =	vor.u32 v2, v8  }
0x49e: {  	v11 =	vmov s2  }
0x49f: {  	v11 =	vshll.u32 v11, $0x7  }
0x4a0: {  	v11 =	vor.u32 v4, v11;
	v55 =	vand.u32 $0xFFFFFF80, v9  }
0x4a1: {  	v56 =	vand.u32 $0x7F, v9;
	v12 =	vadd.s32 v11, v55  }
0x4a2: {  	v10 =	vld.idx.msk [tilespmem:v10+s30+$0x0], $0xffff;
	v12 =	vor.u32 v56, v12  }
0x4a3: {  	v57 =	vor.u32 v5, v8;
	_ =	sdelay $0x1  }
0x4a4: {  	v58 =	vadd.s32 $0x1, v9  }
0x4a5: {  	v59 =	vand.u32 $0xFFFFFF80, v58  }
0x4a6: {  	v15 =	vadd.s32 v11, v59;
	[tilespmem:v12+s31+$0x0] =	vst.idx.msk $0xffff, v10;
	v10 =	vand.u32 $0x7F, v58  }
0x4a7: {  	v12 =	vld.idx.msk [tilespmem:v57+s30+$0x0], $0xffff;
	v10 =	vor.u32 v10, v15  }
0x4a8: {  	v60 =	vor.u32 v6, v8;
	_ =	sdelay $0x1  }
0x4a9: {  	v61 =	vadd.s32 $0x2, v9  }
0x4aa: {  	v62 =	vand.u32 $0xFFFFFF80, v61  }
0x4ab: {  	v15 =	vadd.s32 v11, v62;
	[tilespmem:v10+s31+$0x0] =	vst.idx.msk $0xffff, v12;
	v10 =	vand.u32 $0x7F, v61  }
0x4ac: {  	v12 =	vld.idx.msk [tilespmem:v60+s30+$0x0], $0xffff;
	v10 =	vor.u32 v10, v15  }
0x4ad: {  	v8 =	vor.u32 v7, v8;
	_ =	sdelay $0x1  }
0x4ae: {  	v9 =	vadd.s32 $0x3, v9  }
0x4af: {  	v63 =	vand.u32 $0xFFFFFF80, v9  }
0x4b0: {  	v9 =	vand.u32 $0x7F, v9;
	v11 =	vadd.s32 v11, v63;
	[tilespmem:v10+s31+$0x0] =	vst.idx.msk $0xffff, v12  }
0x4b1: {  	v9 =	vor.u32 v9, v11;
	v8 =	vld.idx.msk [tilespmem:v8+s30+$0x0], $0xffff  }
0x4b2: {  	s29 =	simm.s32 $0x2  }
0x4b3: {  	s6 =	simm.s32 $0x4;
	v10 =	vmov s29  }
.LBB2_27:
0x4b4: {  	s3 =	sadd.s32 $0x10, s3  }
0x4b5: {  	v10 =	vshll.u32 v10, $0x7;
	s2 =	sadd.s32 $0x10, s2;
	s4 =	smov.u32 s6;
	s5 =	sadd.s32 $0x2, s6  }
0x4b6: {  	p2 =	sne.s32 s6, $0xE;
	v10 =	vor.u32 v3, v10;
	[tilespmem:v9+s31+$0x0] =	vst.idx.msk $0xffff, v8  }
0x4b7: {  	v8 =	vld [tilespmem:s3+$0x0];
	v9 =	vor.u32 v2, v10;
	_ =	sdelay $0x1  }
0x4b8: {  	v11 =	vmov s2  }
0x4b9: {  	v11 =	vshll.u32 v11, $0x7;
	_ =	sdelay $0x1  }
0x4ba: {  	v11 =	vor.u32 v4, v11;
	v9 =	vld.idx.msk [tilespmem:v9+s30+$0x0], $0xffff;
	v12 =	vand.u32 $0xFFFFFF80, v8;
	v13 =	vand.u32 $0x7F, v8  }
0x4bb: {  	v14 =	vadd.s32 $0x1, v8;
	v15 =	vadd.s32 $0x2, v8;
	v12 =	vadd.s32 v11, v12  }
0x4bc: {  	v16 =	vand.u32 $0xFFFFFF80, v14;
	v12 =	vor.u32 v13, v12;
	v13 =	vor.u32 v5, v10  }
0x4bd: {  	v8 =	vadd.s32 $0x3, v8;
	v17 =	vand.u32 $0xFFFFFF80, v15;
	v16 =	vadd.s32 v11, v16  }
0x4be: {  	v18 =	vand.u32 $0xFFFFFF80, v8;
	v17 =	vadd.s32 v11, v17  }
0x4bf: {  	v11 =	vadd.s32 v11, v18;
	_ =	sdelay $0x1  }
0x4c0: {  	[tilespmem:v12+s31+$0x0] =	vst.idx.msk $0xffff, v9;
	v9 =	vand.u32 $0x7F, v14  }
0x4c1: {  	v12 =	vld.idx.msk [tilespmem:v13+s30+$0x0], $0xffff;
	v9 =	vor.u32 v9, v16  }
0x4c2: {  	v13 =	vor.u32 v6, v10;
	_ =	sdelay $0x4  }
0x4c3: {  	[tilespmem:v9+s31+$0x0] =	vst.idx.msk $0xffff, v12;
	v9 =	vand.u32 $0x7F, v15  }
0x4c4: {  	v12 =	vld.idx.msk [tilespmem:v13+s30+$0x0], $0xffff;
	v9 =	vor.u32 v9, v17  }
0x4c5: {  	v10 =	vor.u32 v7, v10;
	_ =	sdelay $0x4  }
0x4c6: {  	[tilespmem:v9+s31+$0x0] =	vst.idx.msk $0xffff, v12;
	v9 =	vand.u32 $0x7F, v8  }
.Ltmp12:
0x4c7: {  	v8 =	vld.idx.msk [tilespmem:v10+s30+$0x0], $0xffff;
	v9 =	vor.u32 v9, v11;
	(pc) =	sbr.rel @p2 .LBB2_27-.Ltmp12, $2  }
0x4c8: {  	_ =	sdelay $0x2  }
0x4c9: {  	s6 =	smov.u32 s5;
	v10 =	vmov s4  }
0x4ca: {  	_ =	sdelay $0x3  }
0x4cb: {  	s3 =	sadd.s32 $0x10, s3;
	[tilespmem:v9+s31+$0x0] =	vst.idx.msk $0xffff, v8  }
0x4cc: {  	v8 =	vshll.u32 v10, $0x7;
	v9 =	vld [tilespmem:s3+$0x0]  }
0x4cd: {  	v8 =	vor.u32 v3, v8  }
0x4ce: {  	s2 =	sadd.s32 $0x10, s2;
	v10 =	vor.u32 v2, v8  }
0x4cf: {  	v11 =	vmov s2  }
0x4d0: {  	v11 =	vshll.u32 v11, $0x7  }
0x4d1: {  	v11 =	vor.u32 v4, v11;
	v12 =	vand.u32 $0xFFFFFF80, v9  }
0x4d2: {  	v13 =	vand.u32 $0x7F, v9;
	v12 =	vadd.s32 v11, v12  }
0x4d3: {  	v10 =	vld.idx.msk [tilespmem:v10+s30+$0x0], $0xffff;
	v12 =	vor.u32 v13, v12  }
0x4d4: {  	v13 =	vor.u32 v5, v8;
	_ =	sdelay $0x1  }
0x4d5: {  	v14 =	vadd.s32 $0x1, v9  }
0x4d6: {  	v15 =	vand.u32 $0xFFFFFF80, v14  }
0x4d7: {  	v15 =	vadd.s32 v11, v15;
	[tilespmem:v12+s31+$0x0] =	vst.idx.msk $0xffff, v10;
	v10 =	vand.u32 $0x7F, v14  }
0x4d8: {  	v12 =	vld.idx.msk [tilespmem:v13+s30+$0x0], $0xffff;
	v10 =	vor.u32 v10, v15  }
0x4d9: {  	v13 =	vor.u32 v6, v8;
	_ =	sdelay $0x1  }
0x4da: {  	v14 =	vadd.s32 $0x2, v9  }
0x4db: {  	v15 =	vand.u32 $0xFFFFFF80, v14  }
0x4dc: {  	v15 =	vadd.s32 v11, v15;
	[tilespmem:v10+s31+$0x0] =	vst.idx.msk $0xffff, v12;
	v10 =	vand.u32 $0x7F, v14  }
0x4dd: {  	v12 =	vld.idx.msk [tilespmem:v13+s30+$0x0], $0xffff;
	v10 =	vor.u32 v10, v15  }
0x4de: {  	v8 =	vor.u32 v7, v8;
	_ =	sdelay $0x1  }
0x4df: {  	v9 =	vadd.s32 $0x3, v9  }
0x4e0: {  	v13 =	vand.u32 $0xFFFFFF80, v9  }
0x4e1: {  	v9 =	vand.u32 $0x7F, v9;
	v11 =	vadd.s32 v11, v13;
	[tilespmem:v10+s31+$0x0] =	vst.idx.msk $0xffff, v12  }
0x4e2: {  	v9 =	vor.u32 v9, v11;
	v8 =	vld.idx.msk [tilespmem:v8+s30+$0x0], $0xffff;
	_ =	sdelay $0x4  }
0x4e3: {  	[tilespmem:v9+s31+$0x0] =	vst.idx.msk $0xffff, v8  }
0x4e4: {  	[spmem:s12] =	stream.indirect.scatter.add.f32 [tilespmem:s11], [sflag:$0x2], $0x80, s28, s16, $0xb8;
	[tilespmem:$0x1F580] =	vst v63  }
0x4e5: {  	s25 =	simm.s32 $0x200  }
0x4e6: {  	[spmem:s13] =	stream.indirect.scatter.add.f32 [tilespmem:s31], [sflag:$0x2], $0x80, s25, s16, $0xb8;
	[tilespmem:$0x1F580] =	vst v63  }
0x4e7: {  	_ =	swait.ge [sflag:s21], $0x800  }
0x4e8: {  	[sflag:s21] =	ssyncset.done $0x0  }
0x4e9: {  	[sflag:s21] =	ssyncadd.s32 $0xFFFFF800  }
0x4ea: {  	_ =	swait.ge [sflag:s21], $0x4000  }
0x4eb: {  	[sflag:s21] =	ssyncset.done $0x0  }
0x4ec: {  	[sflag:s21] =	ssyncadd.s32 $0xFFFFC000  }
0x4ed: {  	_ =	swait.ge [sflag:s21], $0x4000  }
0x4ee: {  	[sflag:s21] =	ssyncset.done $0x0  }
0x4ef: {  	s2 =	simm.s32 $0x280;
	[sflag:s21] =	ssyncadd.s32 $0xFFFFC000  }
0x4f0: {  	v9 =	vld [tilespmem:s2+$0x0]  }
0x4f1: {  	s29 =	simm.s32 $0x0  }
0x4f2: {  	v8 =	vmov s29  }
0x4f3: {  	v8 =	vshll.u32 v8, $0x7  }
0x4f4: {  	v8 =	vor.u32 v4, v8  }
0x4f5: {  	s3 =	simm.s32 $0x10;
	v12 =	vand.u32 $0xFFFFFF80, v9;
	v11 =	vadd.s32 $0x1, v9;
	v10 =	vadd.s32 $0x2, v9  }
.LBB2_29:
0x4f6: {  	p2 =	sne.s32 s3, $0x70  }
0x4f7: {  	v12 =	vadd.s32 v8, v12;
	v13 =	vand.u32 $0xFFFFFF80, v11;
	v14 =	vadd.s32 $0x3, v9;
	s2 =	sadd.s32 $0x10, s2;
	s4 =	smov.u32 s3;
	s3 =	sadd.s32 $0x10, s3  }
0x4f8: {  	v9 =	vand.u32 $0x7F, v9;
	v11 =	vand.u32 $0x7F, v11;
	v13 =	vadd.s32 v8, v13  }
0x4f9: {  	v9 =	vor.u32 v9, v12;
	v12 =	vand.u32 $0xFFFFFF80, v10;
	v10 =	vand.u32 $0x7F, v10  }
0x4fa: {  	v11 =	vor.u32 v11, v13;
	v12 =	vadd.s32 v8, v12;
	v13 =	vand.u32 $0xFFFFFF80, v14  }
0x4fb: {  	v10 =	vor.u32 v10, v12;
	v12 =	vand.u32 $0x7F, v14;
	v8 =	vadd.s32 v8, v13  }
0x4fc: {  	v13 =	vmov s4;
	v12 =	vor.u32 v12, v8  }
0x4fd: {  	v8 =	vshll.u32 v13, $0x7  }
0x4fe: {  	v8 =	vor.u32 v4, v8;
	[tilespmem:v9+s31+$0x0] =	vst.idx.msk $0xffff, v1  }
0x4ff: {  	[tilespmem:v11+s31+$0x0] =	vst.idx.msk $0xffff, v1  }
0x500: {  	[tilespmem:v10+s31+$0x0] =	vst.idx.msk $0xffff, v1  }
0x501: {  	[tilespmem:v12+s31+$0x0] =	vst.idx.msk $0xffff, v1  }
0x502: {  	v9 =	vld [tilespmem:s2+$0x0]  }
.Ltmp13:
0x503: {  	(pc) =	sbr.rel @p2 .LBB2_29-.Ltmp13, $2  }
0x504: {  	_ =	sdelay $0x2  }
0x505: {  	v12 =	vand.u32 $0xFFFFFF80, v9;
	v11 =	vadd.s32 $0x1, v9;
	v10 =	vadd.s32 $0x2, v9  }
0x506: {  	v12 =	vadd.s32 v8, v12;
	v13 =	vand.u32 $0xFFFFFF80, v11;
	v14 =	vadd.s32 $0x3, v9  }
0x507: {  	v58 =	vand.u32 $0x7F, v9;
	v59 =	vand.u32 $0x7F, v11;
	v60 =	vand.u32 $0xFFFFFF80, v10  }
0x508: {  	v61 =	vand.u32 $0x7F, v10;
	v13 =	vadd.s32 v8, v13;
	v9 =	vor.u32 v58, v12  }
0x509: {  	v12 =	vadd.s32 v8, v60;
	v62 =	vand.u32 $0xFFFFFF80, v14;
	v11 =	vor.u32 v59, v13  }
0x50a: {  	s1 =	sadd.s32 $0x1, s1;
	v63 =	vand.u32 $0x7F, v14;
	v10 =	vor.u32 v61, v12;
	v8 =	vadd.s32 v8, v62  }
0x50b: {  	p2 =	sne.s32 s1, $0x31;
	v8 =	vor.u32 v63, v8  }
.Ltmp14:
0x50c: {  	_ = 	snop;
	(pc) =	sbr.rel @p2 .LBB2_24-.Ltmp14, $4  }
0x50d: {  	[tilespmem:v9+s31+$0x0] =	vst.idx.msk $0xffff, v1  }
0x50e: {  	[tilespmem:v11+s31+$0x0] =	vst.idx.msk $0xffff, v1  }
0x50f: {  	[tilespmem:v10+s31+$0x0] =	vst.idx.msk $0xffff, v1  }
0x510: {  	[tilespmem:v8+s31+$0x0] =	vst.idx.msk $0xffff, v1  }
0x511: {  	[bflag:$0x0] =	sbarrier.arrive $0xFFFF  }
0x512: {  	s1 =	rddreg [dreg:$0x10]  }
0x513: {  	s2 =	rddreg [dreg:$0x1e]  }
0x514: {  	s3 =	rddreg [dreg:$0x1f]  }
0x515: {  	[hbm:s1], [sflag:s2] =	dma.local [spmem:s3], $0x1400  }
0x516: {  	_ =	swait.ge [sflag:s15], $0x1400  }
0x517: {  	s3 =	sld [smem:$0x7FD]  }
0x518: {  	[sflag:s15] =	ssyncset.done $0x0  }
0x519: {  	s1 =	rddreg [dreg:$0x17];
	[sflag:s15] =	ssyncadd.s32 $0xFFFFEC00  }
0x51a: {  	[hbm:s1], [sflag:s2] =	dma.local @!p1 [spmem:s3], $0x500  }
0x51b: {  	s1 =	simm.s32 @!p1 $0x3  }
0x51c: {  	_ =	swait.ge @!p1 [sflag:s1], $0x500  }
0x51d: {  	[sflag:s1] =	ssyncset.done @!p1 $0x0  }
0x51e: {  	[sflag:s1] =	ssyncadd.s32 @!p1 $0xFFFFFB00  }
0x51f: {  	s2 =	simm.s32 $0x200;
	s1 =	simm.s32 $0x0;
	[bflag:$0x0] =	sbarrier.arrive $0xFFFF  }
.LBB2_32:
0x520: {  	p2 =	sne.s32 s2, $0xFE00;
	[tilespmem:s1+$0xC3F0] =	vst v1  }
0x521: {  	[tilespmem:s1+$0xC380] =	vst v1  }
0x522: {  	[tilespmem:s1+$0xC390] =	vst v1  }
.Ltmp15:
0x523: {  	[tilespmem:s1+$0xC3A0] =	vst v1;
	(pc) =	sbr.rel @p2 .LBB2_32-.Ltmp15, $4  }
0x524: {  	[tilespmem:s1+$0xC3B0] =	vst v1  }
0x525: {  	[tilespmem:s1+$0xC3C0] =	vst v1  }
0x526: {  	[tilespmem:s1+$0xC3D0] =	vst v1  }
0x527: {  	[tilespmem:s1+$0xC3E0] =	vst v1;
	s1 =	sshra.s32 s2, $0x2;
	s2 =	sadd.s32 $0x200, s2  }
0x528: {  	[tilespmem:s1+$0xC3F0] =	vst v1  }
0x529: {  	[tilespmem:s1+$0xC380] =	vst v1  }
0x52a: {  	[tilespmem:s1+$0xC390] =	vst v1  }
0x52b: {  	[tilespmem:s1+$0xC3A0] =	vst v1  }
0x52c: {  	[tilespmem:s1+$0xC3B0] =	vst v1  }
0x52d: {  	[tilespmem:s1+$0xC3C0] =	vst v1  }
0x52e: {  	[tilespmem:s1+$0xC3D0] =	vst v1  }
0x52f: {  	[tilespmem:s1+$0xC3E0] =	vst v1;
	s23 =	rddreg [dreg:$0x14]  }
0x530: {  	[spmem:s23] =	stream.linear.scatter [tilespmem:s11], [sflag:$0x3], $0x4000, $0x38;
	[tilespmem:$0x1F580] =	vst v63  }
0x531: {  	_ =	swait.ge [sflag:s15], $0x4000  }
0x532: {  	[sflag:s15] =	ssyncset.done $0x0  }
0x533: {  	s25 =	rddreg [dreg:$0x19];
	[sflag:s15] =	ssyncadd.s32 $0xFFFFC000  }
0x534: {  	[spmem:s25] =	stream.linear.scatter [tilespmem:s11], [sflag:$0x3], $0x4000, $0x38;
	[tilespmem:$0x1F580] =	vst v63  }
0x535: {  	_ =	swait.ge [sflag:s15], $0x4000  }
0x536: {  	[sflag:s15] =	ssyncset.done $0x0  }
0x537: {  	s29 =	rddreg [dreg:$0x1a];
	[sflag:s15] =	ssyncadd.s32 $0xFFFFC000  }
0x538: {  	[spmem:s29] =	stream.linear.scatter [tilespmem:s11], [sflag:$0x3], $0x2000, $0x38;
	[tilespmem:$0x1F580] =	vst v63  }
0x539: {  	_ =	swait.ge [sflag:s15], $0x2000  }
0x53a: {  	[sflag:s15] =	ssyncset.done $0x0  }
0x53b: {  	[sflag:s15] =	ssyncadd.s32 $0xFFFFE000  }
0x53c: {  	s1 =	simm.s32 $0x0;
	s5 =	simm.s32 $0x0;
	[bflag:$0x0] =	sbarrier.arrive $0xFFFF  }
.LBB2_34:
0x53d: {  	s2 =	sadd.s32 s0, s5  }
0x53e: {  	s4 =	rddreg [dreg:$0xd];
	s3 =	sshll.u32 s2, $0x4  }
0x53f: {  	s7 =	rddreg [dreg:$0x12];
	s4 =	sadd.s32 s4, s3  }
0x540: {  	[tilespmem:s1], [sflag:$0x1] =	stream.linear.gather [hbm4b:s4+s1], $0x80, $0x38;
	[tilespmem:$0x1F580] =	vst v63  }
0x541: {  	s3 =	sadd.s32 s7, s3  }
0x542: {  	[tilespmem:s16], [sflag:$0x1] =	stream.linear.gather [hbm4b:s3+s1], $0x80, $0x38;
	[tilespmem:$0x1F580] =	vst v63  }
0x543: {  	_ =	swait.ge [sflag:s17], $0x80  }
0x544: {  	[sflag:s17] =	ssyncset.done $0x0  }
0x545: {  	[sflag:s17] =	ssyncadd.s32 $0xFFFFFF80  }
0x546: {  	_ =	swait.ge [sflag:s17], $0x80  }
0x547: {  	[sflag:s17] =	ssyncset.done $0x0  }
0x548: {  	[sflag:s17] =	ssyncadd.s32 $0xFFFFFF80  }
0x549: {  	v8 =	vld [tilespmem:$0x80]  }
0x54a: {  	v9 =	vld [tilespmem:$0x0]  }
0x54b: {  	v10 =	vld [tilespmem:$0x90]  }
0x54c: {  	v11 =	vld [tilespmem:$0x10]  }
0x54d: {  	v12 =	vld [tilespmem:$0xA0]  }
0x54e: {  	v13 =	vld [tilespmem:$0x20]  }
0x54f: {  	v14 =	vld [tilespmem:$0xB0];
	v9 =	vadd.s32 v0, v9;
	vm4 =	vgt.s32 v8, $0x1387;
	v8 =	vadd.s32 $0xFFFFEC78, v8  }
0x550: {  	[tilespmem:$0x100] =	vst v9;
	v8 =	vnsel vm4, $0x13FF, v8;
	v9 =	vld [tilespmem:$0x30]  }
0x551: {  	vm4 =	vgt.s32 v10, $0x1387;
	v10 =	vadd.s32 $0xFFFFEC78, v10;
	[tilespmem:$0x300] =	vst v8;
	v8 =	vadd.s32 v0, v11;
	v11 =	vld [tilespmem:$0xC0]  }
0x552: {  	[tilespmem:$0x110] =	vst v8;
	v8 =	vnsel vm4, $0x13FF, v10;
	v10 =	vld [tilespmem:$0x40]  }
0x553: {  	vm4 =	vgt.s32 v12, $0x1387;
	v12 =	vadd.s32 $0xFFFFEC78, v12;
	[tilespmem:$0x310] =	vst v8;
	v8 =	vadd.s32 v0, v13;
	v13 =	vld [tilespmem:$0xD0]  }
0x554: {  	[tilespmem:$0x120] =	vst v8;
	v8 =	vnsel vm4, $0x13FF, v12;
	v12 =	vld [tilespmem:$0x50]  }
0x555: {  	vm4 =	vgt.s32 v14, $0x1387;
	[tilespmem:$0x320] =	vst v8;
	v8 =	vadd.s32 v0, v9;
	v9 =	vadd.s32 $0xFFFFEC78, v14;
	v14 =	vld [tilespmem:$0xE0]  }
0x556: {  	[tilespmem:$0x130] =	vst v8;
	v8 =	vnsel vm4, $0x13FF, v9;
	v9 =	vld [tilespmem:$0x60]  }
0x557: {  	vm4 =	vgt.s32 v11, $0x1387;
	[tilespmem:$0x330] =	vst v8;
	v8 =	vadd.s32 v0, v10;
	v10 =	vadd.s32 $0xFFFFEC78, v11;
	v11 =	vld [tilespmem:$0xF0]  }
0x558: {  	[tilespmem:$0x140] =	vst v8;
	v8 =	vnsel vm4, $0x13FF, v10;
	v10 =	vld [tilespmem:$0x70]  }
0x559: {  	vm4 =	vgt.s32 v13, $0x1387;
	[tilespmem:$0x340] =	vst v8;
	v8 =	vadd.s32 v0, v12;
	v12 =	vadd.s32 $0xFFFFEC78, v13  }
0x55a: {  	[tilespmem:$0x150] =	vst v8;
	v8 =	vnsel vm4, $0x13FF, v12  }
0x55b: {  	vm4 =	vgt.s32 v14, $0x1387;
	[tilespmem:$0x350] =	vst v8;
	v8 =	vadd.s32 v0, v9;
	v9 =	vadd.s32 $0xFFFFEC78, v14  }
0x55c: {  	[tilespmem:$0x160] =	vst v8;
	v8 =	vnsel vm4, $0x13FF, v9  }
0x55d: {  	s2 =	sshll.u32 s2, $0xB;
	vm4 =	vgt.s32 v11, $0x1387;
	v9 =	vadd.s32 $0xFFFFEC78, v11;
	[tilespmem:$0x360] =	vst v8;
	v8 =	vadd.s32 v0, v10  }
0x55e: {  	s2 =	sadd.s32 s22, s2;
	s8 =	rddreg [dreg:$0xc];
	[tilespmem:$0x170] =	vst v8;
	v8 =	vnsel vm4, $0x13FF, v9  }
0x55f: {  	s9 =	simm.s32 $0x8380;
	s2 =	sshrl.u32 s2, $0x3;
	s10 =	rddreg [dreg:$0x13];
	[tilespmem:$0x370] =	vst v8  }
0x560: {  	[tilespmem:s9], [sflag:$0x1] =	stream.indirect.gather [hbm4b:s8+s16], $0x80, s24, s16, $0xb8;
	[tilespmem:$0x1F580] =	vst v63  }
0x561: {  	s2 =	sadd.s32 s10, s2  }
0x562: {  	[tilespmem:s30], [sflag:$0x1] =	stream.linear.gather [hbm4b:s2+s1], $0x800, $0x38;
	[tilespmem:$0x1F580] =	vst v63  }
0x563: {  	_ =	swait.ge [sflag:s17], $0x4000  }
0x564: {  	s12 =	simm.s32 $0x0;
	s13 =	simm.s32 $0x20;
	[sflag:s17] =	ssyncset.done $0x0  }
0x565: {  	s14 =	sand.u32 $0x40, s1;
	s6 =	simm.s32 $0x8480;
	[sflag:s17] =	ssyncadd.s32 $0xFFFFC000  }
0x566: {  	s7 =	simm.s32 $0x10;
	s2 =	sand.u32 $0xFFFFFF80, s12;
	_ =	swait.ge [sflag:s17], $0x800  }
0x567: {  	s3 =	sand.u32 $0x60, s13;
	s4 =	sor.u32 s14, s2;
	[sflag:s17] =	ssyncset.done $0x0  }
0x568: {  	s7 =	sand.u32 $0x50, s7;
	s3 =	sor.u32 s3, s2;
	v8 =	vmov s4;
	[sflag:s17] =	ssyncadd.s32 $0xFFFFF800  }
0x569: {  	s7 =	sor.u32 s7, s2;
	v19 =	vmov s3;
	v10 =	vld [tilespmem:s6+$0x80]  }
0x56a: {  	s8 =	sor.u32 $0x2, s3;
	v21 =	vmov s7;
	v11 =	vld [tilespmem:s6+$0x0]  }
0x56b: {  	s9 =	sor.u32 $0x3, s7;
	v9 =	vmov s8;
	v15 =	vld [tilespmem:s6+$0xFFFFFF80]  }
0x56c: {  	s20 =	simm.s32 $0x30;
	s19 =	sor.u32 $0x1, s3;
	v14 =	vmov s9;
	v17 =	vld [tilespmem:s6+$0xFFFFFF00]  }
0x56d: {  	s18 =	sor.u32 $0x1, s4;
	v16 =	vmov s19;
	s8 =	sand.u32 $0x70, s20;
	v20 =	vld.idx.msk [tilespmem:v8+s30+$0x0], $0xffff  }
0x56e: {  	v13 =	vmov s18;
	s2 =	sor.u32 s8, s2;
	v19 =	vld.idx.msk [tilespmem:v19+s30+$0x0], $0xffff  }
0x56f: {  	s23 =	sor.u32 $0x2, s7;
	v22 =	vmov s2;
	v21 =	vld.idx.msk [tilespmem:v21+s30+$0x0], $0xffff  }
0x570: {  	s7 =	sor.u32 $0x1, s7;
	v12 =	vld.idx.msk [tilespmem:v9+s30+$0x0], $0xffff;
	v9 =	vmov s23  }
0x571: {  	s3 =	sor.u32 $0x3, s3;
	v8 =	vld.idx.msk [tilespmem:v14+s30+$0x0], $0xffff;
	v14 =	vmov s7  }
0x572: {  	s25 =	sor.u32 $0x2, s4;
	v28 =	vld.idx.msk [tilespmem:v16+s30+$0x0], $0xffff;
	v16 =	vmov s3  }
0x573: {  	v23 =	vmov s25;
	s29 =	sor.u32 $0x1, s2;
	v18 =	vld.idx.msk [tilespmem:v13+s30+$0x0], $0xffff  }
0x574: {  	v24 =	vmov s29;
	s7 =	sor.u32 $0x3, s2;
	v22 =	vld.idx.msk [tilespmem:v22+s30+$0x0], $0xffff  }
0x575: {  	v25 =	vmov s7;
	v13 =	vld.idx.msk [tilespmem:v9+s30+$0x0], $0xffff  }
0x576: {  	s2 =	sor.u32 $0x2, s2;
	v26 =	vld.idx.msk [tilespmem:v14+s30+$0x0], $0xffff  }
0x577: {  	s8 =	sor.u32 $0x3, s4;
	v27 =	vmov s2;
	v9 =	vld.idx.msk [tilespmem:v16+s30+$0x0], $0xffff  }
0x578: {  	v11 =	vmul.f32 v11, v19;
	v16 =	vmov s8;
	v14 =	vld.idx.msk [tilespmem:v23+s30+$0x0], $0xffff  }
0x579: {  	s3 =	simm.s32 $0xC480;
	v23 =	vld.idx.msk [tilespmem:v24+s30+$0x0], $0xffff  }
0x57a: {  	[tilespmem:s3+$0x0] =	vst v11;
	v11 =	vld.idx.msk [tilespmem:v25+s30+$0x0], $0xffff  }
0x57b: {  	v15 =	vmul.f32 v15, v21;
	v24 =	vld [tilespmem:s6+$0x10]  }
0x57c: {  	v17 =	vmul.f32 v17, v20;
	v27 =	vld.idx.msk [tilespmem:v27+s30+$0x0], $0xffff  }
0x57d: {  	[tilespmem:s3+$0xFFFFFF80] =	vst v15;
	v15 =	vmul.f32 v10, v22;
	v10 =	vld.idx.msk [tilespmem:v16+s30+$0x0], $0xffff  }
0x57e: {  	s9 =	simm.s32 $0x40;
	[tilespmem:s3+$0xFFFFFF00] =	vst v17;
	v16 =	vld [tilespmem:s6+$0xFFFFFF90]  }
0x57f: {  	s13 =	simm.s32 $0x50;
	s10 =	simm.s32 $0x40;
	s4 =	sand.u32 $0x40, s9;
	[tilespmem:s3+$0x80] =	vst v15;
	v15 =	vld [tilespmem:s6+$0xFFFFFF10]  }
0x580: {  	s9 =	sand.u32 $0x50, s13;
	s2 =	simm.s32 $0x8680;
	s7 =	sand.u32 $0xFFFFFF80, s10;
	v17 =	vmul.f32 v24, v19  }
0x581: {  	s12 =	simm.s32 $0x60;
	v29 =	vld [tilespmem:s2+$0x80];
	s9 =	sor.u32 s9, s7  }
0x582: {  	v35 =	vmov s9;
	s8 =	sand.u32 $0x60, s12;
	v19 =	vld [tilespmem:s6+$0x90];
	[tilespmem:s3+$0x10] =	vst v17  }
0x583: {  	s8 =	sor.u32 s8, s7;
	v17 =	vld [tilespmem:s6+$0x20];
	v16 =	vmul.f32 v16, v21  }
0x584: {  	v30 =	vld [tilespmem:s2+$0xFFFFFF80];
	v34 =	vmov s8;
	v15 =	vmul.f32 v15, v20  }
0x585: {  	v31 =	vld [tilespmem:s2+$0xFFFFFF00];
	[tilespmem:s3+$0xFFFFFF90] =	vst v16  }
0x586: {  	s10 =	sor.u32 $0x2, s8;
	[tilespmem:s3+$0xFFFFFF10] =	vst v15;
	v15 =	vld [tilespmem:s6+$0xFFFFFFA0]  }
0x587: {  	v35 =	vld.idx.msk [tilespmem:v35+s30+$0x0], $0xffff;
	v21 =	vmov s10;
	v19 =	vmul.f32 v19, v22  }
0x588: {  	v24 =	vld [tilespmem:s2+$0x0];
	v17 =	vmul.f32 v17, v28  }
0x589: {  	s4 =	sor.u32 s4, s7;
	v51 =	vld.idx.msk [tilespmem:v34+s30+$0x0], $0xffff;
	[tilespmem:s3+$0x90] =	vst v19  }
0x58a: {  	s19 =	simm.s32 $0x70;
	s14 =	sor.u32 $0x1, s4;
	v19 =	vld [tilespmem:s6+$0xA0];
	[tilespmem:s3+$0x20] =	vst v17;
	v17 =	vmov s4  }
0x58b: {  	s18 =	sor.u32 $0x1, s8;
	s10 =	sand.u32 $0x70, s19;
	v22 =	vmov s14;
	v16 =	vld [tilespmem:s6+$0xFFFFFF20];
	v15 =	vmul.f32 v15, v26  }
0x58c: {  	v32 =	vmov s18;
	s7 =	sor.u32 s10, s7;
	v21 =	vld.idx.msk [tilespmem:v21+s30+$0x0], $0xffff  }
0x58d: {  	s29 =	sor.u32 $0x3, s7;
	v20 =	vld [tilespmem:s6+$0x30];
	[tilespmem:s3+$0xFFFFFFA0] =	vst v15  }
0x58e: {  	s12 =	sor.u32 $0x3, s9;
	v41 =	vmov s29;
	v25 =	vld [tilespmem:s6+$0xFFFFFFB0]  }
0x58f: {  	v15 =	vmov s12;
	v19 =	vmul.f32 v19, v23;
	v33 =	vld.idx.msk [tilespmem:v17+s30+$0x0], $0xffff  }
0x590: {  	s20 =	sor.u32 $0x2, s9;
	v17 =	vld.idx.msk [tilespmem:v22+s30+$0x0], $0xffff  }
0x591: {  	v36 =	vmov s20;
	s9 =	sor.u32 $0x1, s9;
	[tilespmem:s3+$0xA0] =	vst v19;
	v22 =	vld.idx.msk [tilespmem:v32+s30+$0x0], $0xffff  }
0x592: {  	v52 =	vmov s9;
	v19 =	vld [tilespmem:s6+$0xB0];
	v28 =	vmul.f32 v20, v28  }
0x593: {  	v20 =	vld.idx.msk [tilespmem:v41+s30+$0x0], $0xffff;
	v25 =	vmul.f32 v25, v26;
	v26 =	vmov s7  }
0x594: {  	v15 =	vld.idx.msk [tilespmem:v15+s30+$0x0], $0xffff;
	[tilespmem:s3+$0x30] =	vst v28  }
0x595: {  	v59 =	vld [tilespmem:s6+$0x40]  }
0x596: {  	s8 =	sor.u32 $0x3, s8;
	[tilespmem:s3+$0xFFFFFFB0] =	vst v25;
	v25 =	vld.idx.msk [tilespmem:v36+s30+$0x0], $0xffff  }
0x597: {  	v38 =	vmov s8;
	v19 =	vmul.f32 v19, v23;
	v23 =	vld.idx.msk [tilespmem:v52+s30+$0x0], $0xffff  }
0x598: {  	s23 =	sor.u32 $0x2, s4;
	v40 =	vld.idx.msk [tilespmem:v26+s30+$0x0], $0xffff;
	v26 =	vmul.f32 v16, v18  }
0x599: {  	v39 =	vmov s23;
	s25 =	sor.u32 $0x1, s7;
	v37 =	vld [tilespmem:s6+$0xFFFFFFC0];
	[tilespmem:s3+$0xB0] =	vst v19  }
0x59a: {  	v42 =	vmul.f32 v24, v51;
	s7 =	sor.u32 $0x2, s7;
	v19 =	vmov s25;
	v53 =	vld [tilespmem:s6+$0xC0];
	[tilespmem:s3+$0xFFFFFF20] =	vst v26  }
0x59b: {  	s10 =	simm.s32 $0xC680;
	s4 =	sor.u32 $0x3, s4;
	v54 =	vmov s7;
	v55 =	vld [tilespmem:s6+$0xFFFFFF30]  }
0x59c: {  	v56 =	vmov s4;
	v16 =	vld.idx.msk [tilespmem:v38+s30+$0x0], $0xffff;
	[tilespmem:s10+$0x0] =	vst v42  }
0x59d: {  	v57 =	vld [tilespmem:s2+$0x10]  }
0x59e: {  	v26 =	vld.idx.msk [tilespmem:v39+s30+$0x0], $0xffff  }
0x59f: {  	v24 =	vld.idx.msk [tilespmem:v19+s30+$0x0], $0xffff;
	v28 =	vmul.f32 v53, v27  }
0x5a0: {  	v19 =	vld.idx.msk [tilespmem:v54+s30+$0x0], $0xffff;
	v58 =	vmul.f32 v55, v18  }
0x5a1: {  	v31 =	vmul.f32 v31, v33;
	[tilespmem:s3+$0xC0] =	vst v28;
	v18 =	vld.idx.msk [tilespmem:v56+s30+$0x0], $0xffff  }
0x5a2: {  	v28 =	vmul.f32 v29, v40;
	v29 =	vld [tilespmem:s6+$0xD0];
	[tilespmem:s3+$0xFFFFFF30] =	vst v58  }
0x5a3: {  	v30 =	vmul.f32 v30, v35;
	[tilespmem:s10+$0xFFFFFF00] =	vst v31;
	v36 =	vld [tilespmem:s6+$0xFFFFFF40]  }
0x5a4: {  	[tilespmem:s10+$0x80] =	vst v28;
	v60 =	vld [tilespmem:s2+$0xFFFFFF10];
	v28 =	vmul.f32 v57, v51  }
0x5a5: {  	[tilespmem:s10+$0xFFFFFF80] =	vst v30;
	v30 =	vmul.f32 v59, v12;
	v61 =	vld [tilespmem:s2+$0x90]  }
0x5a6: {  	v63 =	vld [tilespmem:s2+$0xFFFFFF90];
	v62 =	vmul.f32 v37, v13;
	[tilespmem:s10+$0x10] =	vst v28  }
0x5a7: {  	[tilespmem:s3+$0x40] =	vst v30;
	v31 =	vld [tilespmem:s2+$0x20];
	v27 =	vmul.f32 v29, v27  }
0x5a8: {  	[tilespmem:s3+$0xFFFFFFC0] =	vst v62;
	v28 =	vld [tilespmem:s6+$0x50];
	v29 =	vmul.f32 v36, v14  }
0x5a9: {  	v30 =	vld [tilespmem:s6+$0xFFFFFFD0];
	v33 =	vmul.f32 v60, v33;
	[tilespmem:s3+$0xD0] =	vst v27  }
0x5aa: {  	s23 =	simm.s32 $0x80;
	v32 =	vmul.f32 v61, v40;
	v27 =	vld [tilespmem:s6+$0xE0];
	[tilespmem:s3+$0xFFFFFF40] =	vst v29  }
0x5ab: {  	s9 =	simm.s32 $0xC680;
	s18 =	simm.s32 $0x4;
	s25 =	simm.s32 $0x8880;
	[tilespmem:s10+$0xFFFFFF10] =	vst v33;
	v33 =	vmul.f32 v63, v35;
	v29 =	vld [tilespmem:s6+$0xFFFFFF50]  }
.LBB2_35:
0x5ac: {  	s18 =	sadd.s32 $0x4, s18;
	s4 =	sand.u32 $0x40, s23;
	s7 =	sadd.s32 $0x30, s23;
	v34 =	vld [tilespmem:s2+$0xFFFFFF20];
	v31 =	vmul.f32 v31, v22;
	[tilespmem:s10+$0x90] =	vst v32  }
0x5ad: {  	s12 =	sadd.s32 $0x20, s23;
	s8 =	sshll.u32 s18, $0x4;
	s7 =	sand.u32 $0x70, s7;
	[tilespmem:s10+$0xFFFFFF90] =	vst v33;
	v32 =	vld [tilespmem:s2+$0xA0];
	v33 =	vmul.f32 v28, v12;
	v12 =	vmov v21  }
0x5ae: {  	s13 =	sadd.s32 $0x10, s23;
	s12 =	sand.u32 $0x60, s12;
	s8 =	sand.u32 $0xFFFFFF80, s8;
	v21 =	vld [tilespmem:s2+$0xFFFFFFA0];
	[tilespmem:s10+$0x20] =	vst v31;
	v30 =	vmul.f32 v30, v13;
	v13 =	vmov v25  }
0x5af: {  	s13 =	sand.u32 $0x50, s13;
	s4 =	sor.u32 s4, s8;
	s12 =	sor.u32 s12, s8;
	v28 =	vld [tilespmem:s25+$0x80];
	[tilespmem:s3+$0x50] =	vst v33  }
0x5b0: {  	s13 =	sor.u32 s13, s8;
	v25 =	vmov s4;
	s14 =	sor.u32 $0x1, s12;
	s19 =	sor.u32 $0x2, s12;
	v31 =	vld [tilespmem:s2+$0x30];
	[tilespmem:s3+$0xFFFFFFD0] =	vst v30  }
0x5b1: {  	s7 =	sor.u32 s7, s8;
	v30 =	vmov s13;
	s20 =	sor.u32 $0x3, s13;
	v29 =	vmul.f32 v29, v14;
	v14 =	vmovc v26;
	v33 =	vmov s19;
	s19 =	sor.u32 $0x3, s12;
	v35 =	vld [tilespmem:s6+$0xFFFFFFE0]  }
0x5b2: {  	s8 =	sor.u32 $0x2, s4;
	s29 =	sor.u32 $0x1, s13;
	v36 =	vmov s12;
	v26 =	vmov s20;
	s12 =	sor.u32 $0x1, s7;
	v37 =	vmov s19;
	v38 =	vld [tilespmem:s25+$0x0]  }
0x5b3: {  	v40 =	vmov s7;
	s19 =	sor.u32 $0x1, s4;
	v41 =	vmov s12;
	s12 =	sor.u32 $0x2, s7;
	s7 =	sor.u32 $0x3, s7;
	v39 =	vld [tilespmem:s25+$0xFFFFFF80];
	v21 =	vmul.f32 v21, v23;
	[tilespmem:s3+$0xFFFFFF50] =	vst v29  }
0x5b4: {  	p2 =	slt.u32 s18, $0x7C;
	v27 =	vmul.f32 v27, v11;
	v29 =	vmov s19;
	v42 =	vmov s12;
	v43 =	vld [tilespmem:s6+$0xFFFFFF60]  }
0x5b5: {  	v44 =	vmov s14;
	[tilespmem:s10+$0xFFFFFFA0] =	vst v21;
	v22 =	vmul.f32 v31, v22;
	v21 =	vmul.f32 v32, v24;
	v31 =	vld [tilespmem:s6+$0x60]  }
0x5b6: {  	v32 =	vmov s8;
	v45 =	vld [tilespmem:s25+$0xFFFFFF00];
	v35 =	vmul.f32 v35, v8  }
0x5b7: {  	v46 =	vmov s29;
	s8 =	sor.u32 $0x2, s13;
	v47 =	vld [tilespmem:s2+$0xFFFFFFB0];
	[tilespmem:s10+$0xA0] =	vst v21  }
0x5b8: {  	v48 =	vld.idx.msk [tilespmem:v25+s30+$0x0], $0xffff;
	v25 =	vmov s8;
	[tilespmem:s3+$0xE0] =	vst v27  }
0x5b9: {  	s4 =	sor.u32 $0x3, s4;
	v21 =	vld.idx.msk [tilespmem:v33+s30+$0x0], $0xffff;
	v27 =	vmul.f32 v43, v10;
	[tilespmem:s3+$0xFFFFFFE0] =	vst v35  }
0x5ba: {  	v33 =	vmov s4;
	[tilespmem:s10+$0x30] =	vst v22;
	v22 =	vld [tilespmem:s2+$0xB0];
	v31 =	vmul.f32 v31, v9  }
0x5bb: {  	[tilespmem:s3+$0xFFFFFF60] =	vst v27;
	v27 =	vld [tilespmem:s6+$0xF0]  }
0x5bc: {  	s10 =	sadd.s32 $0x200, s10;
	v29 =	vld.idx.msk [tilespmem:v29+s30+$0x0], $0xffff;
	v23 =	vmul.f32 v47, v23;
	[tilespmem:s3+$0x60] =	vst v31  }
0x5bd: {  	v34 =	vmul.f32 v34, v17;
	v31 =	vmov s7;
	v26 =	vld.idx.msk [tilespmem:v26+s30+$0x0], $0xffff  }
0x5be: {  	[tilespmem:s9+$0xFFFFFFB0] =	vst v23;
	v23 =	vld [tilespmem:s6+$0xFFFFFFF0]  }
0x5bf: {  	[tilespmem:s9+$0xFFFFFF20] =	vst v34;
	v24 =	vmul.f32 v22, v24;
	v34 =	vld [tilespmem:s6+$0x70]  }
0x5c0: {  	v35 =	vld [tilespmem:s6+$0xFFFFFF70];
	v27 =	vmul.f32 v27, v11;
	v11 =	vmov v20;
	s6 =	smov.u32 s2;
	s2 =	smov.u32 s25  }
0x5c1: {  	v22 =	vld.idx.msk [tilespmem:v44+s30+$0x0], $0xffff;
	[tilespmem:s9+$0xB0] =	vst v24  }
0x5c2: {  	v36 =	vld.idx.msk [tilespmem:v36+s30+$0x0], $0xffff;
	[tilespmem:s3+$0xF0] =	vst v27  }
0x5c3: {  	v20 =	vld [tilespmem:s6+$0xFFFFFFC0];
	v23 =	vmul.f32 v23, v8;
	v8 =	vmov v15;
	v15 =	vmov v26  }
0x5c4: {  	v27 =	vmul.f32 v45, v48;
	v43 =	vld.idx.msk [tilespmem:v30+s30+$0x0], $0xffff;
	v24 =	vmul.f32 v34, v9;
	v9 =	vmov v16  }
0x5c5: {  	v25 =	vld.idx.msk [tilespmem:v25+s30+$0x0], $0xffff;
	v16 =	vmul.f32 v35, v10;
	[tilespmem:s3+$0xFFFFFFF0] =	vst v23;
	v10 =	vmov v18  }
0x5c6: {  	v18 =	vld [tilespmem:s6+$0xC0];
	[tilespmem:s3+$0x70] =	vst v24  }
0x5c7: {  	v34 =	vld.idx.msk [tilespmem:v40+s30+$0x0], $0xffff;
	[tilespmem:s3+$0xFFFFFF70] =	vst v16;
	s3 =	smov.u32 s9;
	s9 =	smov.u32 s10  }
0x5c8: {  	v23 =	vld.idx.msk [tilespmem:v46+s30+$0x0], $0xffff;
	v20 =	vmul.f32 v20, v13  }
0x5c9: {  	v16 =	vld.idx.msk [tilespmem:v37+s30+$0x0], $0xffff  }
0x5ca: {  	v24 =	vmul.f32 v39, v43;
	v26 =	vld.idx.msk [tilespmem:v32+s30+$0x0], $0xffff;
	[tilespmem:s3+$0xFFFFFFC0] =	vst v20  }
0x5cb: {  	v30 =	vld [tilespmem:s6+$0xFFFFFF30];
	v18 =	vmul.f32 v18, v19  }
0x5cc: {  	v32 =	vmul.f32 v38, v36;
	[tilespmem:s10+$0xFFFFFF80] =	vst v24;
	v24 =	vld.idx.msk [tilespmem:v41+s30+$0x0], $0xffff  }
0x5cd: {  	v28 =	vmul.f32 v28, v34;
	v20 =	vld.idx.msk [tilespmem:v31+s30+$0x0], $0xffff;
	[tilespmem:s3+$0xC0] =	vst v18  }
0x5ce: {  	[tilespmem:s10+$0x0] =	vst v32;
	v32 =	vld.idx.msk [tilespmem:v42+s30+$0x0], $0xffff  }
0x5cf: {  	v31 =	vld [tilespmem:s25+$0x10]  }
0x5d0: {  	[tilespmem:s10+$0x80] =	vst v28;
	v28 =	vmul.f32 v30, v17;
	v30 =	vld [tilespmem:s6+$0x40];
	v17 =	vmov v29  }
0x5d1: {  	v18 =	vld.idx.msk [tilespmem:v33+s30+$0x0], $0xffff  }
0x5d2: {  	[tilespmem:s3+$0xFFFFFF30] =	vst v28;
	v28 =	vld [tilespmem:s6+$0xD0]  }
0x5d3: {  	[tilespmem:s10+$0xFFFFFF00] =	vst v27;
	v27 =	vld [tilespmem:s6+$0xFFFFFF40]  }
0x5d4: {  	v29 =	vld [tilespmem:s25+$0xFFFFFF10];
	v31 =	vmul.f32 v31, v36  }
0x5d5: {  	v33 =	vld [tilespmem:s25+$0x90];
	v30 =	vmul.f32 v30, v12  }
0x5d6: {  	v35 =	vld [tilespmem:s25+$0xFFFFFF90];
	[tilespmem:s10+$0x10] =	vst v31  }
.Ltmp16:
0x5d7: {  	v31 =	vld [tilespmem:s25+$0x20];
	[tilespmem:s3+$0x40] =	vst v30;
	v36 =	vmul.f32 v28, v19;
	v19 =	vmov v32;
	(pc) =	sbr.rel @p2 .LBB2_35-.Ltmp16, $4  }
0x5d8: {  	v27 =	vmul.f32 v27, v14;
	v28 =	vld [tilespmem:s6+$0x50]  }
0x5d9: {  	v29 =	vmul.f32 v29, v48;
	v30 =	vld [tilespmem:s6+$0xFFFFFFD0];
	[tilespmem:s3+$0xD0] =	vst v36  }
0x5da: {  	v32 =	vmul.f32 v33, v34;
	[tilespmem:s3+$0xFFFFFF40] =	vst v27;
	v27 =	vld [tilespmem:s6+$0xE0]  }
0x5db: {  	s23 =	sadd.s32 $0x40, s23;
	s25 =	sadd.s32 $0x200, s25;
	[tilespmem:s10+$0xFFFFFF10] =	vst v29;
	v33 =	vmul.f32 v35, v43;
	v29 =	vld [tilespmem:s6+$0xFFFFFF50]  }
0x5dc: {  	[tilespmem:s10+$0x90] =	vst v32  }
0x5dd: {  	v32 =	vld [tilespmem:s2+$0xA0]  }
0x5de: {  	v34 =	vld [tilespmem:s2+$0xFFFFFF20];
	[tilespmem:s10+$0xFFFFFF90] =	vst v33  }
0x5df: {  	v33 =	vld [tilespmem:s2+$0xFFFFFFA0];
	_ =	sdelay $0x2  }
0x5e0: {  	v32 =	vmul.f32 v32, v24  }
0x5e1: {  	v58 =	vmul.f32 v34, v17  }
0x5e2: {  	v33 =	vmul.f32 v33, v23;
	[tilespmem:s10+$0xA0] =	vst v32  }
0x5e3: {  	v31 =	vmul.f32 v31, v22;
	[tilespmem:s9+$0xFFFFFF20] =	vst v58;
	v32 =	vld [tilespmem:s2+$0xB0]  }
0x5e4: {  	[tilespmem:s10+$0xFFFFFFA0] =	vst v33;
	v33 =	vld [tilespmem:s2+$0xFFFFFF30]  }
0x5e5: {  	[tilespmem:s10+$0x20] =	vst v31;
	v59 =	vld [tilespmem:s2+$0xFFFFFFB0]  }
0x5e6: {  	v60 =	vld [tilespmem:s2+$0x30];
	_ =	sdelay $0x1  }
0x5e7: {  	v61 =	vmul.f32 v32, v24  }
0x5e8: {  	v32 =	vmul.f32 v33, v17  }
0x5e9: {  	v62 =	vmul.f32 v59, v23;
	[tilespmem:s9+$0xB0] =	vst v61  }
0x5ea: {  	v63 =	vmul.f32 v60, v22;
	[tilespmem:s9+$0xFFFFFF30] =	vst v32;
	v31 =	vld [tilespmem:s2+$0xC0]  }
0x5eb: {  	[tilespmem:s9+$0xFFFFFFB0] =	vst v62;
	v17 =	vld [tilespmem:s2+$0xFFFFFF40]  }
0x5ec: {  	[tilespmem:s10+$0x30] =	vst v63;
	v33 =	vld [tilespmem:s2+$0xFFFFFFC0]  }
0x5ed: {  	v34 =	vld [tilespmem:s2+$0x40];
	_ =	sdelay $0x1  }
0x5ee: {  	v23 =	vmul.f32 v31, v19  }
0x5ef: {  	v17 =	vmul.f32 v17, v26  }
0x5f0: {  	v22 =	vmul.f32 v33, v25;
	[tilespmem:s9+$0xC0] =	vst v23  }
0x5f1: {  	v35 =	vmul.f32 v34, v21;
	[tilespmem:s9+$0xFFFFFF40] =	vst v17;
	v36 =	vld [tilespmem:s2+$0xD0]  }
0x5f2: {  	[tilespmem:s9+$0xFFFFFFC0] =	vst v22;
	v17 =	vld [tilespmem:s2+$0xFFFFFF50]  }
0x5f3: {  	v12 =	vmul.f32 v28, v12;
	[tilespmem:s9+$0x40] =	vst v35;
	v37 =	vld [tilespmem:s2+$0xFFFFFFD0]  }
0x5f4: {  	v13 =	vmul.f32 v30, v13;
	v38 =	vld [tilespmem:s2+$0x50]  }
0x5f5: {  	[tilespmem:s3+$0x50] =	vst v12;
	v39 =	vmul.f32 v29, v14  }
0x5f6: {  	[tilespmem:s3+$0xFFFFFFD0] =	vst v13;
	v42 =	vld [tilespmem:s6+$0x60];
	v41 =	vmul.f32 v36, v19  }
0x5f7: {  	v40 =	vld [tilespmem:s6+$0xFFFFFFE0];
	[tilespmem:s3+$0xFFFFFF50] =	vst v39;
	v17 =	vmul.f32 v17, v26  }
0x5f8: {  	v44 =	vld [tilespmem:s6+$0xFFFFFF60];
	v43 =	vmul.f32 v37, v25;
	[tilespmem:s9+$0xD0] =	vst v41  }
0x5f9: {  	v45 =	vmul.f32 v38, v21;
	[tilespmem:s9+$0xFFFFFF50] =	vst v17;
	v46 =	vld [tilespmem:s2+$0xE0]  }
0x5fa: {  	v47 =	vmul.f32 v27, v11;
	[tilespmem:s9+$0xFFFFFFD0] =	vst v43;
	v50 =	vld [tilespmem:s2+$0xFFFFFF60]  }
0x5fb: {  	v13 =	vmul.f32 v42, v9;
	[tilespmem:s9+$0x50] =	vst v45;
	v48 =	vld [tilespmem:s2+$0xFFFFFFE0]  }
0x5fc: {  	[tilespmem:s3+$0xE0] =	vst v47;
	v12 =	vmul.f32 v40, v8;
	v49 =	vld [tilespmem:s2+$0x60]  }
0x5fd: {  	v51 =	vld [tilespmem:s6+$0xF0];
	[tilespmem:s3+$0x60] =	vst v13;
	v22 =	vmul.f32 v44, v10  }
0x5fe: {  	[tilespmem:s3+$0xFFFFFFE0] =	vst v12;
	v53 =	vld [tilespmem:s6+$0x70];
	v21 =	vmul.f32 v46, v20  }
0x5ff: {  	v52 =	vld [tilespmem:s6+$0xFFFFFFF0];
	[tilespmem:s3+$0xFFFFFF60] =	vst v22;
	v19 =	vmul.f32 v50, v18  }
0x600: {  	v54 =	vld [tilespmem:s6+$0xFFFFFF70];
	v14 =	vmul.f32 v48, v15;
	[tilespmem:s9+$0xE0] =	vst v21  }
0x601: {  	v17 =	vmul.f32 v49, v16;
	[tilespmem:s9+$0xFFFFFF60] =	vst v19;
	v55 =	vld [tilespmem:s2+$0xF0]  }
0x602: {  	v56 =	vmul.f32 v51, v11;
	[tilespmem:s9+$0xFFFFFFE0] =	vst v14;
	v60 =	vld [tilespmem:s2+$0xFFFFFF70]  }
0x603: {  	v59 =	vmul.f32 v53, v9;
	[tilespmem:s9+$0x60] =	vst v17;
	v57 =	vld [tilespmem:s2+$0xFFFFFFF0]  }
0x604: {  	[tilespmem:s3+$0xF0] =	vst v56;
	v8 =	vmul.f32 v52, v8;
	v58 =	vld [tilespmem:s2+$0x70]  }
0x605: {  	[tilespmem:s3+$0x70] =	vst v59;
	v61 =	vmul.f32 v54, v10  }
0x606: {  	[tilespmem:s3+$0xFFFFFFF0] =	vst v8;
	v8 =	vmul.f32 v55, v20  }
0x607: {  	[tilespmem:s3+$0xFFFFFF70] =	vst v61;
	v63 =	vmul.f32 v60, v18  }
0x608: {  	v62 =	vmul.f32 v57, v15;
	[tilespmem:s9+$0xF0] =	vst v8  }
0x609: {  	s5 =	sadd.s32 $0x1, s5;
	v8 =	vmul.f32 v58, v16;
	[tilespmem:s9+$0xFFFFFF70] =	vst v63  }
0x60a: {  	p2 =	sne.s32 s5, $0x31;
	[tilespmem:s9+$0xFFFFFFF0] =	vst v62  }
.Ltmp17:
0x60b: {  	[tilespmem:s9+$0x70] =	vst v8;
	(pc) =	sbr.rel @p2 .LBB2_34-.Ltmp17, $4  }
0x60c: {  	[spmem:s26] =	stream.indirect.scatter.add.f32 [tilespmem:s11], [sflag:$0x3], $0x80, s28, s16, $0xb8;
	[tilespmem:$0x1F580] =	vst v63  }
0x60d: {  	_ =	swait.ge [sflag:s15], $0x4000  }
0x60e: {  	[sflag:s15] =	ssyncset.done $0x0  }
0x60f: {  	[sflag:s15] =	ssyncadd.s32 $0xFFFFC000  }
0x610: {  	[bflag:$0x0] =	sbarrier.arrive $0xFFFF  }
0x611: {  	s1 =	rddreg [dreg:$0x11]  }
0x612: {  	s2 =	rddreg [dreg:$0x1e]  }
0x613: {  	s3 =	rddreg [dreg:$0x1f]  }
0x614: {  	[hbm:s1], [sflag:s2] =	dma.local [spmem:s3], $0x1400  }
0x615: {  	_ =	swait.ge [sflag:s15], $0x1400  }
0x616: {  	s12 =	smov.u32 s26;
	s26 =	rddreg [dreg:$0x1d]  }
0x617: {  	s29 =	rddreg [dreg:$0x18];
	s2 =	sadd.s32 $0x1, s26  }
0x618: {  	[sflag:s15] =	ssyncset.done $0x0;
	p2 =	sne.s32 s2, s29  }
.Ltmp18:
0x619: {  	[sflag:s15] =	ssyncadd.s32 $0xFFFFEC00;
	(pc) =	sbr.rel @p2 .LBB2_1-.Ltmp18, $4  }
0x61a: {  	[bflag:$0x0] =	sbarrier.arrive $0xFFFF  }
0x61b: {  	s13 =	rddreg [dreg:$0x3]  }
0x61c: {  	s19 =	rddreg [dreg:$0x5]  }
0x61d: {  	s14 =	simm.s32 $0x0;
	s20 =	rddreg [dreg:$0x6]  }
0x61e: {  	_ =	sfence.sel $0x180000  }
0x61f: {  	[bflag:$0x0] =	sbarrier.arrive $0xFFFF  }
0x620: {  	_ =	strace $0x90000047  }
0x621: {  	[bflag:$0x2] =	sbarrier.arrive $0xFFFF  }
0x622: {  	s0 =	rddreg [dreg:$0x4]  }
0x623: {  	s0 =	sadd.s32 @!p0 $0x100000, s0  }
0x624: {  	[sflag:s0] =	ssyncadd.tile.s32 @!p0 $0x1;
	_ =	shalt  }
.Lfunc_end2:
_tile_overlayer_lowered:
.L_overlay_start_2:
0x625: {  	(tag) =	ssettag $0x2  }
0x626: {  	s0 =	rddreg [dreg:$0x0];
	s2 =	stileid.u32  }
0x627: {  	s1 =	rddreg [dreg:$0x1];
	p0 =	sne.s32 s2, $0x0  }
0x628: {  	s3 =	rddreg [dreg:$0x2];
	[bflag:$0x3] =	sbarrier.arrive $0xFFFF;
	s2 =	simm.s32 @!p0 $0x1C03  }
0x629: {  	[timem:s3], [sflag:s2] =	dma.local @!p0 [hbm:s0], s1  }
0x62a: {  	s0 =	simm.s32 @!p0 $0x3  }
0x62b: {  	_ =	swait.ge @!p0 [sflag:s0], s1  }
0x62c: {  	s1 =	ssub.s32 @!p0 $0x0, s1;
	[sflag:s0] =	ssyncset.done @!p0 $0x0  }
0x62d: {  	[sflag:s0] =	ssyncadd.s32 @!p0 s1  }
0x62e: {  	[bflag:$0x3] =	sbarrier.arrive $0xFFFF  }
0x62f: {  	_ =	shalt  }

</sc_bundles>
